<compile_context>
chip_gen: v7x
topology: tpu7x:2x2x1
jax: 0.10.2.dev20260603
libtpu: 0.0.44.dev20260713+nightly
codegen_flags: <defaults>
</compile_context>

<pallas_src>
import functools

import jax
import jax.numpy as jnp
from jax import lax
from jax.experimental import pallas as pl
from jax.experimental.pallas import tpu as pltpu
from jax.experimental.pallas import tpu_sc as plsc

N = 10000
E = 320000
D = 128
NP = 10240
STRIPE = NP // 16
C = 128

BN = 1024

_MESH = plsc.VectorSubcoreMesh(core_axis_name="c", subcore_axis_name="s")

_ROWS = E // C
_ROWS_P = 2560
_RPW = _ROWS_P // 32
_PAIRS = _RPW // 2


def _prefetch_idx(buf_hbm, buf_v, start, sem):
    pltpu.async_copy(buf_hbm.at[pl.ds(start, _RPW), :], buf_v, sem)


def _wait_idx(buf_hbm, buf_v, start, sem):
    pltpu.make_async_copy(buf_hbm.at[pl.ds(start, _RPW), :], buf_v,
                          sem).wait()


@functools.partial(
    pl.kernel,
    out_type=jax.ShapeDtypeStruct((2, NP), jnp.float32),
    mesh=_MESH,
    scratch_types=[
        pltpu.VMEM_SHARED((NP,), jnp.float32),
        pltpu.VMEM((C,), jnp.float32),
        pltpu.VMEM((_RPW, C), jnp.int32),
        pltpu.SemaphoreType.DMA,
        pltpu.SemaphoreType.DMA,
        pltpu.SemaphoreType.DMA,
    ],
)
def _deg(dst_hbm, out_hbm, acc, ones, dstbuf, sidx, ss0, ss1):
    c = lax.axis_index("c")
    s = lax.axis_index("s")
    w = c * 16 + s
    start = _RPW * w
    _prefetch_idx(dst_hbm, dstbuf, start, sidx)

    def fill(i, _):
        ones[pl.ds(i * 16, 16)] = jnp.full((16,), 1.0, jnp.float32)
        return 0

    lax.fori_loop(0, C // 16, fill, 0)
    r0 = s * STRIPE
    for j in range(0, STRIPE // C):
        pltpu.sync_copy(ones.at[pl.ds(0, C)], acc.at[pl.ds(r0 + j * C, C)])
    plsc.subcore_barrier()
    _wait_idx(dst_hbm, dstbuf, start, sidx)

    sss = (ss0, ss1)

    def put(k, slot, first):
        if not first:
            pltpu.make_async_copy(ones, acc.at[dstbuf.at[k - 2]],
                                  sss[slot]).wait()
        pltpu.async_copy(ones, acc.at[dstbuf.at[k]], sss[slot], add=True)

    put(0, 0, True)
    put(1, 1, True)

    def pair(p, _):
        put(p * 2, 0, False)
        put(p * 2 + 1, 1, False)
        return 0

    lax.fori_loop(1, _PAIRS, pair, 0)

    pltpu.make_async_copy(ones, acc.at[dstbuf.at[0]], ss0).wait()
    pltpu.make_async_copy(ones, acc.at[dstbuf.at[1]], ss1).wait()
    plsc.subcore_barrier()
    pltpu.sync_copy(acc.at[pl.ds(r0, STRIPE)], out_hbm.at[c, pl.ds(r0, STRIPE)])


@functools.partial(
    pl.kernel,
    out_type=jax.ShapeDtypeStruct((2, NP, D), jnp.float32),
    mesh=_MESH,
    scratch_types=[
        pltpu.VMEM_SHARED((NP, D), jnp.float32),
        pltpu.VMEM((8, C), jnp.int32),
        pltpu.VMEM((8, C), jnp.int32),
        pltpu.VMEM((8, C), jnp.int32),
        pltpu.VMEM((8, C), jnp.int32),
        pltpu.VMEM((8, C), jnp.int32),
        pltpu.VMEM((8, C), jnp.int32),
        pltpu.VMEM((C, D), jnp.float32),
        pltpu.VMEM((C, D), jnp.float32),
        pltpu.SemaphoreType.DMA,
        pltpu.SemaphoreType.DMA,
        pltpu.SemaphoreType.DMA,
        pltpu.SemaphoreType.DMA,
        pltpu.SemaphoreType.DMA,
        pltpu.SemaphoreType.DMA,
        pltpu.SemaphoreType.DMA,
    ],
)
def _prop1(src_hbm, dst_hbm, g_hbm, out_hbm, acc, sb0, sb1, sb2,
           db0, db1, db2, rows0, rows1, si0, si1, si2, sg0, sg1, ss0, ss1):
    c = lax.axis_index("c")
    s = lax.axis_index("s")
    w = c * 16 + s
    r0 = s * STRIPE
    start = _RPW * w
    srcbs = (sb0, sb1, sb2)
    dstbs = (db0, db1, db2)
    sis = (si0, si1, si2)
    rowbufs = (rows0, rows1)
    sgs = (sg0, sg1)
    sss = (ss0, ss1)

    def issue_load(j, sl):
        pltpu.async_copy(src_hbm.at[pl.ds(start + j * 8, 8), :], srcbs[sl],
                         sis[sl])
        pltpu.async_copy(dst_hbm.at[pl.ds(start + j * 8, 8), :], dstbs[sl],
                         sis[sl])

    def wait_load(j, sl):
        pltpu.make_async_copy(src_hbm.at[pl.ds(start + j * 8, 8), :],
                              srcbs[sl], sis[sl]).wait()
        pltpu.make_async_copy(dst_hbm.at[pl.ds(start + j * 8, 8), :],
                              dstbs[sl], sis[sl]).wait()

    def gs(slot, srcrow, dstrow, do_wait):
        if do_wait:
            pltpu.make_async_copy(rowbufs[slot], acc.at[dstrow],
                                  sss[slot]).wait()
        d = pltpu.async_copy(g_hbm.at[srcrow], rowbufs[slot], sgs[slot])
        d.wait()
        pltpu.async_copy(rowbufs[slot], acc.at[dstrow], sss[slot], add=True)

    def run_sg(sl, do_wait_first):
        for b in range(8):
            gs(b % 2, srcbs[sl].at[b], dstbs[sl].at[b],
               do_wait_first or b >= 2)

    issue_load(0, 0)
    @pl.when(c == 0)
    def _():
        pltpu.sync_copy(g_hbm.at[pl.ds(r0, STRIPE), :],
                        acc.at[pl.ds(r0, STRIPE), :])

    @pl.when(c == 1)
    def _():
        def zfill(i, _):
            rows0[i // 8, pl.ds(lax.rem(i, 8) * 16, 16)] = jnp.zeros(
                (16,), jnp.float32)
            return 0

        lax.fori_loop(0, C * 8, zfill, 0)
        for q in range(STRIPE // C):
            pltpu.sync_copy(rows0, acc.at[pl.ds(r0 + q * C, C), :])

    plsc.subcore_barrier()

    wait_load(0, 0)
    issue_load(1, 1)
    run_sg(0, False)
    wait_load(1, 1)
    issue_load(2, 2)
    run_sg(1, True)

    def triple(p, _):
        for t in range(3):
            j = 2 + p * 3 + t
            sl = (2 + t) % 3
            wait_load(j, sl)
            issue_load(j + 1, (sl + 1) % 3)
            run_sg(sl, True)
        return 0

    lax.fori_loop(0, 2, triple, 0)

    wait_load(8, 2)
    issue_load(9, 0)
    run_sg(2, True)
    wait_load(9, 0)
    run_sg(0, True)

    pltpu.make_async_copy(rows0, acc.at[db0.at[6]], ss0).wait()
    pltpu.make_async_copy(rows1, acc.at[db0.at[7]], ss1).wait()
    plsc.subcore_barrier()
    pltpu.sync_copy(acc.at[pl.ds(r0, STRIPE), :], out_hbm.at[c, pl.ds(r0, STRIPE), :])


@functools.partial(
    pl.kernel,
    out_type=jax.ShapeDtypeStruct((2, NP), jnp.float32),
    mesh=_MESH,
    scratch_types=[
        pltpu.VMEM_SHARED((NP,), jnp.float32),
        pltpu.VMEM_SHARED((NP,), jnp.float32),
        pltpu.VMEM((_RPW, C), jnp.int32),
        pltpu.VMEM((_RPW, C), jnp.int32),
        pltpu.VMEM((C,), jnp.float32),
        pltpu.VMEM((C,), jnp.float32),
        pltpu.SemaphoreType.DMA,
        pltpu.SemaphoreType.DMA,
        pltpu.SemaphoreType.DMA,
        pltpu.SemaphoreType.DMA,
        pltpu.SemaphoreType.DMA,
    ],
)
def _prop2(src_hbm, dst_hbm, z_hbm, out_hbm, zsp, acc, srcbuf, dstbuf,
           vals0, vals1, sidx, sg0, sg1, ss0, ss1):
    c = lax.axis_index("c")
    s = lax.axis_index("s")
    w = c * 16 + s
    r0 = s * STRIPE
    start = _RPW * w
    _prefetch_idx(src_hbm, srcbuf, start, sidx)
    _prefetch_idx(dst_hbm, dstbuf, start, sidx)
    pltpu.sync_copy(z_hbm.at[pl.ds(r0, STRIPE)], zsp.at[pl.ds(r0, STRIPE)])

    @pl.when(c == 0)
    def _():
        pltpu.sync_copy(z_hbm.at[pl.ds(r0, STRIPE)], acc.at[pl.ds(r0, STRIPE)])

    @pl.when(c == 1)
    def _():
        def zfill(i, _):
            vals0[pl.ds(i * 16, 16)] = jnp.zeros((16,), jnp.float32)
            return 0

        lax.fori_loop(0, C // 16, zfill, 0)
        for q in range(STRIPE // C):
            pltpu.sync_copy(vals0, acc.at[pl.ds(r0 + q * C, C)])

    plsc.subcore_barrier()
    _wait_idx(src_hbm, srcbuf, start, sidx)
    _wait_idx(dst_hbm, dstbuf, start, sidx)

    valbufs = (vals0, vals1)
    sgs = (sg0, sg1)
    sss = (ss0, ss1)

    def gs(k, slot, first):
        if not first:
            pltpu.make_async_copy(valbufs[slot], acc.at[dstbuf.at[k - 2]],
                                  sss[slot]).wait()
        d = pltpu.async_copy(zsp.at[srcbuf.at[k]], valbufs[slot], sgs[slot])
        d.wait()
        pltpu.async_copy(valbufs[slot], acc.at[dstbuf.at[k]], sss[slot],
                         add=True)

    gs(0, 0, True)
    gs(1, 1, True)

    def pair(p, _):
        gs(p * 2, 0, False)
        gs(p * 2 + 1, 1, False)
        return 0

    lax.fori_loop(1, _PAIRS, pair, 0)

    pltpu.make_async_copy(vals0, acc.at[dstbuf.at[0]], ss0).wait()
    pltpu.make_async_copy(vals1, acc.at[dstbuf.at[1]], ss1).wait()
    plsc.subcore_barrier()
    pltpu.sync_copy(acc.at[pl.ds(r0, STRIPE)], out_hbm.at[c, pl.ds(r0, STRIPE)])


def _pre_body(x_ref, w1_ref, degp_ref, g2_ref, dinv_ref, maskf_ref):
    xb = x_ref[...]
    deg = degp_ref[0, :] + degp_ref[1, :] - 1.0
    dinv = lax.rsqrt(deg)
    h = jnp.dot(xb, w1_ref[...], preferred_element_type=jnp.float32)
    g2_ref[...] = dinv[:, None] * h
    dinv_ref[...] = dinv
    maskf_ref[...] = (xb[:, 0] == 0.0).astype(jnp.float32)


_pre = pl.pallas_call(
    _pre_body,
    grid=(NP // BN,),
    in_specs=[
        pl.BlockSpec((BN, D), lambda i: (i, 0)),
        pl.BlockSpec((D, D), lambda i: (0, 0)),
        pl.BlockSpec((2, BN), lambda i: (0, i)),
    ],
    out_specs=[
        pl.BlockSpec((BN, D), lambda i: (i, 0)),
        pl.BlockSpec((BN,), lambda i: (i,)),
        pl.BlockSpec((BN,), lambda i: (i,)),
    ],
    out_shape=[
        jax.ShapeDtypeStruct((NP, D), jnp.float32),
        jax.ShapeDtypeStruct((NP,), jnp.float32),
        jax.ShapeDtypeStruct((NP,), jnp.float32),
    ],
)


def _mid_body(acc2_ref, dinv_ref, b1_ref, w2_ref, zt_ref):
    dinv = dinv_ref[...]
    t = acc2_ref[0] + acc2_ref[1]
    t = dinv[:, None] * t + b1_ref[...][None, :]
    t = jnp.where(t >= 0, t, 0.01 * t)
    z = jnp.dot(t, w2_ref[...], preferred_element_type=jnp.float32)
    zt_ref[...] = dinv * z


_mid = pl.pallas_call(
    _mid_body,
    grid=(NP // BN,),
    in_specs=[
        pl.BlockSpec((2, BN, D), lambda i: (0, i, 0)),
        pl.BlockSpec((BN,), lambda i: (i,)),
        pl.BlockSpec((D,), lambda i: (0,)),
        pl.BlockSpec((D,), lambda i: (0,)),
    ],
    out_specs=pl.BlockSpec((BN,), lambda i: (i,)),
    out_shape=jax.ShapeDtypeStruct((NP,), jnp.float32),
)


def _post_body(ez_ref, dinv_ref, maskf_ref, b2_ref, out_ref):
    t = ez_ref[0, :] + ez_ref[1, :]
    sc = dinv_ref[...] * t + b2_ref[...]
    valid = lax.broadcasted_iota(jnp.int32, (NP,), 0) < N
    keep = jnp.logical_and(valid, maskf_ref[...] == 0.0)
    sc = jnp.where(keep, sc, -jnp.inf)
    m = jnp.max(sc)
    e = jnp.exp(sc - m)
    out_ref[...] = (e / jnp.sum(e))[:N]


_post = pl.pallas_call(
    _post_body,
    grid=(1,),
    in_specs=[
        pl.BlockSpec((2, NP), lambda i: (0, 0)),
        pl.BlockSpec((NP,), lambda i: (0,)),
        pl.BlockSpec((NP,), lambda i: (0,)),
        pl.BlockSpec((1,), lambda i: (0,)),
    ],
    out_specs=pl.BlockSpec((N,), lambda i: (0,)),
    out_shape=jax.ShapeDtypeStruct((N,), jnp.float32),
)


def kernel(x, edge_index, batch, W1, b1, W2, b2):
    npad = (_ROWS_P - _ROWS) * C
    pad = (N + jnp.arange(npad, dtype=jnp.int32) % (NP - N)).reshape(
        _ROWS_P - _ROWS, C)
    ei2 = jnp.concatenate(
        [edge_index.reshape(2, _ROWS, C),
         jnp.broadcast_to(pad[None], (2, _ROWS_P - _ROWS, C))], axis=1)
    src2 = ei2[0]
    dst2 = ei2[1]
    degp = _deg(dst2)
    g, dinv, maskf = _pre(x, W1, degp)
    acc2 = _prop1(src2, dst2, g)
    zt = _mid(acc2, dinv, b1, W2.reshape(D))
    ez = _prop2(src2, dst2, zt)
    return _post(ez, dinv, maskf, b2)

# --- scband reference (transcript-rebuilt; emitter-appended) ---
"""Pipeline reference for scband-leaf-selection-head-19997367730749 (READ-ONLY COPY).

The authoritative reference and input builder live on the scoring server;
editing this copy changes nothing except your own understanding.
"""

import jax, jax.numpy as jnp
import numpy as np

N = 10000
E = 320000
D = 128  # d_feat == hidden_dim (backbone = Identity)


def setup_inputs(seed: int = 0) -> dict:
    key = jax.random.key(seed)
    k1, k2, k3, k4 = jax.random.split(key, 4)
    x = jax.random.normal(k1, (N, D), dtype=jnp.float32)
    edge_index = jax.random.randint(k2, (2, E), 0, N, dtype=jnp.int32)
    batch = jnp.zeros((N,), dtype=jnp.int32)
    # GCNConv layer 1: hidden_dim -> hidden_dim ; layer 2: hidden_dim -> 1
    W1 = jax.random.normal(k3, (D, D), dtype=jnp.float32) * (1.0 / np.sqrt(D))
    b1 = jnp.zeros((D,), dtype=jnp.float32)
    W2 = jax.random.normal(k4, (D, 1), dtype=jnp.float32) * (1.0 / np.sqrt(D))
    b2 = jnp.zeros((1,), dtype=jnp.float32)
    return {"x": x, "edge_index": edge_index, "batch": batch,
            "W1": W1, "b1": b1, "W2": W2, "b2": b2}


def _gcn_conv(x, edge_index, W, b):
    # PyG GCNConv: add self-loops, symmetric normalization, linear then propagate
    n = x.shape[0]
    loop = jnp.arange(n, dtype=edge_index.dtype)
    src = jnp.concatenate([edge_index[0], loop])
    dst = jnp.concatenate([edge_index[1], loop])
    deg = jnp.zeros((n,), dtype=x.dtype).at[dst].add(1.0)
    dinv = jnp.where(deg > 0, 1.0 / jnp.sqrt(deg), 0.0)
    norm = dinv[src] * dinv[dst]
    h = x @ W
    msg = h[src] * norm[:, None]
    out = jnp.zeros((n, h.shape[1]), dtype=x.dtype).at[dst].add(msg)
    return out + b


def reference(x, edge_index, batch, W1, b1, W2, b2):
    # backbone = Identity; dropout inactive (eval mode)
    mask = x[:, 0] == 0
    h = _gcn_conv(x, edge_index, W1, b1)
    h = jax.nn.leaky_relu(h, negative_slope=0.01)
    h = _gcn_conv(h, edge_index, W2, b2)
    h = jnp.squeeze(h, axis=-1)
    h = jnp.where(mask, -jnp.inf, h)
    return jax.nn.softmax(h, axis=0)

if __name__ == "__main__":
    import jax
    _d = setup_inputs()
    print(jax.jit(kernel)(*tuple(_d.values())))

</pallas_src>

<mosaic_0001>
#map = affine_map<(d0, d1) -> (0, 0)>
#map1 = affine_map<(d0, d1) -> (0)>
module attributes {stable_mosaic.version = 14 : i64} {
  func.func @_prop2(%arg0: i32, %arg1: i32, %arg2: memref<2560x128xi32, #tpu.memory_space<hbm>>, %arg3: memref<2560x128xi32, #tpu.memory_space<hbm>>, %arg4: memref<10240xf32, #tpu.memory_space<hbm>>, %arg5: memref<2x10240xf32, #tpu.memory_space<hbm>>, %arg6: memref<10240xf32, #tpu.memory_space<vmem_shared>>, %arg7: memref<10240xf32, #tpu.memory_space<vmem_shared>>, %arg8: memref<80x128xi32, #tpu.memory_space<vmem>>, %arg9: memref<80x128xi32, #tpu.memory_space<vmem>>, %arg10: memref<128xf32, #tpu.memory_space<vmem>>, %arg11: memref<128xf32, #tpu.memory_space<vmem>>, %arg12: memref<!tpu.dma_semaphore, #tpu.memory_space<semaphore_mem>>, %arg13: memref<!tpu.dma_semaphore, #tpu.memory_space<semaphore_mem>>, %arg14: memref<!tpu.dma_semaphore, #tpu.memory_space<semaphore_mem>>, %arg15: memref<!tpu.dma_semaphore, #tpu.memory_space<semaphore_mem>>, %arg16: memref<!tpu.dma_semaphore, #tpu.memory_space<semaphore_mem>>) attributes {dimension_semantics = [#tpu.dimension_semantics<core_parallel>, #tpu.dimension_semantics<subcore_parallel>], iteration_bounds = array<i64: 2, 16>, scalar_prefetch = 0 : i64, scratch_operands = 11 : i64, tpu.core_type = #tpu.core_type<sc_vector_subcore>, window_params = [{transform_indices = #map}, {transform_indices = #map}, {transform_indices = #map1}, {transform_indices = #map}]} {
    %mul3A = arith.constant 16 : i32
    %mul3A_0 = arith.muli %arg0, %mul3A : i32
    %add3A = arith.addi %mul3A_0, %arg1 : i32
    %mul3A_1 = arith.constant 640 : i32
    %mul3A_2 = arith.muli %arg1, %mul3A_1 : i32
    %mul3A_3 = arith.constant 80 : i32
    %mul3A_4 = arith.muli %mul3A_3, %add3A : i32
    %dma_start3A = arith.constant 0 : i32
    %dma_start3A_5 = tpu.memref_slice %arg2[%mul3A_4, %dma_start3A] : memref<2560x128xi32, #tpu.memory_space<hbm>> -> memref<80x128xi32, #tpu.memory_space<hbm>>
    %dma_start3A_6 = arith.constant 0 : i32
    %dma_start3A_7 = tpu.memref_slice %arg2[%mul3A_4, %dma_start3A_6] : memref<2560x128xi32, #tpu.memory_space<hbm>> -> memref<80x128xi32, #tpu.memory_space<hbm>>
    tpu.enqueue_dma source(%dma_start3A_7 : memref<80x128xi32, #tpu.memory_space<hbm>>) target(%arg8 : memref<80x128xi32, #tpu.memory_space<vmem>>) target_semaphore(%arg12 : memref<!tpu.dma_semaphore, #tpu.memory_space<semaphore_mem>>)
    %dma_start3A_8 = arith.constant 0 : i32
    %dma_start3A_9 = tpu.memref_slice %arg3[%mul3A_4, %dma_start3A_8] : memref<2560x128xi32, #tpu.memory_space<hbm>> -> memref<80x128xi32, #tpu.memory_space<hbm>>
    %dma_start3A_10 = arith.constant 0 : i32
    %dma_start3A_11 = tpu.memref_slice %arg3[%mul3A_4, %dma_start3A_10] : memref<2560x128xi32, #tpu.memory_space<hbm>> -> memref<80x128xi32, #tpu.memory_space<hbm>>
    tpu.enqueue_dma source(%dma_start3A_11 : memref<80x128xi32, #tpu.memory_space<hbm>>) target(%arg9 : memref<80x128xi32, #tpu.memory_space<vmem>>) target_semaphore(%arg12 : memref<!tpu.dma_semaphore, #tpu.memory_space<semaphore_mem>>)
    "tpu.region"() ({
      %run_scoped3A = tpu.sem_alloc : memref<!tpu.dma_semaphore, #tpu.memory_space<semaphore_mem>>
      %dma_start3A_81 = tpu.memref_slice %arg6[%mul3A_2] : memref<10240xf32, #tpu.memory_space<vmem_shared>> -> memref<640xf32, #tpu.memory_space<vmem_shared>>
      %dma_start3A_82 = tpu.memref_slice %arg4[%mul3A_2] : memref<10240xf32, #tpu.memory_space<hbm>> -> memref<640xf32, #tpu.memory_space<hbm>>
      tpu.enqueue_dma source(%dma_start3A_82 : memref<640xf32, #tpu.memory_space<hbm>>) target(%dma_start3A_81 : memref<640xf32, #tpu.memory_space<vmem_shared>>) target_semaphore(%run_scoped3A : memref<!tpu.dma_semaphore, #tpu.memory_space<semaphore_mem>>)
      %dma_wait3A_83 = tpu.memref_slice %arg6[%mul3A_2] : memref<10240xf32, #tpu.memory_space<vmem_shared>> -> memref<640xf32, #tpu.memory_space<vmem_shared>>
      %dma_wait3A_84 = tpu.memref_slice %arg4[%mul3A_2] : memref<10240xf32, #tpu.memory_space<hbm>> -> memref<640xf32, #tpu.memory_space<hbm>>
      tpu.wait_dma2 semaphore(%run_scoped3A : memref<!tpu.dma_semaphore, #tpu.memory_space<semaphore_mem>>) src(%dma_wait3A_84 : memref<640xf32, #tpu.memory_space<hbm>>) dst(%dma_wait3A_83 : memref<640xf32, #tpu.memory_space<vmem_shared>>)
      tpu.yield
    }) : () -> ()
    %eq3A = arith.constant 0 : i32
    %eq3A_12 = arith.cmpi eq, %arg0, %eq3A : i32
    %convert_element_type3A = arith.extui %eq3A_12 : i1 to i32
    %cond3A = arith.constant 0 : i32
    %cond3A_13 = arith.cmpi ne, %convert_element_type3A, %cond3A : i32
    scf.if %cond3A_13 {
      "tpu.region"() ({
        %run_scoped3A = tpu.sem_alloc : memref<!tpu.dma_semaphore, #tpu.memory_space<semaphore_mem>>
        %dma_start3A_81 = tpu.memref_slice %arg7[%mul3A_2] : memref<10240xf32, #tpu.memory_space<vmem_shared>> -> memref<640xf32, #tpu.memory_space<vmem_shared>>
        %dma_start3A_82 = tpu.memref_slice %arg4[%mul3A_2] : memref<10240xf32, #tpu.memory_space<hbm>> -> memref<640xf32, #tpu.memory_space<hbm>>
        tpu.enqueue_dma source(%dma_start3A_82 : memref<640xf32, #tpu.memory_space<hbm>>) target(%dma_start3A_81 : memref<640xf32, #tpu.memory_space<vmem_shared>>) target_semaphore(%run_scoped3A : memref<!tpu.dma_semaphore, #tpu.memory_space<semaphore_mem>>)
        %dma_wait3A_83 = tpu.memref_slice %arg7[%mul3A_2] : memref<10240xf32, #tpu.memory_space<vmem_shared>> -> memref<640xf32, #tpu.memory_space<vmem_shared>>
        %dma_wait3A_84 = tpu.memref_slice %arg4[%mul3A_2] : memref<10240xf32, #tpu.memory_space<hbm>> -> memref<640xf32, #tpu.memory_space<hbm>>
        tpu.wait_dma2 semaphore(%run_scoped3A : memref<!tpu.dma_semaphore, #tpu.memory_space<semaphore_mem>>) src(%dma_wait3A_84 : memref<640xf32, #tpu.memory_space<hbm>>) dst(%dma_wait3A_83 : memref<640xf32, #tpu.memory_space<vmem_shared>>)
        tpu.yield
      }) : () -> ()
    } else {
    }
    %eq3A_14 = arith.constant 1 : i32
    %eq3A_15 = arith.cmpi eq, %arg0, %eq3A_14 : i32
    %convert_element_type3A_16 = arith.extui %eq3A_15 : i1 to i32
    %cond3A_17 = arith.constant 0 : i32
    %cond3A_18 = arith.cmpi ne, %convert_element_type3A_16, %cond3A_17 : i32
    scf.if %cond3A_18 {
      %scan3A_81 = arith.constant 0 : i32
      %scan3A_82 = arith.constant 0 : i32
      %scan3A_83 = arith.constant 8 : i32
      %scan3A_84 = arith.addi %scan3A_82, %scan3A_83 : i32
      %scan3A_85 = arith.constant 1 : i32
      %scan3A_86 = scf.for %scan3A_98 = %scan3A_82 to %scan3A_84 step %scan3A_85 iter_args(%scan3A_99 = %scan3A_81) -> (i32)  : i32 {
        %broadcast_in_dim3A = arith.constant 0.000000e+00 : f32
        %broadcast_in_dim3A_100 = vector.broadcast %broadcast_in_dim3A : f32 to vector<16xf32>
        %mul3A_101 = arith.constant 16 : i32
        %mul3A_102 = arith.muli %scan3A_98, %mul3A_101 : i32
        %swap3A = arith.index_cast %mul3A_102 : i32 to index
        %swap3A_103 = tpu.vector_load %arg10[%swap3A] {strides = array<i32>} : memref<128xf32, #tpu.memory_space<vmem>>, vector<16xf32>,
        %swap3A_104 = vector.shape_cast %swap3A_103 : vector<16xf32> to vector<16xf32>
        %swap3A_105 = vector.shape_cast %broadcast_in_dim3A_100 : vector<16xf32> to vector<16xf32>
        tpu.vector_store %arg10[%swap3A], %swap3A_105 {strides = array<i32>} : memref<128xf32, #tpu.memory_space<vmem>>, vector<16xf32>,
        %scan3A_106 = arith.constant 0 : i32
        scf.yield %scan3A_106 : i32
      }
      %scan3A_87 = arith.constant 8 : i32
      %add3A_88 = arith.constant 0 : i32
      %add3A_89 = arith.addi %mul3A_2, %add3A_88 : i32
      "tpu.region"() ({
        %run_scoped3A = tpu.sem_alloc : memref<!tpu.dma_semaphore, #tpu.memory_space<semaphore_mem>>
        %dma_start3A_98 = tpu.memref_slice %arg7[%add3A_89] : memref<10240xf32, #tpu.memory_space<vmem_shared>> -> memref<128xf32, #tpu.memory_space<vmem_shared>>
        %dma_start3A_99 = tpu.memref_slice %arg7[%add3A_89] : memref<10240xf32, #tpu.memory_space<vmem_shared>> -> memref<128xf32, #tpu.memory_space<vmem_shared>>
        tpu.enqueue_dma source(%arg10 : memref<128xf32, #tpu.memory_space<vmem>>) target(%dma_start3A_99 : memref<128xf32, #tpu.memory_space<vmem_shared>>) target_semaphore(%run_scoped3A : memref<!tpu.dma_semaphore, #tpu.memory_space<semaphore_mem>>)
        %dma_wait3A_100 = tpu.memref_slice %arg7[%add3A_89] : memref<10240xf32, #tpu.memory_space<vmem_shared>> -> memref<128xf32, #tpu.memory_space<vmem_shared>>
        %dma_wait3A_101 = tpu.memref_slice %arg7[%add3A_89] : memref<10240xf32, #tpu.memory_space<vmem_shared>> -> memref<128xf32, #tpu.memory_space<vmem_shared>>
        tpu.wait_dma2 semaphore(%run_scoped3A : memref<!tpu.dma_semaphore, #tpu.memory_space<semaphore_mem>>) src(%arg10 : memref<128xf32, #tpu.memory_space<vmem>>) dst(%dma_wait3A_101 : memref<128xf32, #tpu.memory_space<vmem_shared>>)
        tpu.yield
      }) : () -> ()
      %add3A_90 = arith.constant 128 : i32
      %add3A_91 = arith.addi %mul3A_2, %add3A_90 : i32
      "tpu.region"() ({
        %run_scoped3A = tpu.sem_alloc : memref<!tpu.dma_semaphore, #tpu.memory_space<semaphore_mem>>
        %dma_start3A_98 = tpu.memref_slice %arg7[%add3A_91] : memref<10240xf32, #tpu.memory_space<vmem_shared>> -> memref<128xf32, #tpu.memory_space<vmem_shared>>
        %dma_start3A_99 = tpu.memref_slice %arg7[%add3A_91] : memref<10240xf32, #tpu.memory_space<vmem_shared>> -> memref<128xf32, #tpu.memory_space<vmem_shared>>
        tpu.enqueue_dma source(%arg10 : memref<128xf32, #tpu.memory_space<vmem>>) target(%dma_start3A_99 : memref<128xf32, #tpu.memory_space<vmem_shared>>) target_semaphore(%run_scoped3A : memref<!tpu.dma_semaphore, #tpu.memory_space<semaphore_mem>>)
        %dma_wait3A_100 = tpu.memref_slice %arg7[%add3A_91] : memref<10240xf32, #tpu.memory_space<vmem_shared>> -> memref<128xf32, #tpu.memory_space<vmem_shared>>
        %dma_wait3A_101 = tpu.memref_slice %arg7[%add3A_91] : memref<10240xf32, #tpu.memory_space<vmem_shared>> -> memref<128xf32, #tpu.memory_space<vmem_shared>>
        tpu.wait_dma2 semaphore(%run_scoped3A : memref<!tpu.dma_semaphore, #tpu.memory_space<semaphore_mem>>) src(%arg10 : memref<128xf32, #tpu.memory_space<vmem>>) dst(%dma_wait3A_101 : memref<128xf32, #tpu.memory_space<vmem_shared>>)
        tpu.yield
      }) : () -> ()
      %add3A_92 = arith.constant 256 : i32
      %add3A_93 = arith.addi %mul3A_2, %add3A_92 : i32
      "tpu.region"() ({
        %run_scoped3A = tpu.sem_alloc : memref<!tpu.dma_semaphore, #tpu.memory_space<semaphore_mem>>
        %dma_start3A_98 = tpu.memref_slice %arg7[%add3A_93] : memref<10240xf32, #tpu.memory_space<vmem_shared>> -> memref<128xf32, #tpu.memory_space<vmem_shared>>
        %dma_start3A_99 = tpu.memref_slice %arg7[%add3A_93] : memref<10240xf32, #tpu.memory_space<vmem_shared>> -> memref<128xf32, #tpu.memory_space<vmem_shared>>
        tpu.enqueue_dma source(%arg10 : memref<128xf32, #tpu.memory_space<vmem>>) target(%dma_start3A_99 : memref<128xf32, #tpu.memory_space<vmem_shared>>) target_semaphore(%run_scoped3A : memref<!tpu.dma_semaphore, #tpu.memory_space<semaphore_mem>>)
        %dma_wait3A_100 = tpu.memref_slice %arg7[%add3A_93] : memref<10240xf32, #tpu.memory_space<vmem_shared>> -> memref<128xf32, #tpu.memory_space<vmem_shared>>
        %dma_wait3A_101 = tpu.memref_slice %arg7[%add3A_93] : memref<10240xf32, #tpu.memory_space<vmem_shared>> -> memref<128xf32, #tpu.memory_space<vmem_shared>>
        tpu.wait_dma2 semaphore(%run_scoped3A : memref<!tpu.dma_semaphore, #tpu.memory_space<semaphore_mem>>) src(%arg10 : memref<128xf32, #tpu.memory_space<vmem>>) dst(%dma_wait3A_101 : memref<128xf32, #tpu.memory_space<vmem_shared>>)
        tpu.yield
      }) : () -> ()
      %add3A_94 = arith.constant 384 : i32
      %add3A_95 = arith.addi %mul3A_2, %add3A_94 : i32
      "tpu.region"() ({
        %run_scoped3A = tpu.sem_alloc : memref<!tpu.dma_semaphore, #tpu.memory_space<semaphore_mem>>
        %dma_start3A_98 = tpu.memref_slice %arg7[%add3A_95] : memref<10240xf32, #tpu.memory_space<vmem_shared>> -> memref<128xf32, #tpu.memory_space<vmem_shared>>
        %dma_start3A_99 = tpu.memref_slice %arg7[%add3A_95] : memref<10240xf32, #tpu.memory_space<vmem_shared>> -> memref<128xf32, #tpu.memory_space<vmem_shared>>
        tpu.enqueue_dma source(%arg10 : memref<128xf32, #tpu.memory_space<vmem>>) target(%dma_start3A_99 : memref<128xf32, #tpu.memory_space<vmem_shared>>) target_semaphore(%run_scoped3A : memref<!tpu.dma_semaphore, #tpu.memory_space<semaphore_mem>>)
        %dma_wait3A_100 = tpu.memref_slice %arg7[%add3A_95] : memref<10240xf32, #tpu.memory_space<vmem_shared>> -> memref<128xf32, #tpu.memory_space<vmem_shared>>
        %dma_wait3A_101 = tpu.memref_slice %arg7[%add3A_95] : memref<10240xf32, #tpu.memory_space<vmem_shared>> -> memref<128xf32, #tpu.memory_space<vmem_shared>>
        tpu.wait_dma2 semaphore(%run_scoped3A : memref<!tpu.dma_semaphore, #tpu.memory_space<semaphore_mem>>) src(%arg10 : memref<128xf32, #tpu.memory_space<vmem>>) dst(%dma_wait3A_101 : memref<128xf32, #tpu.memory_space<vmem_shared>>)
        tpu.yield
      }) : () -> ()
      %add3A_96 = arith.constant 512 : i32
      %add3A_97 = arith.addi %mul3A_2, %add3A_96 : i32
      "tpu.region"() ({
        %run_scoped3A = tpu.sem_alloc : memref<!tpu.dma_semaphore, #tpu.memory_space<semaphore_mem>>
        %dma_start3A_98 = tpu.memref_slice %arg7[%add3A_97] : memref<10240xf32, #tpu.memory_space<vmem_shared>> -> memref<128xf32, #tpu.memory_space<vmem_shared>>
        %dma_start3A_99 = tpu.memref_slice %arg7[%add3A_97] : memref<10240xf32, #tpu.memory_space<vmem_shared>> -> memref<128xf32, #tpu.memory_space<vmem_shared>>
        tpu.enqueue_dma source(%arg10 : memref<128xf32, #tpu.memory_space<vmem>>) target(%dma_start3A_99 : memref<128xf32, #tpu.memory_space<vmem_shared>>) target_semaphore(%run_scoped3A : memref<!tpu.dma_semaphore, #tpu.memory_space<semaphore_mem>>)
        %dma_wait3A_100 = tpu.memref_slice %arg7[%add3A_97] : memref<10240xf32, #tpu.memory_space<vmem_shared>> -> memref<128xf32, #tpu.memory_space<vmem_shared>>
        %dma_wait3A_101 = tpu.memref_slice %arg7[%add3A_97] : memref<10240xf32, #tpu.memory_space<vmem_shared>> -> memref<128xf32, #tpu.memory_space<vmem_shared>>
        tpu.wait_dma2 semaphore(%run_scoped3A : memref<!tpu.dma_semaphore, #tpu.memory_space<semaphore_mem>>) src(%arg10 : memref<128xf32, #tpu.memory_space<vmem>>) dst(%dma_wait3A_101 : memref<128xf32, #tpu.memory_space<vmem_shared>>)
        tpu.yield
      }) : () -> ()
    } else {
    }
    %barrier3A = arith.constant 0 : index
    tpu.barrier barrier_id(%barrier3A)
    %dma_wait3A = arith.constant 0 : i32
    %dma_wait3A_19 = tpu.memref_slice %arg2[%mul3A_4, %dma_wait3A] : memref<2560x128xi32, #tpu.memory_space<hbm>> -> memref<80x128xi32, #tpu.memory_space<hbm>>
    %dma_wait3A_20 = arith.constant 0 : i32
    %dma_wait3A_21 = tpu.memref_slice %arg2[%mul3A_4, %dma_wait3A_20] : memref<2560x128xi32, #tpu.memory_space<hbm>> -> memref<80x128xi32, #tpu.memory_space<hbm>>
    tpu.wait_dma2 semaphore(%arg12 : memref<!tpu.dma_semaphore, #tpu.memory_space<semaphore_mem>>) src(%dma_wait3A_21 : memref<80x128xi32, #tpu.memory_space<hbm>>) dst(%arg8 : memref<80x128xi32, #tpu.memory_space<vmem>>)
    %dma_wait3A_22 = arith.constant 0 : i32
    %dma_wait3A_23 = tpu.memref_slice %arg3[%mul3A_4, %dma_wait3A_22] : memref<2560x128xi32, #tpu.memory_space<hbm>> -> memref<80x128xi32, #tpu.memory_space<hbm>>
    %dma_wait3A_24 = arith.constant 0 : i32
    %dma_wait3A_25 = tpu.memref_slice %arg3[%mul3A_4, %dma_wait3A_24] : memref<2560x128xi32, #tpu.memory_space<hbm>> -> memref<80x128xi32, #tpu.memory_space<hbm>>
    tpu.wait_dma2 semaphore(%arg12 : memref<!tpu.dma_semaphore, #tpu.memory_space<semaphore_mem>>) src(%dma_wait3A_25 : memref<80x128xi32, #tpu.memory_space<hbm>>) dst(%arg9 : memref<80x128xi32, #tpu.memory_space<vmem>>)
    %dma_start3A_26 = arith.constant 0 : i32
    %dma_start3A_27 = arith.constant 0 : i32
    %dma_start3A_28 = tpu.memref_slice %arg8[%dma_start3A_26, %dma_start3A_27] : memref<80x128xi32, #tpu.memory_space<vmem>> -> memref<1x128xi32, #tpu.memory_space<vmem>>
    %dma_start3A_29 = tpu.memref_squeeze %dma_start3A_28 : memref<1x128xi32, #tpu.memory_space<vmem>> -> memref<128xi32, #tpu.memory_space<vmem>>
    %dma_start3A_30 = arith.constant 0 : i32
    %dma_start3A_31 = tpu.memref_slice %arg6[%dma_start3A_30] : memref<10240xf32, #tpu.memory_space<vmem_shared>> -> memref<10240xf32, #tpu.memory_space<vmem_shared>>
    tpu.enqueue_indirect_dma source(%dma_start3A_31 : memref<10240xf32, #tpu.memory_space<vmem_shared>>) target(%arg10 : memref<128xf32, #tpu.memory_space<vmem>>) offsets(%dma_start3A_29 : memref<128xi32, #tpu.memory_space<vmem>>) semaphore(%arg13 : memref<!tpu.dma_semaphore, #tpu.memory_space<semaphore_mem>>)
    %dma_wait3A_32 = arith.constant 0 : i32
    %dma_wait3A_33 = arith.constant 0 : i32
    %dma_wait3A_34 = tpu.memref_slice %arg8[%dma_wait3A_32, %dma_wait3A_33] : memref<80x128xi32, #tpu.memory_space<vmem>> -> memref<1x128xi32, #tpu.memory_space<vmem>>
    %dma_wait3A_35 = tpu.memref_squeeze %dma_wait3A_34 : memref<1x128xi32, #tpu.memory_space<vmem>> -> memref<128xi32, #tpu.memory_space<vmem>>
    %dma_wait3A_36 = arith.constant 0 : i32
    %dma_wait3A_37 = tpu.memref_slice %arg6[%dma_wait3A_36] : memref<10240xf32, #tpu.memory_space<vmem_shared>> -> memref<10240xf32, #tpu.memory_space<vmem_shared>>
    tpu.wait_indirect_dma semaphore(%arg13 : memref<!tpu.dma_semaphore, #tpu.memory_space<semaphore_mem>>) src(%dma_wait3A_37 : memref<10240xf32, #tpu.memory_space<vmem_shared>>) dst(%arg10 : memref<128xf32, #tpu.memory_space<vmem>>)
    %dma_start3A_38 = arith.constant 0 : i32
    %dma_start3A_39 = arith.constant 0 : i32
    %dma_start3A_40 = tpu.memref_slice %arg9[%dma_start3A_38, %dma_start3A_39] : memref<80x128xi32, #tpu.memory_space<vmem>> -> memref<1x128xi32, #tpu.memory_space<vmem>>
    %dma_start3A_41 = tpu.memref_squeeze %dma_start3A_40 : memref<1x128xi32, #tpu.memory_space<vmem>> -> memref<128xi32, #tpu.memory_space<vmem>>
    %dma_start3A_42 = arith.constant 0 : i32
    %dma_start3A_43 = tpu.memref_slice %arg7[%dma_start3A_42] : memref<10240xf32, #tpu.memory_space<vmem_shared>> -> memref<10240xf32, #tpu.memory_space<vmem_shared>>
    tpu.enqueue_indirect_dma source(%arg10 : memref<128xf32, #tpu.memory_space<vmem>>) target(%dma_start3A_43 : memref<10240xf32, #tpu.memory_space<vmem_shared>>) offsets(%dma_start3A_41 : memref<128xi32, #tpu.memory_space<vmem>>) semaphore(%arg15 : memref<!tpu.dma_semaphore, #tpu.memory_space<semaphore_mem>>) {add = true}
    %dma_start3A_44 = arith.constant 1 : i32
    %dma_start3A_45 = arith.constant 0 : i32
    %dma_start3A_46 = tpu.memref_slice %arg8[%dma_start3A_44, %dma_start3A_45] : memref<80x128xi32, #tpu.memory_space<vmem>> -> memref<1x128xi32, #tpu.memory_space<vmem>>
    %dma_start3A_47 = tpu.memref_squeeze %dma_start3A_46 : memref<1x128xi32, #tpu.memory_space<vmem>> -> memref<128xi32, #tpu.memory_space<vmem>>
    %dma_start3A_48 = arith.constant 0 : i32
    %dma_start3A_49 = tpu.memref_slice %arg6[%dma_start3A_48] : memref<10240xf32, #tpu.memory_space<vmem_shared>> -> memref<10240xf32, #tpu.memory_space<vmem_shared>>
    tpu.enqueue_indirect_dma source(%dma_start3A_49 : memref<10240xf32, #tpu.memory_space<vmem_shared>>) target(%arg11 : memref<128xf32, #tpu.memory_space<vmem>>) offsets(%dma_start3A_47 : memref<128xi32, #tpu.memory_space<vmem>>) semaphore(%arg14 : memref<!tpu.dma_semaphore, #tpu.memory_space<semaphore_mem>>)
    %dma_wait3A_50 = arith.constant 1 : i32
    %dma_wait3A_51 = arith.constant 0 : i32
    %dma_wait3A_52 = tpu.memref_slice %arg8[%dma_wait3A_50, %dma_wait3A_51] : memref<80x128xi32, #tpu.memory_space<vmem>> -> memref<1x128xi32, #tpu.memory_space<vmem>>
    %dma_wait3A_53 = tpu.memref_squeeze %dma_wait3A_52 : memref<1x128xi32, #tpu.memory_space<vmem>> -> memref<128xi32, #tpu.memory_space<vmem>>
    %dma_wait3A_54 = arith.constant 0 : i32
    %dma_wait3A_55 = tpu.memref_slice %arg6[%dma_wait3A_54] : memref<10240xf32, #tpu.memory_space<vmem_shared>> -> memref<10240xf32, #tpu.memory_space<vmem_shared>>
    tpu.wait_indirect_dma semaphore(%arg14 : memref<!tpu.dma_semaphore, #tpu.memory_space<semaphore_mem>>) src(%dma_wait3A_55 : memref<10240xf32, #tpu.memory_space<vmem_shared>>) dst(%arg11 : memref<128xf32, #tpu.memory_space<vmem>>)
    %dma_start3A_56 = arith.constant 1 : i32
    %dma_start3A_57 = arith.constant 0 : i32
    %dma_start3A_58 = tpu.memref_slice %arg9[%dma_start3A_56, %dma_start3A_57] : memref<80x128xi32, #tpu.memory_space<vmem>> -> memref<1x128xi32, #tpu.memory_space<vmem>>
    %dma_start3A_59 = tpu.memref_squeeze %dma_start3A_58 : memref<1x128xi32, #tpu.memory_space<vmem>> -> memref<128xi32, #tpu.memory_space<vmem>>
    %dma_start3A_60 = arith.constant 0 : i32
    %dma_start3A_61 = tpu.memref_slice %arg7[%dma_start3A_60] : memref<10240xf32, #tpu.memory_space<vmem_shared>> -> memref<10240xf32, #tpu.memory_space<vmem_shared>>
    tpu.enqueue_indirect_dma source(%arg11 : memref<128xf32, #tpu.memory_space<vmem>>) target(%dma_start3A_61 : memref<10240xf32, #tpu.memory_space<vmem_shared>>) offsets(%dma_start3A_59 : memref<128xi32, #tpu.memory_space<vmem>>) semaphore(%arg16 : memref<!tpu.dma_semaphore, #tpu.memory_space<semaphore_mem>>) {add = true}
    %scan3A = arith.constant 0 : i32
    %scan3A_62 = arith.constant 1 : i32
    %scan3A_63 = arith.constant 39 : i32
    %scan3A_64 = arith.addi %scan3A_62, %scan3A_63 : i32
    %scan3A_65 = arith.constant 1 : i32
    %scan3A_66 = scf.for %scan3A_81 = %scan3A_62 to %scan3A_64 step %scan3A_65 iter_args(%scan3A_82 = %scan3A) -> (i32)  : i32 {
      %mul3A_83 = arith.constant 2 : i32
      %mul3A_84 = arith.muli %scan3A_81, %mul3A_83 : i32
      %sub3A = arith.constant 2 : i32
      %sub3A_85 = arith.subi %mul3A_84, %sub3A : i32
      %dma_wait3A_86 = arith.constant 0 : i32
      %dma_wait3A_87 = tpu.memref_slice %arg9[%sub3A_85, %dma_wait3A_86] : memref<80x128xi32, #tpu.memory_space<vmem>> -> memref<1x128xi32, #tpu.memory_space<vmem>>
      %dma_wait3A_88 = tpu.memref_squeeze %dma_wait3A_87 : memref<1x128xi32, #tpu.memory_space<vmem>> -> memref<128xi32, #tpu.memory_space<vmem>>
      %dma_wait3A_89 = arith.constant 0 : i32
      %dma_wait3A_90 = tpu.memref_slice %arg7[%dma_wait3A_89] : memref<10240xf32, #tpu.memory_space<vmem_shared>> -> memref<10240xf32, #tpu.memory_space<vmem_shared>>
      tpu.wait_indirect_dma semaphore(%arg15 : memref<!tpu.dma_semaphore, #tpu.memory_space<semaphore_mem>>) src(%arg10 : memref<128xf32, #tpu.memory_space<vmem>>) dst(%dma_wait3A_90 : memref<10240xf32, #tpu.memory_space<vmem_shared>>)
      %dma_start3A_91 = arith.constant 0 : i32
      %dma_start3A_92 = tpu.memref_slice %arg8[%mul3A_84, %dma_start3A_91] : memref<80x128xi32, #tpu.memory_space<vmem>> -> memref<1x128xi32, #tpu.memory_space<vmem>>
      %dma_start3A_93 = tpu.memref_squeeze %dma_start3A_92 : memref<1x128xi32, #tpu.memory_space<vmem>> -> memref<128xi32, #tpu.memory_space<vmem>>
      %dma_start3A_94 = arith.constant 0 : i32
      %dma_start3A_95 = tpu.memref_slice %arg6[%dma_start3A_94] : memref<10240xf32, #tpu.memory_space<vmem_shared>> -> memref<10240xf32, #tpu.memory_space<vmem_shared>>
      tpu.enqueue_indirect_dma source(%dma_start3A_95 : memref<10240xf32, #tpu.memory_space<vmem_shared>>) target(%arg10 : memref<128xf32, #tpu.memory_space<vmem>>) offsets(%dma_start3A_93 : memref<128xi32, #tpu.memory_space<vmem>>) semaphore(%arg13 : memref<!tpu.dma_semaphore, #tpu.memory_space<semaphore_mem>>)
      %dma_wait3A_96 = arith.constant 0 : i32
      %dma_wait3A_97 = tpu.memref_slice %arg8[%mul3A_84, %dma_wait3A_96] : memref<80x128xi32, #tpu.memory_space<vmem>> -> memref<1x128xi32, #tpu.memory_space<vmem>>
      %dma_wait3A_98 = tpu.memref_squeeze %dma_wait3A_97 : memref<1x128xi32, #tpu.memory_space<vmem>> -> memref<128xi32, #tpu.memory_space<vmem>>
      %dma_wait3A_99 = arith.constant 0 : i32
      %dma_wait3A_100 = tpu.memref_slice %arg6[%dma_wait3A_99] : memref<10240xf32, #tpu.memory_space<vmem_shared>> -> memref<10240xf32, #tpu.memory_space<vmem_shared>>
      tpu.wait_indirect_dma semaphore(%arg13 : memref<!tpu.dma_semaphore, #tpu.memory_space<semaphore_mem>>) src(%dma_wait3A_100 : memref<10240xf32, #tpu.memory_space<vmem_shared>>) dst(%arg10 : memref<128xf32, #tpu.memory_space<vmem>>)
      %dma_start3A_101 = arith.constant 0 : i32
      %dma_start3A_102 = tpu.memref_slice %arg9[%mul3A_84, %dma_start3A_101] : memref<80x128xi32, #tpu.memory_space<vmem>> -> memref<1x128xi32, #tpu.memory_space<vmem>>
      %dma_start3A_103 = tpu.memref_squeeze %dma_start3A_102 : memref<1x128xi32, #tpu.memory_space<vmem>> -> memref<128xi32, #tpu.memory_space<vmem>>
      %dma_start3A_104 = arith.constant 0 : i32
      %dma_start3A_105 = tpu.memref_slice %arg7[%dma_start3A_104] : memref<10240xf32, #tpu.memory_space<vmem_shared>> -> memref<10240xf32, #tpu.memory_space<vmem_shared>>
      tpu.enqueue_indirect_dma source(%arg10 : memref<128xf32, #tpu.memory_space<vmem>>) target(%dma_start3A_105 : memref<10240xf32, #tpu.memory_space<vmem_shared>>) offsets(%dma_start3A_103 : memref<128xi32, #tpu.memory_space<vmem>>) semaphore(%arg15 : memref<!tpu.dma_semaphore, #tpu.memory_space<semaphore_mem>>) {add = true}
      %mul3A_106 = arith.constant 2 : i32
      %mul3A_107 = arith.muli %scan3A_81, %mul3A_106 : i32
      %add3A_108 = arith.constant 1 : i32
      %add3A_109 = arith.addi %mul3A_107, %add3A_108 : i32
      %sub3A_110 = arith.constant 2 : i32
      %sub3A_111 = arith.subi %add3A_109, %sub3A_110 : i32
      %dma_wait3A_112 = arith.constant 0 : i32
      %dma_wait3A_113 = tpu.memref_slice %arg9[%sub3A_111, %dma_wait3A_112] : memref<80x128xi32, #tpu.memory_space<vmem>> -> memref<1x128xi32, #tpu.memory_space<vmem>>
      %dma_wait3A_114 = tpu.memref_squeeze %dma_wait3A_113 : memref<1x128xi32, #tpu.memory_space<vmem>> -> memref<128xi32, #tpu.memory_space<vmem>>
      %dma_wait3A_115 = arith.constant 0 : i32
      %dma_wait3A_116 = tpu.memref_slice %arg7[%dma_wait3A_115] : memref<10240xf32, #tpu.memory_space<vmem_shared>> -> memref<10240xf32, #tpu.memory_space<vmem_shared>>
      tpu.wait_indirect_dma semaphore(%arg16 : memref<!tpu.dma_semaphore, #tpu.memory_space<semaphore_mem>>) src(%arg11 : memref<128xf32, #tpu.memory_space<vmem>>) dst(%dma_wait3A_116 : memref<10240xf32, #tpu.memory_space<vmem_shared>>)
      %dma_start3A_117 = arith.constant 0 : i32
      %dma_start3A_118 = tpu.memref_slice %arg8[%add3A_109, %dma_start3A_117] : memref<80x128xi32, #tpu.memory_space<vmem>> -> memref<1x128xi32, #tpu.memory_space<vmem>>
      %dma_start3A_119 = tpu.memref_squeeze %dma_start3A_118 : memref<1x128xi32, #tpu.memory_space<vmem>> -> memref<128xi32, #tpu.memory_space<vmem>>
      %dma_start3A_120 = arith.constant 0 : i32
      %dma_start3A_121 = tpu.memref_slice %arg6[%dma_start3A_120] : memref<10240xf32, #tpu.memory_space<vmem_shared>> -> memref<10240xf32, #tpu.memory_space<vmem_shared>>
      tpu.enqueue_indirect_dma source(%dma_start3A_121 : memref<10240xf32, #tpu.memory_space<vmem_shared>>) target(%arg11 : memref<128xf32, #tpu.memory_space<vmem>>) offsets(%dma_start3A_119 : memref<128xi32, #tpu.memory_space<vmem>>) semaphore(%arg14 : memref<!tpu.dma_semaphore, #tpu.memory_space<semaphore_mem>>)
      %dma_wait3A_122 = arith.constant 0 : i32
      %dma_wait3A_123 = tpu.memref_slice %arg8[%add3A_109, %dma_wait3A_122] : memref<80x128xi32, #tpu.memory_space<vmem>> -> memref<1x128xi32, #tpu.memory_space<vmem>>
      %dma_wait3A_124 = tpu.memref_squeeze %dma_wait3A_123 : memref<1x128xi32, #tpu.memory_space<vmem>> -> memref<128xi32, #tpu.memory_space<vmem>>
      %dma_wait3A_125 = arith.constant 0 : i32
      %dma_wait3A_126 = tpu.memref_slice %arg6[%dma_wait3A_125] : memref<10240xf32, #tpu.memory_space<vmem_shared>> -> memref<10240xf32, #tpu.memory_space<vmem_shared>>
      tpu.wait_indirect_dma semaphore(%arg14 : memref<!tpu.dma_semaphore, #tpu.memory_space<semaphore_mem>>) src(%dma_wait3A_126 : memref<10240xf32, #tpu.memory_space<vmem_shared>>) dst(%arg11 : memref<128xf32, #tpu.memory_space<vmem>>)
      %dma_start3A_127 = arith.constant 0 : i32
      %dma_start3A_128 = tpu.memref_slice %arg9[%add3A_109, %dma_start3A_127] : memref<80x128xi32, #tpu.memory_space<vmem>> -> memref<1x128xi32, #tpu.memory_space<vmem>>
      %dma_start3A_129 = tpu.memref_squeeze %dma_start3A_128 : memref<1x128xi32, #tpu.memory_space<vmem>> -> memref<128xi32, #tpu.memory_space<vmem>>
      %dma_start3A_130 = arith.constant 0 : i32
      %dma_start3A_131 = tpu.memref_slice %arg7[%dma_start3A_130] : memref<10240xf32, #tpu.memory_space<vmem_shared>> -> memref<10240xf32, #tpu.memory_space<vmem_shared>>
      tpu.enqueue_indirect_dma source(%arg11 : memref<128xf32, #tpu.memory_space<vmem>>) target(%dma_start3A_131 : memref<10240xf32, #tpu.memory_space<vmem_shared>>) offsets(%dma_start3A_129 : memref<128xi32, #tpu.memory_space<vmem>>) semaphore(%arg16 : memref<!tpu.dma_semaphore, #tpu.memory_space<semaphore_mem>>) {add = true}
      %scan3A_132 = arith.constant 0 : i32
      scf.yield %scan3A_132 : i32
    }
    %scan3A_67 = arith.constant 39 : i32
    %dma_wait3A_68 = arith.constant 0 : i32
    %dma_wait3A_69 = arith.constant 0 : i32
    %dma_wait3A_70 = tpu.memref_slice %arg9[%dma_wait3A_68, %dma_wait3A_69] : memref<80x128xi32, #tpu.memory_space<vmem>> -> memref<1x128xi32, #tpu.memory_space<vmem>>
    %dma_wait3A_71 = tpu.memref_squeeze %dma_wait3A_70 : memref<1x128xi32, #tpu.memory_space<vmem>> -> memref<128xi32, #tpu.memory_space<vmem>>
    %dma_wait3A_72 = arith.constant 0 : i32
    %dma_wait3A_73 = tpu.memref_slice %arg7[%dma_wait3A_72] : memref<10240xf32, #tpu.memory_space<vmem_shared>> -> memref<10240xf32, #tpu.memory_space<vmem_shared>>
    tpu.wait_indirect_dma semaphore(%arg15 : memref<!tpu.dma_semaphore, #tpu.memory_space<semaphore_mem>>) src(%arg10 : memref<128xf32, #tpu.memory_space<vmem>>) dst(%dma_wait3A_73 : memref<10240xf32, #tpu.memory_space<vmem_shared>>)
    %dma_wait3A_74 = arith.constant 1 : i32
    %dma_wait3A_75 = arith.constant 0 : i32
    %dma_wait3A_76 = tpu.memref_slice %arg9[%dma_wait3A_74, %dma_wait3A_75] : memref<80x128xi32, #tpu.memory_space<vmem>> -> memref<1x128xi32, #tpu.memory_space<vmem>>
    %dma_wait3A_77 = tpu.memref_squeeze %dma_wait3A_76 : memref<1x128xi32, #tpu.memory_space<vmem>> -> memref<128xi32, #tpu.memory_space<vmem>>
    %dma_wait3A_78 = arith.constant 0 : i32
    %dma_wait3A_79 = tpu.memref_slice %arg7[%dma_wait3A_78] : memref<10240xf32, #tpu.memory_space<vmem_shared>> -> memref<10240xf32, #tpu.memory_space<vmem_shared>>
    tpu.wait_indirect_dma semaphore(%arg16 : memref<!tpu.dma_semaphore, #tpu.memory_space<semaphore_mem>>) src(%arg11 : memref<128xf32, #tpu.memory_space<vmem>>) dst(%dma_wait3A_79 : memref<10240xf32, #tpu.memory_space<vmem_shared>>)
    %barrier3A_80 = arith.constant 0 : index
    tpu.barrier barrier_id(%barrier3A_80)
    "tpu.region"() ({
      %run_scoped3A = tpu.sem_alloc : memref<!tpu.dma_semaphore, #tpu.memory_space<semaphore_mem>>
      %dma_start3A_81 = tpu.memref_slice %arg5[%arg0, %mul3A_2] : memref<2x10240xf32, #tpu.memory_space<hbm>> -> memref<1x640xf32, #tpu.memory_space<hbm>>
      %dma_start3A_82 = tpu.memref_squeeze %dma_start3A_81 : memref<1x640xf32, #tpu.memory_space<hbm>> -> memref<640xf32, #tpu.memory_space<hbm>>
      %dma_start3A_83 = tpu.memref_slice %arg7[%mul3A_2] : memref<10240xf32, #tpu.memory_space<vmem_shared>> -> memref<640xf32, #tpu.memory_space<vmem_shared>>
      tpu.enqueue_dma source(%dma_start3A_83 : memref<640xf32, #tpu.memory_space<vmem_shared>>) target(%dma_start3A_82 : memref<640xf32, #tpu.memory_space<hbm>>) target_semaphore(%run_scoped3A : memref<!tpu.dma_semaphore, #tpu.memory_space<semaphore_mem>>)
      %dma_wait3A_84 = tpu.memref_slice %arg5[%arg0, %mul3A_2] : memref<2x10240xf32, #tpu.memory_space<hbm>> -> memref<1x640xf32, #tpu.memory_space<hbm>>
      %dma_wait3A_85 = tpu.memref_squeeze %dma_wait3A_84 : memref<1x640xf32, #tpu.memory_space<hbm>> -> memref<640xf32, #tpu.memory_space<hbm>>
      %dma_wait3A_86 = tpu.memref_slice %arg7[%mul3A_2] : memref<10240xf32, #tpu.memory_space<vmem_shared>> -> memref<640xf32, #tpu.memory_space<vmem_shared>>
      tpu.wait_dma2 semaphore(%run_scoped3A : memref<!tpu.dma_semaphore, #tpu.memory_space<semaphore_mem>>) src(%dma_wait3A_86 : memref<640xf32, #tpu.memory_space<vmem_shared>>) dst(%dma_wait3A_85 : memref<640xf32, #tpu.memory_space<hbm>>)
      tpu.yield
    }) : () -> ()
    return
  }
}

#map = affine_map<(d0, d1) -> (0, 0)>
module attributes {stable_mosaic.version = 14 : i64} {
  func.func @_deg(%arg0: i32, %arg1: i32, %arg2: memref<2560x128xi32, #tpu.memory_space<hbm>>, %arg3: memref<2x10240xf32, #tpu.memory_space<hbm>>, %arg4: memref<10240xf32, #tpu.memory_space<vmem_shared>>, %arg5: memref<128xf32, #tpu.memory_space<vmem>>, %arg6: memref<80x128xi32, #tpu.memory_space<vmem>>, %arg7: memref<!tpu.dma_semaphore, #tpu.memory_space<semaphore_mem>>, %arg8: memref<!tpu.dma_semaphore, #tpu.memory_space<semaphore_mem>>, %arg9: memref<!tpu.dma_semaphore, #tpu.memory_space<semaphore_mem>>) attributes {dimension_semantics = [#tpu.dimension_semantics<core_parallel>, #tpu.dimension_semantics<subcore_parallel>], iteration_bounds = array<i64: 2, 16>, scalar_prefetch = 0 : i64, scratch_operands = 6 : i64, tpu.core_type = #tpu.core_type<sc_vector_subcore>, window_params = [{transform_indices = #map}, {transform_indices = #map}]} {
    %mul3A = arith.constant 16 : i32
    %mul3A_0 = arith.muli %arg0, %mul3A : i32
    %add3A = arith.addi %mul3A_0, %arg1 : i32
    %mul3A_1 = arith.constant 80 : i32
    %mul3A_2 = arith.muli %mul3A_1, %add3A : i32
    %dma_start3A = arith.constant 0 : i32
    %dma_start3A_3 = tpu.memref_slice %arg2[%mul3A_2, %dma_start3A] : memref<2560x128xi32, #tpu.memory_space<hbm>> -> memref<80x128xi32, #tpu.memory_space<hbm>>
    %dma_start3A_4 = arith.constant 0 : i32
    %dma_start3A_5 = tpu.memref_slice %arg2[%mul3A_2, %dma_start3A_4] : memref<2560x128xi32, #tpu.memory_space<hbm>> -> memref<80x128xi32, #tpu.memory_space<hbm>>
    tpu.enqueue_dma source(%dma_start3A_5 : memref<80x128xi32, #tpu.memory_space<hbm>>) target(%arg6 : memref<80x128xi32, #tpu.memory_space<vmem>>) target_semaphore(%arg7 : memref<!tpu.dma_semaphore, #tpu.memory_space<semaphore_mem>>)
    %scan3A = arith.constant 0 : i32
    %scan3A_6 = arith.constant 0 : i32
    %scan3A_7 = arith.constant 8 : i32
    %scan3A_8 = arith.addi %scan3A_6, %scan3A_7 : i32
    %scan3A_9 = arith.constant 1 : i32
    %scan3A_10 = scf.for %scan3A_59 = %scan3A_6 to %scan3A_8 step %scan3A_9 iter_args(%scan3A_60 = %scan3A) -> (i32)  : i32 {
      %broadcast_in_dim3A = arith.constant 1.000000e+00 : f32
      %broadcast_in_dim3A_61 = vector.broadcast %broadcast_in_dim3A : f32 to vector<16xf32>
      %mul3A_62 = arith.constant 16 : i32
      %mul3A_63 = arith.muli %scan3A_59, %mul3A_62 : i32
      %swap3A = arith.index_cast %mul3A_63 : i32 to index
      %swap3A_64 = tpu.vector_load %arg5[%swap3A] {strides = array<i32>} : memref<128xf32, #tpu.memory_space<vmem>>, vector<16xf32>,
      %swap3A_65 = vector.shape_cast %swap3A_64 : vector<16xf32> to vector<16xf32>
      %swap3A_66 = vector.shape_cast %broadcast_in_dim3A_61 : vector<16xf32> to vector<16xf32>
      tpu.vector_store %arg5[%swap3A], %swap3A_66 {strides = array<i32>} : memref<128xf32, #tpu.memory_space<vmem>>, vector<16xf32>,
      %scan3A_67 = arith.constant 0 : i32
      scf.yield %scan3A_67 : i32
    }
    %scan3A_11 = arith.constant 8 : i32
    %mul3A_12 = arith.constant 640 : i32
    %mul3A_13 = arith.muli %arg1, %mul3A_12 : i32
    %add3A_14 = arith.constant 0 : i32
    %add3A_15 = arith.addi %mul3A_13, %add3A_14 : i32
    "tpu.region"() ({
      %run_scoped3A = tpu.sem_alloc : memref<!tpu.dma_semaphore, #tpu.memory_space<semaphore_mem>>
      %dma_start3A_59 = arith.constant 0 : i32
      %dma_start3A_60 = tpu.memref_slice %arg5[%dma_start3A_59] : memref<128xf32, #tpu.memory_space<vmem>> -> memref<128xf32, #tpu.memory_space<vmem>>
      %dma_start3A_61 = tpu.memref_slice %arg4[%add3A_15] : memref<10240xf32, #tpu.memory_space<vmem_shared>> -> memref<128xf32, #tpu.memory_space<vmem_shared>>
      %dma_start3A_62 = tpu.memref_slice %arg4[%add3A_15] : memref<10240xf32, #tpu.memory_space<vmem_shared>> -> memref<128xf32, #tpu.memory_space<vmem_shared>>
      %dma_start3A_63 = arith.constant 0 : i32
      %dma_start3A_64 = tpu.memref_slice %arg5[%dma_start3A_63] : memref<128xf32, #tpu.memory_space<vmem>> -> memref<128xf32, #tpu.memory_space<vmem>>
      tpu.enqueue_dma source(%dma_start3A_64 : memref<128xf32, #tpu.memory_space<vmem>>) target(%dma_start3A_62 : memref<128xf32, #tpu.memory_space<vmem_shared>>) target_semaphore(%run_scoped3A : memref<!tpu.dma_semaphore, #tpu.memory_space<semaphore_mem>>)
      %dma_wait3A_65 = arith.constant 0 : i32
      %dma_wait3A_66 = tpu.memref_slice %arg5[%dma_wait3A_65] : memref<128xf32, #tpu.memory_space<vmem>> -> memref<128xf32, #tpu.memory_space<vmem>>
      %dma_wait3A_67 = tpu.memref_slice %arg4[%add3A_15] : memref<10240xf32, #tpu.memory_space<vmem_shared>> -> memref<128xf32, #tpu.memory_space<vmem_shared>>
      %dma_wait3A_68 = tpu.memref_slice %arg4[%add3A_15] : memref<10240xf32, #tpu.memory_space<vmem_shared>> -> memref<128xf32, #tpu.memory_space<vmem_shared>>
      %dma_wait3A_69 = arith.constant 0 : i32
      %dma_wait3A_70 = tpu.memref_slice %arg5[%dma_wait3A_69] : memref<128xf32, #tpu.memory_space<vmem>> -> memref<128xf32, #tpu.memory_space<vmem>>
      tpu.wait_dma2 semaphore(%run_scoped3A : memref<!tpu.dma_semaphore, #tpu.memory_space<semaphore_mem>>) src(%dma_wait3A_70 : memref<128xf32, #tpu.memory_space<vmem>>) dst(%dma_wait3A_68 : memref<128xf32, #tpu.memory_space<vmem_shared>>)
      tpu.yield
    }) : () -> ()
    %add3A_16 = arith.constant 128 : i32
    %add3A_17 = arith.addi %mul3A_13, %add3A_16 : i32
    "tpu.region"() ({
      %run_scoped3A = tpu.sem_alloc : memref<!tpu.dma_semaphore, #tpu.memory_space<semaphore_mem>>
      %dma_start3A_59 = arith.constant 0 : i32
      %dma_start3A_60 = tpu.memref_slice %arg5[%dma_start3A_59] : memref<128xf32, #tpu.memory_space<vmem>> -> memref<128xf32, #tpu.memory_space<vmem>>
      %dma_start3A_61 = tpu.memref_slice %arg4[%add3A_17] : memref<10240xf32, #tpu.memory_space<vmem_shared>> -> memref<128xf32, #tpu.memory_space<vmem_shared>>
      %dma_start3A_62 = tpu.memref_slice %arg4[%add3A_17] : memref<10240xf32, #tpu.memory_space<vmem_shared>> -> memref<128xf32, #tpu.memory_space<vmem_shared>>
      %dma_start3A_63 = arith.constant 0 : i32
      %dma_start3A_64 = tpu.memref_slice %arg5[%dma_start3A_63] : memref<128xf32, #tpu.memory_space<vmem>> -> memref<128xf32, #tpu.memory_space<vmem>>
      tpu.enqueue_dma source(%dma_start3A_64 : memref<128xf32, #tpu.memory_space<vmem>>) target(%dma_start3A_62 : memref<128xf32, #tpu.memory_space<vmem_shared>>) target_semaphore(%run_scoped3A : memref<!tpu.dma_semaphore, #tpu.memory_space<semaphore_mem>>)
      %dma_wait3A_65 = arith.constant 0 : i32
      %dma_wait3A_66 = tpu.memref_slice %arg5[%dma_wait3A_65] : memref<128xf32, #tpu.memory_space<vmem>> -> memref<128xf32, #tpu.memory_space<vmem>>
      %dma_wait3A_67 = tpu.memref_slice %arg4[%add3A_17] : memref<10240xf32, #tpu.memory_space<vmem_shared>> -> memref<128xf32, #tpu.memory_space<vmem_shared>>
      %dma_wait3A_68 = tpu.memref_slice %arg4[%add3A_17] : memref<10240xf32, #tpu.memory_space<vmem_shared>> -> memref<128xf32, #tpu.memory_space<vmem_shared>>
      %dma_wait3A_69 = arith.constant 0 : i32
      %dma_wait3A_70 = tpu.memref_slice %arg5[%dma_wait3A_69] : memref<128xf32, #tpu.memory_space<vmem>> -> memref<128xf32, #tpu.memory_space<vmem>>
      tpu.wait_dma2 semaphore(%run_scoped3A : memref<!tpu.dma_semaphore, #tpu.memory_space<semaphore_mem>>) src(%dma_wait3A_70 : memref<128xf32, #tpu.memory_space<vmem>>) dst(%dma_wait3A_68 : memref<128xf32, #tpu.memory_space<vmem_shared>>)
      tpu.yield
    }) : () -> ()
    %add3A_18 = arith.constant 256 : i32
    %add3A_19 = arith.addi %mul3A_13, %add3A_18 : i32
    "tpu.region"() ({
      %run_scoped3A = tpu.sem_alloc : memref<!tpu.dma_semaphore, #tpu.memory_space<semaphore_mem>>
      %dma_start3A_59 = arith.constant 0 : i32
      %dma_start3A_60 = tpu.memref_slice %arg5[%dma_start3A_59] : memref<128xf32, #tpu.memory_space<vmem>> -> memref<128xf32, #tpu.memory_space<vmem>>
      %dma_start3A_61 = tpu.memref_slice %arg4[%add3A_19] : memref<10240xf32, #tpu.memory_space<vmem_shared>> -> memref<128xf32, #tpu.memory_space<vmem_shared>>
      %dma_start3A_62 = tpu.memref_slice %arg4[%add3A_19] : memref<10240xf32, #tpu.memory_space<vmem_shared>> -> memref<128xf32, #tpu.memory_space<vmem_shared>>
      %dma_start3A_63 = arith.constant 0 : i32
      %dma_start3A_64 = tpu.memref_slice %arg5[%dma_start3A_63] : memref<128xf32, #tpu.memory_space<vmem>> -> memref<128xf32, #tpu.memory_space<vmem>>
      tpu.enqueue_dma source(%dma_start3A_64 : memref<128xf32, #tpu.memory_space<vmem>>) target(%dma_start3A_62 : memref<128xf32, #tpu.memory_space<vmem_shared>>) target_semaphore(%run_scoped3A : memref<!tpu.dma_semaphore, #tpu.memory_space<semaphore_mem>>)
      %dma_wait3A_65 = arith.constant 0 : i32
      %dma_wait3A_66 = tpu.memref_slice %arg5[%dma_wait3A_65] : memref<128xf32, #tpu.memory_space<vmem>> -> memref<128xf32, #tpu.memory_space<vmem>>
      %dma_wait3A_67 = tpu.memref_slice %arg4[%add3A_19] : memref<10240xf32, #tpu.memory_space<vmem_shared>> -> memref<128xf32, #tpu.memory_space<vmem_shared>>
      %dma_wait3A_68 = tpu.memref_slice %arg4[%add3A_19] : memref<10240xf32, #tpu.memory_space<vmem_shared>> -> memref<128xf32, #tpu.memory_space<vmem_shared>>
      %dma_wait3A_69 = arith.constant 0 : i32
      %dma_wait3A_70 = tpu.memref_slice %arg5[%dma_wait3A_69] : memref<128xf32, #tpu.memory_space<vmem>> -> memref<128xf32, #tpu.memory_space<vmem>>
      tpu.wait_dma2 semaphore(%run_scoped3A : memref<!tpu.dma_semaphore, #tpu.memory_space<semaphore_mem>>) src(%dma_wait3A_70 : memref<128xf32, #tpu.memory_space<vmem>>) dst(%dma_wait3A_68 : memref<128xf32, #tpu.memory_space<vmem_shared>>)
      tpu.yield
    }) : () -> ()
    %add3A_20 = arith.constant 384 : i32
    %add3A_21 = arith.addi %mul3A_13, %add3A_20 : i32
    "tpu.region"() ({
      %run_scoped3A = tpu.sem_alloc : memref<!tpu.dma_semaphore, #tpu.memory_space<semaphore_mem>>
      %dma_start3A_59 = arith.constant 0 : i32
      %dma_start3A_60 = tpu.memref_slice %arg5[%dma_start3A_59] : memref<128xf32, #tpu.memory_space<vmem>> -> memref<128xf32, #tpu.memory_space<vmem>>
      %dma_start3A_61 = tpu.memref_slice %arg4[%add3A_21] : memref<10240xf32, #tpu.memory_space<vmem_shared>> -> memref<128xf32, #tpu.memory_space<vmem_shared>>
      %dma_start3A_62 = tpu.memref_slice %arg4[%add3A_21] : memref<10240xf32, #tpu.memory_space<vmem_shared>> -> memref<128xf32, #tpu.memory_space<vmem_shared>>
      %dma_start3A_63 = arith.constant 0 : i32
      %dma_start3A_64 = tpu.memref_slice %arg5[%dma_start3A_63] : memref<128xf32, #tpu.memory_space<vmem>> -> memref<128xf32, #tpu.memory_space<vmem>>
      tpu.enqueue_dma source(%dma_start3A_64 : memref<128xf32, #tpu.memory_space<vmem>>) target(%dma_start3A_62 : memref<128xf32, #tpu.memory_space<vmem_shared>>) target_semaphore(%run_scoped3A : memref<!tpu.dma_semaphore, #tpu.memory_space<semaphore_mem>>)
      %dma_wait3A_65 = arith.constant 0 : i32
      %dma_wait3A_66 = tpu.memref_slice %arg5[%dma_wait3A_65] : memref<128xf32, #tpu.memory_space<vmem>> -> memref<128xf32, #tpu.memory_space<vmem>>
      %dma_wait3A_67 = tpu.memref_slice %arg4[%add3A_21] : memref<10240xf32, #tpu.memory_space<vmem_shared>> -> memref<128xf32, #tpu.memory_space<vmem_shared>>
      %dma_wait3A_68 = tpu.memref_slice %arg4[%add3A_21] : memref<10240xf32, #tpu.memory_space<vmem_shared>> -> memref<128xf32, #tpu.memory_space<vmem_shared>>
      %dma_wait3A_69 = arith.constant 0 : i32
      %dma_wait3A_70 = tpu.memref_slice %arg5[%dma_wait3A_69] : memref<128xf32, #tpu.memory_space<vmem>> -> memref<128xf32, #tpu.memory_space<vmem>>
      tpu.wait_dma2 semaphore(%run_scoped3A : memref<!tpu.dma_semaphore, #tpu.memory_space<semaphore_mem>>) src(%dma_wait3A_70 : memref<128xf32, #tpu.memory_space<vmem>>) dst(%dma_wait3A_68 : memref<128xf32, #tpu.memory_space<vmem_shared>>)
      tpu.yield
    }) : () -> ()
    %add3A_22 = arith.constant 512 : i32
    %add3A_23 = arith.addi %mul3A_13, %add3A_22 : i32
    "tpu.region"() ({
      %run_scoped3A = tpu.sem_alloc : memref<!tpu.dma_semaphore, #tpu.memory_space<semaphore_mem>>
      %dma_start3A_59 = arith.constant 0 : i32
      %dma_start3A_60 = tpu.memref_slice %arg5[%dma_start3A_59] : memref<128xf32, #tpu.memory_space<vmem>> -> memref<128xf32, #tpu.memory_space<vmem>>
      %dma_start3A_61 = tpu.memref_slice %arg4[%add3A_23] : memref<10240xf32, #tpu.memory_space<vmem_shared>> -> memref<128xf32, #tpu.memory_space<vmem_shared>>
      %dma_start3A_62 = tpu.memref_slice %arg4[%add3A_23] : memref<10240xf32, #tpu.memory_space<vmem_shared>> -> memref<128xf32, #tpu.memory_space<vmem_shared>>
      %dma_start3A_63 = arith.constant 0 : i32
      %dma_start3A_64 = tpu.memref_slice %arg5[%dma_start3A_63] : memref<128xf32, #tpu.memory_space<vmem>> -> memref<128xf32, #tpu.memory_space<vmem>>
      tpu.enqueue_dma source(%dma_start3A_64 : memref<128xf32, #tpu.memory_space<vmem>>) target(%dma_start3A_62 : memref<128xf32, #tpu.memory_space<vmem_shared>>) target_semaphore(%run_scoped3A : memref<!tpu.dma_semaphore, #tpu.memory_space<semaphore_mem>>)
      %dma_wait3A_65 = arith.constant 0 : i32
      %dma_wait3A_66 = tpu.memref_slice %arg5[%dma_wait3A_65] : memref<128xf32, #tpu.memory_space<vmem>> -> memref<128xf32, #tpu.memory_space<vmem>>
      %dma_wait3A_67 = tpu.memref_slice %arg4[%add3A_23] : memref<10240xf32, #tpu.memory_space<vmem_shared>> -> memref<128xf32, #tpu.memory_space<vmem_shared>>
      %dma_wait3A_68 = tpu.memref_slice %arg4[%add3A_23] : memref<10240xf32, #tpu.memory_space<vmem_shared>> -> memref<128xf32, #tpu.memory_space<vmem_shared>>
      %dma_wait3A_69 = arith.constant 0 : i32
      %dma_wait3A_70 = tpu.memref_slice %arg5[%dma_wait3A_69] : memref<128xf32, #tpu.memory_space<vmem>> -> memref<128xf32, #tpu.memory_space<vmem>>
      tpu.wait_dma2 semaphore(%run_scoped3A : memref<!tpu.dma_semaphore, #tpu.memory_space<semaphore_mem>>) src(%dma_wait3A_70 : memref<128xf32, #tpu.memory_space<vmem>>) dst(%dma_wait3A_68 : memref<128xf32, #tpu.memory_space<vmem_shared>>)
      tpu.yield
    }) : () -> ()
    %barrier3A = arith.constant 0 : index
    tpu.barrier barrier_id(%barrier3A)
    %dma_wait3A = arith.constant 0 : i32
    %dma_wait3A_24 = tpu.memref_slice %arg2[%mul3A_2, %dma_wait3A] : memref<2560x128xi32, #tpu.memory_space<hbm>> -> memref<80x128xi32, #tpu.memory_space<hbm>>
    %dma_wait3A_25 = arith.constant 0 : i32
    %dma_wait3A_26 = tpu.memref_slice %arg2[%mul3A_2, %dma_wait3A_25] : memref<2560x128xi32, #tpu.memory_space<hbm>> -> memref<80x128xi32, #tpu.memory_space<hbm>>
    tpu.wait_dma2 semaphore(%arg7 : memref<!tpu.dma_semaphore, #tpu.memory_space<semaphore_mem>>) src(%dma_wait3A_26 : memref<80x128xi32, #tpu.memory_space<hbm>>) dst(%arg6 : memref<80x128xi32, #tpu.memory_space<vmem>>)
    %dma_start3A_27 = arith.constant 0 : i32
    %dma_start3A_28 = arith.constant 0 : i32
    %dma_start3A_29 = tpu.memref_slice %arg6[%dma_start3A_27, %dma_start3A_28] : memref<80x128xi32, #tpu.memory_space<vmem>> -> memref<1x128xi32, #tpu.memory_space<vmem>>
    %dma_start3A_30 = tpu.memref_squeeze %dma_start3A_29 : memref<1x128xi32, #tpu.memory_space<vmem>> -> memref<128xi32, #tpu.memory_space<vmem>>
    %dma_start3A_31 = arith.constant 0 : i32
    %dma_start3A_32 = tpu.memref_slice %arg4[%dma_start3A_31] : memref<10240xf32, #tpu.memory_space<vmem_shared>> -> memref<10240xf32, #tpu.memory_space<vmem_shared>>
    tpu.enqueue_indirect_dma source(%arg5 : memref<128xf32, #tpu.memory_space<vmem>>) target(%dma_start3A_32 : memref<10240xf32, #tpu.memory_space<vmem_shared>>) offsets(%dma_start3A_30 : memref<128xi32, #tpu.memory_space<vmem>>) semaphore(%arg8 : memref<!tpu.dma_semaphore, #tpu.memory_space<semaphore_mem>>) {add = true}
    %dma_start3A_33 = arith.constant 1 : i32
    %dma_start3A_34 = arith.constant 0 : i32
    %dma_start3A_35 = tpu.memref_slice %arg6[%dma_start3A_33, %dma_start3A_34] : memref<80x128xi32, #tpu.memory_space<vmem>> -> memref<1x128xi32, #tpu.memory_space<vmem>>
    %dma_start3A_36 = tpu.memref_squeeze %dma_start3A_35 : memref<1x128xi32, #tpu.memory_space<vmem>> -> memref<128xi32, #tpu.memory_space<vmem>>
    %dma_start3A_37 = arith.constant 0 : i32
    %dma_start3A_38 = tpu.memref_slice %arg4[%dma_start3A_37] : memref<10240xf32, #tpu.memory_space<vmem_shared>> -> memref<10240xf32, #tpu.memory_space<vmem_shared>>
    tpu.enqueue_indirect_dma source(%arg5 : memref<128xf32, #tpu.memory_space<vmem>>) target(%dma_start3A_38 : memref<10240xf32, #tpu.memory_space<vmem_shared>>) offsets(%dma_start3A_36 : memref<128xi32, #tpu.memory_space<vmem>>) semaphore(%arg9 : memref<!tpu.dma_semaphore, #tpu.memory_space<semaphore_mem>>) {add = true}
    %scan3A_39 = arith.constant 0 : i32
    %scan3A_40 = arith.constant 1 : i32
    %scan3A_41 = arith.constant 39 : i32
    %scan3A_42 = arith.addi %scan3A_40, %scan3A_41 : i32
    %scan3A_43 = arith.constant 1 : i32
    %scan3A_44 = scf.for %scan3A_59 = %scan3A_40 to %scan3A_42 step %scan3A_43 iter_args(%scan3A_60 = %scan3A_39) -> (i32)  : i32 {
      %mul3A_61 = arith.constant 2 : i32
      %mul3A_62 = arith.muli %scan3A_59, %mul3A_61 : i32
      %sub3A = arith.constant 2 : i32
      %sub3A_63 = arith.subi %mul3A_62, %sub3A : i32
      %dma_wait3A_64 = arith.constant 0 : i32
      %dma_wait3A_65 = tpu.memref_slice %arg6[%sub3A_63, %dma_wait3A_64] : memref<80x128xi32, #tpu.memory_space<vmem>> -> memref<1x128xi32, #tpu.memory_space<vmem>>
      %dma_wait3A_66 = tpu.memref_squeeze %dma_wait3A_65 : memref<1x128xi32, #tpu.memory_space<vmem>> -> memref<128xi32, #tpu.memory_space<vmem>>
      %dma_wait3A_67 = arith.constant 0 : i32
      %dma_wait3A_68 = tpu.memref_slice %arg4[%dma_wait3A_67] : memref<10240xf32, #tpu.memory_space<vmem_shared>> -> memref<10240xf32, #tpu.memory_space<vmem_shared>>
      tpu.wait_indirect_dma semaphore(%arg8 : memref<!tpu.dma_semaphore, #tpu.memory_space<semaphore_mem>>) src(%arg5 : memref<128xf32, #tpu.memory_space<vmem>>) dst(%dma_wait3A_68 : memref<10240xf32, #tpu.memory_space<vmem_shared>>)
      %dma_start3A_69 = arith.constant 0 : i32
      %dma_start3A_70 = tpu.memref_slice %arg6[%mul3A_62, %dma_start3A_69] : memref<80x128xi32, #tpu.memory_space<vmem>> -> memref<1x128xi32, #tpu.memory_space<vmem>>
      %dma_start3A_71 = tpu.memref_squeeze %dma_start3A_70 : memref<1x128xi32, #tpu.memory_space<vmem>> -> memref<128xi32, #tpu.memory_space<vmem>>
      %dma_start3A_72 = arith.constant 0 : i32
      %dma_start3A_73 = tpu.memref_slice %arg4[%dma_start3A_72] : memref<10240xf32, #tpu.memory_space<vmem_shared>> -> memref<10240xf32, #tpu.memory_space<vmem_shared>>
      tpu.enqueue_indirect_dma source(%arg5 : memref<128xf32, #tpu.memory_space<vmem>>) target(%dma_start3A_73 : memref<10240xf32, #tpu.memory_space<vmem_shared>>) offsets(%dma_start3A_71 : memref<128xi32, #tpu.memory_space<vmem>>) semaphore(%arg8 : memref<!tpu.dma_semaphore, #tpu.memory_space<semaphore_mem>>) {add = true}
      %mul3A_74 = arith.constant 2 : i32
      %mul3A_75 = arith.muli %scan3A_59, %mul3A_74 : i32
      %add3A_76 = arith.constant 1 : i32
      %add3A_77 = arith.addi %mul3A_75, %add3A_76 : i32
      %sub3A_78 = arith.constant 2 : i32
      %sub3A_79 = arith.subi %add3A_77, %sub3A_78 : i32
      %dma_wait3A_80 = arith.constant 0 : i32
      %dma_wait3A_81 = tpu.memref_slice %arg6[%sub3A_79, %dma_wait3A_80] : memref<80x128xi32, #tpu.memory_space<vmem>> -> memref<1x128xi32, #tpu.memory_space<vmem>>
      %dma_wait3A_82 = tpu.memref_squeeze %dma_wait3A_81 : memref<1x128xi32, #tpu.memory_space<vmem>> -> memref<128xi32, #tpu.memory_space<vmem>>
      %dma_wait3A_83 = arith.constant 0 : i32
      %dma_wait3A_84 = tpu.memref_slice %arg4[%dma_wait3A_83] : memref<10240xf32, #tpu.memory_space<vmem_shared>> -> memref<10240xf32, #tpu.memory_space<vmem_shared>>
      tpu.wait_indirect_dma semaphore(%arg9 : memref<!tpu.dma_semaphore, #tpu.memory_space<semaphore_mem>>) src(%arg5 : memref<128xf32, #tpu.memory_space<vmem>>) dst(%dma_wait3A_84 : memref<10240xf32, #tpu.memory_space<vmem_shared>>)
      %dma_start3A_85 = arith.constant 0 : i32
      %dma_start3A_86 = tpu.memref_slice %arg6[%add3A_77, %dma_start3A_85] : memref<80x128xi32, #tpu.memory_space<vmem>> -> memref<1x128xi32, #tpu.memory_space<vmem>>
      %dma_start3A_87 = tpu.memref_squeeze %dma_start3A_86 : memref<1x128xi32, #tpu.memory_space<vmem>> -> memref<128xi32, #tpu.memory_space<vmem>>
      %dma_start3A_88 = arith.constant 0 : i32
      %dma_start3A_89 = tpu.memref_slice %arg4[%dma_start3A_88] : memref<10240xf32, #tpu.memory_space<vmem_shared>> -> memref<10240xf32, #tpu.memory_space<vmem_shared>>
      tpu.enqueue_indirect_dma source(%arg5 : memref<128xf32, #tpu.memory_space<vmem>>) target(%dma_start3A_89 : memref<10240xf32, #tpu.memory_space<vmem_shared>>) offsets(%dma_start3A_87 : memref<128xi32, #tpu.memory_space<vmem>>) semaphore(%arg9 : memref<!tpu.dma_semaphore, #tpu.memory_space<semaphore_mem>>) {add = true}
      %scan3A_90 = arith.constant 0 : i32
      scf.yield %scan3A_90 : i32
    }
    %scan3A_45 = arith.constant 39 : i32
    %dma_wait3A_46 = arith.constant 0 : i32
    %dma_wait3A_47 = arith.constant 0 : i32
    %dma_wait3A_48 = tpu.memref_slice %arg6[%dma_wait3A_46, %dma_wait3A_47] : memref<80x128xi32, #tpu.memory_space<vmem>> -> memref<1x128xi32, #tpu.memory_space<vmem>>
    %dma_wait3A_49 = tpu.memref_squeeze %dma_wait3A_48 : memref<1x128xi32, #tpu.memory_space<vmem>> -> memref<128xi32, #tpu.memory_space<vmem>>
    %dma_wait3A_50 = arith.constant 0 : i32
    %dma_wait3A_51 = tpu.memref_slice %arg4[%dma_wait3A_50] : memref<10240xf32, #tpu.memory_space<vmem_shared>> -> memref<10240xf32, #tpu.memory_space<vmem_shared>>
    tpu.wait_indirect_dma semaphore(%arg8 : memref<!tpu.dma_semaphore, #tpu.memory_space<semaphore_mem>>) src(%arg5 : memref<128xf32, #tpu.memory_space<vmem>>) dst(%dma_wait3A_51 : memref<10240xf32, #tpu.memory_space<vmem_shared>>)
    %dma_wait3A_52 = arith.constant 1 : i32
    %dma_wait3A_53 = arith.constant 0 : i32
    %dma_wait3A_54 = tpu.memref_slice %arg6[%dma_wait3A_52, %dma_wait3A_53] : memref<80x128xi32, #tpu.memory_space<vmem>> -> memref<1x128xi32, #tpu.memory_space<vmem>>
    %dma_wait3A_55 = tpu.memref_squeeze %dma_wait3A_54 : memref<1x128xi32, #tpu.memory_space<vmem>> -> memref<128xi32, #tpu.memory_space<vmem>>
    %dma_wait3A_56 = arith.constant 0 : i32
    %dma_wait3A_57 = tpu.memref_slice %arg4[%dma_wait3A_56] : memref<10240xf32, #tpu.memory_space<vmem_shared>> -> memref<10240xf32, #tpu.memory_space<vmem_shared>>
    tpu.wait_indirect_dma semaphore(%arg9 : memref<!tpu.dma_semaphore, #tpu.memory_space<semaphore_mem>>) src(%arg5 : memref<128xf32, #tpu.memory_space<vmem>>) dst(%dma_wait3A_57 : memref<10240xf32, #tpu.memory_space<vmem_shared>>)
    %barrier3A_58 = arith.constant 0 : index
    tpu.barrier barrier_id(%barrier3A_58)
    "tpu.region"() ({
      %run_scoped3A = tpu.sem_alloc : memref<!tpu.dma_semaphore, #tpu.memory_space<semaphore_mem>>
      %dma_start3A_59 = tpu.memref_slice %arg3[%arg0, %mul3A_13] : memref<2x10240xf32, #tpu.memory_space<hbm>> -> memref<1x640xf32, #tpu.memory_space<hbm>>
      %dma_start3A_60 = tpu.memref_squeeze %dma_start3A_59 : memref<1x640xf32, #tpu.memory_space<hbm>> -> memref<640xf32, #tpu.memory_space<hbm>>
      %dma_start3A_61 = tpu.memref_slice %arg4[%mul3A_13] : memref<10240xf32, #tpu.memory_space<vmem_shared>> -> memref<640xf32, #tpu.memory_space<vmem_shared>>
      tpu.enqueue_dma source(%dma_start3A_61 : memref<640xf32, #tpu.memory_space<vmem_shared>>) target(%dma_start3A_60 : memref<640xf32, #tpu.memory_space<hbm>>) target_semaphore(%run_scoped3A : memref<!tpu.dma_semaphore, #tpu.memory_space<semaphore_mem>>)
      %dma_wait3A_62 = tpu.memref_slice %arg3[%arg0, %mul3A_13] : memref<2x10240xf32, #tpu.memory_space<hbm>> -> memref<1x640xf32, #tpu.memory_space<hbm>>
      %dma_wait3A_63 = tpu.memref_squeeze %dma_wait3A_62 : memref<1x640xf32, #tpu.memory_space<hbm>> -> memref<640xf32, #tpu.memory_space<hbm>>
      %dma_wait3A_64 = tpu.memref_slice %arg4[%mul3A_13] : memref<10240xf32, #tpu.memory_space<vmem_shared>> -> memref<640xf32, #tpu.memory_space<vmem_shared>>
      tpu.wait_dma2 semaphore(%run_scoped3A : memref<!tpu.dma_semaphore, #tpu.memory_space<semaphore_mem>>) src(%dma_wait3A_64 : memref<640xf32, #tpu.memory_space<vmem_shared>>) dst(%dma_wait3A_63 : memref<640xf32, #tpu.memory_space<hbm>>)
      tpu.yield
    }) : () -> ()
    return
  }
}

#map = affine_map<(d0, d1) -> (0, 0)>
#map1 = affine_map<(d0, d1) -> (0, 0, 0)>
module attributes {stable_mosaic.version = 14 : i64} {
  func.func @_prop1(%arg0: i32, %arg1: i32, %arg2: memref<2560x128xi32, #tpu.memory_space<hbm>>, %arg3: memref<2560x128xi32, #tpu.memory_space<hbm>>, %arg4: memref<10240x128xf32, #tpu.memory_space<hbm>>, %arg5: memref<2x10240x128xf32, #tpu.memory_space<hbm>>, %arg6: memref<10240x128xf32, #tpu.memory_space<vmem_shared>>, %arg7: memref<8x128xi32, #tpu.memory_space<vmem>>, %arg8: memref<8x128xi32, #tpu.memory_space<vmem>>, %arg9: memref<8x128xi32, #tpu.memory_space<vmem>>, %arg10: memref<8x128xi32, #tpu.memory_space<vmem>>, %arg11: memref<8x128xi32, #tpu.memory_space<vmem>>, %arg12: memref<8x128xi32, #tpu.memory_space<vmem>>, %arg13: memref<128x128xf32, #tpu.memory_space<vmem>>, %arg14: memref<128x128xf32, #tpu.memory_space<vmem>>, %arg15: memref<!tpu.dma_semaphore, #tpu.memory_space<semaphore_mem>>, %arg16: memref<!tpu.dma_semaphore, #tpu.memory_space<semaphore_mem>>, %arg17: memref<!tpu.dma_semaphore, #tpu.memory_space<semaphore_mem>>, %arg18: memref<!tpu.dma_semaphore, #tpu.memory_space<semaphore_mem>>, %arg19: memref<!tpu.dma_semaphore, #tpu.memory_space<semaphore_mem>>, %arg20: memref<!tpu.dma_semaphore, #tpu.memory_space<semaphore_mem>>, %arg21: memref<!tpu.dma_semaphore, #tpu.memory_space<semaphore_mem>>) attributes {dimension_semantics = [#tpu.dimension_semantics<core_parallel>, #tpu.dimension_semantics<subcore_parallel>], iteration_bounds = array<i64: 2, 16>, scalar_prefetch = 0 : i64, scratch_operands = 16 : i64, tpu.core_type = #tpu.core_type<sc_vector_subcore>, window_params = [{transform_indices = #map}, {transform_indices = #map}, {transform_indices = #map}, {transform_indices = #map1}]} {
    %mul3A = arith.constant 16 : i32
    %mul3A_0 = arith.muli %arg0, %mul3A : i32
    %add3A = arith.addi %mul3A_0, %arg1 : i32
    %mul3A_1 = arith.constant 640 : i32
    %mul3A_2 = arith.muli %arg1, %mul3A_1 : i32
    %mul3A_3 = arith.constant 80 : i32
    %mul3A_4 = arith.muli %mul3A_3, %add3A : i32
    %add3A_5 = arith.constant 0 : i32
    %add3A_6 = arith.addi %mul3A_4, %add3A_5 : i32
    %dma_start3A = arith.constant 0 : i32
    %dma_start3A_7 = tpu.memref_slice %arg2[%add3A_6, %dma_start3A] : memref<2560x128xi32, #tpu.memory_space<hbm>> -> memref<8x128xi32, #tpu.memory_space<hbm>>
    %dma_start3A_8 = arith.constant 0 : i32
    %dma_start3A_9 = tpu.memref_slice %arg2[%add3A_6, %dma_start3A_8] : memref<2560x128xi32, #tpu.memory_space<hbm>> -> memref<8x128xi32, #tpu.memory_space<hbm>>
    tpu.enqueue_dma source(%dma_start3A_9 : memref<8x128xi32, #tpu.memory_space<hbm>>) target(%arg7 : memref<8x128xi32, #tpu.memory_space<vmem>>) target_semaphore(%arg15 : memref<!tpu.dma_semaphore, #tpu.memory_space<semaphore_mem>>)
    %add3A_10 = arith.constant 0 : i32
    %add3A_11 = arith.addi %mul3A_4, %add3A_10 : i32
    %dma_start3A_12 = arith.constant 0 : i32
    %dma_start3A_13 = tpu.memref_slice %arg3[%add3A_11, %dma_start3A_12] : memref<2560x128xi32, #tpu.memory_space<hbm>> -> memref<8x128xi32, #tpu.memory_space<hbm>>
    %dma_start3A_14 = arith.constant 0 : i32
    %dma_start3A_15 = tpu.memref_slice %arg3[%add3A_11, %dma_start3A_14] : memref<2560x128xi32, #tpu.memory_space<hbm>> -> memref<8x128xi32, #tpu.memory_space<hbm>>
    tpu.enqueue_dma source(%dma_start3A_15 : memref<8x128xi32, #tpu.memory_space<hbm>>) target(%arg10 : memref<8x128xi32, #tpu.memory_space<vmem>>) target_semaphore(%arg15 : memref<!tpu.dma_semaphore, #tpu.memory_space<semaphore_mem>>)
    %eq3A = arith.constant 0 : i32
    %eq3A_16 = arith.cmpi eq, %arg0, %eq3A : i32
    %convert_element_type3A = arith.extui %eq3A_16 : i1 to i32
    %cond3A = arith.constant 0 : i32
    %cond3A_17 = arith.cmpi ne, %convert_element_type3A, %cond3A : i32
    scf.if %cond3A_17 {
      "tpu.region"() ({
        %run_scoped3A = tpu.sem_alloc : memref<!tpu.dma_semaphore, #tpu.memory_space<semaphore_mem>>
        %dma_start3A_1009 = arith.constant 0 : i32
        %dma_start3A_1010 = tpu.memref_slice %arg6[%mul3A_2, %dma_start3A_1009] : memref<10240x128xf32, #tpu.memory_space<vmem_shared>> -> memref<640x128xf32, #tpu.memory_space<vmem_shared>>
        %dma_start3A_1011 = arith.constant 0 : i32
        %dma_start3A_1012 = tpu.memref_slice %arg4[%mul3A_2, %dma_start3A_1011] : memref<10240x128xf32, #tpu.memory_space<hbm>> -> memref<640x128xf32, #tpu.memory_space<hbm>>
        tpu.enqueue_dma source(%dma_start3A_1012 : memref<640x128xf32, #tpu.memory_space<hbm>>) target(%dma_start3A_1010 : memref<640x128xf32, #tpu.memory_space<vmem_shared>>) target_semaphore(%run_scoped3A : memref<!tpu.dma_semaphore, #tpu.memory_space<semaphore_mem>>)
        %dma_wait3A_1013 = arith.constant 0 : i32
        %dma_wait3A_1014 = tpu.memref_slice %arg6[%mul3A_2, %dma_wait3A_1013] : memref<10240x128xf32, #tpu.memory_space<vmem_shared>> -> memref<640x128xf32, #tpu.memory_space<vmem_shared>>
        %dma_wait3A_1015 = arith.constant 0 : i32
        %dma_wait3A_1016 = tpu.memref_slice %arg4[%mul3A_2, %dma_wait3A_1015] : memref<10240x128xf32, #tpu.memory_space<hbm>> -> memref<640x128xf32, #tpu.memory_space<hbm>>
        tpu.wait_dma2 semaphore(%run_scoped3A : memref<!tpu.dma_semaphore, #tpu.memory_space<semaphore_mem>>) src(%dma_wait3A_1016 : memref<640x128xf32, #tpu.memory_space<hbm>>) dst(%dma_wait3A_1014 : memref<640x128xf32, #tpu.memory_space<vmem_shared>>)
        tpu.yield
      }) : () -> ()
    } else {
    }
    %eq3A_18 = arith.constant 1 : i32
    %eq3A_19 = arith.cmpi eq, %arg0, %eq3A_18 : i32
    %convert_element_type3A_20 = arith.extui %eq3A_19 : i1 to i32
    %cond3A_21 = arith.constant 0 : i32
    %cond3A_22 = arith.cmpi ne, %convert_element_type3A_20, %cond3A_21 : i32
    scf.if %cond3A_22 {
      %scan3A_1009 = arith.constant 0 : i32
      %scan3A_1010 = arith.constant 0 : i32
      %scan3A_1011 = arith.constant 1024 : i32
      %scan3A_1012 = arith.addi %scan3A_1010, %scan3A_1011 : i32
      %scan3A_1013 = arith.constant 1 : i32
      %scan3A_1014 = scf.for %scan3A_1026 = %scan3A_1010 to %scan3A_1012 step %scan3A_1013 iter_args(%scan3A_1027 = %scan3A_1009) -> (i32)  : i32 {
        %broadcast_in_dim3A = arith.constant 0.000000e+00 : f32
        %broadcast_in_dim3A_1028 = vector.broadcast %broadcast_in_dim3A : f32 to vector<16xf32>
        %jit3A = arith.constant 8 : i32
        %div3A = arith.divsi %scan3A_1026, %jit3A : i32
        %sign3A = arith.constant 0 : i32
        %sign3A_1029 = arith.cmpi sgt, %scan3A_1026, %sign3A : i32
        %sign3A_1030 = arith.extui %sign3A_1029 : i1 to i32
        %sign3A_1031 = arith.constant 0 : i32
        %sign3A_1032 = arith.cmpi slt, %scan3A_1026, %sign3A_1031 : i32
        %sign3A_1033 = arith.extui %sign3A_1032 : i1 to i32
        %sign3A_1034 = arith.subi %sign3A_1030, %sign3A_1033 : i32
        %sign3A_1035 = arith.constant 0 : i32
        %sign3A_1036 = arith.cmpi sgt, %jit3A, %sign3A_1035 : i32
        %sign3A_1037 = arith.extui %sign3A_1036 : i1 to i32
        %sign3A_1038 = arith.constant 0 : i32
        %sign3A_1039 = arith.cmpi slt, %jit3A, %sign3A_1038 : i32
        %sign3A_1040 = arith.extui %sign3A_1039 : i1 to i32
        %sign3A_1041 = arith.subi %sign3A_1037, %sign3A_1040 : i32
        %ne3A = arith.cmpi ne, %sign3A_1034, %sign3A_1041 : i32
        %rem3A = arith.remsi %scan3A_1026, %jit3A : i32
        %ne3A_1042 = arith.constant 0 : i32
        %ne3A_1043 = arith.cmpi ne, %rem3A, %ne3A_1042 : i32
        %and3A = arith.andi %ne3A, %ne3A_1043 : i1
        %sub3A = arith.constant 1 : i32
        %sub3A_1044 = arith.subi %div3A, %sub3A : i32
        %select_n3A = arith.select %and3A, %sub3A_1044, %div3A : i32
        %rem3A_1045 = arith.constant 8 : i32
        %rem3A_1046 = arith.remsi %scan3A_1026, %rem3A_1045 : i32
        %mul3A_1047 = arith.constant 16 : i32
        %mul3A_1048 = arith.muli %rem3A_1046, %mul3A_1047 : i32
        %swap3A = arith.index_cast %select_n3A : i32 to index
        %swap3A_1049 = arith.index_cast %mul3A_1048 : i32 to index
        %swap3A_1050 = tpu.vector_load %arg13[%swap3A, %swap3A_1049] {strides = array<i32>} : memref<128x128xf32, #tpu.memory_space<vmem>>, vector<1x16xf32>,
        %swap3A_1051 = vector.shape_cast %swap3A_1050 : vector<1x16xf32> to vector<16xf32>
        %swap3A_1052 = vector.shape_cast %broadcast_in_dim3A_1028 : vector<16xf32> to vector<1x16xf32>
        tpu.vector_store %arg13[%swap3A, %swap3A_1049], %swap3A_1052 {strides = array<i32>} : memref<128x128xf32, #tpu.memory_space<vmem>>, vector<1x16xf32>,
        %scan3A_1053 = arith.constant 0 : i32
        scf.yield %scan3A_1053 : i32
      }
      %scan3A_1015 = arith.constant 1024 : i32
      %add3A_1016 = arith.constant 0 : i32
      %add3A_1017 = arith.addi %mul3A_2, %add3A_1016 : i32
      "tpu.region"() ({
        %run_scoped3A = tpu.sem_alloc : memref<!tpu.dma_semaphore, #tpu.memory_space<semaphore_mem>>
        %dma_start3A_1026 = arith.constant 0 : i32
        %dma_start3A_1027 = tpu.memref_slice %arg6[%add3A_1017, %dma_start3A_1026] : memref<10240x128xf32, #tpu.memory_space<vmem_shared>> -> memref<128x128xf32, #tpu.memory_space<vmem_shared>>
        %dma_start3A_1028 = arith.constant 0 : i32
        %dma_start3A_1029 = tpu.memref_slice %arg6[%add3A_1017, %dma_start3A_1028] : memref<10240x128xf32, #tpu.memory_space<vmem_shared>> -> memref<128x128xf32, #tpu.memory_space<vmem_shared>>
        tpu.enqueue_dma source(%arg13 : memref<128x128xf32, #tpu.memory_space<vmem>>) target(%dma_start3A_1029 : memref<128x128xf32, #tpu.memory_space<vmem_shared>>) target_semaphore(%run_scoped3A : memref<!tpu.dma_semaphore, #tpu.memory_space<semaphore_mem>>)
        %dma_wait3A_1030 = arith.constant 0 : i32
        %dma_wait3A_1031 = tpu.memref_slice %arg6[%add3A_1017, %dma_wait3A_1030] : memref<10240x128xf32, #tpu.memory_space<vmem_shared>> -> memref<128x128xf32, #tpu.memory_space<vmem_shared>>
        %dma_wait3A_1032 = arith.constant 0 : i32
        %dma_wait3A_1033 = tpu.memref_slice %arg6[%add3A_1017, %dma_wait3A_1032] : memref<10240x128xf32, #tpu.memory_space<vmem_shared>> -> memref<128x128xf32, #tpu.memory_space<vmem_shared>>
        tpu.wait_dma2 semaphore(%run_scoped3A : memref<!tpu.dma_semaphore, #tpu.memory_space<semaphore_mem>>) src(%arg13 : memref<128x128xf32, #tpu.memory_space<vmem>>) dst(%dma_wait3A_1033 : memref<128x128xf32, #tpu.memory_space<vmem_shared>>)
        tpu.yield
      }) : () -> ()
      %add3A_1018 = arith.constant 128 : i32
      %add3A_1019 = arith.addi %mul3A_2, %add3A_1018 : i32
      "tpu.region"() ({
        %run_scoped3A = tpu.sem_alloc : memref<!tpu.dma_semaphore, #tpu.memory_space<semaphore_mem>>
        %dma_start3A_1026 = arith.constant 0 : i32
        %dma_start3A_1027 = tpu.memref_slice %arg6[%add3A_1019, %dma_start3A_1026] : memref<10240x128xf32, #tpu.memory_space<vmem_shared>> -> memref<128x128xf32, #tpu.memory_space<vmem_shared>>
        %dma_start3A_1028 = arith.constant 0 : i32
        %dma_start3A_1029 = tpu.memref_slice %arg6[%add3A_1019, %dma_start3A_1028] : memref<10240x128xf32, #tpu.memory_space<vmem_shared>> -> memref<128x128xf32, #tpu.memory_space<vmem_shared>>
        tpu.enqueue_dma source(%arg13 : memref<128x128xf32, #tpu.memory_space<vmem>>) target(%dma_start3A_1029 : memref<128x128xf32, #tpu.memory_space<vmem_shared>>) target_semaphore(%run_scoped3A : memref<!tpu.dma_semaphore, #tpu.memory_space<semaphore_mem>>)
        %dma_wait3A_1030 = arith.constant 0 : i32
        %dma_wait3A_1031 = tpu.memref_slice %arg6[%add3A_1019, %dma_wait3A_1030] : memref<10240x128xf32, #tpu.memory_space<vmem_shared>> -> memref<128x128xf32, #tpu.memory_space<vmem_shared>>
        %dma_wait3A_1032 = arith.constant 0 : i32
        %dma_wait3A_1033 = tpu.memref_slice %arg6[%add3A_1019, %dma_wait3A_1032] : memref<10240x128xf32, #tpu.memory_space<vmem_shared>> -> memref<128x128xf32, #tpu.memory_space<vmem_shared>>
        tpu.wait_dma2 semaphore(%run_scoped3A : memref<!tpu.dma_semaphore, #tpu.memory_space<semaphore_mem>>) src(%arg13 : memref<128x128xf32, #tpu.memory_space<vmem>>) dst(%dma_wait3A_1033 : memref<128x128xf32, #tpu.memory_space<vmem_shared>>)
        tpu.yield
      }) : () -> ()
      %add3A_1020 = arith.constant 256 : i32
      %add3A_1021 = arith.addi %mul3A_2, %add3A_1020 : i32
      "tpu.region"() ({
        %run_scoped3A = tpu.sem_alloc : memref<!tpu.dma_semaphore, #tpu.memory_space<semaphore_mem>>
        %dma_start3A_1026 = arith.constant 0 : i32
        %dma_start3A_1027 = tpu.memref_slice %arg6[%add3A_1021, %dma_start3A_1026] : memref<10240x128xf32, #tpu.memory_space<vmem_shared>> -> memref<128x128xf32, #tpu.memory_space<vmem_shared>>
        %dma_start3A_1028 = arith.constant 0 : i32
        %dma_start3A_1029 = tpu.memref_slice %arg6[%add3A_1021, %dma_start3A_1028] : memref<10240x128xf32, #tpu.memory_space<vmem_shared>> -> memref<128x128xf32, #tpu.memory_space<vmem_shared>>
        tpu.enqueue_dma source(%arg13 : memref<128x128xf32, #tpu.memory_space<vmem>>) target(%dma_start3A_1029 : memref<128x128xf32, #tpu.memory_space<vmem_shared>>) target_semaphore(%run_scoped3A : memref<!tpu.dma_semaphore, #tpu.memory_space<semaphore_mem>>)
        %dma_wait3A_1030 = arith.constant 0 : i32
        %dma_wait3A_1031 = tpu.memref_slice %arg6[%add3A_1021, %dma_wait3A_1030] : memref<10240x128xf32, #tpu.memory_space<vmem_shared>> -> memref<128x128xf32, #tpu.memory_space<vmem_shared>>
        %dma_wait3A_1032 = arith.constant 0 : i32
        %dma_wait3A_1033 = tpu.memref_slice %arg6[%add3A_1021, %dma_wait3A_1032] : memref<10240x128xf32, #tpu.memory_space<vmem_shared>> -> memref<128x128xf32, #tpu.memory_space<vmem_shared>>
        tpu.wait_dma2 semaphore(%run_scoped3A : memref<!tpu.dma_semaphore, #tpu.memory_space<semaphore_mem>>) src(%arg13 : memref<128x128xf32, #tpu.memory_space<vmem>>) dst(%dma_wait3A_1033 : memref<128x128xf32, #tpu.memory_space<vmem_shared>>)
        tpu.yield
      }) : () -> ()
      %add3A_1022 = arith.constant 384 : i32
      %add3A_1023 = arith.addi %mul3A_2, %add3A_1022 : i32
      "tpu.region"() ({
        %run_scoped3A = tpu.sem_alloc : memref<!tpu.dma_semaphore, #tpu.memory_space<semaphore_mem>>
        %dma_start3A_1026 = arith.constant 0 : i32
        %dma_start3A_1027 = tpu.memref_slice %arg6[%add3A_1023, %dma_start3A_1026] : memref<10240x128xf32, #tpu.memory_space<vmem_shared>> -> memref<128x128xf32, #tpu.memory_space<vmem_shared>>
        %dma_start3A_1028 = arith.constant 0 : i32
        %dma_start3A_1029 = tpu.memref_slice %arg6[%add3A_1023, %dma_start3A_1028] : memref<10240x128xf32, #tpu.memory_space<vmem_shared>> -> memref<128x128xf32, #tpu.memory_space<vmem_shared>>
        tpu.enqueue_dma source(%arg13 : memref<128x128xf32, #tpu.memory_space<vmem>>) target(%dma_start3A_1029 : memref<128x128xf32, #tpu.memory_space<vmem_shared>>) target_semaphore(%run_scoped3A : memref<!tpu.dma_semaphore, #tpu.memory_space<semaphore_mem>>)
        %dma_wait3A_1030 = arith.constant 0 : i32
        %dma_wait3A_1031 = tpu.memref_slice %arg6[%add3A_1023, %dma_wait3A_1030] : memref<10240x128xf32, #tpu.memory_space<vmem_shared>> -> memref<128x128xf32, #tpu.memory_space<vmem_shared>>
        %dma_wait3A_1032 = arith.constant 0 : i32
        %dma_wait3A_1033 = tpu.memref_slice %arg6[%add3A_1023, %dma_wait3A_1032] : memref<10240x128xf32, #tpu.memory_space<vmem_shared>> -> memref<128x128xf32, #tpu.memory_space<vmem_shared>>
        tpu.wait_dma2 semaphore(%run_scoped3A : memref<!tpu.dma_semaphore, #tpu.memory_space<semaphore_mem>>) src(%arg13 : memref<128x128xf32, #tpu.memory_space<vmem>>) dst(%dma_wait3A_1033 : memref<128x128xf32, #tpu.memory_space<vmem_shared>>)
        tpu.yield
      }) : () -> ()
      %add3A_1024 = arith.constant 512 : i32
      %add3A_1025 = arith.addi %mul3A_2, %add3A_1024 : i32
      "tpu.region"() ({
        %run_scoped3A = tpu.sem_alloc : memref<!tpu.dma_semaphore, #tpu.memory_space<semaphore_mem>>
        %dma_start3A_1026 = arith.constant 0 : i32
        %dma_start3A_1027 = tpu.memref_slice %arg6[%add3A_1025, %dma_start3A_1026] : memref<10240x128xf32, #tpu.memory_space<vmem_shared>> -> memref<128x128xf32, #tpu.memory_space<vmem_shared>>
        %dma_start3A_1028 = arith.constant 0 : i32
        %dma_start3A_1029 = tpu.memref_slice %arg6[%add3A_1025, %dma_start3A_1028] : memref<10240x128xf32, #tpu.memory_space<vmem_shared>> -> memref<128x128xf32, #tpu.memory_space<vmem_shared>>
        tpu.enqueue_dma source(%arg13 : memref<128x128xf32, #tpu.memory_space<vmem>>) target(%dma_start3A_1029 : memref<128x128xf32, #tpu.memory_space<vmem_shared>>) target_semaphore(%run_scoped3A : memref<!tpu.dma_semaphore, #tpu.memory_space<semaphore_mem>>)
        %dma_wait3A_1030 = arith.constant 0 : i32
        %dma_wait3A_1031 = tpu.memref_slice %arg6[%add3A_1025, %dma_wait3A_1030] : memref<10240x128xf32, #tpu.memory_space<vmem_shared>> -> memref<128x128xf32, #tpu.memory_space<vmem_shared>>
        %dma_wait3A_1032 = arith.constant 0 : i32
        %dma_wait3A_1033 = tpu.memref_slice %arg6[%add3A_1025, %dma_wait3A_1032] : memref<10240x128xf32, #tpu.memory_space<vmem_shared>> -> memref<128x128xf32, #tpu.memory_space<vmem_shared>>
        tpu.wait_dma2 semaphore(%run_scoped3A : memref<!tpu.dma_semaphore, #tpu.memory_space<semaphore_mem>>) src(%arg13 : memref<128x128xf32, #tpu.memory_space<vmem>>) dst(%dma_wait3A_1033 : memref<128x128xf32, #tpu.memory_space<vmem_shared>>)
        tpu.yield
      }) : () -> ()
    } else {
    }
    %barrier3A = arith.constant 0 : index
    tpu.barrier barrier_id(%barrier3A)
    %add3A_23 = arith.constant 0 : i32
    %add3A_24 = arith.addi %mul3A_4, %add3A_23 : i32
    %dma_wait3A = arith.constant 0 : i32
    %dma_wait3A_25 = tpu.memref_slice %arg2[%add3A_24, %dma_wait3A] : memref<2560x128xi32, #tpu.memory_space<hbm>> -> memref<8x128xi32, #tpu.memory_space<hbm>>
    %dma_wait3A_26 = arith.constant 0 : i32
    %dma_wait3A_27 = tpu.memref_slice %arg2[%add3A_24, %dma_wait3A_26] : memref<2560x128xi32, #tpu.memory_space<hbm>> -> memref<8x128xi32, #tpu.memory_space<hbm>>
    tpu.wait_dma2 semaphore(%arg15 : memref<!tpu.dma_semaphore, #tpu.memory_space<semaphore_mem>>) src(%dma_wait3A_27 : memref<8x128xi32, #tpu.memory_space<hbm>>) dst(%arg7 : memref<8x128xi32, #tpu.memory_space<vmem>>)
    %add3A_28 = arith.constant 0 : i32
    %add3A_29 = arith.addi %mul3A_4, %add3A_28 : i32
    %dma_wait3A_30 = arith.constant 0 : i32
    %dma_wait3A_31 = tpu.memref_slice %arg3[%add3A_29, %dma_wait3A_30] : memref<2560x128xi32, #tpu.memory_space<hbm>> -> memref<8x128xi32, #tpu.memory_space<hbm>>
    %dma_wait3A_32 = arith.constant 0 : i32
    %dma_wait3A_33 = tpu.memref_slice %arg3[%add3A_29, %dma_wait3A_32] : memref<2560x128xi32, #tpu.memory_space<hbm>> -> memref<8x128xi32, #tpu.memory_space<hbm>>
    tpu.wait_dma2 semaphore(%arg15 : memref<!tpu.dma_semaphore, #tpu.memory_space<semaphore_mem>>) src(%dma_wait3A_33 : memref<8x128xi32, #tpu.memory_space<hbm>>) dst(%arg10 : memref<8x128xi32, #tpu.memory_space<vmem>>)
    %add3A_34 = arith.constant 8 : i32
    %add3A_35 = arith.addi %mul3A_4, %add3A_34 : i32
    %dma_start3A_36 = arith.constant 0 : i32
    %dma_start3A_37 = tpu.memref_slice %arg2[%add3A_35, %dma_start3A_36] : memref<2560x128xi32, #tpu.memory_space<hbm>> -> memref<8x128xi32, #tpu.memory_space<hbm>>
    %dma_start3A_38 = arith.constant 0 : i32
    %dma_start3A_39 = tpu.memref_slice %arg2[%add3A_35, %dma_start3A_38] : memref<2560x128xi32, #tpu.memory_space<hbm>> -> memref<8x128xi32, #tpu.memory_space<hbm>>
    tpu.enqueue_dma source(%dma_start3A_39 : memref<8x128xi32, #tpu.memory_space<hbm>>) target(%arg8 : memref<8x128xi32, #tpu.memory_space<vmem>>) target_semaphore(%arg16 : memref<!tpu.dma_semaphore, #tpu.memory_space<semaphore_mem>>)
    %add3A_40 = arith.constant 8 : i32
    %add3A_41 = arith.addi %mul3A_4, %add3A_40 : i32
    %dma_start3A_42 = arith.constant 0 : i32
    %dma_start3A_43 = tpu.memref_slice %arg3[%add3A_41, %dma_start3A_42] : memref<2560x128xi32, #tpu.memory_space<hbm>> -> memref<8x128xi32, #tpu.memory_space<hbm>>
    %dma_start3A_44 = arith.constant 0 : i32
    %dma_start3A_45 = tpu.memref_slice %arg3[%add3A_41, %dma_start3A_44] : memref<2560x128xi32, #tpu.memory_space<hbm>> -> memref<8x128xi32, #tpu.memory_space<hbm>>
    tpu.enqueue_dma source(%dma_start3A_45 : memref<8x128xi32, #tpu.memory_space<hbm>>) target(%arg11 : memref<8x128xi32, #tpu.memory_space<vmem>>) target_semaphore(%arg16 : memref<!tpu.dma_semaphore, #tpu.memory_space<semaphore_mem>>)
    %dma_start3A_46 = arith.constant 0 : i32
    %dma_start3A_47 = arith.constant 0 : i32
    %dma_start3A_48 = tpu.memref_slice %arg7[%dma_start3A_46, %dma_start3A_47] : memref<8x128xi32, #tpu.memory_space<vmem>> -> memref<1x128xi32, #tpu.memory_space<vmem>>
    %dma_start3A_49 = tpu.memref_squeeze %dma_start3A_48 : memref<1x128xi32, #tpu.memory_space<vmem>> -> memref<128xi32, #tpu.memory_space<vmem>>
    %dma_start3A_50 = arith.constant 0 : i32
    %dma_start3A_51 = arith.constant 0 : i32
    %dma_start3A_52 = tpu.memref_slice %arg4[%dma_start3A_50, %dma_start3A_51] : memref<10240x128xf32, #tpu.memory_space<hbm>> -> memref<10240x128xf32, #tpu.memory_space<hbm>>
    tpu.enqueue_indirect_dma source(%dma_start3A_52 : memref<10240x128xf32, #tpu.memory_space<hbm>>) target(%arg13 : memref<128x128xf32, #tpu.memory_space<vmem>>) offsets(%dma_start3A_49 : memref<128xi32, #tpu.memory_space<vmem>>) semaphore(%arg18 : memref<!tpu.dma_semaphore, #tpu.memory_space<semaphore_mem>>)
    %dma_wait3A_53 = arith.constant 0 : i32
    %dma_wait3A_54 = arith.constant 0 : i32
    %dma_wait3A_55 = tpu.memref_slice %arg7[%dma_wait3A_53, %dma_wait3A_54] : memref<8x128xi32, #tpu.memory_space<vmem>> -> memref<1x128xi32, #tpu.memory_space<vmem>>
    %dma_wait3A_56 = tpu.memref_squeeze %dma_wait3A_55 : memref<1x128xi32, #tpu.memory_space<vmem>> -> memref<128xi32, #tpu.memory_space<vmem>>
    %dma_wait3A_57 = arith.constant 0 : i32
    %dma_wait3A_58 = arith.constant 0 : i32
    %dma_wait3A_59 = tpu.memref_slice %arg4[%dma_wait3A_57, %dma_wait3A_58] : memref<10240x128xf32, #tpu.memory_space<hbm>> -> memref<10240x128xf32, #tpu.memory_space<hbm>>
    tpu.wait_indirect_dma semaphore(%arg18 : memref<!tpu.dma_semaphore, #tpu.memory_space<semaphore_mem>>) src(%dma_wait3A_59 : memref<10240x128xf32, #tpu.memory_space<hbm>>) dst(%arg13 : memref<128x128xf32, #tpu.memory_space<vmem>>)
    %dma_start3A_60 = arith.constant 0 : i32
    %dma_start3A_61 = arith.constant 0 : i32
    %dma_start3A_62 = tpu.memref_slice %arg10[%dma_start3A_60, %dma_start3A_61] : memref<8x128xi32, #tpu.memory_space<vmem>> -> memref<1x128xi32, #tpu.memory_space<vmem>>
    %dma_start3A_63 = tpu.memref_squeeze %dma_start3A_62 : memref<1x128xi32, #tpu.memory_space<vmem>> -> memref<128xi32, #tpu.memory_space<vmem>>
    %dma_start3A_64 = arith.constant 0 : i32
    %dma_start3A_65 = arith.constant 0 : i32
    %dma_start3A_66 = tpu.memref_slice %arg6[%dma_start3A_64, %dma_start3A_65] : memref<10240x128xf32, #tpu.memory_space<vmem_shared>> -> memref<10240x128xf32, #tpu.memory_space<vmem_shared>>
    tpu.enqueue_indirect_dma source(%arg13 : memref<128x128xf32, #tpu.memory_space<vmem>>) target(%dma_start3A_66 : memref<10240x128xf32, #tpu.memory_space<vmem_shared>>) offsets(%dma_start3A_63 : memref<128xi32, #tpu.memory_space<vmem>>) semaphore(%arg20 : memref<!tpu.dma_semaphore, #tpu.memory_space<semaphore_mem>>) {add = true}
    %dma_start3A_67 = arith.constant 1 : i32
    %dma_start3A_68 = arith.constant 0 : i32
    %dma_start3A_69 = tpu.memref_slice %arg7[%dma_start3A_67, %dma_start3A_68] : memref<8x128xi32, #tpu.memory_space<vmem>> -> memref<1x128xi32, #tpu.memory_space<vmem>>
    %dma_start3A_70 = tpu.memref_squeeze %dma_start3A_69 : memref<1x128xi32, #tpu.memory_space<vmem>> -> memref<128xi32, #tpu.memory_space<vmem>>
    %dma_start3A_71 = arith.constant 0 : i32
    %dma_start3A_72 = arith.constant 0 : i32
    %dma_start3A_73 = tpu.memref_slice %arg4[%dma_start3A_71, %dma_start3A_72] : memref<10240x128xf32, #tpu.memory_space<hbm>> -> memref<10240x128xf32, #tpu.memory_space<hbm>>
    tpu.enqueue_indirect_dma source(%dma_start3A_73 : memref<10240x128xf32, #tpu.memory_space<hbm>>) target(%arg14 : memref<128x128xf32, #tpu.memory_space<vmem>>) offsets(%dma_start3A_70 : memref<128xi32, #tpu.memory_space<vmem>>) semaphore(%arg19 : memref<!tpu.dma_semaphore, #tpu.memory_space<semaphore_mem>>)
    %dma_wait3A_74 = arith.constant 1 : i32
    %dma_wait3A_75 = arith.constant 0 : i32
    %dma_wait3A_76 = tpu.memref_slice %arg7[%dma_wait3A_74, %dma_wait3A_75] : memref<8x128xi32, #tpu.memory_space<vmem>> -> memref<1x128xi32, #tpu.memory_space<vmem>>
    %dma_wait3A_77 = tpu.memref_squeeze %dma_wait3A_76 : memref<1x128xi32, #tpu.memory_space<vmem>> -> memref<128xi32, #tpu.memory_space<vmem>>
    %dma_wait3A_78 = arith.constant 0 : i32
    %dma_wait3A_79 = arith.constant 0 : i32
    %dma_wait3A_80 = tpu.memref_slice %arg4[%dma_wait3A_78, %dma_wait3A_79] : memref<10240x128xf32, #tpu.memory_space<hbm>> -> memref<10240x128xf32, #tpu.memory_space<hbm>>
    tpu.wait_indirect_dma semaphore(%arg19 : memref<!tpu.dma_semaphore, #tpu.memory_space<semaphore_mem>>) src(%dma_wait3A_80 : memref<10240x128xf32, #tpu.memory_space<hbm>>) dst(%arg14 : memref<128x128xf32, #tpu.memory_space<vmem>>)
    %dma_start3A_81 = arith.constant 1 : i32
    %dma_start3A_82 = arith.constant 0 : i32
    %dma_start3A_83 = tpu.memref_slice %arg10[%dma_start3A_81, %dma_start3A_82] : memref<8x128xi32, #tpu.memory_space<vmem>> -> memref<1x128xi32, #tpu.memory_space<vmem>>
    %dma_start3A_84 = tpu.memref_squeeze %dma_start3A_83 : memref<1x128xi32, #tpu.memory_space<vmem>> -> memref<128xi32, #tpu.memory_space<vmem>>
    %dma_start3A_85 = arith.constant 0 : i32
    %dma_start3A_86 = arith.constant 0 : i32
    %dma_start3A_87 = tpu.memref_slice %arg6[%dma_start3A_85, %dma_start3A_86] : memref<10240x128xf32, #tpu.memory_space<vmem_shared>> -> memref<10240x128xf32, #tpu.memory_space<vmem_shared>>
    tpu.enqueue_indirect_dma source(%arg14 : memref<128x128xf32, #tpu.memory_space<vmem>>) target(%dma_start3A_87 : memref<10240x128xf32, #tpu.memory_space<vmem_shared>>) offsets(%dma_start3A_84 : memref<128xi32, #tpu.memory_space<vmem>>) semaphore(%arg21 : memref<!tpu.dma_semaphore, #tpu.memory_space<semaphore_mem>>) {add = true}
    %dma_wait3A_88 = arith.constant 2 : i32
    %dma_wait3A_89 = arith.constant 0 : i32
    %dma_wait3A_90 = tpu.memref_slice %arg10[%dma_wait3A_88, %dma_wait3A_89] : memref<8x128xi32, #tpu.memory_space<vmem>> -> memref<1x128xi32, #tpu.memory_space<vmem>>
    %dma_wait3A_91 = tpu.memref_squeeze %dma_wait3A_90 : memref<1x128xi32, #tpu.memory_space<vmem>> -> memref<128xi32, #tpu.memory_space<vmem>>
    %dma_wait3A_92 = arith.constant 0 : i32
    %dma_wait3A_93 = arith.constant 0 : i32
    %dma_wait3A_94 = tpu.memref_slice %arg6[%dma_wait3A_92, %dma_wait3A_93] : memref<10240x128xf32, #tpu.memory_space<vmem_shared>> -> memref<10240x128xf32, #tpu.memory_space<vmem_shared>>
    tpu.wait_indirect_dma semaphore(%arg20 : memref<!tpu.dma_semaphore, #tpu.memory_space<semaphore_mem>>) src(%arg13 : memref<128x128xf32, #tpu.memory_space<vmem>>) dst(%dma_wait3A_94 : memref<10240x128xf32, #tpu.memory_space<vmem_shared>>)
    %dma_start3A_95 = arith.constant 2 : i32
    %dma_start3A_96 = arith.constant 0 : i32
    %dma_start3A_97 = tpu.memref_slice %arg7[%dma_start3A_95, %dma_start3A_96] : memref<8x128xi32, #tpu.memory_space<vmem>> -> memref<1x128xi32, #tpu.memory_space<vmem>>
    %dma_start3A_98 = tpu.memref_squeeze %dma_start3A_97 : memref<1x128xi32, #tpu.memory_space<vmem>> -> memref<128xi32, #tpu.memory_space<vmem>>
    %dma_start3A_99 = arith.constant 0 : i32
    %dma_start3A_100 = arith.constant 0 : i32
    %dma_start3A_101 = tpu.memref_slice %arg4[%dma_start3A_99, %dma_start3A_100] : memref<10240x128xf32, #tpu.memory_space<hbm>> -> memref<10240x128xf32, #tpu.memory_space<hbm>>
    tpu.enqueue_indirect_dma source(%dma_start3A_101 : memref<10240x128xf32, #tpu.memory_space<hbm>>) target(%arg13 : memref<128x128xf32, #tpu.memory_space<vmem>>) offsets(%dma_start3A_98 : memref<128xi32, #tpu.memory_space<vmem>>) semaphore(%arg18 : memref<!tpu.dma_semaphore, #tpu.memory_space<semaphore_mem>>)
    %dma_wait3A_102 = arith.constant 2 : i32
    %dma_wait3A_103 = arith.constant 0 : i32
    %dma_wait3A_104 = tpu.memref_slice %arg7[%dma_wait3A_102, %dma_wait3A_103] : memref<8x128xi32, #tpu.memory_space<vmem>> -> memref<1x128xi32, #tpu.memory_space<vmem>>
    %dma_wait3A_105 = tpu.memref_squeeze %dma_wait3A_104 : memref<1x128xi32, #tpu.memory_space<vmem>> -> memref<128xi32, #tpu.memory_space<vmem>>
    %dma_wait3A_106 = arith.constant 0 : i32
    %dma_wait3A_107 = arith.constant 0 : i32
    %dma_wait3A_108 = tpu.memref_slice %arg4[%dma_wait3A_106, %dma_wait3A_107] : memref<10240x128xf32, #tpu.memory_space<hbm>> -> memref<10240x128xf32, #tpu.memory_space<hbm>>
    tpu.wait_indirect_dma semaphore(%arg18 : memref<!tpu.dma_semaphore, #tpu.memory_space<semaphore_mem>>) src(%dma_wait3A_108 : memref<10240x128xf32, #tpu.memory_space<hbm>>) dst(%arg13 : memref<128x128xf32, #tpu.memory_space<vmem>>)
    %dma_start3A_109 = arith.constant 2 : i32
    %dma_start3A_110 = arith.constant 0 : i32
    %dma_start3A_111 = tpu.memref_slice %arg10[%dma_start3A_109, %dma_start3A_110] : memref<8x128xi32, #tpu.memory_space<vmem>> -> memref<1x128xi32, #tpu.memory_space<vmem>>
    %dma_start3A_112 = tpu.memref_squeeze %dma_start3A_111 : memref<1x128xi32, #tpu.memory_space<vmem>> -> memref<128xi32, #tpu.memory_space<vmem>>
    %dma_start3A_113 = arith.constant 0 : i32
    %dma_start3A_114 = arith.constant 0 : i32
    %dma_start3A_115 = tpu.memref_slice %arg6[%dma_start3A_113, %dma_start3A_114] : memref<10240x128xf32, #tpu.memory_space<vmem_shared>> -> memref<10240x128xf32, #tpu.memory_space<vmem_shared>>
    tpu.enqueue_indirect_dma source(%arg13 : memref<128x128xf32, #tpu.memory_space<vmem>>) target(%dma_start3A_115 : memref<10240x128xf32, #tpu.memory_space<vmem_shared>>) offsets(%dma_start3A_112 : memref<128xi32, #tpu.memory_space<vmem>>) semaphore(%arg20 : memref<!tpu.dma_semaphore, #tpu.memory_space<semaphore_mem>>) {add = true}
    %dma_wait3A_116 = arith.constant 3 : i32
    %dma_wait3A_117 = arith.constant 0 : i32
    %dma_wait3A_118 = tpu.memref_slice %arg10[%dma_wait3A_116, %dma_wait3A_117] : memref<8x128xi32, #tpu.memory_space<vmem>> -> memref<1x128xi32, #tpu.memory_space<vmem>>
    %dma_wait3A_119 = tpu.memref_squeeze %dma_wait3A_118 : memref<1x128xi32, #tpu.memory_space<vmem>> -> memref<128xi32, #tpu.memory_space<vmem>>
    %dma_wait3A_120 = arith.constant 0 : i32
    %dma_wait3A_121 = arith.constant 0 : i32
    %dma_wait3A_122 = tpu.memref_slice %arg6[%dma_wait3A_120, %dma_wait3A_121] : memref<10240x128xf32, #tpu.memory_space<vmem_shared>> -> memref<10240x128xf32, #tpu.memory_space<vmem_shared>>
    tpu.wait_indirect_dma semaphore(%arg21 : memref<!tpu.dma_semaphore, #tpu.memory_space<semaphore_mem>>) src(%arg14 : memref<128x128xf32, #tpu.memory_space<vmem>>) dst(%dma_wait3A_122 : memref<10240x128xf32, #tpu.memory_space<vmem_shared>>)
    %dma_start3A_123 = arith.constant 3 : i32
    %dma_start3A_124 = arith.constant 0 : i32
    %dma_start3A_125 = tpu.memref_slice %arg7[%dma_start3A_123, %dma_start3A_124] : memref<8x128xi32, #tpu.memory_space<vmem>> -> memref<1x128xi32, #tpu.memory_space<vmem>>
    %dma_start3A_126 = tpu.memref_squeeze %dma_start3A_125 : memref<1x128xi32, #tpu.memory_space<vmem>> -> memref<128xi32, #tpu.memory_space<vmem>>
    %dma_start3A_127 = arith.constant 0 : i32
    %dma_start3A_128 = arith.constant 0 : i32
    %dma_start3A_129 = tpu.memref_slice %arg4[%dma_start3A_127, %dma_start3A_128] : memref<10240x128xf32, #tpu.memory_space<hbm>> -> memref<10240x128xf32, #tpu.memory_space<hbm>>
    tpu.enqueue_indirect_dma source(%dma_start3A_129 : memref<10240x128xf32, #tpu.memory_space<hbm>>) target(%arg14 : memref<128x128xf32, #tpu.memory_space<vmem>>) offsets(%dma_start3A_126 : memref<128xi32, #tpu.memory_space<vmem>>) semaphore(%arg19 : memref<!tpu.dma_semaphore, #tpu.memory_space<semaphore_mem>>)
    %dma_wait3A_130 = arith.constant 3 : i32
    %dma_wait3A_131 = arith.constant 0 : i32
    %dma_wait3A_132 = tpu.memref_slice %arg7[%dma_wait3A_130, %dma_wait3A_131] : memref<8x128xi32, #tpu.memory_space<vmem>> -> memref<1x128xi32, #tpu.memory_space<vmem>>
    %dma_wait3A_133 = tpu.memref_squeeze %dma_wait3A_132 : memref<1x128xi32, #tpu.memory_space<vmem>> -> memref<128xi32, #tpu.memory_space<vmem>>
    %dma_wait3A_134 = arith.constant 0 : i32
    %dma_wait3A_135 = arith.constant 0 : i32
    %dma_wait3A_136 = tpu.memref_slice %arg4[%dma_wait3A_134, %dma_wait3A_135] : memref<10240x128xf32, #tpu.memory_space<hbm>> -> memref<10240x128xf32, #tpu.memory_space<hbm>>
    tpu.wait_indirect_dma semaphore(%arg19 : memref<!tpu.dma_semaphore, #tpu.memory_space<semaphore_mem>>) src(%dma_wait3A_136 : memref<10240x128xf32, #tpu.memory_space<hbm>>) dst(%arg14 : memref<128x128xf32, #tpu.memory_space<vmem>>)
    %dma_start3A_137 = arith.constant 3 : i32
    %dma_start3A_138 = arith.constant 0 : i32
    %dma_start3A_139 = tpu.memref_slice %arg10[%dma_start3A_137, %dma_start3A_138] : memref<8x128xi32, #tpu.memory_space<vmem>> -> memref<1x128xi32, #tpu.memory_space<vmem>>
    %dma_start3A_140 = tpu.memref_squeeze %dma_start3A_139 : memref<1x128xi32, #tpu.memory_space<vmem>> -> memref<128xi32, #tpu.memory_space<vmem>>
    %dma_start3A_141 = arith.constant 0 : i32
    %dma_start3A_142 = arith.constant 0 : i32
    %dma_start3A_143 = tpu.memref_slice %arg6[%dma_start3A_141, %dma_start3A_142] : memref<10240x128xf32, #tpu.memory_space<vmem_shared>> -> memref<10240x128xf32, #tpu.memory_space<vmem_shared>>
    tpu.enqueue_indirect_dma source(%arg14 : memref<128x128xf32, #tpu.memory_space<vmem>>) target(%dma_start3A_143 : memref<10240x128xf32, #tpu.memory_space<vmem_shared>>) offsets(%dma_start3A_140 : memref<128xi32, #tpu.memory_space<vmem>>) semaphore(%arg21 : memref<!tpu.dma_semaphore, #tpu.memory_space<semaphore_mem>>) {add = true}
    %dma_wait3A_144 = arith.constant 4 : i32
    %dma_wait3A_145 = arith.constant 0 : i32
    %dma_wait3A_146 = tpu.memref_slice %arg10[%dma_wait3A_144, %dma_wait3A_145] : memref<8x128xi32, #tpu.memory_space<vmem>> -> memref<1x128xi32, #tpu.memory_space<vmem>>
    %dma_wait3A_147 = tpu.memref_squeeze %dma_wait3A_146 : memref<1x128xi32, #tpu.memory_space<vmem>> -> memref<128xi32, #tpu.memory_space<vmem>>
    %dma_wait3A_148 = arith.constant 0 : i32
    %dma_wait3A_149 = arith.constant 0 : i32
    %dma_wait3A_150 = tpu.memref_slice %arg6[%dma_wait3A_148, %dma_wait3A_149] : memref<10240x128xf32, #tpu.memory_space<vmem_shared>> -> memref<10240x128xf32, #tpu.memory_space<vmem_shared>>
    tpu.wait_indirect_dma semaphore(%arg20 : memref<!tpu.dma_semaphore, #tpu.memory_space<semaphore_mem>>) src(%arg13 : memref<128x128xf32, #tpu.memory_space<vmem>>) dst(%dma_wait3A_150 : memref<10240x128xf32, #tpu.memory_space<vmem_shared>>)
    %dma_start3A_151 = arith.constant 4 : i32
    %dma_start3A_152 = arith.constant 0 : i32
    %dma_start3A_153 = tpu.memref_slice %arg7[%dma_start3A_151, %dma_start3A_152] : memref<8x128xi32, #tpu.memory_space<vmem>> -> memref<1x128xi32, #tpu.memory_space<vmem>>
    %dma_start3A_154 = tpu.memref_squeeze %dma_start3A_153 : memref<1x128xi32, #tpu.memory_space<vmem>> -> memref<128xi32, #tpu.memory_space<vmem>>
    %dma_start3A_155 = arith.constant 0 : i32
    %dma_start3A_156 = arith.constant 0 : i32
    %dma_start3A_157 = tpu.memref_slice %arg4[%dma_start3A_155, %dma_start3A_156] : memref<10240x128xf32, #tpu.memory_space<hbm>> -> memref<10240x128xf32, #tpu.memory_space<hbm>>
    tpu.enqueue_indirect_dma source(%dma_start3A_157 : memref<10240x128xf32, #tpu.memory_space<hbm>>) target(%arg13 : memref<128x128xf32, #tpu.memory_space<vmem>>) offsets(%dma_start3A_154 : memref<128xi32, #tpu.memory_space<vmem>>) semaphore(%arg18 : memref<!tpu.dma_semaphore, #tpu.memory_space<semaphore_mem>>)
    %dma_wait3A_158 = arith.constant 4 : i32
    %dma_wait3A_159 = arith.constant 0 : i32
    %dma_wait3A_160 = tpu.memref_slice %arg7[%dma_wait3A_158, %dma_wait3A_159] : memref<8x128xi32, #tpu.memory_space<vmem>> -> memref<1x128xi32, #tpu.memory_space<vmem>>
    %dma_wait3A_161 = tpu.memref_squeeze %dma_wait3A_160 : memref<1x128xi32, #tpu.memory_space<vmem>> -> memref<128xi32, #tpu.memory_space<vmem>>
    %dma_wait3A_162 = arith.constant 0 : i32
    %dma_wait3A_163 = arith.constant 0 : i32
    %dma_wait3A_164 = tpu.memref_slice %arg4[%dma_wait3A_162, %dma_wait3A_163] : memref<10240x128xf32, #tpu.memory_space<hbm>> -> memref<10240x128xf32, #tpu.memory_space<hbm>>
    tpu.wait_indirect_dma semaphore(%arg18 : memref<!tpu.dma_semaphore, #tpu.memory_space<semaphore_mem>>) src(%dma_wait3A_164 : memref<10240x128xf32, #tpu.memory_space<hbm>>) dst(%arg13 : memref<128x128xf32, #tpu.memory_space<vmem>>)
    %dma_start3A_165 = arith.constant 4 : i32
    %dma_start3A_166 = arith.constant 0 : i32
    %dma_start3A_167 = tpu.memref_slice %arg10[%dma_start3A_165, %dma_start3A_166] : memref<8x128xi32, #tpu.memory_space<vmem>> -> memref<1x128xi32, #tpu.memory_space<vmem>>
    %dma_start3A_168 = tpu.memref_squeeze %dma_start3A_167 : memref<1x128xi32, #tpu.memory_space<vmem>> -> memref<128xi32, #tpu.memory_space<vmem>>
    %dma_start3A_169 = arith.constant 0 : i32
    %dma_start3A_170 = arith.constant 0 : i32
    %dma_start3A_171 = tpu.memref_slice %arg6[%dma_start3A_169, %dma_start3A_170] : memref<10240x128xf32, #tpu.memory_space<vmem_shared>> -> memref<10240x128xf32, #tpu.memory_space<vmem_shared>>
    tpu.enqueue_indirect_dma source(%arg13 : memref<128x128xf32, #tpu.memory_space<vmem>>) target(%dma_start3A_171 : memref<10240x128xf32, #tpu.memory_space<vmem_shared>>) offsets(%dma_start3A_168 : memref<128xi32, #tpu.memory_space<vmem>>) semaphore(%arg20 : memref<!tpu.dma_semaphore, #tpu.memory_space<semaphore_mem>>) {add = true}
    %dma_wait3A_172 = arith.constant 5 : i32
    %dma_wait3A_173 = arith.constant 0 : i32
    %dma_wait3A_174 = tpu.memref_slice %arg10[%dma_wait3A_172, %dma_wait3A_173] : memref<8x128xi32, #tpu.memory_space<vmem>> -> memref<1x128xi32, #tpu.memory_space<vmem>>
    %dma_wait3A_175 = tpu.memref_squeeze %dma_wait3A_174 : memref<1x128xi32, #tpu.memory_space<vmem>> -> memref<128xi32, #tpu.memory_space<vmem>>
    %dma_wait3A_176 = arith.constant 0 : i32
    %dma_wait3A_177 = arith.constant 0 : i32
    %dma_wait3A_178 = tpu.memref_slice %arg6[%dma_wait3A_176, %dma_wait3A_177] : memref<10240x128xf32, #tpu.memory_space<vmem_shared>> -> memref<10240x128xf32, #tpu.memory_space<vmem_shared>>
    tpu.wait_indirect_dma semaphore(%arg21 : memref<!tpu.dma_semaphore, #tpu.memory_space<semaphore_mem>>) src(%arg14 : memref<128x128xf32, #tpu.memory_space<vmem>>) dst(%dma_wait3A_178 : memref<10240x128xf32, #tpu.memory_space<vmem_shared>>)
    %dma_start3A_179 = arith.constant 5 : i32
    %dma_start3A_180 = arith.constant 0 : i32
    %dma_start3A_181 = tpu.memref_slice %arg7[%dma_start3A_179, %dma_start3A_180] : memref<8x128xi32, #tpu.memory_space<vmem>> -> memref<1x128xi32, #tpu.memory_space<vmem>>
    %dma_start3A_182 = tpu.memref_squeeze %dma_start3A_181 : memref<1x128xi32, #tpu.memory_space<vmem>> -> memref<128xi32, #tpu.memory_space<vmem>>
    %dma_start3A_183 = arith.constant 0 : i32
    %dma_start3A_184 = arith.constant 0 : i32
    %dma_start3A_185 = tpu.memref_slice %arg4[%dma_start3A_183, %dma_start3A_184] : memref<10240x128xf32, #tpu.memory_space<hbm>> -> memref<10240x128xf32, #tpu.memory_space<hbm>>
    tpu.enqueue_indirect_dma source(%dma_start3A_185 : memref<10240x128xf32, #tpu.memory_space<hbm>>) target(%arg14 : memref<128x128xf32, #tpu.memory_space<vmem>>) offsets(%dma_start3A_182 : memref<128xi32, #tpu.memory_space<vmem>>) semaphore(%arg19 : memref<!tpu.dma_semaphore, #tpu.memory_space<semaphore_mem>>)
    %dma_wait3A_186 = arith.constant 5 : i32
    %dma_wait3A_187 = arith.constant 0 : i32
    %dma_wait3A_188 = tpu.memref_slice %arg7[%dma_wait3A_186, %dma_wait3A_187] : memref<8x128xi32, #tpu.memory_space<vmem>> -> memref<1x128xi32, #tpu.memory_space<vmem>>
    %dma_wait3A_189 = tpu.memref_squeeze %dma_wait3A_188 : memref<1x128xi32, #tpu.memory_space<vmem>> -> memref<128xi32, #tpu.memory_space<vmem>>
    %dma_wait3A_190 = arith.constant 0 : i32
    %dma_wait3A_191 = arith.constant 0 : i32
    %dma_wait3A_192 = tpu.memref_slice %arg4[%dma_wait3A_190, %dma_wait3A_191] : memref<10240x128xf32, #tpu.memory_space<hbm>> -> memref<10240x128xf32, #tpu.memory_space<hbm>>
    tpu.wait_indirect_dma semaphore(%arg19 : memref<!tpu.dma_semaphore, #tpu.memory_space<semaphore_mem>>) src(%dma_wait3A_192 : memref<10240x128xf32, #tpu.memory_space<hbm>>) dst(%arg14 : memref<128x128xf32, #tpu.memory_space<vmem>>)
    %dma_start3A_193 = arith.constant 5 : i32
    %dma_start3A_194 = arith.constant 0 : i32
    %dma_start3A_195 = tpu.memref_slice %arg10[%dma_start3A_193, %dma_start3A_194] : memref<8x128xi32, #tpu.memory_space<vmem>> -> memref<1x128xi32, #tpu.memory_space<vmem>>
    %dma_start3A_196 = tpu.memref_squeeze %dma_start3A_195 : memref<1x128xi32, #tpu.memory_space<vmem>> -> memref<128xi32, #tpu.memory_space<vmem>>
    %dma_start3A_197 = arith.constant 0 : i32
    %dma_start3A_198 = arith.constant 0 : i32
    %dma_start3A_199 = tpu.memref_slice %arg6[%dma_start3A_197, %dma_start3A_198] : memref<10240x128xf32, #tpu.memory_space<vmem_shared>> -> memref<10240x128xf32, #tpu.memory_space<vmem_shared>>
    tpu.enqueue_indirect_dma source(%arg14 : memref<128x128xf32, #tpu.memory_space<vmem>>) target(%dma_start3A_199 : memref<10240x128xf32, #tpu.memory_space<vmem_shared>>) offsets(%dma_start3A_196 : memref<128xi32, #tpu.memory_space<vmem>>) semaphore(%arg21 : memref<!tpu.dma_semaphore, #tpu.memory_space<semaphore_mem>>) {add = true}
    %dma_wait3A_200 = arith.constant 6 : i32
    %dma_wait3A_201 = arith.constant 0 : i32
    %dma_wait3A_202 = tpu.memref_slice %arg10[%dma_wait3A_200, %dma_wait3A_201] : memref<8x128xi32, #tpu.memory_space<vmem>> -> memref<1x128xi32, #tpu.memory_space<vmem>>
    %dma_wait3A_203 = tpu.memref_squeeze %dma_wait3A_202 : memref<1x128xi32, #tpu.memory_space<vmem>> -> memref<128xi32, #tpu.memory_space<vmem>>
    %dma_wait3A_204 = arith.constant 0 : i32
    %dma_wait3A_205 = arith.constant 0 : i32
    %dma_wait3A_206 = tpu.memref_slice %arg6[%dma_wait3A_204, %dma_wait3A_205] : memref<10240x128xf32, #tpu.memory_space<vmem_shared>> -> memref<10240x128xf32, #tpu.memory_space<vmem_shared>>
    tpu.wait_indirect_dma semaphore(%arg20 : memref<!tpu.dma_semaphore, #tpu.memory_space<semaphore_mem>>) src(%arg13 : memref<128x128xf32, #tpu.memory_space<vmem>>) dst(%dma_wait3A_206 : memref<10240x128xf32, #tpu.memory_space<vmem_shared>>)
    %dma_start3A_207 = arith.constant 6 : i32
    %dma_start3A_208 = arith.constant 0 : i32
    %dma_start3A_209 = tpu.memref_slice %arg7[%dma_start3A_207, %dma_start3A_208] : memref<8x128xi32, #tpu.memory_space<vmem>> -> memref<1x128xi32, #tpu.memory_space<vmem>>
    %dma_start3A_210 = tpu.memref_squeeze %dma_start3A_209 : memref<1x128xi32, #tpu.memory_space<vmem>> -> memref<128xi32, #tpu.memory_space<vmem>>
    %dma_start3A_211 = arith.constant 0 : i32
    %dma_start3A_212 = arith.constant 0 : i32
    %dma_start3A_213 = tpu.memref_slice %arg4[%dma_start3A_211, %dma_start3A_212] : memref<10240x128xf32, #tpu.memory_space<hbm>> -> memref<10240x128xf32, #tpu.memory_space<hbm>>
    tpu.enqueue_indirect_dma source(%dma_start3A_213 : memref<10240x128xf32, #tpu.memory_space<hbm>>) target(%arg13 : memref<128x128xf32, #tpu.memory_space<vmem>>) offsets(%dma_start3A_210 : memref<128xi32, #tpu.memory_space<vmem>>) semaphore(%arg18 : memref<!tpu.dma_semaphore, #tpu.memory_space<semaphore_mem>>)
    %dma_wait3A_214 = arith.constant 6 : i32
    %dma_wait3A_215 = arith.constant 0 : i32
    %dma_wait3A_216 = tpu.memref_slice %arg7[%dma_wait3A_214, %dma_wait3A_215] : memref<8x128xi32, #tpu.memory_space<vmem>> -> memref<1x128xi32, #tpu.memory_space<vmem>>
    %dma_wait3A_217 = tpu.memref_squeeze %dma_wait3A_216 : memref<1x128xi32, #tpu.memory_space<vmem>> -> memref<128xi32, #tpu.memory_space<vmem>>
    %dma_wait3A_218 = arith.constant 0 : i32
    %dma_wait3A_219 = arith.constant 0 : i32
    %dma_wait3A_220 = tpu.memref_slice %arg4[%dma_wait3A_218, %dma_wait3A_219] : memref<10240x128xf32, #tpu.memory_space<hbm>> -> memref<10240x128xf32, #tpu.memory_space<hbm>>
    tpu.wait_indirect_dma semaphore(%arg18 : memref<!tpu.dma_semaphore, #tpu.memory_space<semaphore_mem>>) src(%dma_wait3A_220 : memref<10240x128xf32, #tpu.memory_space<hbm>>) dst(%arg13 : memref<128x128xf32, #tpu.memory_space<vmem>>)
    %dma_start3A_221 = arith.constant 6 : i32
    %dma_start3A_222 = arith.constant 0 : i32
    %dma_start3A_223 = tpu.memref_slice %arg10[%dma_start3A_221, %dma_start3A_222] : memref<8x128xi32, #tpu.memory_space<vmem>> -> memref<1x128xi32, #tpu.memory_space<vmem>>
    %dma_start3A_224 = tpu.memref_squeeze %dma_start3A_223 : memref<1x128xi32, #tpu.memory_space<vmem>> -> memref<128xi32, #tpu.memory_space<vmem>>
    %dma_start3A_225 = arith.constant 0 : i32
    %dma_start3A_226 = arith.constant 0 : i32
    %dma_start3A_227 = tpu.memref_slice %arg6[%dma_start3A_225, %dma_start3A_226] : memref<10240x128xf32, #tpu.memory_space<vmem_shared>> -> memref<10240x128xf32, #tpu.memory_space<vmem_shared>>
    tpu.enqueue_indirect_dma source(%arg13 : memref<128x128xf32, #tpu.memory_space<vmem>>) target(%dma_start3A_227 : memref<10240x128xf32, #tpu.memory_space<vmem_shared>>) offsets(%dma_start3A_224 : memref<128xi32, #tpu.memory_space<vmem>>) semaphore(%arg20 : memref<!tpu.dma_semaphore, #tpu.memory_space<semaphore_mem>>) {add = true}
    %dma_wait3A_228 = arith.constant 7 : i32
    %dma_wait3A_229 = arith.constant 0 : i32
    %dma_wait3A_230 = tpu.memref_slice %arg10[%dma_wait3A_228, %dma_wait3A_229] : memref<8x128xi32, #tpu.memory_space<vmem>> -> memref<1x128xi32, #tpu.memory_space<vmem>>
    %dma_wait3A_231 = tpu.memref_squeeze %dma_wait3A_230 : memref<1x128xi32, #tpu.memory_space<vmem>> -> memref<128xi32, #tpu.memory_space<vmem>>
    %dma_wait3A_232 = arith.constant 0 : i32
    %dma_wait3A_233 = arith.constant 0 : i32
    %dma_wait3A_234 = tpu.memref_slice %arg6[%dma_wait3A_232, %dma_wait3A_233] : memref<10240x128xf32, #tpu.memory_space<vmem_shared>> -> memref<10240x128xf32, #tpu.memory_space<vmem_shared>>
    tpu.wait_indirect_dma semaphore(%arg21 : memref<!tpu.dma_semaphore, #tpu.memory_space<semaphore_mem>>) src(%arg14 : memref<128x128xf32, #tpu.memory_space<vmem>>) dst(%dma_wait3A_234 : memref<10240x128xf32, #tpu.memory_space<vmem_shared>>)
    %dma_start3A_235 = arith.constant 7 : i32
    %dma_start3A_236 = arith.constant 0 : i32
    %dma_start3A_237 = tpu.memref_slice %arg7[%dma_start3A_235, %dma_start3A_236] : memref<8x128xi32, #tpu.memory_space<vmem>> -> memref<1x128xi32, #tpu.memory_space<vmem>>
    %dma_start3A_238 = tpu.memref_squeeze %dma_start3A_237 : memref<1x128xi32, #tpu.memory_space<vmem>> -> memref<128xi32, #tpu.memory_space<vmem>>
    %dma_start3A_239 = arith.constant 0 : i32
    %dma_start3A_240 = arith.constant 0 : i32
    %dma_start3A_241 = tpu.memref_slice %arg4[%dma_start3A_239, %dma_start3A_240] : memref<10240x128xf32, #tpu.memory_space<hbm>> -> memref<10240x128xf32, #tpu.memory_space<hbm>>
    tpu.enqueue_indirect_dma source(%dma_start3A_241 : memref<10240x128xf32, #tpu.memory_space<hbm>>) target(%arg14 : memref<128x128xf32, #tpu.memory_space<vmem>>) offsets(%dma_start3A_238 : memref<128xi32, #tpu.memory_space<vmem>>) semaphore(%arg19 : memref<!tpu.dma_semaphore, #tpu.memory_space<semaphore_mem>>)
    %dma_wait3A_242 = arith.constant 7 : i32
    %dma_wait3A_243 = arith.constant 0 : i32
    %dma_wait3A_244 = tpu.memref_slice %arg7[%dma_wait3A_242, %dma_wait3A_243] : memref<8x128xi32, #tpu.memory_space<vmem>> -> memref<1x128xi32, #tpu.memory_space<vmem>>
    %dma_wait3A_245 = tpu.memref_squeeze %dma_wait3A_244 : memref<1x128xi32, #tpu.memory_space<vmem>> -> memref<128xi32, #tpu.memory_space<vmem>>
    %dma_wait3A_246 = arith.constant 0 : i32
    %dma_wait3A_247 = arith.constant 0 : i32
    %dma_wait3A_248 = tpu.memref_slice %arg4[%dma_wait3A_246, %dma_wait3A_247] : memref<10240x128xf32, #tpu.memory_space<hbm>> -> memref<10240x128xf32, #tpu.memory_space<hbm>>
    tpu.wait_indirect_dma semaphore(%arg19 : memref<!tpu.dma_semaphore, #tpu.memory_space<semaphore_mem>>) src(%dma_wait3A_248 : memref<10240x128xf32, #tpu.memory_space<hbm>>) dst(%arg14 : memref<128x128xf32, #tpu.memory_space<vmem>>)
    %dma_start3A_249 = arith.constant 7 : i32
    %dma_start3A_250 = arith.constant 0 : i32
    %dma_start3A_251 = tpu.memref_slice %arg10[%dma_start3A_249, %dma_start3A_250] : memref<8x128xi32, #tpu.memory_space<vmem>> -> memref<1x128xi32, #tpu.memory_space<vmem>>
    %dma_start3A_252 = tpu.memref_squeeze %dma_start3A_251 : memref<1x128xi32, #tpu.memory_space<vmem>> -> memref<128xi32, #tpu.memory_space<vmem>>
    %dma_start3A_253 = arith.constant 0 : i32
    %dma_start3A_254 = arith.constant 0 : i32
    %dma_start3A_255 = tpu.memref_slice %arg6[%dma_start3A_253, %dma_start3A_254] : memref<10240x128xf32, #tpu.memory_space<vmem_shared>> -> memref<10240x128xf32, #tpu.memory_space<vmem_shared>>
    tpu.enqueue_indirect_dma source(%arg14 : memref<128x128xf32, #tpu.memory_space<vmem>>) target(%dma_start3A_255 : memref<10240x128xf32, #tpu.memory_space<vmem_shared>>) offsets(%dma_start3A_252 : memref<128xi32, #tpu.memory_space<vmem>>) semaphore(%arg21 : memref<!tpu.dma_semaphore, #tpu.memory_space<semaphore_mem>>) {add = true}
    %add3A_256 = arith.constant 8 : i32
    %add3A_257 = arith.addi %mul3A_4, %add3A_256 : i32
    %dma_wait3A_258 = arith.constant 0 : i32
    %dma_wait3A_259 = tpu.memref_slice %arg2[%add3A_257, %dma_wait3A_258] : memref<2560x128xi32, #tpu.memory_space<hbm>> -> memref<8x128xi32, #tpu.memory_space<hbm>>
    %dma_wait3A_260 = arith.constant 0 : i32
    %dma_wait3A_261 = tpu.memref_slice %arg2[%add3A_257, %dma_wait3A_260] : memref<2560x128xi32, #tpu.memory_space<hbm>> -> memref<8x128xi32, #tpu.memory_space<hbm>>
    tpu.wait_dma2 semaphore(%arg16 : memref<!tpu.dma_semaphore, #tpu.memory_space<semaphore_mem>>) src(%dma_wait3A_261 : memref<8x128xi32, #tpu.memory_space<hbm>>) dst(%arg8 : memref<8x128xi32, #tpu.memory_space<vmem>>)
    %add3A_262 = arith.constant 8 : i32
    %add3A_263 = arith.addi %mul3A_4, %add3A_262 : i32
    %dma_wait3A_264 = arith.constant 0 : i32
    %dma_wait3A_265 = tpu.memref_slice %arg3[%add3A_263, %dma_wait3A_264] : memref<2560x128xi32, #tpu.memory_space<hbm>> -> memref<8x128xi32, #tpu.memory_space<hbm>>
    %dma_wait3A_266 = arith.constant 0 : i32
    %dma_wait3A_267 = tpu.memref_slice %arg3[%add3A_263, %dma_wait3A_266] : memref<2560x128xi32, #tpu.memory_space<hbm>> -> memref<8x128xi32, #tpu.memory_space<hbm>>
    tpu.wait_dma2 semaphore(%arg16 : memref<!tpu.dma_semaphore, #tpu.memory_space<semaphore_mem>>) src(%dma_wait3A_267 : memref<8x128xi32, #tpu.memory_space<hbm>>) dst(%arg11 : memref<8x128xi32, #tpu.memory_space<vmem>>)
    %add3A_268 = arith.constant 16 : i32
    %add3A_269 = arith.addi %mul3A_4, %add3A_268 : i32
    %dma_start3A_270 = arith.constant 0 : i32
    %dma_start3A_271 = tpu.memref_slice %arg2[%add3A_269, %dma_start3A_270] : memref<2560x128xi32, #tpu.memory_space<hbm>> -> memref<8x128xi32, #tpu.memory_space<hbm>>
    %dma_start3A_272 = arith.constant 0 : i32
    %dma_start3A_273 = tpu.memref_slice %arg2[%add3A_269, %dma_start3A_272] : memref<2560x128xi32, #tpu.memory_space<hbm>> -> memref<8x128xi32, #tpu.memory_space<hbm>>
    tpu.enqueue_dma source(%dma_start3A_273 : memref<8x128xi32, #tpu.memory_space<hbm>>) target(%arg9 : memref<8x128xi32, #tpu.memory_space<vmem>>) target_semaphore(%arg17 : memref<!tpu.dma_semaphore, #tpu.memory_space<semaphore_mem>>)
    %add3A_274 = arith.constant 16 : i32
    %add3A_275 = arith.addi %mul3A_4, %add3A_274 : i32
    %dma_start3A_276 = arith.constant 0 : i32
    %dma_start3A_277 = tpu.memref_slice %arg3[%add3A_275, %dma_start3A_276] : memref<2560x128xi32, #tpu.memory_space<hbm>> -> memref<8x128xi32, #tpu.memory_space<hbm>>
    %dma_start3A_278 = arith.constant 0 : i32
    %dma_start3A_279 = tpu.memref_slice %arg3[%add3A_275, %dma_start3A_278] : memref<2560x128xi32, #tpu.memory_space<hbm>> -> memref<8x128xi32, #tpu.memory_space<hbm>>
    tpu.enqueue_dma source(%dma_start3A_279 : memref<8x128xi32, #tpu.memory_space<hbm>>) target(%arg12 : memref<8x128xi32, #tpu.memory_space<vmem>>) target_semaphore(%arg17 : memref<!tpu.dma_semaphore, #tpu.memory_space<semaphore_mem>>)
    %dma_wait3A_280 = arith.constant 0 : i32
    %dma_wait3A_281 = arith.constant 0 : i32
    %dma_wait3A_282 = tpu.memref_slice %arg11[%dma_wait3A_280, %dma_wait3A_281] : memref<8x128xi32, #tpu.memory_space<vmem>> -> memref<1x128xi32, #tpu.memory_space<vmem>>
    %dma_wait3A_283 = tpu.memref_squeeze %dma_wait3A_282 : memref<1x128xi32, #tpu.memory_space<vmem>> -> memref<128xi32, #tpu.memory_space<vmem>>
    %dma_wait3A_284 = arith.constant 0 : i32
    %dma_wait3A_285 = arith.constant 0 : i32
    %dma_wait3A_286 = tpu.memref_slice %arg6[%dma_wait3A_284, %dma_wait3A_285] : memref<10240x128xf32, #tpu.memory_space<vmem_shared>> -> memref<10240x128xf32, #tpu.memory_space<vmem_shared>>
    tpu.wait_indirect_dma semaphore(%arg20 : memref<!tpu.dma_semaphore, #tpu.memory_space<semaphore_mem>>) src(%arg13 : memref<128x128xf32, #tpu.memory_space<vmem>>) dst(%dma_wait3A_286 : memref<10240x128xf32, #tpu.memory_space<vmem_shared>>)
    %dma_start3A_287 = arith.constant 0 : i32
    %dma_start3A_288 = arith.constant 0 : i32
    %dma_start3A_289 = tpu.memref_slice %arg8[%dma_start3A_287, %dma_start3A_288] : memref<8x128xi32, #tpu.memory_space<vmem>> -> memref<1x128xi32, #tpu.memory_space<vmem>>
    %dma_start3A_290 = tpu.memref_squeeze %dma_start3A_289 : memref<1x128xi32, #tpu.memory_space<vmem>> -> memref<128xi32, #tpu.memory_space<vmem>>
    %dma_start3A_291 = arith.constant 0 : i32
    %dma_start3A_292 = arith.constant 0 : i32
    %dma_start3A_293 = tpu.memref_slice %arg4[%dma_start3A_291, %dma_start3A_292] : memref<10240x128xf32, #tpu.memory_space<hbm>> -> memref<10240x128xf32, #tpu.memory_space<hbm>>
    tpu.enqueue_indirect_dma source(%dma_start3A_293 : memref<10240x128xf32, #tpu.memory_space<hbm>>) target(%arg13 : memref<128x128xf32, #tpu.memory_space<vmem>>) offsets(%dma_start3A_290 : memref<128xi32, #tpu.memory_space<vmem>>) semaphore(%arg18 : memref<!tpu.dma_semaphore, #tpu.memory_space<semaphore_mem>>)
    %dma_wait3A_294 = arith.constant 0 : i32
    %dma_wait3A_295 = arith.constant 0 : i32
    %dma_wait3A_296 = tpu.memref_slice %arg8[%dma_wait3A_294, %dma_wait3A_295] : memref<8x128xi32, #tpu.memory_space<vmem>> -> memref<1x128xi32, #tpu.memory_space<vmem>>
    %dma_wait3A_297 = tpu.memref_squeeze %dma_wait3A_296 : memref<1x128xi32, #tpu.memory_space<vmem>> -> memref<128xi32, #tpu.memory_space<vmem>>
    %dma_wait3A_298 = arith.constant 0 : i32
    %dma_wait3A_299 = arith.constant 0 : i32
    %dma_wait3A_300 = tpu.memref_slice %arg4[%dma_wait3A_298, %dma_wait3A_299] : memref<10240x128xf32, #tpu.memory_space<hbm>> -> memref<10240x128xf32, #tpu.memory_space<hbm>>
    tpu.wait_indirect_dma semaphore(%arg18 : memref<!tpu.dma_semaphore, #tpu.memory_space<semaphore_mem>>) src(%dma_wait3A_300 : memref<10240x128xf32, #tpu.memory_space<hbm>>) dst(%arg13 : memref<128x128xf32, #tpu.memory_space<vmem>>)
    %dma_start3A_301 = arith.constant 0 : i32
    %dma_start3A_302 = arith.constant 0 : i32
    %dma_start3A_303 = tpu.memref_slice %arg11[%dma_start3A_301, %dma_start3A_302] : memref<8x128xi32, #tpu.memory_space<vmem>> -> memref<1x128xi32, #tpu.memory_space<vmem>>
    %dma_start3A_304 = tpu.memref_squeeze %dma_start3A_303 : memref<1x128xi32, #tpu.memory_space<vmem>> -> memref<128xi32, #tpu.memory_space<vmem>>
    %dma_start3A_305 = arith.constant 0 : i32
    %dma_start3A_306 = arith.constant 0 : i32
    %dma_start3A_307 = tpu.memref_slice %arg6[%dma_start3A_305, %dma_start3A_306] : memref<10240x128xf32, #tpu.memory_space<vmem_shared>> -> memref<10240x128xf32, #tpu.memory_space<vmem_shared>>
    tpu.enqueue_indirect_dma source(%arg13 : memref<128x128xf32, #tpu.memory_space<vmem>>) target(%dma_start3A_307 : memref<10240x128xf32, #tpu.memory_space<vmem_shared>>) offsets(%dma_start3A_304 : memref<128xi32, #tpu.memory_space<vmem>>) semaphore(%arg20 : memref<!tpu.dma_semaphore, #tpu.memory_space<semaphore_mem>>) {add = true}
    %dma_wait3A_308 = arith.constant 1 : i32
    %dma_wait3A_309 = arith.constant 0 : i32
    %dma_wait3A_310 = tpu.memref_slice %arg11[%dma_wait3A_308, %dma_wait3A_309] : memref<8x128xi32, #tpu.memory_space<vmem>> -> memref<1x128xi32, #tpu.memory_space<vmem>>
    %dma_wait3A_311 = tpu.memref_squeeze %dma_wait3A_310 : memref<1x128xi32, #tpu.memory_space<vmem>> -> memref<128xi32, #tpu.memory_space<vmem>>
    %dma_wait3A_312 = arith.constant 0 : i32
    %dma_wait3A_313 = arith.constant 0 : i32
    %dma_wait3A_314 = tpu.memref_slice %arg6[%dma_wait3A_312, %dma_wait3A_313] : memref<10240x128xf32, #tpu.memory_space<vmem_shared>> -> memref<10240x128xf32, #tpu.memory_space<vmem_shared>>
    tpu.wait_indirect_dma semaphore(%arg21 : memref<!tpu.dma_semaphore, #tpu.memory_space<semaphore_mem>>) src(%arg14 : memref<128x128xf32, #tpu.memory_space<vmem>>) dst(%dma_wait3A_314 : memref<10240x128xf32, #tpu.memory_space<vmem_shared>>)
    %dma_start3A_315 = arith.constant 1 : i32
    %dma_start3A_316 = arith.constant 0 : i32
    %dma_start3A_317 = tpu.memref_slice %arg8[%dma_start3A_315, %dma_start3A_316] : memref<8x128xi32, #tpu.memory_space<vmem>> -> memref<1x128xi32, #tpu.memory_space<vmem>>
    %dma_start3A_318 = tpu.memref_squeeze %dma_start3A_317 : memref<1x128xi32, #tpu.memory_space<vmem>> -> memref<128xi32, #tpu.memory_space<vmem>>
    %dma_start3A_319 = arith.constant 0 : i32
    %dma_start3A_320 = arith.constant 0 : i32
    %dma_start3A_321 = tpu.memref_slice %arg4[%dma_start3A_319, %dma_start3A_320] : memref<10240x128xf32, #tpu.memory_space<hbm>> -> memref<10240x128xf32, #tpu.memory_space<hbm>>
    tpu.enqueue_indirect_dma source(%dma_start3A_321 : memref<10240x128xf32, #tpu.memory_space<hbm>>) target(%arg14 : memref<128x128xf32, #tpu.memory_space<vmem>>) offsets(%dma_start3A_318 : memref<128xi32, #tpu.memory_space<vmem>>) semaphore(%arg19 : memref<!tpu.dma_semaphore, #tpu.memory_space<semaphore_mem>>)
    %dma_wait3A_322 = arith.constant 1 : i32
    %dma_wait3A_323 = arith.constant 0 : i32
    %dma_wait3A_324 = tpu.memref_slice %arg8[%dma_wait3A_322, %dma_wait3A_323] : memref<8x128xi32, #tpu.memory_space<vmem>> -> memref<1x128xi32, #tpu.memory_space<vmem>>
    %dma_wait3A_325 = tpu.memref_squeeze %dma_wait3A_324 : memref<1x128xi32, #tpu.memory_space<vmem>> -> memref<128xi32, #tpu.memory_space<vmem>>
    %dma_wait3A_326 = arith.constant 0 : i32
    %dma_wait3A_327 = arith.constant 0 : i32
    %dma_wait3A_328 = tpu.memref_slice %arg4[%dma_wait3A_326, %dma_wait3A_327] : memref<10240x128xf32, #tpu.memory_space<hbm>> -> memref<10240x128xf32, #tpu.memory_space<hbm>>
    tpu.wait_indirect_dma semaphore(%arg19 : memref<!tpu.dma_semaphore, #tpu.memory_space<semaphore_mem>>) src(%dma_wait3A_328 : memref<10240x128xf32, #tpu.memory_space<hbm>>) dst(%arg14 : memref<128x128xf32, #tpu.memory_space<vmem>>)
    %dma_start3A_329 = arith.constant 1 : i32
    %dma_start3A_330 = arith.constant 0 : i32
    %dma_start3A_331 = tpu.memref_slice %arg11[%dma_start3A_329, %dma_start3A_330] : memref<8x128xi32, #tpu.memory_space<vmem>> -> memref<1x128xi32, #tpu.memory_space<vmem>>
    %dma_start3A_332 = tpu.memref_squeeze %dma_start3A_331 : memref<1x128xi32, #tpu.memory_space<vmem>> -> memref<128xi32, #tpu.memory_space<vmem>>
    %dma_start3A_333 = arith.constant 0 : i32
    %dma_start3A_334 = arith.constant 0 : i32
    %dma_start3A_335 = tpu.memref_slice %arg6[%dma_start3A_333, %dma_start3A_334] : memref<10240x128xf32, #tpu.memory_space<vmem_shared>> -> memref<10240x128xf32, #tpu.memory_space<vmem_shared>>
    tpu.enqueue_indirect_dma source(%arg14 : memref<128x128xf32, #tpu.memory_space<vmem>>) target(%dma_start3A_335 : memref<10240x128xf32, #tpu.memory_space<vmem_shared>>) offsets(%dma_start3A_332 : memref<128xi32, #tpu.memory_space<vmem>>) semaphore(%arg21 : memref<!tpu.dma_semaphore, #tpu.memory_space<semaphore_mem>>) {add = true}
    %dma_wait3A_336 = arith.constant 2 : i32
    %dma_wait3A_337 = arith.constant 0 : i32
    %dma_wait3A_338 = tpu.memref_slice %arg11[%dma_wait3A_336, %dma_wait3A_337] : memref<8x128xi32, #tpu.memory_space<vmem>> -> memref<1x128xi32, #tpu.memory_space<vmem>>
    %dma_wait3A_339 = tpu.memref_squeeze %dma_wait3A_338 : memref<1x128xi32, #tpu.memory_space<vmem>> -> memref<128xi32, #tpu.memory_space<vmem>>
    %dma_wait3A_340 = arith.constant 0 : i32
    %dma_wait3A_341 = arith.constant 0 : i32
    %dma_wait3A_342 = tpu.memref_slice %arg6[%dma_wait3A_340, %dma_wait3A_341] : memref<10240x128xf32, #tpu.memory_space<vmem_shared>> -> memref<10240x128xf32, #tpu.memory_space<vmem_shared>>
    tpu.wait_indirect_dma semaphore(%arg20 : memref<!tpu.dma_semaphore, #tpu.memory_space<semaphore_mem>>) src(%arg13 : memref<128x128xf32, #tpu.memory_space<vmem>>) dst(%dma_wait3A_342 : memref<10240x128xf32, #tpu.memory_space<vmem_shared>>)
    %dma_start3A_343 = arith.constant 2 : i32
    %dma_start3A_344 = arith.constant 0 : i32
    %dma_start3A_345 = tpu.memref_slice %arg8[%dma_start3A_343, %dma_start3A_344] : memref<8x128xi32, #tpu.memory_space<vmem>> -> memref<1x128xi32, #tpu.memory_space<vmem>>
    %dma_start3A_346 = tpu.memref_squeeze %dma_start3A_345 : memref<1x128xi32, #tpu.memory_space<vmem>> -> memref<128xi32, #tpu.memory_space<vmem>>
    %dma_start3A_347 = arith.constant 0 : i32
    %dma_start3A_348 = arith.constant 0 : i32
    %dma_start3A_349 = tpu.memref_slice %arg4[%dma_start3A_347, %dma_start3A_348] : memref<10240x128xf32, #tpu.memory_space<hbm>> -> memref<10240x128xf32, #tpu.memory_space<hbm>>
    tpu.enqueue_indirect_dma source(%dma_start3A_349 : memref<10240x128xf32, #tpu.memory_space<hbm>>) target(%arg13 : memref<128x128xf32, #tpu.memory_space<vmem>>) offsets(%dma_start3A_346 : memref<128xi32, #tpu.memory_space<vmem>>) semaphore(%arg18 : memref<!tpu.dma_semaphore, #tpu.memory_space<semaphore_mem>>)
    %dma_wait3A_350 = arith.constant 2 : i32
    %dma_wait3A_351 = arith.constant 0 : i32
    %dma_wait3A_352 = tpu.memref_slice %arg8[%dma_wait3A_350, %dma_wait3A_351] : memref<8x128xi32, #tpu.memory_space<vmem>> -> memref<1x128xi32, #tpu.memory_space<vmem>>
    %dma_wait3A_353 = tpu.memref_squeeze %dma_wait3A_352 : memref<1x128xi32, #tpu.memory_space<vmem>> -> memref<128xi32, #tpu.memory_space<vmem>>
    %dma_wait3A_354 = arith.constant 0 : i32
    %dma_wait3A_355 = arith.constant 0 : i32
    %dma_wait3A_356 = tpu.memref_slice %arg4[%dma_wait3A_354, %dma_wait3A_355] : memref<10240x128xf32, #tpu.memory_space<hbm>> -> memref<10240x128xf32, #tpu.memory_space<hbm>>
    tpu.wait_indirect_dma semaphore(%arg18 : memref<!tpu.dma_semaphore, #tpu.memory_space<semaphore_mem>>) src(%dma_wait3A_356 : memref<10240x128xf32, #tpu.memory_space<hbm>>) dst(%arg13 : memref<128x128xf32, #tpu.memory_space<vmem>>)
    %dma_start3A_357 = arith.constant 2 : i32
    %dma_start3A_358 = arith.constant 0 : i32
    %dma_start3A_359 = tpu.memref_slice %arg11[%dma_start3A_357, %dma_start3A_358] : memref<8x128xi32, #tpu.memory_space<vmem>> -> memref<1x128xi32, #tpu.memory_space<vmem>>
    %dma_start3A_360 = tpu.memref_squeeze %dma_start3A_359 : memref<1x128xi32, #tpu.memory_space<vmem>> -> memref<128xi32, #tpu.memory_space<vmem>>
    %dma_start3A_361 = arith.constant 0 : i32
    %dma_start3A_362 = arith.constant 0 : i32
    %dma_start3A_363 = tpu.memref_slice %arg6[%dma_start3A_361, %dma_start3A_362] : memref<10240x128xf32, #tpu.memory_space<vmem_shared>> -> memref<10240x128xf32, #tpu.memory_space<vmem_shared>>
    tpu.enqueue_indirect_dma source(%arg13 : memref<128x128xf32, #tpu.memory_space<vmem>>) target(%dma_start3A_363 : memref<10240x128xf32, #tpu.memory_space<vmem_shared>>) offsets(%dma_start3A_360 : memref<128xi32, #tpu.memory_space<vmem>>) semaphore(%arg20 : memref<!tpu.dma_semaphore, #tpu.memory_space<semaphore_mem>>) {add = true}
    %dma_wait3A_364 = arith.constant 3 : i32
    %dma_wait3A_365 = arith.constant 0 : i32
    %dma_wait3A_366 = tpu.memref_slice %arg11[%dma_wait3A_364, %dma_wait3A_365] : memref<8x128xi32, #tpu.memory_space<vmem>> -> memref<1x128xi32, #tpu.memory_space<vmem>>
    %dma_wait3A_367 = tpu.memref_squeeze %dma_wait3A_366 : memref<1x128xi32, #tpu.memory_space<vmem>> -> memref<128xi32, #tpu.memory_space<vmem>>
    %dma_wait3A_368 = arith.constant 0 : i32
    %dma_wait3A_369 = arith.constant 0 : i32
    %dma_wait3A_370 = tpu.memref_slice %arg6[%dma_wait3A_368, %dma_wait3A_369] : memref<10240x128xf32, #tpu.memory_space<vmem_shared>> -> memref<10240x128xf32, #tpu.memory_space<vmem_shared>>
    tpu.wait_indirect_dma semaphore(%arg21 : memref<!tpu.dma_semaphore, #tpu.memory_space<semaphore_mem>>) src(%arg14 : memref<128x128xf32, #tpu.memory_space<vmem>>) dst(%dma_wait3A_370 : memref<10240x128xf32, #tpu.memory_space<vmem_shared>>)
    %dma_start3A_371 = arith.constant 3 : i32
    %dma_start3A_372 = arith.constant 0 : i32
    %dma_start3A_373 = tpu.memref_slice %arg8[%dma_start3A_371, %dma_start3A_372] : memref<8x128xi32, #tpu.memory_space<vmem>> -> memref<1x128xi32, #tpu.memory_space<vmem>>
    %dma_start3A_374 = tpu.memref_squeeze %dma_start3A_373 : memref<1x128xi32, #tpu.memory_space<vmem>> -> memref<128xi32, #tpu.memory_space<vmem>>
    %dma_start3A_375 = arith.constant 0 : i32
    %dma_start3A_376 = arith.constant 0 : i32
    %dma_start3A_377 = tpu.memref_slice %arg4[%dma_start3A_375, %dma_start3A_376] : memref<10240x128xf32, #tpu.memory_space<hbm>> -> memref<10240x128xf32, #tpu.memory_space<hbm>>
    tpu.enqueue_indirect_dma source(%dma_start3A_377 : memref<10240x128xf32, #tpu.memory_space<hbm>>) target(%arg14 : memref<128x128xf32, #tpu.memory_space<vmem>>) offsets(%dma_start3A_374 : memref<128xi32, #tpu.memory_space<vmem>>) semaphore(%arg19 : memref<!tpu.dma_semaphore, #tpu.memory_space<semaphore_mem>>)
    %dma_wait3A_378 = arith.constant 3 : i32
    %dma_wait3A_379 = arith.constant 0 : i32
    %dma_wait3A_380 = tpu.memref_slice %arg8[%dma_wait3A_378, %dma_wait3A_379] : memref<8x128xi32, #tpu.memory_space<vmem>> -> memref<1x128xi32, #tpu.memory_space<vmem>>
    %dma_wait3A_381 = tpu.memref_squeeze %dma_wait3A_380 : memref<1x128xi32, #tpu.memory_space<vmem>> -> memref<128xi32, #tpu.memory_space<vmem>>
    %dma_wait3A_382 = arith.constant 0 : i32
    %dma_wait3A_383 = arith.constant 0 : i32
    %dma_wait3A_384 = tpu.memref_slice %arg4[%dma_wait3A_382, %dma_wait3A_383] : memref<10240x128xf32, #tpu.memory_space<hbm>> -> memref<10240x128xf32, #tpu.memory_space<hbm>>
    tpu.wait_indirect_dma semaphore(%arg19 : memref<!tpu.dma_semaphore, #tpu.memory_space<semaphore_mem>>) src(%dma_wait3A_384 : memref<10240x128xf32, #tpu.memory_space<hbm>>) dst(%arg14 : memref<128x128xf32, #tpu.memory_space<vmem>>)
    %dma_start3A_385 = arith.constant 3 : i32
    %dma_start3A_386 = arith.constant 0 : i32
    %dma_start3A_387 = tpu.memref_slice %arg11[%dma_start3A_385, %dma_start3A_386] : memref<8x128xi32, #tpu.memory_space<vmem>> -> memref<1x128xi32, #tpu.memory_space<vmem>>
    %dma_start3A_388 = tpu.memref_squeeze %dma_start3A_387 : memref<1x128xi32, #tpu.memory_space<vmem>> -> memref<128xi32, #tpu.memory_space<vmem>>
    %dma_start3A_389 = arith.constant 0 : i32
    %dma_start3A_390 = arith.constant 0 : i32
    %dma_start3A_391 = tpu.memref_slice %arg6[%dma_start3A_389, %dma_start3A_390] : memref<10240x128xf32, #tpu.memory_space<vmem_shared>> -> memref<10240x128xf32, #tpu.memory_space<vmem_shared>>
    tpu.enqueue_indirect_dma source(%arg14 : memref<128x128xf32, #tpu.memory_space<vmem>>) target(%dma_start3A_391 : memref<10240x128xf32, #tpu.memory_space<vmem_shared>>) offsets(%dma_start3A_388 : memref<128xi32, #tpu.memory_space<vmem>>) semaphore(%arg21 : memref<!tpu.dma_semaphore, #tpu.memory_space<semaphore_mem>>) {add = true}
    %dma_wait3A_392 = arith.constant 4 : i32
    %dma_wait3A_393 = arith.constant 0 : i32
    %dma_wait3A_394 = tpu.memref_slice %arg11[%dma_wait3A_392, %dma_wait3A_393] : memref<8x128xi32, #tpu.memory_space<vmem>> -> memref<1x128xi32, #tpu.memory_space<vmem>>
    %dma_wait3A_395 = tpu.memref_squeeze %dma_wait3A_394 : memref<1x128xi32, #tpu.memory_space<vmem>> -> memref<128xi32, #tpu.memory_space<vmem>>
    %dma_wait3A_396 = arith.constant 0 : i32
    %dma_wait3A_397 = arith.constant 0 : i32
    %dma_wait3A_398 = tpu.memref_slice %arg6[%dma_wait3A_396, %dma_wait3A_397] : memref<10240x128xf32, #tpu.memory_space<vmem_shared>> -> memref<10240x128xf32, #tpu.memory_space<vmem_shared>>
    tpu.wait_indirect_dma semaphore(%arg20 : memref<!tpu.dma_semaphore, #tpu.memory_space<semaphore_mem>>) src(%arg13 : memref<128x128xf32, #tpu.memory_space<vmem>>) dst(%dma_wait3A_398 : memref<10240x128xf32, #tpu.memory_space<vmem_shared>>)
    %dma_start3A_399 = arith.constant 4 : i32
    %dma_start3A_400 = arith.constant 0 : i32
    %dma_start3A_401 = tpu.memref_slice %arg8[%dma_start3A_399, %dma_start3A_400] : memref<8x128xi32, #tpu.memory_space<vmem>> -> memref<1x128xi32, #tpu.memory_space<vmem>>
    %dma_start3A_402 = tpu.memref_squeeze %dma_start3A_401 : memref<1x128xi32, #tpu.memory_space<vmem>> -> memref<128xi32, #tpu.memory_space<vmem>>
    %dma_start3A_403 = arith.constant 0 : i32
    %dma_start3A_404 = arith.constant 0 : i32
    %dma_start3A_405 = tpu.memref_slice %arg4[%dma_start3A_403, %dma_start3A_404] : memref<10240x128xf32, #tpu.memory_space<hbm>> -> memref<10240x128xf32, #tpu.memory_space<hbm>>
    tpu.enqueue_indirect_dma source(%dma_start3A_405 : memref<10240x128xf32, #tpu.memory_space<hbm>>) target(%arg13 : memref<128x128xf32, #tpu.memory_space<vmem>>) offsets(%dma_start3A_402 : memref<128xi32, #tpu.memory_space<vmem>>) semaphore(%arg18 : memref<!tpu.dma_semaphore, #tpu.memory_space<semaphore_mem>>)
    %dma_wait3A_406 = arith.constant 4 : i32
    %dma_wait3A_407 = arith.constant 0 : i32
    %dma_wait3A_408 = tpu.memref_slice %arg8[%dma_wait3A_406, %dma_wait3A_407] : memref<8x128xi32, #tpu.memory_space<vmem>> -> memref<1x128xi32, #tpu.memory_space<vmem>>
    %dma_wait3A_409 = tpu.memref_squeeze %dma_wait3A_408 : memref<1x128xi32, #tpu.memory_space<vmem>> -> memref<128xi32, #tpu.memory_space<vmem>>
    %dma_wait3A_410 = arith.constant 0 : i32
    %dma_wait3A_411 = arith.constant 0 : i32
    %dma_wait3A_412 = tpu.memref_slice %arg4[%dma_wait3A_410, %dma_wait3A_411] : memref<10240x128xf32, #tpu.memory_space<hbm>> -> memref<10240x128xf32, #tpu.memory_space<hbm>>
    tpu.wait_indirect_dma semaphore(%arg18 : memref<!tpu.dma_semaphore, #tpu.memory_space<semaphore_mem>>) src(%dma_wait3A_412 : memref<10240x128xf32, #tpu.memory_space<hbm>>) dst(%arg13 : memref<128x128xf32, #tpu.memory_space<vmem>>)
    %dma_start3A_413 = arith.constant 4 : i32
    %dma_start3A_414 = arith.constant 0 : i32
    %dma_start3A_415 = tpu.memref_slice %arg11[%dma_start3A_413, %dma_start3A_414] : memref<8x128xi32, #tpu.memory_space<vmem>> -> memref<1x128xi32, #tpu.memory_space<vmem>>
    %dma_start3A_416 = tpu.memref_squeeze %dma_start3A_415 : memref<1x128xi32, #tpu.memory_space<vmem>> -> memref<128xi32, #tpu.memory_space<vmem>>
    %dma_start3A_417 = arith.constant 0 : i32
    %dma_start3A_418 = arith.constant 0 : i32
    %dma_start3A_419 = tpu.memref_slice %arg6[%dma_start3A_417, %dma_start3A_418] : memref<10240x128xf32, #tpu.memory_space<vmem_shared>> -> memref<10240x128xf32, #tpu.memory_space<vmem_shared>>
    tpu.enqueue_indirect_dma source(%arg13 : memref<128x128xf32, #tpu.memory_space<vmem>>) target(%dma_start3A_419 : memref<10240x128xf32, #tpu.memory_space<vmem_shared>>) offsets(%dma_start3A_416 : memref<128xi32, #tpu.memory_space<vmem>>) semaphore(%arg20 : memref<!tpu.dma_semaphore, #tpu.memory_space<semaphore_mem>>) {add = true}
    %dma_wait3A_420 = arith.constant 5 : i32
    %dma_wait3A_421 = arith.constant 0 : i32
    %dma_wait3A_422 = tpu.memref_slice %arg11[%dma_wait3A_420, %dma_wait3A_421] : memref<8x128xi32, #tpu.memory_space<vmem>> -> memref<1x128xi32, #tpu.memory_space<vmem>>
    %dma_wait3A_423 = tpu.memref_squeeze %dma_wait3A_422 : memref<1x128xi32, #tpu.memory_space<vmem>> -> memref<128xi32, #tpu.memory_space<vmem>>
    %dma_wait3A_424 = arith.constant 0 : i32
    %dma_wait3A_425 = arith.constant 0 : i32
    %dma_wait3A_426 = tpu.memref_slice %arg6[%dma_wait3A_424, %dma_wait3A_425] : memref<10240x128xf32, #tpu.memory_space<vmem_shared>> -> memref<10240x128xf32, #tpu.memory_space<vmem_shared>>
    tpu.wait_indirect_dma semaphore(%arg21 : memref<!tpu.dma_semaphore, #tpu.memory_space<semaphore_mem>>) src(%arg14 : memref<128x128xf32, #tpu.memory_space<vmem>>) dst(%dma_wait3A_426 : memref<10240x128xf32, #tpu.memory_space<vmem_shared>>)
    %dma_start3A_427 = arith.constant 5 : i32
    %dma_start3A_428 = arith.constant 0 : i32
    %dma_start3A_429 = tpu.memref_slice %arg8[%dma_start3A_427, %dma_start3A_428] : memref<8x128xi32, #tpu.memory_space<vmem>> -> memref<1x128xi32, #tpu.memory_space<vmem>>
    %dma_start3A_430 = tpu.memref_squeeze %dma_start3A_429 : memref<1x128xi32, #tpu.memory_space<vmem>> -> memref<128xi32, #tpu.memory_space<vmem>>
    %dma_start3A_431 = arith.constant 0 : i32
    %dma_start3A_432 = arith.constant 0 : i32
    %dma_start3A_433 = tpu.memref_slice %arg4[%dma_start3A_431, %dma_start3A_432] : memref<10240x128xf32, #tpu.memory_space<hbm>> -> memref<10240x128xf32, #tpu.memory_space<hbm>>
    tpu.enqueue_indirect_dma source(%dma_start3A_433 : memref<10240x128xf32, #tpu.memory_space<hbm>>) target(%arg14 : memref<128x128xf32, #tpu.memory_space<vmem>>) offsets(%dma_start3A_430 : memref<128xi32, #tpu.memory_space<vmem>>) semaphore(%arg19 : memref<!tpu.dma_semaphore, #tpu.memory_space<semaphore_mem>>)
    %dma_wait3A_434 = arith.constant 5 : i32
    %dma_wait3A_435 = arith.constant 0 : i32
    %dma_wait3A_436 = tpu.memref_slice %arg8[%dma_wait3A_434, %dma_wait3A_435] : memref<8x128xi32, #tpu.memory_space<vmem>> -> memref<1x128xi32, #tpu.memory_space<vmem>>
    %dma_wait3A_437 = tpu.memref_squeeze %dma_wait3A_436 : memref<1x128xi32, #tpu.memory_space<vmem>> -> memref<128xi32, #tpu.memory_space<vmem>>
    %dma_wait3A_438 = arith.constant 0 : i32
    %dma_wait3A_439 = arith.constant 0 : i32
    %dma_wait3A_440 = tpu.memref_slice %arg4[%dma_wait3A_438, %dma_wait3A_439] : memref<10240x128xf32, #tpu.memory_space<hbm>> -> memref<10240x128xf32, #tpu.memory_space<hbm>>
    tpu.wait_indirect_dma semaphore(%arg19 : memref<!tpu.dma_semaphore, #tpu.memory_space<semaphore_mem>>) src(%dma_wait3A_440 : memref<10240x128xf32, #tpu.memory_space<hbm>>) dst(%arg14 : memref<128x128xf32, #tpu.memory_space<vmem>>)
    %dma_start3A_441 = arith.constant 5 : i32
    %dma_start3A_442 = arith.constant 0 : i32
    %dma_start3A_443 = tpu.memref_slice %arg11[%dma_start3A_441, %dma_start3A_442] : memref<8x128xi32, #tpu.memory_space<vmem>> -> memref<1x128xi32, #tpu.memory_space<vmem>>
    %dma_start3A_444 = tpu.memref_squeeze %dma_start3A_443 : memref<1x128xi32, #tpu.memory_space<vmem>> -> memref<128xi32, #tpu.memory_space<vmem>>
    %dma_start3A_445 = arith.constant 0 : i32
    %dma_start3A_446 = arith.constant 0 : i32
    %dma_start3A_447 = tpu.memref_slice %arg6[%dma_start3A_445, %dma_start3A_446] : memref<10240x128xf32, #tpu.memory_space<vmem_shared>> -> memref<10240x128xf32, #tpu.memory_space<vmem_shared>>
    tpu.enqueue_indirect_dma source(%arg14 : memref<128x128xf32, #tpu.memory_space<vmem>>) target(%dma_start3A_447 : memref<10240x128xf32, #tpu.memory_space<vmem_shared>>) offsets(%dma_start3A_444 : memref<128xi32, #tpu.memory_space<vmem>>) semaphore(%arg21 : memref<!tpu.dma_semaphore, #tpu.memory_space<semaphore_mem>>) {add = true}
    %dma_wait3A_448 = arith.constant 6 : i32
    %dma_wait3A_449 = arith.constant 0 : i32
    %dma_wait3A_450 = tpu.memref_slice %arg11[%dma_wait3A_448, %dma_wait3A_449] : memref<8x128xi32, #tpu.memory_space<vmem>> -> memref<1x128xi32, #tpu.memory_space<vmem>>
    %dma_wait3A_451 = tpu.memref_squeeze %dma_wait3A_450 : memref<1x128xi32, #tpu.memory_space<vmem>> -> memref<128xi32, #tpu.memory_space<vmem>>
    %dma_wait3A_452 = arith.constant 0 : i32
    %dma_wait3A_453 = arith.constant 0 : i32
    %dma_wait3A_454 = tpu.memref_slice %arg6[%dma_wait3A_452, %dma_wait3A_453] : memref<10240x128xf32, #tpu.memory_space<vmem_shared>> -> memref<10240x128xf32, #tpu.memory_space<vmem_shared>>
    tpu.wait_indirect_dma semaphore(%arg20 : memref<!tpu.dma_semaphore, #tpu.memory_space<semaphore_mem>>) src(%arg13 : memref<128x128xf32, #tpu.memory_space<vmem>>) dst(%dma_wait3A_454 : memref<10240x128xf32, #tpu.memory_space<vmem_shared>>)
    %dma_start3A_455 = arith.constant 6 : i32
    %dma_start3A_456 = arith.constant 0 : i32
    %dma_start3A_457 = tpu.memref_slice %arg8[%dma_start3A_455, %dma_start3A_456] : memref<8x128xi32, #tpu.memory_space<vmem>> -> memref<1x128xi32, #tpu.memory_space<vmem>>
    %dma_start3A_458 = tpu.memref_squeeze %dma_start3A_457 : memref<1x128xi32, #tpu.memory_space<vmem>> -> memref<128xi32, #tpu.memory_space<vmem>>
    %dma_start3A_459 = arith.constant 0 : i32
    %dma_start3A_460 = arith.constant 0 : i32
    %dma_start3A_461 = tpu.memref_slice %arg4[%dma_start3A_459, %dma_start3A_460] : memref<10240x128xf32, #tpu.memory_space<hbm>> -> memref<10240x128xf32, #tpu.memory_space<hbm>>
    tpu.enqueue_indirect_dma source(%dma_start3A_461 : memref<10240x128xf32, #tpu.memory_space<hbm>>) target(%arg13 : memref<128x128xf32, #tpu.memory_space<vmem>>) offsets(%dma_start3A_458 : memref<128xi32, #tpu.memory_space<vmem>>) semaphore(%arg18 : memref<!tpu.dma_semaphore, #tpu.memory_space<semaphore_mem>>)
    %dma_wait3A_462 = arith.constant 6 : i32
    %dma_wait3A_463 = arith.constant 0 : i32
    %dma_wait3A_464 = tpu.memref_slice %arg8[%dma_wait3A_462, %dma_wait3A_463] : memref<8x128xi32, #tpu.memory_space<vmem>> -> memref<1x128xi32, #tpu.memory_space<vmem>>
    %dma_wait3A_465 = tpu.memref_squeeze %dma_wait3A_464 : memref<1x128xi32, #tpu.memory_space<vmem>> -> memref<128xi32, #tpu.memory_space<vmem>>
    %dma_wait3A_466 = arith.constant 0 : i32
    %dma_wait3A_467 = arith.constant 0 : i32
    %dma_wait3A_468 = tpu.memref_slice %arg4[%dma_wait3A_466, %dma_wait3A_467] : memref<10240x128xf32, #tpu.memory_space<hbm>> -> memref<10240x128xf32, #tpu.memory_space<hbm>>
    tpu.wait_indirect_dma semaphore(%arg18 : memref<!tpu.dma_semaphore, #tpu.memory_space<semaphore_mem>>) src(%dma_wait3A_468 : memref<10240x128xf32, #tpu.memory_space<hbm>>) dst(%arg13 : memref<128x128xf32, #tpu.memory_space<vmem>>)
    %dma_start3A_469 = arith.constant 6 : i32
    %dma_start3A_470 = arith.constant 0 : i32
    %dma_start3A_471 = tpu.memref_slice %arg11[%dma_start3A_469, %dma_start3A_470] : memref<8x128xi32, #tpu.memory_space<vmem>> -> memref<1x128xi32, #tpu.memory_space<vmem>>
    %dma_start3A_472 = tpu.memref_squeeze %dma_start3A_471 : memref<1x128xi32, #tpu.memory_space<vmem>> -> memref<128xi32, #tpu.memory_space<vmem>>
    %dma_start3A_473 = arith.constant 0 : i32
    %dma_start3A_474 = arith.constant 0 : i32
    %dma_start3A_475 = tpu.memref_slice %arg6[%dma_start3A_473, %dma_start3A_474] : memref<10240x128xf32, #tpu.memory_space<vmem_shared>> -> memref<10240x128xf32, #tpu.memory_space<vmem_shared>>
    tpu.enqueue_indirect_dma source(%arg13 : memref<128x128xf32, #tpu.memory_space<vmem>>) target(%dma_start3A_475 : memref<10240x128xf32, #tpu.memory_space<vmem_shared>>) offsets(%dma_start3A_472 : memref<128xi32, #tpu.memory_space<vmem>>) semaphore(%arg20 : memref<!tpu.dma_semaphore, #tpu.memory_space<semaphore_mem>>) {add = true}
    %dma_wait3A_476 = arith.constant 7 : i32
    %dma_wait3A_477 = arith.constant 0 : i32
    %dma_wait3A_478 = tpu.memref_slice %arg11[%dma_wait3A_476, %dma_wait3A_477] : memref<8x128xi32, #tpu.memory_space<vmem>> -> memref<1x128xi32, #tpu.memory_space<vmem>>
    %dma_wait3A_479 = tpu.memref_squeeze %dma_wait3A_478 : memref<1x128xi32, #tpu.memory_space<vmem>> -> memref<128xi32, #tpu.memory_space<vmem>>
    %dma_wait3A_480 = arith.constant 0 : i32
    %dma_wait3A_481 = arith.constant 0 : i32
    %dma_wait3A_482 = tpu.memref_slice %arg6[%dma_wait3A_480, %dma_wait3A_481] : memref<10240x128xf32, #tpu.memory_space<vmem_shared>> -> memref<10240x128xf32, #tpu.memory_space<vmem_shared>>
    tpu.wait_indirect_dma semaphore(%arg21 : memref<!tpu.dma_semaphore, #tpu.memory_space<semaphore_mem>>) src(%arg14 : memref<128x128xf32, #tpu.memory_space<vmem>>) dst(%dma_wait3A_482 : memref<10240x128xf32, #tpu.memory_space<vmem_shared>>)
    %dma_start3A_483 = arith.constant 7 : i32
    %dma_start3A_484 = arith.constant 0 : i32
    %dma_start3A_485 = tpu.memref_slice %arg8[%dma_start3A_483, %dma_start3A_484] : memref<8x128xi32, #tpu.memory_space<vmem>> -> memref<1x128xi32, #tpu.memory_space<vmem>>
    %dma_start3A_486 = tpu.memref_squeeze %dma_start3A_485 : memref<1x128xi32, #tpu.memory_space<vmem>> -> memref<128xi32, #tpu.memory_space<vmem>>
    %dma_start3A_487 = arith.constant 0 : i32
    %dma_start3A_488 = arith.constant 0 : i32
    %dma_start3A_489 = tpu.memref_slice %arg4[%dma_start3A_487, %dma_start3A_488] : memref<10240x128xf32, #tpu.memory_space<hbm>> -> memref<10240x128xf32, #tpu.memory_space<hbm>>
    tpu.enqueue_indirect_dma source(%dma_start3A_489 : memref<10240x128xf32, #tpu.memory_space<hbm>>) target(%arg14 : memref<128x128xf32, #tpu.memory_space<vmem>>) offsets(%dma_start3A_486 : memref<128xi32, #tpu.memory_space<vmem>>) semaphore(%arg19 : memref<!tpu.dma_semaphore, #tpu.memory_space<semaphore_mem>>)
    %dma_wait3A_490 = arith.constant 7 : i32
    %dma_wait3A_491 = arith.constant 0 : i32
    %dma_wait3A_492 = tpu.memref_slice %arg8[%dma_wait3A_490, %dma_wait3A_491] : memref<8x128xi32, #tpu.memory_space<vmem>> -> memref<1x128xi32, #tpu.memory_space<vmem>>
    %dma_wait3A_493 = tpu.memref_squeeze %dma_wait3A_492 : memref<1x128xi32, #tpu.memory_space<vmem>> -> memref<128xi32, #tpu.memory_space<vmem>>
    %dma_wait3A_494 = arith.constant 0 : i32
    %dma_wait3A_495 = arith.constant 0 : i32
    %dma_wait3A_496 = tpu.memref_slice %arg4[%dma_wait3A_494, %dma_wait3A_495] : memref<10240x128xf32, #tpu.memory_space<hbm>> -> memref<10240x128xf32, #tpu.memory_space<hbm>>
    tpu.wait_indirect_dma semaphore(%arg19 : memref<!tpu.dma_semaphore, #tpu.memory_space<semaphore_mem>>) src(%dma_wait3A_496 : memref<10240x128xf32, #tpu.memory_space<hbm>>) dst(%arg14 : memref<128x128xf32, #tpu.memory_space<vmem>>)
    %dma_start3A_497 = arith.constant 7 : i32
    %dma_start3A_498 = arith.constant 0 : i32
    %dma_start3A_499 = tpu.memref_slice %arg11[%dma_start3A_497, %dma_start3A_498] : memref<8x128xi32, #tpu.memory_space<vmem>> -> memref<1x128xi32, #tpu.memory_space<vmem>>
    %dma_start3A_500 = tpu.memref_squeeze %dma_start3A_499 : memref<1x128xi32, #tpu.memory_space<vmem>> -> memref<128xi32, #tpu.memory_space<vmem>>
    %dma_start3A_501 = arith.constant 0 : i32
    %dma_start3A_502 = arith.constant 0 : i32
    %dma_start3A_503 = tpu.memref_slice %arg6[%dma_start3A_501, %dma_start3A_502] : memref<10240x128xf32, #tpu.memory_space<vmem_shared>> -> memref<10240x128xf32, #tpu.memory_space<vmem_shared>>
    tpu.enqueue_indirect_dma source(%arg14 : memref<128x128xf32, #tpu.memory_space<vmem>>) target(%dma_start3A_503 : memref<10240x128xf32, #tpu.memory_space<vmem_shared>>) offsets(%dma_start3A_500 : memref<128xi32, #tpu.memory_space<vmem>>) semaphore(%arg21 : memref<!tpu.dma_semaphore, #tpu.memory_space<semaphore_mem>>) {add = true}
    %scan3A = arith.constant 0 : i32
    %scan3A_504 = arith.constant 0 : i32
    %scan3A_505 = arith.constant 2 : i32
    %scan3A_506 = arith.addi %scan3A_504, %scan3A_505 : i32
    %scan3A_507 = arith.constant 1 : i32
    %scan3A_508 = scf.for %scan3A_1009 = %scan3A_504 to %scan3A_506 step %scan3A_507 iter_args(%scan3A_1010 = %scan3A) -> (i32)  : i32 {
      %mul3A_1011 = arith.constant 3 : i32
      %mul3A_1012 = arith.muli %scan3A_1009, %mul3A_1011 : i32
      %add3A_1013 = arith.constant 2 : i32
      %add3A_1014 = arith.addi %add3A_1013, %mul3A_1012 : i32
      %add3A_1015 = arith.constant 0 : i32
      %add3A_1016 = arith.addi %add3A_1014, %add3A_1015 : i32
      %mul3A_1017 = arith.constant 8 : i32
      %mul3A_1018 = arith.muli %add3A_1016, %mul3A_1017 : i32
      %add3A_1019 = arith.addi %mul3A_4, %mul3A_1018 : i32
      %dma_wait3A_1020 = arith.constant 0 : i32
      %dma_wait3A_1021 = tpu.memref_slice %arg2[%add3A_1019, %dma_wait3A_1020] : memref<2560x128xi32, #tpu.memory_space<hbm>> -> memref<8x128xi32, #tpu.memory_space<hbm>>
      %dma_wait3A_1022 = arith.constant 0 : i32
      %dma_wait3A_1023 = tpu.memref_slice %arg2[%add3A_1019, %dma_wait3A_1022] : memref<2560x128xi32, #tpu.memory_space<hbm>> -> memref<8x128xi32, #tpu.memory_space<hbm>>
      tpu.wait_dma2 semaphore(%arg17 : memref<!tpu.dma_semaphore, #tpu.memory_space<semaphore_mem>>) src(%dma_wait3A_1023 : memref<8x128xi32, #tpu.memory_space<hbm>>) dst(%arg9 : memref<8x128xi32, #tpu.memory_space<vmem>>)
      %mul3A_1024 = arith.constant 8 : i32
      %mul3A_1025 = arith.muli %add3A_1016, %mul3A_1024 : i32
      %add3A_1026 = arith.addi %mul3A_4, %mul3A_1025 : i32
      %dma_wait3A_1027 = arith.constant 0 : i32
      %dma_wait3A_1028 = tpu.memref_slice %arg3[%add3A_1026, %dma_wait3A_1027] : memref<2560x128xi32, #tpu.memory_space<hbm>> -> memref<8x128xi32, #tpu.memory_space<hbm>>
      %dma_wait3A_1029 = arith.constant 0 : i32
      %dma_wait3A_1030 = tpu.memref_slice %arg3[%add3A_1026, %dma_wait3A_1029] : memref<2560x128xi32, #tpu.memory_space<hbm>> -> memref<8x128xi32, #tpu.memory_space<hbm>>
      tpu.wait_dma2 semaphore(%arg17 : memref<!tpu.dma_semaphore, #tpu.memory_space<semaphore_mem>>) src(%dma_wait3A_1030 : memref<8x128xi32, #tpu.memory_space<hbm>>) dst(%arg12 : memref<8x128xi32, #tpu.memory_space<vmem>>)
      %add3A_1031 = arith.constant 1 : i32
      %add3A_1032 = arith.addi %add3A_1016, %add3A_1031 : i32
      %mul3A_1033 = arith.constant 8 : i32
      %mul3A_1034 = arith.muli %add3A_1032, %mul3A_1033 : i32
      %add3A_1035 = arith.addi %mul3A_4, %mul3A_1034 : i32
      %dma_start3A_1036 = arith.constant 0 : i32
      %dma_start3A_1037 = tpu.memref_slice %arg2[%add3A_1035, %dma_start3A_1036] : memref<2560x128xi32, #tpu.memory_space<hbm>> -> memref<8x128xi32, #tpu.memory_space<hbm>>
      %dma_start3A_1038 = arith.constant 0 : i32
      %dma_start3A_1039 = tpu.memref_slice %arg2[%add3A_1035, %dma_start3A_1038] : memref<2560x128xi32, #tpu.memory_space<hbm>> -> memref<8x128xi32, #tpu.memory_space<hbm>>
      tpu.enqueue_dma source(%dma_start3A_1039 : memref<8x128xi32, #tpu.memory_space<hbm>>) target(%arg7 : memref<8x128xi32, #tpu.memory_space<vmem>>) target_semaphore(%arg15 : memref<!tpu.dma_semaphore, #tpu.memory_space<semaphore_mem>>)
      %mul3A_1040 = arith.constant 8 : i32
      %mul3A_1041 = arith.muli %add3A_1032, %mul3A_1040 : i32
      %add3A_1042 = arith.addi %mul3A_4, %mul3A_1041 : i32
      %dma_start3A_1043 = arith.constant 0 : i32
      %dma_start3A_1044 = tpu.memref_slice %arg3[%add3A_1042, %dma_start3A_1043] : memref<2560x128xi32, #tpu.memory_space<hbm>> -> memref<8x128xi32, #tpu.memory_space<hbm>>
      %dma_start3A_1045 = arith.constant 0 : i32
      %dma_start3A_1046 = tpu.memref_slice %arg3[%add3A_1042, %dma_start3A_1045] : memref<2560x128xi32, #tpu.memory_space<hbm>> -> memref<8x128xi32, #tpu.memory_space<hbm>>
      tpu.enqueue_dma source(%dma_start3A_1046 : memref<8x128xi32, #tpu.memory_space<hbm>>) target(%arg10 : memref<8x128xi32, #tpu.memory_space<vmem>>) target_semaphore(%arg15 : memref<!tpu.dma_semaphore, #tpu.memory_space<semaphore_mem>>)
      %dma_wait3A_1047 = arith.constant 0 : i32
      %dma_wait3A_1048 = arith.constant 0 : i32
      %dma_wait3A_1049 = tpu.memref_slice %arg12[%dma_wait3A_1047, %dma_wait3A_1048] : memref<8x128xi32, #tpu.memory_space<vmem>> -> memref<1x128xi32, #tpu.memory_space<vmem>>
      %dma_wait3A_1050 = tpu.memref_squeeze %dma_wait3A_1049 : memref<1x128xi32, #tpu.memory_space<vmem>> -> memref<128xi32, #tpu.memory_space<vmem>>
      %dma_wait3A_1051 = arith.constant 0 : i32
      %dma_wait3A_1052 = arith.constant 0 : i32
      %dma_wait3A_1053 = tpu.memref_slice %arg6[%dma_wait3A_1051, %dma_wait3A_1052] : memref<10240x128xf32, #tpu.memory_space<vmem_shared>> -> memref<10240x128xf32, #tpu.memory_space<vmem_shared>>
      tpu.wait_indirect_dma semaphore(%arg20 : memref<!tpu.dma_semaphore, #tpu.memory_space<semaphore_mem>>) src(%arg13 : memref<128x128xf32, #tpu.memory_space<vmem>>) dst(%dma_wait3A_1053 : memref<10240x128xf32, #tpu.memory_space<vmem_shared>>)
      %dma_start3A_1054 = arith.constant 0 : i32
      %dma_start3A_1055 = arith.constant 0 : i32
      %dma_start3A_1056 = tpu.memref_slice %arg9[%dma_start3A_1054, %dma_start3A_1055] : memref<8x128xi32, #tpu.memory_space<vmem>> -> memref<1x128xi32, #tpu.memory_space<vmem>>
      %dma_start3A_1057 = tpu.memref_squeeze %dma_start3A_1056 : memref<1x128xi32, #tpu.memory_space<vmem>> -> memref<128xi32, #tpu.memory_space<vmem>>
      %dma_start3A_1058 = arith.constant 0 : i32
      %dma_start3A_1059 = arith.constant 0 : i32
      %dma_start3A_1060 = tpu.memref_slice %arg4[%dma_start3A_1058, %dma_start3A_1059] : memref<10240x128xf32, #tpu.memory_space<hbm>> -> memref<10240x128xf32, #tpu.memory_space<hbm>>
      tpu.enqueue_indirect_dma source(%dma_start3A_1060 : memref<10240x128xf32, #tpu.memory_space<hbm>>) target(%arg13 : memref<128x128xf32, #tpu.memory_space<vmem>>) offsets(%dma_start3A_1057 : memref<128xi32, #tpu.memory_space<vmem>>) semaphore(%arg18 : memref<!tpu.dma_semaphore, #tpu.memory_space<semaphore_mem>>)
      %dma_wait3A_1061 = arith.constant 0 : i32
      %dma_wait3A_1062 = arith.constant 0 : i32
      %dma_wait3A_1063 = tpu.memref_slice %arg9[%dma_wait3A_1061, %dma_wait3A_1062] : memref<8x128xi32, #tpu.memory_space<vmem>> -> memref<1x128xi32, #tpu.memory_space<vmem>>
      %dma_wait3A_1064 = tpu.memref_squeeze %dma_wait3A_1063 : memref<1x128xi32, #tpu.memory_space<vmem>> -> memref<128xi32, #tpu.memory_space<vmem>>
      %dma_wait3A_1065 = arith.constant 0 : i32
      %dma_wait3A_1066 = arith.constant 0 : i32
      %dma_wait3A_1067 = tpu.memref_slice %arg4[%dma_wait3A_1065, %dma_wait3A_1066] : memref<10240x128xf32, #tpu.memory_space<hbm>> -> memref<10240x128xf32, #tpu.memory_space<hbm>>
      tpu.wait_indirect_dma semaphore(%arg18 : memref<!tpu.dma_semaphore, #tpu.memory_space<semaphore_mem>>) src(%dma_wait3A_1067 : memref<10240x128xf32, #tpu.memory_space<hbm>>) dst(%arg13 : memref<128x128xf32, #tpu.memory_space<vmem>>)
      %dma_start3A_1068 = arith.constant 0 : i32
      %dma_start3A_1069 = arith.constant 0 : i32
      %dma_start3A_1070 = tpu.memref_slice %arg12[%dma_start3A_1068, %dma_start3A_1069] : memref<8x128xi32, #tpu.memory_space<vmem>> -> memref<1x128xi32, #tpu.memory_space<vmem>>
      %dma_start3A_1071 = tpu.memref_squeeze %dma_start3A_1070 : memref<1x128xi32, #tpu.memory_space<vmem>> -> memref<128xi32, #tpu.memory_space<vmem>>
      %dma_start3A_1072 = arith.constant 0 : i32
      %dma_start3A_1073 = arith.constant 0 : i32
      %dma_start3A_1074 = tpu.memref_slice %arg6[%dma_start3A_1072, %dma_start3A_1073] : memref<10240x128xf32, #tpu.memory_space<vmem_shared>> -> memref<10240x128xf32, #tpu.memory_space<vmem_shared>>
      tpu.enqueue_indirect_dma source(%arg13 : memref<128x128xf32, #tpu.memory_space<vmem>>) target(%dma_start3A_1074 : memref<10240x128xf32, #tpu.memory_space<vmem_shared>>) offsets(%dma_start3A_1071 : memref<128xi32, #tpu.memory_space<vmem>>) semaphore(%arg20 : memref<!tpu.dma_semaphore, #tpu.memory_space<semaphore_mem>>) {add = true}
      %dma_wait3A_1075 = arith.constant 1 : i32
      %dma_wait3A_1076 = arith.constant 0 : i32
      %dma_wait3A_1077 = tpu.memref_slice %arg12[%dma_wait3A_1075, %dma_wait3A_1076] : memref<8x128xi32, #tpu.memory_space<vmem>> -> memref<1x128xi32, #tpu.memory_space<vmem>>
      %dma_wait3A_1078 = tpu.memref_squeeze %dma_wait3A_1077 : memref<1x128xi32, #tpu.memory_space<vmem>> -> memref<128xi32, #tpu.memory_space<vmem>>
      %dma_wait3A_1079 = arith.constant 0 : i32
      %dma_wait3A_1080 = arith.constant 0 : i32
      %dma_wait3A_1081 = tpu.memref_slice %arg6[%dma_wait3A_1079, %dma_wait3A_1080] : memref<10240x128xf32, #tpu.memory_space<vmem_shared>> -> memref<10240x128xf32, #tpu.memory_space<vmem_shared>>
      tpu.wait_indirect_dma semaphore(%arg21 : memref<!tpu.dma_semaphore, #tpu.memory_space<semaphore_mem>>) src(%arg14 : memref<128x128xf32, #tpu.memory_space<vmem>>) dst(%dma_wait3A_1081 : memref<10240x128xf32, #tpu.memory_space<vmem_shared>>)
      %dma_start3A_1082 = arith.constant 1 : i32
      %dma_start3A_1083 = arith.constant 0 : i32
      %dma_start3A_1084 = tpu.memref_slice %arg9[%dma_start3A_1082, %dma_start3A_1083] : memref<8x128xi32, #tpu.memory_space<vmem>> -> memref<1x128xi32, #tpu.memory_space<vmem>>
      %dma_start3A_1085 = tpu.memref_squeeze %dma_start3A_1084 : memref<1x128xi32, #tpu.memory_space<vmem>> -> memref<128xi32, #tpu.memory_space<vmem>>
      %dma_start3A_1086 = arith.constant 0 : i32
      %dma_start3A_1087 = arith.constant 0 : i32
      %dma_start3A_1088 = tpu.memref_slice %arg4[%dma_start3A_1086, %dma_start3A_1087] : memref<10240x128xf32, #tpu.memory_space<hbm>> -> memref<10240x128xf32, #tpu.memory_space<hbm>>
      tpu.enqueue_indirect_dma source(%dma_start3A_1088 : memref<10240x128xf32, #tpu.memory_space<hbm>>) target(%arg14 : memref<128x128xf32, #tpu.memory_space<vmem>>) offsets(%dma_start3A_1085 : memref<128xi32, #tpu.memory_space<vmem>>) semaphore(%arg19 : memref<!tpu.dma_semaphore, #tpu.memory_space<semaphore_mem>>)
      %dma_wait3A_1089 = arith.constant 1 : i32
      %dma_wait3A_1090 = arith.constant 0 : i32
      %dma_wait3A_1091 = tpu.memref_slice %arg9[%dma_wait3A_1089, %dma_wait3A_1090] : memref<8x128xi32, #tpu.memory_space<vmem>> -> memref<1x128xi32, #tpu.memory_space<vmem>>
      %dma_wait3A_1092 = tpu.memref_squeeze %dma_wait3A_1091 : memref<1x128xi32, #tpu.memory_space<vmem>> -> memref<128xi32, #tpu.memory_space<vmem>>
      %dma_wait3A_1093 = arith.constant 0 : i32
      %dma_wait3A_1094 = arith.constant 0 : i32
      %dma_wait3A_1095 = tpu.memref_slice %arg4[%dma_wait3A_1093, %dma_wait3A_1094] : memref<10240x128xf32, #tpu.memory_space<hbm>> -> memref<10240x128xf32, #tpu.memory_space<hbm>>
      tpu.wait_indirect_dma semaphore(%arg19 : memref<!tpu.dma_semaphore, #tpu.memory_space<semaphore_mem>>) src(%dma_wait3A_1095 : memref<10240x128xf32, #tpu.memory_space<hbm>>) dst(%arg14 : memref<128x128xf32, #tpu.memory_space<vmem>>)
      %dma_start3A_1096 = arith.constant 1 : i32
      %dma_start3A_1097 = arith.constant 0 : i32
      %dma_start3A_1098 = tpu.memref_slice %arg12[%dma_start3A_1096, %dma_start3A_1097] : memref<8x128xi32, #tpu.memory_space<vmem>> -> memref<1x128xi32, #tpu.memory_space<vmem>>
      %dma_start3A_1099 = tpu.memref_squeeze %dma_start3A_1098 : memref<1x128xi32, #tpu.memory_space<vmem>> -> memref<128xi32, #tpu.memory_space<vmem>>
      %dma_start3A_1100 = arith.constant 0 : i32
      %dma_start3A_1101 = arith.constant 0 : i32
      %dma_start3A_1102 = tpu.memref_slice %arg6[%dma_start3A_1100, %dma_start3A_1101] : memref<10240x128xf32, #tpu.memory_space<vmem_shared>> -> memref<10240x128xf32, #tpu.memory_space<vmem_shared>>
      tpu.enqueue_indirect_dma source(%arg14 : memref<128x128xf32, #tpu.memory_space<vmem>>) target(%dma_start3A_1102 : memref<10240x128xf32, #tpu.memory_space<vmem_shared>>) offsets(%dma_start3A_1099 : memref<128xi32, #tpu.memory_space<vmem>>) semaphore(%arg21 : memref<!tpu.dma_semaphore, #tpu.memory_space<semaphore_mem>>) {add = true}
      %dma_wait3A_1103 = arith.constant 2 : i32
      %dma_wait3A_1104 = arith.constant 0 : i32
      %dma_wait3A_1105 = tpu.memref_slice %arg12[%dma_wait3A_1103, %dma_wait3A_1104] : memref<8x128xi32, #tpu.memory_space<vmem>> -> memref<1x128xi32, #tpu.memory_space<vmem>>
      %dma_wait3A_1106 = tpu.memref_squeeze %dma_wait3A_1105 : memref<1x128xi32, #tpu.memory_space<vmem>> -> memref<128xi32, #tpu.memory_space<vmem>>
      %dma_wait3A_1107 = arith.constant 0 : i32
      %dma_wait3A_1108 = arith.constant 0 : i32
      %dma_wait3A_1109 = tpu.memref_slice %arg6[%dma_wait3A_1107, %dma_wait3A_1108] : memref<10240x128xf32, #tpu.memory_space<vmem_shared>> -> memref<10240x128xf32, #tpu.memory_space<vmem_shared>>
      tpu.wait_indirect_dma semaphore(%arg20 : memref<!tpu.dma_semaphore, #tpu.memory_space<semaphore_mem>>) src(%arg13 : memref<128x128xf32, #tpu.memory_space<vmem>>) dst(%dma_wait3A_1109 : memref<10240x128xf32, #tpu.memory_space<vmem_shared>>)
      %dma_start3A_1110 = arith.constant 2 : i32
      %dma_start3A_1111 = arith.constant 0 : i32
      %dma_start3A_1112 = tpu.memref_slice %arg9[%dma_start3A_1110, %dma_start3A_1111] : memref<8x128xi32, #tpu.memory_space<vmem>> -> memref<1x128xi32, #tpu.memory_space<vmem>>
      %dma_start3A_1113 = tpu.memref_squeeze %dma_start3A_1112 : memref<1x128xi32, #tpu.memory_space<vmem>> -> memref<128xi32, #tpu.memory_space<vmem>>
      %dma_start3A_1114 = arith.constant 0 : i32
      %dma_start3A_1115 = arith.constant 0 : i32
      %dma_start3A_1116 = tpu.memref_slice %arg4[%dma_start3A_1114, %dma_start3A_1115] : memref<10240x128xf32, #tpu.memory_space<hbm>> -> memref<10240x128xf32, #tpu.memory_space<hbm>>
      tpu.enqueue_indirect_dma source(%dma_start3A_1116 : memref<10240x128xf32, #tpu.memory_space<hbm>>) target(%arg13 : memref<128x128xf32, #tpu.memory_space<vmem>>) offsets(%dma_start3A_1113 : memref<128xi32, #tpu.memory_space<vmem>>) semaphore(%arg18 : memref<!tpu.dma_semaphore, #tpu.memory_space<semaphore_mem>>)
      %dma_wait3A_1117 = arith.constant 2 : i32
      %dma_wait3A_1118 = arith.constant 0 : i32
      %dma_wait3A_1119 = tpu.memref_slice %arg9[%dma_wait3A_1117, %dma_wait3A_1118] : memref<8x128xi32, #tpu.memory_space<vmem>> -> memref<1x128xi32, #tpu.memory_space<vmem>>
      %dma_wait3A_1120 = tpu.memref_squeeze %dma_wait3A_1119 : memref<1x128xi32, #tpu.memory_space<vmem>> -> memref<128xi32, #tpu.memory_space<vmem>>
      %dma_wait3A_1121 = arith.constant 0 : i32
      %dma_wait3A_1122 = arith.constant 0 : i32
      %dma_wait3A_1123 = tpu.memref_slice %arg4[%dma_wait3A_1121, %dma_wait3A_1122] : memref<10240x128xf32, #tpu.memory_space<hbm>> -> memref<10240x128xf32, #tpu.memory_space<hbm>>
      tpu.wait_indirect_dma semaphore(%arg18 : memref<!tpu.dma_semaphore, #tpu.memory_space<semaphore_mem>>) src(%dma_wait3A_1123 : memref<10240x128xf32, #tpu.memory_space<hbm>>) dst(%arg13 : memref<128x128xf32, #tpu.memory_space<vmem>>)
      %dma_start3A_1124 = arith.constant 2 : i32
      %dma_start3A_1125 = arith.constant 0 : i32
      %dma_start3A_1126 = tpu.memref_slice %arg12[%dma_start3A_1124, %dma_start3A_1125] : memref<8x128xi32, #tpu.memory_space<vmem>> -> memref<1x128xi32, #tpu.memory_space<vmem>>
      %dma_start3A_1127 = tpu.memref_squeeze %dma_start3A_1126 : memref<1x128xi32, #tpu.memory_space<vmem>> -> memref<128xi32, #tpu.memory_space<vmem>>
      %dma_start3A_1128 = arith.constant 0 : i32
      %dma_start3A_1129 = arith.constant 0 : i32
      %dma_start3A_1130 = tpu.memref_slice %arg6[%dma_start3A_1128, %dma_start3A_1129] : memref<10240x128xf32, #tpu.memory_space<vmem_shared>> -> memref<10240x128xf32, #tpu.memory_space<vmem_shared>>
      tpu.enqueue_indirect_dma source(%arg13 : memref<128x128xf32, #tpu.memory_space<vmem>>) target(%dma_start3A_1130 : memref<10240x128xf32, #tpu.memory_space<vmem_shared>>) offsets(%dma_start3A_1127 : memref<128xi32, #tpu.memory_space<vmem>>) semaphore(%arg20 : memref<!tpu.dma_semaphore, #tpu.memory_space<semaphore_mem>>) {add = true}
      %dma_wait3A_1131 = arith.constant 3 : i32
      %dma_wait3A_1132 = arith.constant 0 : i32
      %dma_wait3A_1133 = tpu.memref_slice %arg12[%dma_wait3A_1131, %dma_wait3A_1132] : memref<8x128xi32, #tpu.memory_space<vmem>> -> memref<1x128xi32, #tpu.memory_space<vmem>>
      %dma_wait3A_1134 = tpu.memref_squeeze %dma_wait3A_1133 : memref<1x128xi32, #tpu.memory_space<vmem>> -> memref<128xi32, #tpu.memory_space<vmem>>
      %dma_wait3A_1135 = arith.constant 0 : i32
      %dma_wait3A_1136 = arith.constant 0 : i32
      %dma_wait3A_1137 = tpu.memref_slice %arg6[%dma_wait3A_1135, %dma_wait3A_1136] : memref<10240x128xf32, #tpu.memory_space<vmem_shared>> -> memref<10240x128xf32, #tpu.memory_space<vmem_shared>>
      tpu.wait_indirect_dma semaphore(%arg21 : memref<!tpu.dma_semaphore, #tpu.memory_space<semaphore_mem>>) src(%arg14 : memref<128x128xf32, #tpu.memory_space<vmem>>) dst(%dma_wait3A_1137 : memref<10240x128xf32, #tpu.memory_space<vmem_shared>>)
      %dma_start3A_1138 = arith.constant 3 : i32
      %dma_start3A_1139 = arith.constant 0 : i32
      %dma_start3A_1140 = tpu.memref_slice %arg9[%dma_start3A_1138, %dma_start3A_1139] : memref<8x128xi32, #tpu.memory_space<vmem>> -> memref<1x128xi32, #tpu.memory_space<vmem>>
      %dma_start3A_1141 = tpu.memref_squeeze %dma_start3A_1140 : memref<1x128xi32, #tpu.memory_space<vmem>> -> memref<128xi32, #tpu.memory_space<vmem>>
      %dma_start3A_1142 = arith.constant 0 : i32
      %dma_start3A_1143 = arith.constant 0 : i32
      %dma_start3A_1144 = tpu.memref_slice %arg4[%dma_start3A_1142, %dma_start3A_1143] : memref<10240x128xf32, #tpu.memory_space<hbm>> -> memref<10240x128xf32, #tpu.memory_space<hbm>>
      tpu.enqueue_indirect_dma source(%dma_start3A_1144 : memref<10240x128xf32, #tpu.memory_space<hbm>>) target(%arg14 : memref<128x128xf32, #tpu.memory_space<vmem>>) offsets(%dma_start3A_1141 : memref<128xi32, #tpu.memory_space<vmem>>) semaphore(%arg19 : memref<!tpu.dma_semaphore, #tpu.memory_space<semaphore_mem>>)
      %dma_wait3A_1145 = arith.constant 3 : i32
      %dma_wait3A_1146 = arith.constant 0 : i32
      %dma_wait3A_1147 = tpu.memref_slice %arg9[%dma_wait3A_1145, %dma_wait3A_1146] : memref<8x128xi32, #tpu.memory_space<vmem>> -> memref<1x128xi32, #tpu.memory_space<vmem>>
      %dma_wait3A_1148 = tpu.memref_squeeze %dma_wait3A_1147 : memref<1x128xi32, #tpu.memory_space<vmem>> -> memref<128xi32, #tpu.memory_space<vmem>>
      %dma_wait3A_1149 = arith.constant 0 : i32
      %dma_wait3A_1150 = arith.constant 0 : i32
      %dma_wait3A_1151 = tpu.memref_slice %arg4[%dma_wait3A_1149, %dma_wait3A_1150] : memref<10240x128xf32, #tpu.memory_space<hbm>> -> memref<10240x128xf32, #tpu.memory_space<hbm>>
      tpu.wait_indirect_dma semaphore(%arg19 : memref<!tpu.dma_semaphore, #tpu.memory_space<semaphore_mem>>) src(%dma_wait3A_1151 : memref<10240x128xf32, #tpu.memory_space<hbm>>) dst(%arg14 : memref<128x128xf32, #tpu.memory_space<vmem>>)
      %dma_start3A_1152 = arith.constant 3 : i32
      %dma_start3A_1153 = arith.constant 0 : i32
      %dma_start3A_1154 = tpu.memref_slice %arg12[%dma_start3A_1152, %dma_start3A_1153] : memref<8x128xi32, #tpu.memory_space<vmem>> -> memref<1x128xi32, #tpu.memory_space<vmem>>
      %dma_start3A_1155 = tpu.memref_squeeze %dma_start3A_1154 : memref<1x128xi32, #tpu.memory_space<vmem>> -> memref<128xi32, #tpu.memory_space<vmem>>
      %dma_start3A_1156 = arith.constant 0 : i32
      %dma_start3A_1157 = arith.constant 0 : i32
      %dma_start3A_1158 = tpu.memref_slice %arg6[%dma_start3A_1156, %dma_start3A_1157] : memref<10240x128xf32, #tpu.memory_space<vmem_shared>> -> memref<10240x128xf32, #tpu.memory_space<vmem_shared>>
      tpu.enqueue_indirect_dma source(%arg14 : memref<128x128xf32, #tpu.memory_space<vmem>>) target(%dma_start3A_1158 : memref<10240x128xf32, #tpu.memory_space<vmem_shared>>) offsets(%dma_start3A_1155 : memref<128xi32, #tpu.memory_space<vmem>>) semaphore(%arg21 : memref<!tpu.dma_semaphore, #tpu.memory_space<semaphore_mem>>) {add = true}
      %dma_wait3A_1159 = arith.constant 4 : i32
      %dma_wait3A_1160 = arith.constant 0 : i32
      %dma_wait3A_1161 = tpu.memref_slice %arg12[%dma_wait3A_1159, %dma_wait3A_1160] : memref<8x128xi32, #tpu.memory_space<vmem>> -> memref<1x128xi32, #tpu.memory_space<vmem>>
      %dma_wait3A_1162 = tpu.memref_squeeze %dma_wait3A_1161 : memref<1x128xi32, #tpu.memory_space<vmem>> -> memref<128xi32, #tpu.memory_space<vmem>>
      %dma_wait3A_1163 = arith.constant 0 : i32
      %dma_wait3A_1164 = arith.constant 0 : i32
      %dma_wait3A_1165 = tpu.memref_slice %arg6[%dma_wait3A_1163, %dma_wait3A_1164] : memref<10240x128xf32, #tpu.memory_space<vmem_shared>> -> memref<10240x128xf32, #tpu.memory_space<vmem_shared>>
      tpu.wait_indirect_dma semaphore(%arg20 : memref<!tpu.dma_semaphore, #tpu.memory_space<semaphore_mem>>) src(%arg13 : memref<128x128xf32, #tpu.memory_space<vmem>>) dst(%dma_wait3A_1165 : memref<10240x128xf32, #tpu.memory_space<vmem_shared>>)
      %dma_start3A_1166 = arith.constant 4 : i32
      %dma_start3A_1167 = arith.constant 0 : i32
      %dma_start3A_1168 = tpu.memref_slice %arg9[%dma_start3A_1166, %dma_start3A_1167] : memref<8x128xi32, #tpu.memory_space<vmem>> -> memref<1x128xi32, #tpu.memory_space<vmem>>
      %dma_start3A_1169 = tpu.memref_squeeze %dma_start3A_1168 : memref<1x128xi32, #tpu.memory_space<vmem>> -> memref<128xi32, #tpu.memory_space<vmem>>
      %dma_start3A_1170 = arith.constant 0 : i32
      %dma_start3A_1171 = arith.constant 0 : i32
      %dma_start3A_1172 = tpu.memref_slice %arg4[%dma_start3A_1170, %dma_start3A_1171] : memref<10240x128xf32, #tpu.memory_space<hbm>> -> memref<10240x128xf32, #tpu.memory_space<hbm>>
      tpu.enqueue_indirect_dma source(%dma_start3A_1172 : memref<10240x128xf32, #tpu.memory_space<hbm>>) target(%arg13 : memref<128x128xf32, #tpu.memory_space<vmem>>) offsets(%dma_start3A_1169 : memref<128xi32, #tpu.memory_space<vmem>>) semaphore(%arg18 : memref<!tpu.dma_semaphore, #tpu.memory_space<semaphore_mem>>)
      %dma_wait3A_1173 = arith.constant 4 : i32
      %dma_wait3A_1174 = arith.constant 0 : i32
      %dma_wait3A_1175 = tpu.memref_slice %arg9[%dma_wait3A_1173, %dma_wait3A_1174] : memref<8x128xi32, #tpu.memory_space<vmem>> -> memref<1x128xi32, #tpu.memory_space<vmem>>
      %dma_wait3A_1176 = tpu.memref_squeeze %dma_wait3A_1175 : memref<1x128xi32, #tpu.memory_space<vmem>> -> memref<128xi32, #tpu.memory_space<vmem>>
      %dma_wait3A_1177 = arith.constant 0 : i32
      %dma_wait3A_1178 = arith.constant 0 : i32
      %dma_wait3A_1179 = tpu.memref_slice %arg4[%dma_wait3A_1177, %dma_wait3A_1178] : memref<10240x128xf32, #tpu.memory_space<hbm>> -> memref<10240x128xf32, #tpu.memory_space<hbm>>
      tpu.wait_indirect_dma semaphore(%arg18 : memref<!tpu.dma_semaphore, #tpu.memory_space<semaphore_mem>>) src(%dma_wait3A_1179 : memref<10240x128xf32, #tpu.memory_space<hbm>>) dst(%arg13 : memref<128x128xf32, #tpu.memory_space<vmem>>)
      %dma_start3A_1180 = arith.constant 4 : i32
      %dma_start3A_1181 = arith.constant 0 : i32
      %dma_start3A_1182 = tpu.memref_slice %arg12[%dma_start3A_1180, %dma_start3A_1181] : memref<8x128xi32, #tpu.memory_space<vmem>> -> memref<1x128xi32, #tpu.memory_space<vmem>>
      %dma_start3A_1183 = tpu.memref_squeeze %dma_start3A_1182 : memref<1x128xi32, #tpu.memory_space<vmem>> -> memref<128xi32, #tpu.memory_space<vmem>>
      %dma_start3A_1184 = arith.constant 0 : i32
      %dma_start3A_1185 = arith.constant 0 : i32
      %dma_start3A_1186 = tpu.memref_slice %arg6[%dma_start3A_1184, %dma_start3A_1185] : memref<10240x128xf32, #tpu.memory_space<vmem_shared>> -> memref<10240x128xf32, #tpu.memory_space<vmem_shared>>
      tpu.enqueue_indirect_dma source(%arg13 : memref<128x128xf32, #tpu.memory_space<vmem>>) target(%dma_start3A_1186 : memref<10240x128xf32, #tpu.memory_space<vmem_shared>>) offsets(%dma_start3A_1183 : memref<128xi32, #tpu.memory_space<vmem>>) semaphore(%arg20 : memref<!tpu.dma_semaphore, #tpu.memory_space<semaphore_mem>>) {add = true}
      %dma_wait3A_1187 = arith.constant 5 : i32
      %dma_wait3A_1188 = arith.constant 0 : i32
      %dma_wait3A_1189 = tpu.memref_slice %arg12[%dma_wait3A_1187, %dma_wait3A_1188] : memref<8x128xi32, #tpu.memory_space<vmem>> -> memref<1x128xi32, #tpu.memory_space<vmem>>
      %dma_wait3A_1190 = tpu.memref_squeeze %dma_wait3A_1189 : memref<1x128xi32, #tpu.memory_space<vmem>> -> memref<128xi32, #tpu.memory_space<vmem>>
      %dma_wait3A_1191 = arith.constant 0 : i32
      %dma_wait3A_1192 = arith.constant 0 : i32
      %dma_wait3A_1193 = tpu.memref_slice %arg6[%dma_wait3A_1191, %dma_wait3A_1192] : memref<10240x128xf32, #tpu.memory_space<vmem_shared>> -> memref<10240x128xf32, #tpu.memory_space<vmem_shared>>
      tpu.wait_indirect_dma semaphore(%arg21 : memref<!tpu.dma_semaphore, #tpu.memory_space<semaphore_mem>>) src(%arg14 : memref<128x128xf32, #tpu.memory_space<vmem>>) dst(%dma_wait3A_1193 : memref<10240x128xf32, #tpu.memory_space<vmem_shared>>)
      %dma_start3A_1194 = arith.constant 5 : i32
      %dma_start3A_1195 = arith.constant 0 : i32
      %dma_start3A_1196 = tpu.memref_slice %arg9[%dma_start3A_1194, %dma_start3A_1195] : memref<8x128xi32, #tpu.memory_space<vmem>> -> memref<1x128xi32, #tpu.memory_space<vmem>>
      %dma_start3A_1197 = tpu.memref_squeeze %dma_start3A_1196 : memref<1x128xi32, #tpu.memory_space<vmem>> -> memref<128xi32, #tpu.memory_space<vmem>>
      %dma_start3A_1198 = arith.constant 0 : i32
      %dma_start3A_1199 = arith.constant 0 : i32
      %dma_start3A_1200 = tpu.memref_slice %arg4[%dma_start3A_1198, %dma_start3A_1199] : memref<10240x128xf32, #tpu.memory_space<hbm>> -> memref<10240x128xf32, #tpu.memory_space<hbm>>
      tpu.enqueue_indirect_dma source(%dma_start3A_1200 : memref<10240x128xf32, #tpu.memory_space<hbm>>) target(%arg14 : memref<128x128xf32, #tpu.memory_space<vmem>>) offsets(%dma_start3A_1197 : memref<128xi32, #tpu.memory_space<vmem>>) semaphore(%arg19 : memref<!tpu.dma_semaphore, #tpu.memory_space<semaphore_mem>>)
      %dma_wait3A_1201 = arith.constant 5 : i32
      %dma_wait3A_1202 = arith.constant 0 : i32
      %dma_wait3A_1203 = tpu.memref_slice %arg9[%dma_wait3A_1201, %dma_wait3A_1202] : memref<8x128xi32, #tpu.memory_space<vmem>> -> memref<1x128xi32, #tpu.memory_space<vmem>>
      %dma_wait3A_1204 = tpu.memref_squeeze %dma_wait3A_1203 : memref<1x128xi32, #tpu.memory_space<vmem>> -> memref<128xi32, #tpu.memory_space<vmem>>
      %dma_wait3A_1205 = arith.constant 0 : i32
      %dma_wait3A_1206 = arith.constant 0 : i32
      %dma_wait3A_1207 = tpu.memref_slice %arg4[%dma_wait3A_1205, %dma_wait3A_1206] : memref<10240x128xf32, #tpu.memory_space<hbm>> -> memref<10240x128xf32, #tpu.memory_space<hbm>>
      tpu.wait_indirect_dma semaphore(%arg19 : memref<!tpu.dma_semaphore, #tpu.memory_space<semaphore_mem>>) src(%dma_wait3A_1207 : memref<10240x128xf32, #tpu.memory_space<hbm>>) dst(%arg14 : memref<128x128xf32, #tpu.memory_space<vmem>>)
      %dma_start3A_1208 = arith.constant 5 : i32
      %dma_start3A_1209 = arith.constant 0 : i32
      %dma_start3A_1210 = tpu.memref_slice %arg12[%dma_start3A_1208, %dma_start3A_1209] : memref<8x128xi32, #tpu.memory_space<vmem>> -> memref<1x128xi32, #tpu.memory_space<vmem>>
      %dma_start3A_1211 = tpu.memref_squeeze %dma_start3A_1210 : memref<1x128xi32, #tpu.memory_space<vmem>> -> memref<128xi32, #tpu.memory_space<vmem>>
      %dma_start3A_1212 = arith.constant 0 : i32
      %dma_start3A_1213 = arith.constant 0 : i32
      %dma_start3A_1214 = tpu.memref_slice %arg6[%dma_start3A_1212, %dma_start3A_1213] : memref<10240x128xf32, #tpu.memory_space<vmem_shared>> -> memref<10240x128xf32, #tpu.memory_space<vmem_shared>>
      tpu.enqueue_indirect_dma source(%arg14 : memref<128x128xf32, #tpu.memory_space<vmem>>) target(%dma_start3A_1214 : memref<10240x128xf32, #tpu.memory_space<vmem_shared>>) offsets(%dma_start3A_1211 : memref<128xi32, #tpu.memory_space<vmem>>) semaphore(%arg21 : memref<!tpu.dma_semaphore, #tpu.memory_space<semaphore_mem>>) {add = true}
      %dma_wait3A_1215 = arith.constant 6 : i32
      %dma_wait3A_1216 = arith.constant 0 : i32
      %dma_wait3A_1217 = tpu.memref_slice %arg12[%dma_wait3A_1215, %dma_wait3A_1216] : memref<8x128xi32, #tpu.memory_space<vmem>> -> memref<1x128xi32, #tpu.memory_space<vmem>>
      %dma_wait3A_1218 = tpu.memref_squeeze %dma_wait3A_1217 : memref<1x128xi32, #tpu.memory_space<vmem>> -> memref<128xi32, #tpu.memory_space<vmem>>
      %dma_wait3A_1219 = arith.constant 0 : i32
      %dma_wait3A_1220 = arith.constant 0 : i32
      %dma_wait3A_1221 = tpu.memref_slice %arg6[%dma_wait3A_1219, %dma_wait3A_1220] : memref<10240x128xf32, #tpu.memory_space<vmem_shared>> -> memref<10240x128xf32, #tpu.memory_space<vmem_shared>>
      tpu.wait_indirect_dma semaphore(%arg20 : memref<!tpu.dma_semaphore, #tpu.memory_space<semaphore_mem>>) src(%arg13 : memref<128x128xf32, #tpu.memory_space<vmem>>) dst(%dma_wait3A_1221 : memref<10240x128xf32, #tpu.memory_space<vmem_shared>>)
      %dma_start3A_1222 = arith.constant 6 : i32
      %dma_start3A_1223 = arith.constant 0 : i32
      %dma_start3A_1224 = tpu.memref_slice %arg9[%dma_start3A_1222, %dma_start3A_1223] : memref<8x128xi32, #tpu.memory_space<vmem>> -> memref<1x128xi32, #tpu.memory_space<vmem>>
      %dma_start3A_1225 = tpu.memref_squeeze %dma_start3A_1224 : memref<1x128xi32, #tpu.memory_space<vmem>> -> memref<128xi32, #tpu.memory_space<vmem>>
      %dma_start3A_1226 = arith.constant 0 : i32
      %dma_start3A_1227 = arith.constant 0 : i32
      %dma_start3A_1228 = tpu.memref_slice %arg4[%dma_start3A_1226, %dma_start3A_1227] : memref<10240x128xf32, #tpu.memory_space<hbm>> -> memref<10240x128xf32, #tpu.memory_space<hbm>>
      tpu.enqueue_indirect_dma source(%dma_start3A_1228 : memref<10240x128xf32, #tpu.memory_space<hbm>>) target(%arg13 : memref<128x128xf32, #tpu.memory_space<vmem>>) offsets(%dma_start3A_1225 : memref<128xi32, #tpu.memory_space<vmem>>) semaphore(%arg18 : memref<!tpu.dma_semaphore, #tpu.memory_space<semaphore_mem>>)
      %dma_wait3A_1229 = arith.constant 6 : i32
      %dma_wait3A_1230 = arith.constant 0 : i32
      %dma_wait3A_1231 = tpu.memref_slice %arg9[%dma_wait3A_1229, %dma_wait3A_1230] : memref<8x128xi32, #tpu.memory_space<vmem>> -> memref<1x128xi32, #tpu.memory_space<vmem>>
      %dma_wait3A_1232 = tpu.memref_squeeze %dma_wait3A_1231 : memref<1x128xi32, #tpu.memory_space<vmem>> -> memref<128xi32, #tpu.memory_space<vmem>>
      %dma_wait3A_1233 = arith.constant 0 : i32
      %dma_wait3A_1234 = arith.constant 0 : i32
      %dma_wait3A_1235 = tpu.memref_slice %arg4[%dma_wait3A_1233, %dma_wait3A_1234] : memref<10240x128xf32, #tpu.memory_space<hbm>> -> memref<10240x128xf32, #tpu.memory_space<hbm>>
      tpu.wait_indirect_dma semaphore(%arg18 : memref<!tpu.dma_semaphore, #tpu.memory_space<semaphore_mem>>) src(%dma_wait3A_1235 : memref<10240x128xf32, #tpu.memory_space<hbm>>) dst(%arg13 : memref<128x128xf32, #tpu.memory_space<vmem>>)
      %dma_start3A_1236 = arith.constant 6 : i32
      %dma_start3A_1237 = arith.constant 0 : i32
      %dma_start3A_1238 = tpu.memref_slice %arg12[%dma_start3A_1236, %dma_start3A_1237] : memref<8x128xi32, #tpu.memory_space<vmem>> -> memref<1x128xi32, #tpu.memory_space<vmem>>
      %dma_start3A_1239 = tpu.memref_squeeze %dma_start3A_1238 : memref<1x128xi32, #tpu.memory_space<vmem>> -> memref<128xi32, #tpu.memory_space<vmem>>
      %dma_start3A_1240 = arith.constant 0 : i32
      %dma_start3A_1241 = arith.constant 0 : i32
      %dma_start3A_1242 = tpu.memref_slice %arg6[%dma_start3A_1240, %dma_start3A_1241] : memref<10240x128xf32, #tpu.memory_space<vmem_shared>> -> memref<10240x128xf32, #tpu.memory_space<vmem_shared>>
      tpu.enqueue_indirect_dma source(%arg13 : memref<128x128xf32, #tpu.memory_space<vmem>>) target(%dma_start3A_1242 : memref<10240x128xf32, #tpu.memory_space<vmem_shared>>) offsets(%dma_start3A_1239 : memref<128xi32, #tpu.memory_space<vmem>>) semaphore(%arg20 : memref<!tpu.dma_semaphore, #tpu.memory_space<semaphore_mem>>) {add = true}
      %dma_wait3A_1243 = arith.constant 7 : i32
      %dma_wait3A_1244 = arith.constant 0 : i32
      %dma_wait3A_1245 = tpu.memref_slice %arg12[%dma_wait3A_1243, %dma_wait3A_1244] : memref<8x128xi32, #tpu.memory_space<vmem>> -> memref<1x128xi32, #tpu.memory_space<vmem>>
      %dma_wait3A_1246 = tpu.memref_squeeze %dma_wait3A_1245 : memref<1x128xi32, #tpu.memory_space<vmem>> -> memref<128xi32, #tpu.memory_space<vmem>>
      %dma_wait3A_1247 = arith.constant 0 : i32
      %dma_wait3A_1248 = arith.constant 0 : i32
      %dma_wait3A_1249 = tpu.memref_slice %arg6[%dma_wait3A_1247, %dma_wait3A_1248] : memref<10240x128xf32, #tpu.memory_space<vmem_shared>> -> memref<10240x128xf32, #tpu.memory_space<vmem_shared>>
      tpu.wait_indirect_dma semaphore(%arg21 : memref<!tpu.dma_semaphore, #tpu.memory_space<semaphore_mem>>) src(%arg14 : memref<128x128xf32, #tpu.memory_space<vmem>>) dst(%dma_wait3A_1249 : memref<10240x128xf32, #tpu.memory_space<vmem_shared>>)
      %dma_start3A_1250 = arith.constant 7 : i32
      %dma_start3A_1251 = arith.constant 0 : i32
      %dma_start3A_1252 = tpu.memref_slice %arg9[%dma_start3A_1250, %dma_start3A_1251] : memref<8x128xi32, #tpu.memory_space<vmem>> -> memref<1x128xi32, #tpu.memory_space<vmem>>
      %dma_start3A_1253 = tpu.memref_squeeze %dma_start3A_1252 : memref<1x128xi32, #tpu.memory_space<vmem>> -> memref<128xi32, #tpu.memory_space<vmem>>
      %dma_start3A_1254 = arith.constant 0 : i32
      %dma_start3A_1255 = arith.constant 0 : i32
      %dma_start3A_1256 = tpu.memref_slice %arg4[%dma_start3A_1254, %dma_start3A_1255] : memref<10240x128xf32, #tpu.memory_space<hbm>> -> memref<10240x128xf32, #tpu.memory_space<hbm>>
      tpu.enqueue_indirect_dma source(%dma_start3A_1256 : memref<10240x128xf32, #tpu.memory_space<hbm>>) target(%arg14 : memref<128x128xf32, #tpu.memory_space<vmem>>) offsets(%dma_start3A_1253 : memref<128xi32, #tpu.memory_space<vmem>>) semaphore(%arg19 : memref<!tpu.dma_semaphore, #tpu.memory_space<semaphore_mem>>)
      %dma_wait3A_1257 = arith.constant 7 : i32
      %dma_wait3A_1258 = arith.constant 0 : i32
      %dma_wait3A_1259 = tpu.memref_slice %arg9[%dma_wait3A_1257, %dma_wait3A_1258] : memref<8x128xi32, #tpu.memory_space<vmem>> -> memref<1x128xi32, #tpu.memory_space<vmem>>
      %dma_wait3A_1260 = tpu.memref_squeeze %dma_wait3A_1259 : memref<1x128xi32, #tpu.memory_space<vmem>> -> memref<128xi32, #tpu.memory_space<vmem>>
      %dma_wait3A_1261 = arith.constant 0 : i32
      %dma_wait3A_1262 = arith.constant 0 : i32
      %dma_wait3A_1263 = tpu.memref_slice %arg4[%dma_wait3A_1261, %dma_wait3A_1262] : memref<10240x128xf32, #tpu.memory_space<hbm>> -> memref<10240x128xf32, #tpu.memory_space<hbm>>
      tpu.wait_indirect_dma semaphore(%arg19 : memref<!tpu.dma_semaphore, #tpu.memory_space<semaphore_mem>>) src(%dma_wait3A_1263 : memref<10240x128xf32, #tpu.memory_space<hbm>>) dst(%arg14 : memref<128x128xf32, #tpu.memory_space<vmem>>)
      %dma_start3A_1264 = arith.constant 7 : i32
      %dma_start3A_1265 = arith.constant 0 : i32
      %dma_start3A_1266 = tpu.memref_slice %arg12[%dma_start3A_1264, %dma_start3A_1265] : memref<8x128xi32, #tpu.memory_space<vmem>> -> memref<1x128xi32, #tpu.memory_space<vmem>>
      %dma_start3A_1267 = tpu.memref_squeeze %dma_start3A_1266 : memref<1x128xi32, #tpu.memory_space<vmem>> -> memref<128xi32, #tpu.memory_space<vmem>>
      %dma_start3A_1268 = arith.constant 0 : i32
      %dma_start3A_1269 = arith.constant 0 : i32
      %dma_start3A_1270 = tpu.memref_slice %arg6[%dma_start3A_1268, %dma_start3A_1269] : memref<10240x128xf32, #tpu.memory_space<vmem_shared>> -> memref<10240x128xf32, #tpu.memory_space<vmem_shared>>
      tpu.enqueue_indirect_dma source(%arg14 : memref<128x128xf32, #tpu.memory_space<vmem>>) target(%dma_start3A_1270 : memref<10240x128xf32, #tpu.memory_space<vmem_shared>>) offsets(%dma_start3A_1267 : memref<128xi32, #tpu.memory_space<vmem>>) semaphore(%arg21 : memref<!tpu.dma_semaphore, #tpu.memory_space<semaphore_mem>>) {add = true}
      %mul3A_1271 = arith.constant 3 : i32
      %mul3A_1272 = arith.muli %scan3A_1009, %mul3A_1271 : i32
      %add3A_1273 = arith.constant 2 : i32
      %add3A_1274 = arith.addi %add3A_1273, %mul3A_1272 : i32
      %add3A_1275 = arith.constant 1 : i32
      %add3A_1276 = arith.addi %add3A_1274, %add3A_1275 : i32
      %mul3A_1277 = arith.constant 8 : i32
      %mul3A_1278 = arith.muli %add3A_1276, %mul3A_1277 : i32
      %add3A_1279 = arith.addi %mul3A_4, %mul3A_1278 : i32
      %dma_wait3A_1280 = arith.constant 0 : i32
      %dma_wait3A_1281 = tpu.memref_slice %arg2[%add3A_1279, %dma_wait3A_1280] : memref<2560x128xi32, #tpu.memory_space<hbm>> -> memref<8x128xi32, #tpu.memory_space<hbm>>
      %dma_wait3A_1282 = arith.constant 0 : i32
      %dma_wait3A_1283 = tpu.memref_slice %arg2[%add3A_1279, %dma_wait3A_1282] : memref<2560x128xi32, #tpu.memory_space<hbm>> -> memref<8x128xi32, #tpu.memory_space<hbm>>
      tpu.wait_dma2 semaphore(%arg15 : memref<!tpu.dma_semaphore, #tpu.memory_space<semaphore_mem>>) src(%dma_wait3A_1283 : memref<8x128xi32, #tpu.memory_space<hbm>>) dst(%arg7 : memref<8x128xi32, #tpu.memory_space<vmem>>)
      %mul3A_1284 = arith.constant 8 : i32
      %mul3A_1285 = arith.muli %add3A_1276, %mul3A_1284 : i32
      %add3A_1286 = arith.addi %mul3A_4, %mul3A_1285 : i32
      %dma_wait3A_1287 = arith.constant 0 : i32
      %dma_wait3A_1288 = tpu.memref_slice %arg3[%add3A_1286, %dma_wait3A_1287] : memref<2560x128xi32, #tpu.memory_space<hbm>> -> memref<8x128xi32, #tpu.memory_space<hbm>>
      %dma_wait3A_1289 = arith.constant 0 : i32
      %dma_wait3A_1290 = tpu.memref_slice %arg3[%add3A_1286, %dma_wait3A_1289] : memref<2560x128xi32, #tpu.memory_space<hbm>> -> memref<8x128xi32, #tpu.memory_space<hbm>>
      tpu.wait_dma2 semaphore(%arg15 : memref<!tpu.dma_semaphore, #tpu.memory_space<semaphore_mem>>) src(%dma_wait3A_1290 : memref<8x128xi32, #tpu.memory_space<hbm>>) dst(%arg10 : memref<8x128xi32, #tpu.memory_space<vmem>>)
      %add3A_1291 = arith.constant 1 : i32
      %add3A_1292 = arith.addi %add3A_1276, %add3A_1291 : i32
      %mul3A_1293 = arith.constant 8 : i32
      %mul3A_1294 = arith.muli %add3A_1292, %mul3A_1293 : i32
      %add3A_1295 = arith.addi %mul3A_4, %mul3A_1294 : i32
      %dma_start3A_1296 = arith.constant 0 : i32
      %dma_start3A_1297 = tpu.memref_slice %arg2[%add3A_1295, %dma_start3A_1296] : memref<2560x128xi32, #tpu.memory_space<hbm>> -> memref<8x128xi32, #tpu.memory_space<hbm>>
      %dma_start3A_1298 = arith.constant 0 : i32
      %dma_start3A_1299 = tpu.memref_slice %arg2[%add3A_1295, %dma_start3A_1298] : memref<2560x128xi32, #tpu.memory_space<hbm>> -> memref<8x128xi32, #tpu.memory_space<hbm>>
      tpu.enqueue_dma source(%dma_start3A_1299 : memref<8x128xi32, #tpu.memory_space<hbm>>) target(%arg8 : memref<8x128xi32, #tpu.memory_space<vmem>>) target_semaphore(%arg16 : memref<!tpu.dma_semaphore, #tpu.memory_space<semaphore_mem>>)
      %mul3A_1300 = arith.constant 8 : i32
      %mul3A_1301 = arith.muli %add3A_1292, %mul3A_1300 : i32
      %add3A_1302 = arith.addi %mul3A_4, %mul3A_1301 : i32
      %dma_start3A_1303 = arith.constant 0 : i32
      %dma_start3A_1304 = tpu.memref_slice %arg3[%add3A_1302, %dma_start3A_1303] : memref<2560x128xi32, #tpu.memory_space<hbm>> -> memref<8x128xi32, #tpu.memory_space<hbm>>
      %dma_start3A_1305 = arith.constant 0 : i32
      %dma_start3A_1306 = tpu.memref_slice %arg3[%add3A_1302, %dma_start3A_1305] : memref<2560x128xi32, #tpu.memory_space<hbm>> -> memref<8x128xi32, #tpu.memory_space<hbm>>
      tpu.enqueue_dma source(%dma_start3A_1306 : memref<8x128xi32, #tpu.memory_space<hbm>>) target(%arg11 : memref<8x128xi32, #tpu.memory_space<vmem>>) target_semaphore(%arg16 : memref<!tpu.dma_semaphore, #tpu.memory_space<semaphore_mem>>)
      %dma_wait3A_1307 = arith.constant 0 : i32
      %dma_wait3A_1308 = arith.constant 0 : i32
      %dma_wait3A_1309 = tpu.memref_slice %arg10[%dma_wait3A_1307, %dma_wait3A_1308] : memref<8x128xi32, #tpu.memory_space<vmem>> -> memref<1x128xi32, #tpu.memory_space<vmem>>
      %dma_wait3A_1310 = tpu.memref_squeeze %dma_wait3A_1309 : memref<1x128xi32, #tpu.memory_space<vmem>> -> memref<128xi32, #tpu.memory_space<vmem>>
      %dma_wait3A_1311 = arith.constant 0 : i32
      %dma_wait3A_1312 = arith.constant 0 : i32
      %dma_wait3A_1313 = tpu.memref_slice %arg6[%dma_wait3A_1311, %dma_wait3A_1312] : memref<10240x128xf32, #tpu.memory_space<vmem_shared>> -> memref<10240x128xf32, #tpu.memory_space<vmem_shared>>
      tpu.wait_indirect_dma semaphore(%arg20 : memref<!tpu.dma_semaphore, #tpu.memory_space<semaphore_mem>>) src(%arg13 : memref<128x128xf32, #tpu.memory_space<vmem>>) dst(%dma_wait3A_1313 : memref<10240x128xf32, #tpu.memory_space<vmem_shared>>)
      %dma_start3A_1314 = arith.constant 0 : i32
      %dma_start3A_1315 = arith.constant 0 : i32
      %dma_start3A_1316 = tpu.memref_slice %arg7[%dma_start3A_1314, %dma_start3A_1315] : memref<8x128xi32, #tpu.memory_space<vmem>> -> memref<1x128xi32, #tpu.memory_space<vmem>>
      %dma_start3A_1317 = tpu.memref_squeeze %dma_start3A_1316 : memref<1x128xi32, #tpu.memory_space<vmem>> -> memref<128xi32, #tpu.memory_space<vmem>>
      %dma_start3A_1318 = arith.constant 0 : i32
      %dma_start3A_1319 = arith.constant 0 : i32
      %dma_start3A_1320 = tpu.memref_slice %arg4[%dma_start3A_1318, %dma_start3A_1319] : memref<10240x128xf32, #tpu.memory_space<hbm>> -> memref<10240x128xf32, #tpu.memory_space<hbm>>
      tpu.enqueue_indirect_dma source(%dma_start3A_1320 : memref<10240x128xf32, #tpu.memory_space<hbm>>) target(%arg13 : memref<128x128xf32, #tpu.memory_space<vmem>>) offsets(%dma_start3A_1317 : memref<128xi32, #tpu.memory_space<vmem>>) semaphore(%arg18 : memref<!tpu.dma_semaphore, #tpu.memory_space<semaphore_mem>>)
      %dma_wait3A_1321 = arith.constant 0 : i32
      %dma_wait3A_1322 = arith.constant 0 : i32
      %dma_wait3A_1323 = tpu.memref_slice %arg7[%dma_wait3A_1321, %dma_wait3A_1322] : memref<8x128xi32, #tpu.memory_space<vmem>> -> memref<1x128xi32, #tpu.memory_space<vmem>>
      %dma_wait3A_1324 = tpu.memref_squeeze %dma_wait3A_1323 : memref<1x128xi32, #tpu.memory_space<vmem>> -> memref<128xi32, #tpu.memory_space<vmem>>
      %dma_wait3A_1325 = arith.constant 0 : i32
      %dma_wait3A_1326 = arith.constant 0 : i32
      %dma_wait3A_1327 = tpu.memref_slice %arg4[%dma_wait3A_1325, %dma_wait3A_1326] : memref<10240x128xf32, #tpu.memory_space<hbm>> -> memref<10240x128xf32, #tpu.memory_space<hbm>>
      tpu.wait_indirect_dma semaphore(%arg18 : memref<!tpu.dma_semaphore, #tpu.memory_space<semaphore_mem>>) src(%dma_wait3A_1327 : memref<10240x128xf32, #tpu.memory_space<hbm>>) dst(%arg13 : memref<128x128xf32, #tpu.memory_space<vmem>>)
      %dma_start3A_1328 = arith.constant 0 : i32
      %dma_start3A_1329 = arith.constant 0 : i32
      %dma_start3A_1330 = tpu.memref_slice %arg10[%dma_start3A_1328, %dma_start3A_1329] : memref<8x128xi32, #tpu.memory_space<vmem>> -> memref<1x128xi32, #tpu.memory_space<vmem>>
      %dma_start3A_1331 = tpu.memref_squeeze %dma_start3A_1330 : memref<1x128xi32, #tpu.memory_space<vmem>> -> memref<128xi32, #tpu.memory_space<vmem>>
      %dma_start3A_1332 = arith.constant 0 : i32
      %dma_start3A_1333 = arith.constant 0 : i32
      %dma_start3A_1334 = tpu.memref_slice %arg6[%dma_start3A_1332, %dma_start3A_1333] : memref<10240x128xf32, #tpu.memory_space<vmem_shared>> -> memref<10240x128xf32, #tpu.memory_space<vmem_shared>>
      tpu.enqueue_indirect_dma source(%arg13 : memref<128x128xf32, #tpu.memory_space<vmem>>) target(%dma_start3A_1334 : memref<10240x128xf32, #tpu.memory_space<vmem_shared>>) offsets(%dma_start3A_1331 : memref<128xi32, #tpu.memory_space<vmem>>) semaphore(%arg20 : memref<!tpu.dma_semaphore, #tpu.memory_space<semaphore_mem>>) {add = true}
      %dma_wait3A_1335 = arith.constant 1 : i32
      %dma_wait3A_1336 = arith.constant 0 : i32
      %dma_wait3A_1337 = tpu.memref_slice %arg10[%dma_wait3A_1335, %dma_wait3A_1336] : memref<8x128xi32, #tpu.memory_space<vmem>> -> memref<1x128xi32, #tpu.memory_space<vmem>>
      %dma_wait3A_1338 = tpu.memref_squeeze %dma_wait3A_1337 : memref<1x128xi32, #tpu.memory_space<vmem>> -> memref<128xi32, #tpu.memory_space<vmem>>
      %dma_wait3A_1339 = arith.constant 0 : i32
      %dma_wait3A_1340 = arith.constant 0 : i32
      %dma_wait3A_1341 = tpu.memref_slice %arg6[%dma_wait3A_1339, %dma_wait3A_1340] : memref<10240x128xf32, #tpu.memory_space<vmem_shared>> -> memref<10240x128xf32, #tpu.memory_space<vmem_shared>>
      tpu.wait_indirect_dma semaphore(%arg21 : memref<!tpu.dma_semaphore, #tpu.memory_space<semaphore_mem>>) src(%arg14 : memref<128x128xf32, #tpu.memory_space<vmem>>) dst(%dma_wait3A_1341 : memref<10240x128xf32, #tpu.memory_space<vmem_shared>>)
      %dma_start3A_1342 = arith.constant 1 : i32
      %dma_start3A_1343 = arith.constant 0 : i32
      %dma_start3A_1344 = tpu.memref_slice %arg7[%dma_start3A_1342, %dma_start3A_1343] : memref<8x128xi32, #tpu.memory_space<vmem>> -> memref<1x128xi32, #tpu.memory_space<vmem>>
      %dma_start3A_1345 = tpu.memref_squeeze %dma_start3A_1344 : memref<1x128xi32, #tpu.memory_space<vmem>> -> memref<128xi32, #tpu.memory_space<vmem>>
      %dma_start3A_1346 = arith.constant 0 : i32
      %dma_start3A_1347 = arith.constant 0 : i32
      %dma_start3A_1348 = tpu.memref_slice %arg4[%dma_start3A_1346, %dma_start3A_1347] : memref<10240x128xf32, #tpu.memory_space<hbm>> -> memref<10240x128xf32, #tpu.memory_space<hbm>>
      tpu.enqueue_indirect_dma source(%dma_start3A_1348 : memref<10240x128xf32, #tpu.memory_space<hbm>>) target(%arg14 : memref<128x128xf32, #tpu.memory_space<vmem>>) offsets(%dma_start3A_1345 : memref<128xi32, #tpu.memory_space<vmem>>) semaphore(%arg19 : memref<!tpu.dma_semaphore, #tpu.memory_space<semaphore_mem>>)
      %dma_wait3A_1349 = arith.constant 1 : i32
      %dma_wait3A_1350 = arith.constant 0 : i32
      %dma_wait3A_1351 = tpu.memref_slice %arg7[%dma_wait3A_1349, %dma_wait3A_1350] : memref<8x128xi32, #tpu.memory_space<vmem>> -> memref<1x128xi32, #tpu.memory_space<vmem>>
      %dma_wait3A_1352 = tpu.memref_squeeze %dma_wait3A_1351 : memref<1x128xi32, #tpu.memory_space<vmem>> -> memref<128xi32, #tpu.memory_space<vmem>>
      %dma_wait3A_1353 = arith.constant 0 : i32
      %dma_wait3A_1354 = arith.constant 0 : i32
      %dma_wait3A_1355 = tpu.memref_slice %arg4[%dma_wait3A_1353, %dma_wait3A_1354] : memref<10240x128xf32, #tpu.memory_space<hbm>> -> memref<10240x128xf32, #tpu.memory_space<hbm>>
      tpu.wait_indirect_dma semaphore(%arg19 : memref<!tpu.dma_semaphore, #tpu.memory_space<semaphore_mem>>) src(%dma_wait3A_1355 : memref<10240x128xf32, #tpu.memory_space<hbm>>) dst(%arg14 : memref<128x128xf32, #tpu.memory_space<vmem>>)
      %dma_start3A_1356 = arith.constant 1 : i32
      %dma_start3A_1357 = arith.constant 0 : i32
      %dma_start3A_1358 = tpu.memref_slice %arg10[%dma_start3A_1356, %dma_start3A_1357] : memref<8x128xi32, #tpu.memory_space<vmem>> -> memref<1x128xi32, #tpu.memory_space<vmem>>
      %dma_start3A_1359 = tpu.memref_squeeze %dma_start3A_1358 : memref<1x128xi32, #tpu.memory_space<vmem>> -> memref<128xi32, #tpu.memory_space<vmem>>
      %dma_start3A_1360 = arith.constant 0 : i32
      %dma_start3A_1361 = arith.constant 0 : i32
      %dma_start3A_1362 = tpu.memref_slice %arg6[%dma_start3A_1360, %dma_start3A_1361] : memref<10240x128xf32, #tpu.memory_space<vmem_shared>> -> memref<10240x128xf32, #tpu.memory_space<vmem_shared>>
      tpu.enqueue_indirect_dma source(%arg14 : memref<128x128xf32, #tpu.memory_space<vmem>>) target(%dma_start3A_1362 : memref<10240x128xf32, #tpu.memory_space<vmem_shared>>) offsets(%dma_start3A_1359 : memref<128xi32, #tpu.memory_space<vmem>>) semaphore(%arg21 : memref<!tpu.dma_semaphore, #tpu.memory_space<semaphore_mem>>) {add = true}
      %dma_wait3A_1363 = arith.constant 2 : i32
      %dma_wait3A_1364 = arith.constant 0 : i32
      %dma_wait3A_1365 = tpu.memref_slice %arg10[%dma_wait3A_1363, %dma_wait3A_1364] : memref<8x128xi32, #tpu.memory_space<vmem>> -> memref<1x128xi32, #tpu.memory_space<vmem>>
      %dma_wait3A_1366 = tpu.memref_squeeze %dma_wait3A_1365 : memref<1x128xi32, #tpu.memory_space<vmem>> -> memref<128xi32, #tpu.memory_space<vmem>>
      %dma_wait3A_1367 = arith.constant 0 : i32
      %dma_wait3A_1368 = arith.constant 0 : i32
      %dma_wait3A_1369 = tpu.memref_slice %arg6[%dma_wait3A_1367, %dma_wait3A_1368] : memref<10240x128xf32, #tpu.memory_space<vmem_shared>> -> memref<10240x128xf32, #tpu.memory_space<vmem_shared>>
      tpu.wait_indirect_dma semaphore(%arg20 : memref<!tpu.dma_semaphore, #tpu.memory_space<semaphore_mem>>) src(%arg13 : memref<128x128xf32, #tpu.memory_space<vmem>>) dst(%dma_wait3A_1369 : memref<10240x128xf32, #tpu.memory_space<vmem_shared>>)
      %dma_start3A_1370 = arith.constant 2 : i32
      %dma_start3A_1371 = arith.constant 0 : i32
      %dma_start3A_1372 = tpu.memref_slice %arg7[%dma_start3A_1370, %dma_start3A_1371] : memref<8x128xi32, #tpu.memory_space<vmem>> -> memref<1x128xi32, #tpu.memory_space<vmem>>
      %dma_start3A_1373 = tpu.memref_squeeze %dma_start3A_1372 : memref<1x128xi32, #tpu.memory_space<vmem>> -> memref<128xi32, #tpu.memory_space<vmem>>
      %dma_start3A_1374 = arith.constant 0 : i32
      %dma_start3A_1375 = arith.constant 0 : i32
      %dma_start3A_1376 = tpu.memref_slice %arg4[%dma_start3A_1374, %dma_start3A_1375] : memref<10240x128xf32, #tpu.memory_space<hbm>> -> memref<10240x128xf32, #tpu.memory_space<hbm>>
      tpu.enqueue_indirect_dma source(%dma_start3A_1376 : memref<10240x128xf32, #tpu.memory_space<hbm>>) target(%arg13 : memref<128x128xf32, #tpu.memory_space<vmem>>) offsets(%dma_start3A_1373 : memref<128xi32, #tpu.memory_space<vmem>>) semaphore(%arg18 : memref<!tpu.dma_semaphore, #tpu.memory_space<semaphore_mem>>)
      %dma_wait3A_1377 = arith.constant 2 : i32
      %dma_wait3A_1378 = arith.constant 0 : i32
      %dma_wait3A_1379 = tpu.memref_slice %arg7[%dma_wait3A_1377, %dma_wait3A_1378] : memref<8x128xi32, #tpu.memory_space<vmem>> -> memref<1x128xi32, #tpu.memory_space<vmem>>
      %dma_wait3A_1380 = tpu.memref_squeeze %dma_wait3A_1379 : memref<1x128xi32, #tpu.memory_space<vmem>> -> memref<128xi32, #tpu.memory_space<vmem>>
      %dma_wait3A_1381 = arith.constant 0 : i32
      %dma_wait3A_1382 = arith.constant 0 : i32
      %dma_wait3A_1383 = tpu.memref_slice %arg4[%dma_wait3A_1381, %dma_wait3A_1382] : memref<10240x128xf32, #tpu.memory_space<hbm>> -> memref<10240x128xf32, #tpu.memory_space<hbm>>
      tpu.wait_indirect_dma semaphore(%arg18 : memref<!tpu.dma_semaphore, #tpu.memory_space<semaphore_mem>>) src(%dma_wait3A_1383 : memref<10240x128xf32, #tpu.memory_space<hbm>>) dst(%arg13 : memref<128x128xf32, #tpu.memory_space<vmem>>)
      %dma_start3A_1384 = arith.constant 2 : i32
      %dma_start3A_1385 = arith.constant 0 : i32
      %dma_start3A_1386 = tpu.memref_slice %arg10[%dma_start3A_1384, %dma_start3A_1385] : memref<8x128xi32, #tpu.memory_space<vmem>> -> memref<1x128xi32, #tpu.memory_space<vmem>>
      %dma_start3A_1387 = tpu.memref_squeeze %dma_start3A_1386 : memref<1x128xi32, #tpu.memory_space<vmem>> -> memref<128xi32, #tpu.memory_space<vmem>>
      %dma_start3A_1388 = arith.constant 0 : i32
      %dma_start3A_1389 = arith.constant 0 : i32
      %dma_start3A_1390 = tpu.memref_slice %arg6[%dma_start3A_1388, %dma_start3A_1389] : memref<10240x128xf32, #tpu.memory_space<vmem_shared>> -> memref<10240x128xf32, #tpu.memory_space<vmem_shared>>
      tpu.enqueue_indirect_dma source(%arg13 : memref<128x128xf32, #tpu.memory_space<vmem>>) target(%dma_start3A_1390 : memref<10240x128xf32, #tpu.memory_space<vmem_shared>>) offsets(%dma_start3A_1387 : memref<128xi32, #tpu.memory_space<vmem>>) semaphore(%arg20 : memref<!tpu.dma_semaphore, #tpu.memory_space<semaphore_mem>>) {add = true}
      %dma_wait3A_1391 = arith.constant 3 : i32
      %dma_wait3A_1392 = arith.constant 0 : i32
      %dma_wait3A_1393 = tpu.memref_slice %arg10[%dma_wait3A_1391, %dma_wait3A_1392] : memref<8x128xi32, #tpu.memory_space<vmem>> -> memref<1x128xi32, #tpu.memory_space<vmem>>
      %dma_wait3A_1394 = tpu.memref_squeeze %dma_wait3A_1393 : memref<1x128xi32, #tpu.memory_space<vmem>> -> memref<128xi32, #tpu.memory_space<vmem>>
      %dma_wait3A_1395 = arith.constant 0 : i32
      %dma_wait3A_1396 = arith.constant 0 : i32
      %dma_wait3A_1397 = tpu.memref_slice %arg6[%dma_wait3A_1395, %dma_wait3A_1396] : memref<10240x128xf32, #tpu.memory_space<vmem_shared>> -> memref<10240x128xf32, #tpu.memory_space<vmem_shared>>
      tpu.wait_indirect_dma semaphore(%arg21 : memref<!tpu.dma_semaphore, #tpu.memory_space<semaphore_mem>>) src(%arg14 : memref<128x128xf32, #tpu.memory_space<vmem>>) dst(%dma_wait3A_1397 : memref<10240x128xf32, #tpu.memory_space<vmem_shared>>)
      %dma_start3A_1398 = arith.constant 3 : i32
      %dma_start3A_1399 = arith.constant 0 : i32
      %dma_start3A_1400 = tpu.memref_slice %arg7[%dma_start3A_1398, %dma_start3A_1399] : memref<8x128xi32, #tpu.memory_space<vmem>> -> memref<1x128xi32, #tpu.memory_space<vmem>>
      %dma_start3A_1401 = tpu.memref_squeeze %dma_start3A_1400 : memref<1x128xi32, #tpu.memory_space<vmem>> -> memref<128xi32, #tpu.memory_space<vmem>>
      %dma_start3A_1402 = arith.constant 0 : i32
      %dma_start3A_1403 = arith.constant 0 : i32
      %dma_start3A_1404 = tpu.memref_slice %arg4[%dma_start3A_1402, %dma_start3A_1403] : memref<10240x128xf32, #tpu.memory_space<hbm>> -> memref<10240x128xf32, #tpu.memory_space<hbm>>
      tpu.enqueue_indirect_dma source(%dma_start3A_1404 : memref<10240x128xf32, #tpu.memory_space<hbm>>) target(%arg14 : memref<128x128xf32, #tpu.memory_space<vmem>>) offsets(%dma_start3A_1401 : memref<128xi32, #tpu.memory_space<vmem>>) semaphore(%arg19 : memref<!tpu.dma_semaphore, #tpu.memory_space<semaphore_mem>>)
      %dma_wait3A_1405 = arith.constant 3 : i32
      %dma_wait3A_1406 = arith.constant 0 : i32
      %dma_wait3A_1407 = tpu.memref_slice %arg7[%dma_wait3A_1405, %dma_wait3A_1406] : memref<8x128xi32, #tpu.memory_space<vmem>> -> memref<1x128xi32, #tpu.memory_space<vmem>>
      %dma_wait3A_1408 = tpu.memref_squeeze %dma_wait3A_1407 : memref<1x128xi32, #tpu.memory_space<vmem>> -> memref<128xi32, #tpu.memory_space<vmem>>
      %dma_wait3A_1409 = arith.constant 0 : i32
      %dma_wait3A_1410 = arith.constant 0 : i32
      %dma_wait3A_1411 = tpu.memref_slice %arg4[%dma_wait3A_1409, %dma_wait3A_1410] : memref<10240x128xf32, #tpu.memory_space<hbm>> -> memref<10240x128xf32, #tpu.memory_space<hbm>>
      tpu.wait_indirect_dma semaphore(%arg19 : memref<!tpu.dma_semaphore, #tpu.memory_space<semaphore_mem>>) src(%dma_wait3A_1411 : memref<10240x128xf32, #tpu.memory_space<hbm>>) dst(%arg14 : memref<128x128xf32, #tpu.memory_space<vmem>>)
      %dma_start3A_1412 = arith.constant 3 : i32
      %dma_start3A_1413 = arith.constant 0 : i32
      %dma_start3A_1414 = tpu.memref_slice %arg10[%dma_start3A_1412, %dma_start3A_1413] : memref<8x128xi32, #tpu.memory_space<vmem>> -> memref<1x128xi32, #tpu.memory_space<vmem>>
      %dma_start3A_1415 = tpu.memref_squeeze %dma_start3A_1414 : memref<1x128xi32, #tpu.memory_space<vmem>> -> memref<128xi32, #tpu.memory_space<vmem>>
      %dma_start3A_1416 = arith.constant 0 : i32
      %dma_start3A_1417 = arith.constant 0 : i32
      %dma_start3A_1418 = tpu.memref_slice %arg6[%dma_start3A_1416, %dma_start3A_1417] : memref<10240x128xf32, #tpu.memory_space<vmem_shared>> -> memref<10240x128xf32, #tpu.memory_space<vmem_shared>>
      tpu.enqueue_indirect_dma source(%arg14 : memref<128x128xf32, #tpu.memory_space<vmem>>) target(%dma_start3A_1418 : memref<10240x128xf32, #tpu.memory_space<vmem_shared>>) offsets(%dma_start3A_1415 : memref<128xi32, #tpu.memory_space<vmem>>) semaphore(%arg21 : memref<!tpu.dma_semaphore, #tpu.memory_space<semaphore_mem>>) {add = true}
      %dma_wait3A_1419 = arith.constant 4 : i32
      %dma_wait3A_1420 = arith.constant 0 : i32
      %dma_wait3A_1421 = tpu.memref_slice %arg10[%dma_wait3A_1419, %dma_wait3A_1420] : memref<8x128xi32, #tpu.memory_space<vmem>> -> memref<1x128xi32, #tpu.memory_space<vmem>>
      %dma_wait3A_1422 = tpu.memref_squeeze %dma_wait3A_1421 : memref<1x128xi32, #tpu.memory_space<vmem>> -> memref<128xi32, #tpu.memory_space<vmem>>
      %dma_wait3A_1423 = arith.constant 0 : i32
      %dma_wait3A_1424 = arith.constant 0 : i32
      %dma_wait3A_1425 = tpu.memref_slice %arg6[%dma_wait3A_1423, %dma_wait3A_1424] : memref<10240x128xf32, #tpu.memory_space<vmem_shared>> -> memref<10240x128xf32, #tpu.memory_space<vmem_shared>>
      tpu.wait_indirect_dma semaphore(%arg20 : memref<!tpu.dma_semaphore, #tpu.memory_space<semaphore_mem>>) src(%arg13 : memref<128x128xf32, #tpu.memory_space<vmem>>) dst(%dma_wait3A_1425 : memref<10240x128xf32, #tpu.memory_space<vmem_shared>>)
      %dma_start3A_1426 = arith.constant 4 : i32
      %dma_start3A_1427 = arith.constant 0 : i32
      %dma_start3A_1428 = tpu.memref_slice %arg7[%dma_start3A_1426, %dma_start3A_1427] : memref<8x128xi32, #tpu.memory_space<vmem>> -> memref<1x128xi32, #tpu.memory_space<vmem>>
      %dma_start3A_1429 = tpu.memref_squeeze %dma_start3A_1428 : memref<1x128xi32, #tpu.memory_space<vmem>> -> memref<128xi32, #tpu.memory_space<vmem>>
      %dma_start3A_1430 = arith.constant 0 : i32
      %dma_start3A_1431 = arith.constant 0 : i32
      %dma_start3A_1432 = tpu.memref_slice %arg4[%dma_start3A_1430, %dma_start3A_1431] : memref<10240x128xf32, #tpu.memory_space<hbm>> -> memref<10240x128xf32, #tpu.memory_space<hbm>>
      tpu.enqueue_indirect_dma source(%dma_start3A_1432 : memref<10240x128xf32, #tpu.memory_space<hbm>>) target(%arg13 : memref<128x128xf32, #tpu.memory_space<vmem>>) offsets(%dma_start3A_1429 : memref<128xi32, #tpu.memory_space<vmem>>) semaphore(%arg18 : memref<!tpu.dma_semaphore, #tpu.memory_space<semaphore_mem>>)
      %dma_wait3A_1433 = arith.constant 4 : i32
      %dma_wait3A_1434 = arith.constant 0 : i32
      %dma_wait3A_1435 = tpu.memref_slice %arg7[%dma_wait3A_1433, %dma_wait3A_1434] : memref<8x128xi32, #tpu.memory_space<vmem>> -> memref<1x128xi32, #tpu.memory_space<vmem>>
      %dma_wait3A_1436 = tpu.memref_squeeze %dma_wait3A_1435 : memref<1x128xi32, #tpu.memory_space<vmem>> -> memref<128xi32, #tpu.memory_space<vmem>>
      %dma_wait3A_1437 = arith.constant 0 : i32
      %dma_wait3A_1438 = arith.constant 0 : i32
      %dma_wait3A_1439 = tpu.memref_slice %arg4[%dma_wait3A_1437, %dma_wait3A_1438] : memref<10240x128xf32, #tpu.memory_space<hbm>> -> memref<10240x128xf32, #tpu.memory_space<hbm>>
      tpu.wait_indirect_dma semaphore(%arg18 : memref<!tpu.dma_semaphore, #tpu.memory_space<semaphore_mem>>) src(%dma_wait3A_1439 : memref<10240x128xf32, #tpu.memory_space<hbm>>) dst(%arg13 : memref<128x128xf32, #tpu.memory_space<vmem>>)
      %dma_start3A_1440 = arith.constant 4 : i32
      %dma_start3A_1441 = arith.constant 0 : i32
      %dma_start3A_1442 = tpu.memref_slice %arg10[%dma_start3A_1440, %dma_start3A_1441] : memref<8x128xi32, #tpu.memory_space<vmem>> -> memref<1x128xi32, #tpu.memory_space<vmem>>
      %dma_start3A_1443 = tpu.memref_squeeze %dma_start3A_1442 : memref<1x128xi32, #tpu.memory_space<vmem>> -> memref<128xi32, #tpu.memory_space<vmem>>
      %dma_start3A_1444 = arith.constant 0 : i32
      %dma_start3A_1445 = arith.constant 0 : i32
      %dma_start3A_1446 = tpu.memref_slice %arg6[%dma_start3A_1444, %dma_start3A_1445] : memref<10240x128xf32, #tpu.memory_space<vmem_shared>> -> memref<10240x128xf32, #tpu.memory_space<vmem_shared>>
      tpu.enqueue_indirect_dma source(%arg13 : memref<128x128xf32, #tpu.memory_space<vmem>>) target(%dma_start3A_1446 : memref<10240x128xf32, #tpu.memory_space<vmem_shared>>) offsets(%dma_start3A_1443 : memref<128xi32, #tpu.memory_space<vmem>>) semaphore(%arg20 : memref<!tpu.dma_semaphore, #tpu.memory_space<semaphore_mem>>) {add = true}
      %dma_wait3A_1447 = arith.constant 5 : i32
      %dma_wait3A_1448 = arith.constant 0 : i32
      %dma_wait3A_1449 = tpu.memref_slice %arg10[%dma_wait3A_1447, %dma_wait3A_1448] : memref<8x128xi32, #tpu.memory_space<vmem>> -> memref<1x128xi32, #tpu.memory_space<vmem>>
      %dma_wait3A_1450 = tpu.memref_squeeze %dma_wait3A_1449 : memref<1x128xi32, #tpu.memory_space<vmem>> -> memref<128xi32, #tpu.memory_space<vmem>>
      %dma_wait3A_1451 = arith.constant 0 : i32
      %dma_wait3A_1452 = arith.constant 0 : i32
      %dma_wait3A_1453 = tpu.memref_slice %arg6[%dma_wait3A_1451, %dma_wait3A_1452] : memref<10240x128xf32, #tpu.memory_space<vmem_shared>> -> memref<10240x128xf32, #tpu.memory_space<vmem_shared>>
      tpu.wait_indirect_dma semaphore(%arg21 : memref<!tpu.dma_semaphore, #tpu.memory_space<semaphore_mem>>) src(%arg14 : memref<128x128xf32, #tpu.memory_space<vmem>>) dst(%dma_wait3A_1453 : memref<10240x128xf32, #tpu.memory_space<vmem_shared>>)
      %dma_start3A_1454 = arith.constant 5 : i32
      %dma_start3A_1455 = arith.constant 0 : i32
      %dma_start3A_1456 = tpu.memref_slice %arg7[%dma_start3A_1454, %dma_start3A_1455] : memref<8x128xi32, #tpu.memory_space<vmem>> -> memref<1x128xi32, #tpu.memory_space<vmem>>
      %dma_start3A_1457 = tpu.memref_squeeze %dma_start3A_1456 : memref<1x128xi32, #tpu.memory_space<vmem>> -> memref<128xi32, #tpu.memory_space<vmem>>
      %dma_start3A_1458 = arith.constant 0 : i32
      %dma_start3A_1459 = arith.constant 0 : i32
      %dma_start3A_1460 = tpu.memref_slice %arg4[%dma_start3A_1458, %dma_start3A_1459] : memref<10240x128xf32, #tpu.memory_space<hbm>> -> memref<10240x128xf32, #tpu.memory_space<hbm>>
      tpu.enqueue_indirect_dma source(%dma_start3A_1460 : memref<10240x128xf32, #tpu.memory_space<hbm>>) target(%arg14 : memref<128x128xf32, #tpu.memory_space<vmem>>) offsets(%dma_start3A_1457 : memref<128xi32, #tpu.memory_space<vmem>>) semaphore(%arg19 : memref<!tpu.dma_semaphore, #tpu.memory_space<semaphore_mem>>)
      %dma_wait3A_1461 = arith.constant 5 : i32
      %dma_wait3A_1462 = arith.constant 0 : i32
      %dma_wait3A_1463 = tpu.memref_slice %arg7[%dma_wait3A_1461, %dma_wait3A_1462] : memref<8x128xi32, #tpu.memory_space<vmem>> -> memref<1x128xi32, #tpu.memory_space<vmem>>
      %dma_wait3A_1464 = tpu.memref_squeeze %dma_wait3A_1463 : memref<1x128xi32, #tpu.memory_space<vmem>> -> memref<128xi32, #tpu.memory_space<vmem>>
      %dma_wait3A_1465 = arith.constant 0 : i32
      %dma_wait3A_1466 = arith.constant 0 : i32
      %dma_wait3A_1467 = tpu.memref_slice %arg4[%dma_wait3A_1465, %dma_wait3A_1466] : memref<10240x128xf32, #tpu.memory_space<hbm>> -> memref<10240x128xf32, #tpu.memory_space<hbm>>
      tpu.wait_indirect_dma semaphore(%arg19 : memref<!tpu.dma_semaphore, #tpu.memory_space<semaphore_mem>>) src(%dma_wait3A_1467 : memref<10240x128xf32, #tpu.memory_space<hbm>>) dst(%arg14 : memref<128x128xf32, #tpu.memory_space<vmem>>)
      %dma_start3A_1468 = arith.constant 5 : i32
      %dma_start3A_1469 = arith.constant 0 : i32
      %dma_start3A_1470 = tpu.memref_slice %arg10[%dma_start3A_1468, %dma_start3A_1469] : memref<8x128xi32, #tpu.memory_space<vmem>> -> memref<1x128xi32, #tpu.memory_space<vmem>>
      %dma_start3A_1471 = tpu.memref_squeeze %dma_start3A_1470 : memref<1x128xi32, #tpu.memory_space<vmem>> -> memref<128xi32, #tpu.memory_space<vmem>>
      %dma_start3A_1472 = arith.constant 0 : i32
      %dma_start3A_1473 = arith.constant 0 : i32
      %dma_start3A_1474 = tpu.memref_slice %arg6[%dma_start3A_1472, %dma_start3A_1473] : memref<10240x128xf32, #tpu.memory_space<vmem_shared>> -> memref<10240x128xf32, #tpu.memory_space<vmem_shared>>
      tpu.enqueue_indirect_dma source(%arg14 : memref<128x128xf32, #tpu.memory_space<vmem>>) target(%dma_start3A_1474 : memref<10240x128xf32, #tpu.memory_space<vmem_shared>>) offsets(%dma_start3A_1471 : memref<128xi32, #tpu.memory_space<vmem>>) semaphore(%arg21 : memref<!tpu.dma_semaphore, #tpu.memory_space<semaphore_mem>>) {add = true}
      %dma_wait3A_1475 = arith.constant 6 : i32
      %dma_wait3A_1476 = arith.constant 0 : i32
      %dma_wait3A_1477 = tpu.memref_slice %arg10[%dma_wait3A_1475, %dma_wait3A_1476] : memref<8x128xi32, #tpu.memory_space<vmem>> -> memref<1x128xi32, #tpu.memory_space<vmem>>
      %dma_wait3A_1478 = tpu.memref_squeeze %dma_wait3A_1477 : memref<1x128xi32, #tpu.memory_space<vmem>> -> memref<128xi32, #tpu.memory_space<vmem>>
      %dma_wait3A_1479 = arith.constant 0 : i32
      %dma_wait3A_1480 = arith.constant 0 : i32
      %dma_wait3A_1481 = tpu.memref_slice %arg6[%dma_wait3A_1479, %dma_wait3A_1480] : memref<10240x128xf32, #tpu.memory_space<vmem_shared>> -> memref<10240x128xf32, #tpu.memory_space<vmem_shared>>
      tpu.wait_indirect_dma semaphore(%arg20 : memref<!tpu.dma_semaphore, #tpu.memory_space<semaphore_mem>>) src(%arg13 : memref<128x128xf32, #tpu.memory_space<vmem>>) dst(%dma_wait3A_1481 : memref<10240x128xf32, #tpu.memory_space<vmem_shared>>)
      %dma_start3A_1482 = arith.constant 6 : i32
      %dma_start3A_1483 = arith.constant 0 : i32
      %dma_start3A_1484 = tpu.memref_slice %arg7[%dma_start3A_1482, %dma_start3A_1483] : memref<8x128xi32, #tpu.memory_space<vmem>> -> memref<1x128xi32, #tpu.memory_space<vmem>>
      %dma_start3A_1485 = tpu.memref_squeeze %dma_start3A_1484 : memref<1x128xi32, #tpu.memory_space<vmem>> -> memref<128xi32, #tpu.memory_space<vmem>>
      %dma_start3A_1486 = arith.constant 0 : i32
      %dma_start3A_1487 = arith.constant 0 : i32
      %dma_start3A_1488 = tpu.memref_slice %arg4[%dma_start3A_1486, %dma_start3A_1487] : memref<10240x128xf32, #tpu.memory_space<hbm>> -> memref<10240x128xf32, #tpu.memory_space<hbm>>
      tpu.enqueue_indirect_dma source(%dma_start3A_1488 : memref<10240x128xf32, #tpu.memory_space<hbm>>) target(%arg13 : memref<128x128xf32, #tpu.memory_space<vmem>>) offsets(%dma_start3A_1485 : memref<128xi32, #tpu.memory_space<vmem>>) semaphore(%arg18 : memref<!tpu.dma_semaphore, #tpu.memory_space<semaphore_mem>>)
      %dma_wait3A_1489 = arith.constant 6 : i32
      %dma_wait3A_1490 = arith.constant 0 : i32
      %dma_wait3A_1491 = tpu.memref_slice %arg7[%dma_wait3A_1489, %dma_wait3A_1490] : memref<8x128xi32, #tpu.memory_space<vmem>> -> memref<1x128xi32, #tpu.memory_space<vmem>>
      %dma_wait3A_1492 = tpu.memref_squeeze %dma_wait3A_1491 : memref<1x128xi32, #tpu.memory_space<vmem>> -> memref<128xi32, #tpu.memory_space<vmem>>
      %dma_wait3A_1493 = arith.constant 0 : i32
      %dma_wait3A_1494 = arith.constant 0 : i32
      %dma_wait3A_1495 = tpu.memref_slice %arg4[%dma_wait3A_1493, %dma_wait3A_1494] : memref<10240x128xf32, #tpu.memory_space<hbm>> -> memref<10240x128xf32, #tpu.memory_space<hbm>>
      tpu.wait_indirect_dma semaphore(%arg18 : memref<!tpu.dma_semaphore, #tpu.memory_space<semaphore_mem>>) src(%dma_wait3A_1495 : memref<10240x128xf32, #tpu.memory_space<hbm>>) dst(%arg13 : memref<128x128xf32, #tpu.memory_space<vmem>>)
      %dma_start3A_1496 = arith.constant 6 : i32
      %dma_start3A_1497 = arith.constant 0 : i32
      %dma_start3A_1498 = tpu.memref_slice %arg10[%dma_start3A_1496, %dma_start3A_1497] : memref<8x128xi32, #tpu.memory_space<vmem>> -> memref<1x128xi32, #tpu.memory_space<vmem>>
      %dma_start3A_1499 = tpu.memref_squeeze %dma_start3A_1498 : memref<1x128xi32, #tpu.memory_space<vmem>> -> memref<128xi32, #tpu.memory_space<vmem>>
      %dma_start3A_1500 = arith.constant 0 : i32
      %dma_start3A_1501 = arith.constant 0 : i32
      %dma_start3A_1502 = tpu.memref_slice %arg6[%dma_start3A_1500, %dma_start3A_1501] : memref<10240x128xf32, #tpu.memory_space<vmem_shared>> -> memref<10240x128xf32, #tpu.memory_space<vmem_shared>>
      tpu.enqueue_indirect_dma source(%arg13 : memref<128x128xf32, #tpu.memory_space<vmem>>) target(%dma_start3A_1502 : memref<10240x128xf32, #tpu.memory_space<vmem_shared>>) offsets(%dma_start3A_1499 : memref<128xi32, #tpu.memory_space<vmem>>) semaphore(%arg20 : memref<!tpu.dma_semaphore, #tpu.memory_space<semaphore_mem>>) {add = true}
      %dma_wait3A_1503 = arith.constant 7 : i32
      %dma_wait3A_1504 = arith.constant 0 : i32
      %dma_wait3A_1505 = tpu.memref_slice %arg10[%dma_wait3A_1503, %dma_wait3A_1504] : memref<8x128xi32, #tpu.memory_space<vmem>> -> memref<1x128xi32, #tpu.memory_space<vmem>>
      %dma_wait3A_1506 = tpu.memref_squeeze %dma_wait3A_1505 : memref<1x128xi32, #tpu.memory_space<vmem>> -> memref<128xi32, #tpu.memory_space<vmem>>
      %dma_wait3A_1507 = arith.constant 0 : i32
      %dma_wait3A_1508 = arith.constant 0 : i32
      %dma_wait3A_1509 = tpu.memref_slice %arg6[%dma_wait3A_1507, %dma_wait3A_1508] : memref<10240x128xf32, #tpu.memory_space<vmem_shared>> -> memref<10240x128xf32, #tpu.memory_space<vmem_shared>>
      tpu.wait_indirect_dma semaphore(%arg21 : memref<!tpu.dma_semaphore, #tpu.memory_space<semaphore_mem>>) src(%arg14 : memref<128x128xf32, #tpu.memory_space<vmem>>) dst(%dma_wait3A_1509 : memref<10240x128xf32, #tpu.memory_space<vmem_shared>>)
      %dma_start3A_1510 = arith.constant 7 : i32
      %dma_start3A_1511 = arith.constant 0 : i32
      %dma_start3A_1512 = tpu.memref_slice %arg7[%dma_start3A_1510, %dma_start3A_1511] : memref<8x128xi32, #tpu.memory_space<vmem>> -> memref<1x128xi32, #tpu.memory_space<vmem>>
      %dma_start3A_1513 = tpu.memref_squeeze %dma_start3A_1512 : memref<1x128xi32, #tpu.memory_space<vmem>> -> memref<128xi32, #tpu.memory_space<vmem>>
      %dma_start3A_1514 = arith.constant 0 : i32
      %dma_start3A_1515 = arith.constant 0 : i32
      %dma_start3A_1516 = tpu.memref_slice %arg4[%dma_start3A_1514, %dma_start3A_1515] : memref<10240x128xf32, #tpu.memory_space<hbm>> -> memref<10240x128xf32, #tpu.memory_space<hbm>>
      tpu.enqueue_indirect_dma source(%dma_start3A_1516 : memref<10240x128xf32, #tpu.memory_space<hbm>>) target(%arg14 : memref<128x128xf32, #tpu.memory_space<vmem>>) offsets(%dma_start3A_1513 : memref<128xi32, #tpu.memory_space<vmem>>) semaphore(%arg19 : memref<!tpu.dma_semaphore, #tpu.memory_space<semaphore_mem>>)
      %dma_wait3A_1517 = arith.constant 7 : i32
      %dma_wait3A_1518 = arith.constant 0 : i32
      %dma_wait3A_1519 = tpu.memref_slice %arg7[%dma_wait3A_1517, %dma_wait3A_1518] : memref<8x128xi32, #tpu.memory_space<vmem>> -> memref<1x128xi32, #tpu.memory_space<vmem>>
      %dma_wait3A_1520 = tpu.memref_squeeze %dma_wait3A_1519 : memref<1x128xi32, #tpu.memory_space<vmem>> -> memref<128xi32, #tpu.memory_space<vmem>>
      %dma_wait3A_1521 = arith.constant 0 : i32
      %dma_wait3A_1522 = arith.constant 0 : i32
      %dma_wait3A_1523 = tpu.memref_slice %arg4[%dma_wait3A_1521, %dma_wait3A_1522] : memref<10240x128xf32, #tpu.memory_space<hbm>> -> memref<10240x128xf32, #tpu.memory_space<hbm>>
      tpu.wait_indirect_dma semaphore(%arg19 : memref<!tpu.dma_semaphore, #tpu.memory_space<semaphore_mem>>) src(%dma_wait3A_1523 : memref<10240x128xf32, #tpu.memory_space<hbm>>) dst(%arg14 : memref<128x128xf32, #tpu.memory_space<vmem>>)
      %dma_start3A_1524 = arith.constant 7 : i32
      %dma_start3A_1525 = arith.constant 0 : i32
      %dma_start3A_1526 = tpu.memref_slice %arg10[%dma_start3A_1524, %dma_start3A_1525] : memref<8x128xi32, #tpu.memory_space<vmem>> -> memref<1x128xi32, #tpu.memory_space<vmem>>
      %dma_start3A_1527 = tpu.memref_squeeze %dma_start3A_1526 : memref<1x128xi32, #tpu.memory_space<vmem>> -> memref<128xi32, #tpu.memory_space<vmem>>
      %dma_start3A_1528 = arith.constant 0 : i32
      %dma_start3A_1529 = arith.constant 0 : i32
      %dma_start3A_1530 = tpu.memref_slice %arg6[%dma_start3A_1528, %dma_start3A_1529] : memref<10240x128xf32, #tpu.memory_space<vmem_shared>> -> memref<10240x128xf32, #tpu.memory_space<vmem_shared>>
      tpu.enqueue_indirect_dma source(%arg14 : memref<128x128xf32, #tpu.memory_space<vmem>>) target(%dma_start3A_1530 : memref<10240x128xf32, #tpu.memory_space<vmem_shared>>) offsets(%dma_start3A_1527 : memref<128xi32, #tpu.memory_space<vmem>>) semaphore(%arg21 : memref<!tpu.dma_semaphore, #tpu.memory_space<semaphore_mem>>) {add = true}
      %mul3A_1531 = arith.constant 3 : i32
      %mul3A_1532 = arith.muli %scan3A_1009, %mul3A_1531 : i32
      %add3A_1533 = arith.constant 2 : i32
      %add3A_1534 = arith.addi %add3A_1533, %mul3A_1532 : i32
      %add3A_1535 = arith.constant 2 : i32
      %add3A_1536 = arith.addi %add3A_1534, %add3A_1535 : i32
      %mul3A_1537 = arith.constant 8 : i32
      %mul3A_1538 = arith.muli %add3A_1536, %mul3A_1537 : i32
      %add3A_1539 = arith.addi %mul3A_4, %mul3A_1538 : i32
      %dma_wait3A_1540 = arith.constant 0 : i32
      %dma_wait3A_1541 = tpu.memref_slice %arg2[%add3A_1539, %dma_wait3A_1540] : memref<2560x128xi32, #tpu.memory_space<hbm>> -> memref<8x128xi32, #tpu.memory_space<hbm>>
      %dma_wait3A_1542 = arith.constant 0 : i32
      %dma_wait3A_1543 = tpu.memref_slice %arg2[%add3A_1539, %dma_wait3A_1542] : memref<2560x128xi32, #tpu.memory_space<hbm>> -> memref<8x128xi32, #tpu.memory_space<hbm>>
      tpu.wait_dma2 semaphore(%arg16 : memref<!tpu.dma_semaphore, #tpu.memory_space<semaphore_mem>>) src(%dma_wait3A_1543 : memref<8x128xi32, #tpu.memory_space<hbm>>) dst(%arg8 : memref<8x128xi32, #tpu.memory_space<vmem>>)
      %mul3A_1544 = arith.constant 8 : i32
      %mul3A_1545 = arith.muli %add3A_1536, %mul3A_1544 : i32
      %add3A_1546 = arith.addi %mul3A_4, %mul3A_1545 : i32
      %dma_wait3A_1547 = arith.constant 0 : i32
      %dma_wait3A_1548 = tpu.memref_slice %arg3[%add3A_1546, %dma_wait3A_1547] : memref<2560x128xi32, #tpu.memory_space<hbm>> -> memref<8x128xi32, #tpu.memory_space<hbm>>
      %dma_wait3A_1549 = arith.constant 0 : i32
      %dma_wait3A_1550 = tpu.memref_slice %arg3[%add3A_1546, %dma_wait3A_1549] : memref<2560x128xi32, #tpu.memory_space<hbm>> -> memref<8x128xi32, #tpu.memory_space<hbm>>
      tpu.wait_dma2 semaphore(%arg16 : memref<!tpu.dma_semaphore, #tpu.memory_space<semaphore_mem>>) src(%dma_wait3A_1550 : memref<8x128xi32, #tpu.memory_space<hbm>>) dst(%arg11 : memref<8x128xi32, #tpu.memory_space<vmem>>)
      %add3A_1551 = arith.constant 1 : i32
      %add3A_1552 = arith.addi %add3A_1536, %add3A_1551 : i32
      %mul3A_1553 = arith.constant 8 : i32
      %mul3A_1554 = arith.muli %add3A_1552, %mul3A_1553 : i32
      %add3A_1555 = arith.addi %mul3A_4, %mul3A_1554 : i32
      %dma_start3A_1556 = arith.constant 0 : i32
      %dma_start3A_1557 = tpu.memref_slice %arg2[%add3A_1555, %dma_start3A_1556] : memref<2560x128xi32, #tpu.memory_space<hbm>> -> memref<8x128xi32, #tpu.memory_space<hbm>>
      %dma_start3A_1558 = arith.constant 0 : i32
      %dma_start3A_1559 = tpu.memref_slice %arg2[%add3A_1555, %dma_start3A_1558] : memref<2560x128xi32, #tpu.memory_space<hbm>> -> memref<8x128xi32, #tpu.memory_space<hbm>>
      tpu.enqueue_dma source(%dma_start3A_1559 : memref<8x128xi32, #tpu.memory_space<hbm>>) target(%arg9 : memref<8x128xi32, #tpu.memory_space<vmem>>) target_semaphore(%arg17 : memref<!tpu.dma_semaphore, #tpu.memory_space<semaphore_mem>>)
      %mul3A_1560 = arith.constant 8 : i32
      %mul3A_1561 = arith.muli %add3A_1552, %mul3A_1560 : i32
      %add3A_1562 = arith.addi %mul3A_4, %mul3A_1561 : i32
      %dma_start3A_1563 = arith.constant 0 : i32
      %dma_start3A_1564 = tpu.memref_slice %arg3[%add3A_1562, %dma_start3A_1563] : memref<2560x128xi32, #tpu.memory_space<hbm>> -> memref<8x128xi32, #tpu.memory_space<hbm>>
      %dma_start3A_1565 = arith.constant 0 : i32
      %dma_start3A_1566 = tpu.memref_slice %arg3[%add3A_1562, %dma_start3A_1565] : memref<2560x128xi32, #tpu.memory_space<hbm>> -> memref<8x128xi32, #tpu.memory_space<hbm>>
      tpu.enqueue_dma source(%dma_start3A_1566 : memref<8x128xi32, #tpu.memory_space<hbm>>) target(%arg12 : memref<8x128xi32, #tpu.memory_space<vmem>>) target_semaphore(%arg17 : memref<!tpu.dma_semaphore, #tpu.memory_space<semaphore_mem>>)
      %dma_wait3A_1567 = arith.constant 0 : i32
      %dma_wait3A_1568 = arith.constant 0 : i32
      %dma_wait3A_1569 = tpu.memref_slice %arg11[%dma_wait3A_1567, %dma_wait3A_1568] : memref<8x128xi32, #tpu.memory_space<vmem>> -> memref<1x128xi32, #tpu.memory_space<vmem>>
      %dma_wait3A_1570 = tpu.memref_squeeze %dma_wait3A_1569 : memref<1x128xi32, #tpu.memory_space<vmem>> -> memref<128xi32, #tpu.memory_space<vmem>>
      %dma_wait3A_1571 = arith.constant 0 : i32
      %dma_wait3A_1572 = arith.constant 0 : i32
      %dma_wait3A_1573 = tpu.memref_slice %arg6[%dma_wait3A_1571, %dma_wait3A_1572] : memref<10240x128xf32, #tpu.memory_space<vmem_shared>> -> memref<10240x128xf32, #tpu.memory_space<vmem_shared>>
      tpu.wait_indirect_dma semaphore(%arg20 : memref<!tpu.dma_semaphore, #tpu.memory_space<semaphore_mem>>) src(%arg13 : memref<128x128xf32, #tpu.memory_space<vmem>>) dst(%dma_wait3A_1573 : memref<10240x128xf32, #tpu.memory_space<vmem_shared>>)
      %dma_start3A_1574 = arith.constant 0 : i32
      %dma_start3A_1575 = arith.constant 0 : i32
      %dma_start3A_1576 = tpu.memref_slice %arg8[%dma_start3A_1574, %dma_start3A_1575] : memref<8x128xi32, #tpu.memory_space<vmem>> -> memref<1x128xi32, #tpu.memory_space<vmem>>
      %dma_start3A_1577 = tpu.memref_squeeze %dma_start3A_1576 : memref<1x128xi32, #tpu.memory_space<vmem>> -> memref<128xi32, #tpu.memory_space<vmem>>
      %dma_start3A_1578 = arith.constant 0 : i32
      %dma_start3A_1579 = arith.constant 0 : i32
      %dma_start3A_1580 = tpu.memref_slice %arg4[%dma_start3A_1578, %dma_start3A_1579] : memref<10240x128xf32, #tpu.memory_space<hbm>> -> memref<10240x128xf32, #tpu.memory_space<hbm>>
      tpu.enqueue_indirect_dma source(%dma_start3A_1580 : memref<10240x128xf32, #tpu.memory_space<hbm>>) target(%arg13 : memref<128x128xf32, #tpu.memory_space<vmem>>) offsets(%dma_start3A_1577 : memref<128xi32, #tpu.memory_space<vmem>>) semaphore(%arg18 : memref<!tpu.dma_semaphore, #tpu.memory_space<semaphore_mem>>)
      %dma_wait3A_1581 = arith.constant 0 : i32
      %dma_wait3A_1582 = arith.constant 0 : i32
      %dma_wait3A_1583 = tpu.memref_slice %arg8[%dma_wait3A_1581, %dma_wait3A_1582] : memref<8x128xi32, #tpu.memory_space<vmem>> -> memref<1x128xi32, #tpu.memory_space<vmem>>
      %dma_wait3A_1584 = tpu.memref_squeeze %dma_wait3A_1583 : memref<1x128xi32, #tpu.memory_space<vmem>> -> memref<128xi32, #tpu.memory_space<vmem>>
      %dma_wait3A_1585 = arith.constant 0 : i32
      %dma_wait3A_1586 = arith.constant 0 : i32
      %dma_wait3A_1587 = tpu.memref_slice %arg4[%dma_wait3A_1585, %dma_wait3A_1586] : memref<10240x128xf32, #tpu.memory_space<hbm>> -> memref<10240x128xf32, #tpu.memory_space<hbm>>
      tpu.wait_indirect_dma semaphore(%arg18 : memref<!tpu.dma_semaphore, #tpu.memory_space<semaphore_mem>>) src(%dma_wait3A_1587 : memref<10240x128xf32, #tpu.memory_space<hbm>>) dst(%arg13 : memref<128x128xf32, #tpu.memory_space<vmem>>)
      %dma_start3A_1588 = arith.constant 0 : i32
      %dma_start3A_1589 = arith.constant 0 : i32
      %dma_start3A_1590 = tpu.memref_slice %arg11[%dma_start3A_1588, %dma_start3A_1589] : memref<8x128xi32, #tpu.memory_space<vmem>> -> memref<1x128xi32, #tpu.memory_space<vmem>>
      %dma_start3A_1591 = tpu.memref_squeeze %dma_start3A_1590 : memref<1x128xi32, #tpu.memory_space<vmem>> -> memref<128xi32, #tpu.memory_space<vmem>>
      %dma_start3A_1592 = arith.constant 0 : i32
      %dma_start3A_1593 = arith.constant 0 : i32
      %dma_start3A_1594 = tpu.memref_slice %arg6[%dma_start3A_1592, %dma_start3A_1593] : memref<10240x128xf32, #tpu.memory_space<vmem_shared>> -> memref<10240x128xf32, #tpu.memory_space<vmem_shared>>
      tpu.enqueue_indirect_dma source(%arg13 : memref<128x128xf32, #tpu.memory_space<vmem>>) target(%dma_start3A_1594 : memref<10240x128xf32, #tpu.memory_space<vmem_shared>>) offsets(%dma_start3A_1591 : memref<128xi32, #tpu.memory_space<vmem>>) semaphore(%arg20 : memref<!tpu.dma_semaphore, #tpu.memory_space<semaphore_mem>>) {add = true}
      %dma_wait3A_1595 = arith.constant 1 : i32
      %dma_wait3A_1596 = arith.constant 0 : i32
      %dma_wait3A_1597 = tpu.memref_slice %arg11[%dma_wait3A_1595, %dma_wait3A_1596] : memref<8x128xi32, #tpu.memory_space<vmem>> -> memref<1x128xi32, #tpu.memory_space<vmem>>
      %dma_wait3A_1598 = tpu.memref_squeeze %dma_wait3A_1597 : memref<1x128xi32, #tpu.memory_space<vmem>> -> memref<128xi32, #tpu.memory_space<vmem>>
      %dma_wait3A_1599 = arith.constant 0 : i32
      %dma_wait3A_1600 = arith.constant 0 : i32
      %dma_wait3A_1601 = tpu.memref_slice %arg6[%dma_wait3A_1599, %dma_wait3A_1600] : memref<10240x128xf32, #tpu.memory_space<vmem_shared>> -> memref<10240x128xf32, #tpu.memory_space<vmem_shared>>
      tpu.wait_indirect_dma semaphore(%arg21 : memref<!tpu.dma_semaphore, #tpu.memory_space<semaphore_mem>>) src(%arg14 : memref<128x128xf32, #tpu.memory_space<vmem>>) dst(%dma_wait3A_1601 : memref<10240x128xf32, #tpu.memory_space<vmem_shared>>)
      %dma_start3A_1602 = arith.constant 1 : i32
      %dma_start3A_1603 = arith.constant 0 : i32
      %dma_start3A_1604 = tpu.memref_slice %arg8[%dma_start3A_1602, %dma_start3A_1603] : memref<8x128xi32, #tpu.memory_space<vmem>> -> memref<1x128xi32, #tpu.memory_space<vmem>>
      %dma_start3A_1605 = tpu.memref_squeeze %dma_start3A_1604 : memref<1x128xi32, #tpu.memory_space<vmem>> -> memref<128xi32, #tpu.memory_space<vmem>>
      %dma_start3A_1606 = arith.constant 0 : i32
      %dma_start3A_1607 = arith.constant 0 : i32
      %dma_start3A_1608 = tpu.memref_slice %arg4[%dma_start3A_1606, %dma_start3A_1607] : memref<10240x128xf32, #tpu.memory_space<hbm>> -> memref<10240x128xf32, #tpu.memory_space<hbm>>
      tpu.enqueue_indirect_dma source(%dma_start3A_1608 : memref<10240x128xf32, #tpu.memory_space<hbm>>) target(%arg14 : memref<128x128xf32, #tpu.memory_space<vmem>>) offsets(%dma_start3A_1605 : memref<128xi32, #tpu.memory_space<vmem>>) semaphore(%arg19 : memref<!tpu.dma_semaphore, #tpu.memory_space<semaphore_mem>>)
      %dma_wait3A_1609 = arith.constant 1 : i32
      %dma_wait3A_1610 = arith.constant 0 : i32
      %dma_wait3A_1611 = tpu.memref_slice %arg8[%dma_wait3A_1609, %dma_wait3A_1610] : memref<8x128xi32, #tpu.memory_space<vmem>> -> memref<1x128xi32, #tpu.memory_space<vmem>>
      %dma_wait3A_1612 = tpu.memref_squeeze %dma_wait3A_1611 : memref<1x128xi32, #tpu.memory_space<vmem>> -> memref<128xi32, #tpu.memory_space<vmem>>
      %dma_wait3A_1613 = arith.constant 0 : i32
      %dma_wait3A_1614 = arith.constant 0 : i32
      %dma_wait3A_1615 = tpu.memref_slice %arg4[%dma_wait3A_1613, %dma_wait3A_1614] : memref<10240x128xf32, #tpu.memory_space<hbm>> -> memref<10240x128xf32, #tpu.memory_space<hbm>>
      tpu.wait_indirect_dma semaphore(%arg19 : memref<!tpu.dma_semaphore, #tpu.memory_space<semaphore_mem>>) src(%dma_wait3A_1615 : memref<10240x128xf32, #tpu.memory_space<hbm>>) dst(%arg14 : memref<128x128xf32, #tpu.memory_space<vmem>>)
      %dma_start3A_1616 = arith.constant 1 : i32
      %dma_start3A_1617 = arith.constant 0 : i32
      %dma_start3A_1618 = tpu.memref_slice %arg11[%dma_start3A_1616, %dma_start3A_1617] : memref<8x128xi32, #tpu.memory_space<vmem>> -> memref<1x128xi32, #tpu.memory_space<vmem>>
      %dma_start3A_1619 = tpu.memref_squeeze %dma_start3A_1618 : memref<1x128xi32, #tpu.memory_space<vmem>> -> memref<128xi32, #tpu.memory_space<vmem>>
      %dma_start3A_1620 = arith.constant 0 : i32
      %dma_start3A_1621 = arith.constant 0 : i32
      %dma_start3A_1622 = tpu.memref_slice %arg6[%dma_start3A_1620, %dma_start3A_1621] : memref<10240x128xf32, #tpu.memory_space<vmem_shared>> -> memref<10240x128xf32, #tpu.memory_space<vmem_shared>>
      tpu.enqueue_indirect_dma source(%arg14 : memref<128x128xf32, #tpu.memory_space<vmem>>) target(%dma_start3A_1622 : memref<10240x128xf32, #tpu.memory_space<vmem_shared>>) offsets(%dma_start3A_1619 : memref<128xi32, #tpu.memory_space<vmem>>) semaphore(%arg21 : memref<!tpu.dma_semaphore, #tpu.memory_space<semaphore_mem>>) {add = true}
      %dma_wait3A_1623 = arith.constant 2 : i32
      %dma_wait3A_1624 = arith.constant 0 : i32
      %dma_wait3A_1625 = tpu.memref_slice %arg11[%dma_wait3A_1623, %dma_wait3A_1624] : memref<8x128xi32, #tpu.memory_space<vmem>> -> memref<1x128xi32, #tpu.memory_space<vmem>>
      %dma_wait3A_1626 = tpu.memref_squeeze %dma_wait3A_1625 : memref<1x128xi32, #tpu.memory_space<vmem>> -> memref<128xi32, #tpu.memory_space<vmem>>
      %dma_wait3A_1627 = arith.constant 0 : i32
      %dma_wait3A_1628 = arith.constant 0 : i32
      %dma_wait3A_1629 = tpu.memref_slice %arg6[%dma_wait3A_1627, %dma_wait3A_1628] : memref<10240x128xf32, #tpu.memory_space<vmem_shared>> -> memref<10240x128xf32, #tpu.memory_space<vmem_shared>>
      tpu.wait_indirect_dma semaphore(%arg20 : memref<!tpu.dma_semaphore, #tpu.memory_space<semaphore_mem>>) src(%arg13 : memref<128x128xf32, #tpu.memory_space<vmem>>) dst(%dma_wait3A_1629 : memref<10240x128xf32, #tpu.memory_space<vmem_shared>>)
      %dma_start3A_1630 = arith.constant 2 : i32
      %dma_start3A_1631 = arith.constant 0 : i32
      %dma_start3A_1632 = tpu.memref_slice %arg8[%dma_start3A_1630, %dma_start3A_1631] : memref<8x128xi32, #tpu.memory_space<vmem>> -> memref<1x128xi32, #tpu.memory_space<vmem>>
      %dma_start3A_1633 = tpu.memref_squeeze %dma_start3A_1632 : memref<1x128xi32, #tpu.memory_space<vmem>> -> memref<128xi32, #tpu.memory_space<vmem>>
      %dma_start3A_1634 = arith.constant 0 : i32
      %dma_start3A_1635 = arith.constant 0 : i32
      %dma_start3A_1636 = tpu.memref_slice %arg4[%dma_start3A_1634, %dma_start3A_1635] : memref<10240x128xf32, #tpu.memory_space<hbm>> -> memref<10240x128xf32, #tpu.memory_space<hbm>>
      tpu.enqueue_indirect_dma source(%dma_start3A_1636 : memref<10240x128xf32, #tpu.memory_space<hbm>>) target(%arg13 : memref<128x128xf32, #tpu.memory_space<vmem>>) offsets(%dma_start3A_1633 : memref<128xi32, #tpu.memory_space<vmem>>) semaphore(%arg18 : memref<!tpu.dma_semaphore, #tpu.memory_space<semaphore_mem>>)
      %dma_wait3A_1637 = arith.constant 2 : i32
      %dma_wait3A_1638 = arith.constant 0 : i32
      %dma_wait3A_1639 = tpu.memref_slice %arg8[%dma_wait3A_1637, %dma_wait3A_1638] : memref<8x128xi32, #tpu.memory_space<vmem>> -> memref<1x128xi32, #tpu.memory_space<vmem>>
      %dma_wait3A_1640 = tpu.memref_squeeze %dma_wait3A_1639 : memref<1x128xi32, #tpu.memory_space<vmem>> -> memref<128xi32, #tpu.memory_space<vmem>>
      %dma_wait3A_1641 = arith.constant 0 : i32
      %dma_wait3A_1642 = arith.constant 0 : i32
      %dma_wait3A_1643 = tpu.memref_slice %arg4[%dma_wait3A_1641, %dma_wait3A_1642] : memref<10240x128xf32, #tpu.memory_space<hbm>> -> memref<10240x128xf32, #tpu.memory_space<hbm>>
      tpu.wait_indirect_dma semaphore(%arg18 : memref<!tpu.dma_semaphore, #tpu.memory_space<semaphore_mem>>) src(%dma_wait3A_1643 : memref<10240x128xf32, #tpu.memory_space<hbm>>) dst(%arg13 : memref<128x128xf32, #tpu.memory_space<vmem>>)
      %dma_start3A_1644 = arith.constant 2 : i32
      %dma_start3A_1645 = arith.constant 0 : i32
      %dma_start3A_1646 = tpu.memref_slice %arg11[%dma_start3A_1644, %dma_start3A_1645] : memref<8x128xi32, #tpu.memory_space<vmem>> -> memref<1x128xi32, #tpu.memory_space<vmem>>
      %dma_start3A_1647 = tpu.memref_squeeze %dma_start3A_1646 : memref<1x128xi32, #tpu.memory_space<vmem>> -> memref<128xi32, #tpu.memory_space<vmem>>
      %dma_start3A_1648 = arith.constant 0 : i32
      %dma_start3A_1649 = arith.constant 0 : i32
      %dma_start3A_1650 = tpu.memref_slice %arg6[%dma_start3A_1648, %dma_start3A_1649] : memref<10240x128xf32, #tpu.memory_space<vmem_shared>> -> memref<10240x128xf32, #tpu.memory_space<vmem_shared>>
      tpu.enqueue_indirect_dma source(%arg13 : memref<128x128xf32, #tpu.memory_space<vmem>>) target(%dma_start3A_1650 : memref<10240x128xf32, #tpu.memory_space<vmem_shared>>) offsets(%dma_start3A_1647 : memref<128xi32, #tpu.memory_space<vmem>>) semaphore(%arg20 : memref<!tpu.dma_semaphore, #tpu.memory_space<semaphore_mem>>) {add = true}
      %dma_wait3A_1651 = arith.constant 3 : i32
      %dma_wait3A_1652 = arith.constant 0 : i32
      %dma_wait3A_1653 = tpu.memref_slice %arg11[%dma_wait3A_1651, %dma_wait3A_1652] : memref<8x128xi32, #tpu.memory_space<vmem>> -> memref<1x128xi32, #tpu.memory_space<vmem>>
      %dma_wait3A_1654 = tpu.memref_squeeze %dma_wait3A_1653 : memref<1x128xi32, #tpu.memory_space<vmem>> -> memref<128xi32, #tpu.memory_space<vmem>>
      %dma_wait3A_1655 = arith.constant 0 : i32
      %dma_wait3A_1656 = arith.constant 0 : i32
      %dma_wait3A_1657 = tpu.memref_slice %arg6[%dma_wait3A_1655, %dma_wait3A_1656] : memref<10240x128xf32, #tpu.memory_space<vmem_shared>> -> memref<10240x128xf32, #tpu.memory_space<vmem_shared>>
      tpu.wait_indirect_dma semaphore(%arg21 : memref<!tpu.dma_semaphore, #tpu.memory_space<semaphore_mem>>) src(%arg14 : memref<128x128xf32, #tpu.memory_space<vmem>>) dst(%dma_wait3A_1657 : memref<10240x128xf32, #tpu.memory_space<vmem_shared>>)
      %dma_start3A_1658 = arith.constant 3 : i32
      %dma_start3A_1659 = arith.constant 0 : i32
      %dma_start3A_1660 = tpu.memref_slice %arg8[%dma_start3A_1658, %dma_start3A_1659] : memref<8x128xi32, #tpu.memory_space<vmem>> -> memref<1x128xi32, #tpu.memory_space<vmem>>
      %dma_start3A_1661 = tpu.memref_squeeze %dma_start3A_1660 : memref<1x128xi32, #tpu.memory_space<vmem>> -> memref<128xi32, #tpu.memory_space<vmem>>
      %dma_start3A_1662 = arith.constant 0 : i32
      %dma_start3A_1663 = arith.constant 0 : i32
      %dma_start3A_1664 = tpu.memref_slice %arg4[%dma_start3A_1662, %dma_start3A_1663] : memref<10240x128xf32, #tpu.memory_space<hbm>> -> memref<10240x128xf32, #tpu.memory_space<hbm>>
      tpu.enqueue_indirect_dma source(%dma_start3A_1664 : memref<10240x128xf32, #tpu.memory_space<hbm>>) target(%arg14 : memref<128x128xf32, #tpu.memory_space<vmem>>) offsets(%dma_start3A_1661 : memref<128xi32, #tpu.memory_space<vmem>>) semaphore(%arg19 : memref<!tpu.dma_semaphore, #tpu.memory_space<semaphore_mem>>)
      %dma_wait3A_1665 = arith.constant 3 : i32
      %dma_wait3A_1666 = arith.constant 0 : i32
      %dma_wait3A_1667 = tpu.memref_slice %arg8[%dma_wait3A_1665, %dma_wait3A_1666] : memref<8x128xi32, #tpu.memory_space<vmem>> -> memref<1x128xi32, #tpu.memory_space<vmem>>
      %dma_wait3A_1668 = tpu.memref_squeeze %dma_wait3A_1667 : memref<1x128xi32, #tpu.memory_space<vmem>> -> memref<128xi32, #tpu.memory_space<vmem>>
      %dma_wait3A_1669 = arith.constant 0 : i32
      %dma_wait3A_1670 = arith.constant 0 : i32
      %dma_wait3A_1671 = tpu.memref_slice %arg4[%dma_wait3A_1669, %dma_wait3A_1670] : memref<10240x128xf32, #tpu.memory_space<hbm>> -> memref<10240x128xf32, #tpu.memory_space<hbm>>
      tpu.wait_indirect_dma semaphore(%arg19 : memref<!tpu.dma_semaphore, #tpu.memory_space<semaphore_mem>>) src(%dma_wait3A_1671 : memref<10240x128xf32, #tpu.memory_space<hbm>>) dst(%arg14 : memref<128x128xf32, #tpu.memory_space<vmem>>)
      %dma_start3A_1672 = arith.constant 3 : i32
      %dma_start3A_1673 = arith.constant 0 : i32
      %dma_start3A_1674 = tpu.memref_slice %arg11[%dma_start3A_1672, %dma_start3A_1673] : memref<8x128xi32, #tpu.memory_space<vmem>> -> memref<1x128xi32, #tpu.memory_space<vmem>>
      %dma_start3A_1675 = tpu.memref_squeeze %dma_start3A_1674 : memref<1x128xi32, #tpu.memory_space<vmem>> -> memref<128xi32, #tpu.memory_space<vmem>>
      %dma_start3A_1676 = arith.constant 0 : i32
      %dma_start3A_1677 = arith.constant 0 : i32
      %dma_start3A_1678 = tpu.memref_slice %arg6[%dma_start3A_1676, %dma_start3A_1677] : memref<10240x128xf32, #tpu.memory_space<vmem_shared>> -> memref<10240x128xf32, #tpu.memory_space<vmem_shared>>
      tpu.enqueue_indirect_dma source(%arg14 : memref<128x128xf32, #tpu.memory_space<vmem>>) target(%dma_start3A_1678 : memref<10240x128xf32, #tpu.memory_space<vmem_shared>>) offsets(%dma_start3A_1675 : memref<128xi32, #tpu.memory_space<vmem>>) semaphore(%arg21 : memref<!tpu.dma_semaphore, #tpu.memory_space<semaphore_mem>>) {add = true}
      %dma_wait3A_1679 = arith.constant 4 : i32
      %dma_wait3A_1680 = arith.constant 0 : i32
      %dma_wait3A_1681 = tpu.memref_slice %arg11[%dma_wait3A_1679, %dma_wait3A_1680] : memref<8x128xi32, #tpu.memory_space<vmem>> -> memref<1x128xi32, #tpu.memory_space<vmem>>
      %dma_wait3A_1682 = tpu.memref_squeeze %dma_wait3A_1681 : memref<1x128xi32, #tpu.memory_space<vmem>> -> memref<128xi32, #tpu.memory_space<vmem>>
      %dma_wait3A_1683 = arith.constant 0 : i32
      %dma_wait3A_1684 = arith.constant 0 : i32
      %dma_wait3A_1685 = tpu.memref_slice %arg6[%dma_wait3A_1683, %dma_wait3A_1684] : memref<10240x128xf32, #tpu.memory_space<vmem_shared>> -> memref<10240x128xf32, #tpu.memory_space<vmem_shared>>
      tpu.wait_indirect_dma semaphore(%arg20 : memref<!tpu.dma_semaphore, #tpu.memory_space<semaphore_mem>>) src(%arg13 : memref<128x128xf32, #tpu.memory_space<vmem>>) dst(%dma_wait3A_1685 : memref<10240x128xf32, #tpu.memory_space<vmem_shared>>)
      %dma_start3A_1686 = arith.constant 4 : i32
      %dma_start3A_1687 = arith.constant 0 : i32
      %dma_start3A_1688 = tpu.memref_slice %arg8[%dma_start3A_1686, %dma_start3A_1687] : memref<8x128xi32, #tpu.memory_space<vmem>> -> memref<1x128xi32, #tpu.memory_space<vmem>>
      %dma_start3A_1689 = tpu.memref_squeeze %dma_start3A_1688 : memref<1x128xi32, #tpu.memory_space<vmem>> -> memref<128xi32, #tpu.memory_space<vmem>>
      %dma_start3A_1690 = arith.constant 0 : i32
      %dma_start3A_1691 = arith.constant 0 : i32
      %dma_start3A_1692 = tpu.memref_slice %arg4[%dma_start3A_1690, %dma_start3A_1691] : memref<10240x128xf32, #tpu.memory_space<hbm>> -> memref<10240x128xf32, #tpu.memory_space<hbm>>
      tpu.enqueue_indirect_dma source(%dma_start3A_1692 : memref<10240x128xf32, #tpu.memory_space<hbm>>) target(%arg13 : memref<128x128xf32, #tpu.memory_space<vmem>>) offsets(%dma_start3A_1689 : memref<128xi32, #tpu.memory_space<vmem>>) semaphore(%arg18 : memref<!tpu.dma_semaphore, #tpu.memory_space<semaphore_mem>>)
      %dma_wait3A_1693 = arith.constant 4 : i32
      %dma_wait3A_1694 = arith.constant 0 : i32
      %dma_wait3A_1695 = tpu.memref_slice %arg8[%dma_wait3A_1693, %dma_wait3A_1694] : memref<8x128xi32, #tpu.memory_space<vmem>> -> memref<1x128xi32, #tpu.memory_space<vmem>>
      %dma_wait3A_1696 = tpu.memref_squeeze %dma_wait3A_1695 : memref<1x128xi32, #tpu.memory_space<vmem>> -> memref<128xi32, #tpu.memory_space<vmem>>
      %dma_wait3A_1697 = arith.constant 0 : i32
      %dma_wait3A_1698 = arith.constant 0 : i32
      %dma_wait3A_1699 = tpu.memref_slice %arg4[%dma_wait3A_1697, %dma_wait3A_1698] : memref<10240x128xf32, #tpu.memory_space<hbm>> -> memref<10240x128xf32, #tpu.memory_space<hbm>>
      tpu.wait_indirect_dma semaphore(%arg18 : memref<!tpu.dma_semaphore, #tpu.memory_space<semaphore_mem>>) src(%dma_wait3A_1699 : memref<10240x128xf32, #tpu.memory_space<hbm>>) dst(%arg13 : memref<128x128xf32, #tpu.memory_space<vmem>>)
      %dma_start3A_1700 = arith.constant 4 : i32
      %dma_start3A_1701 = arith.constant 0 : i32
      %dma_start3A_1702 = tpu.memref_slice %arg11[%dma_start3A_1700, %dma_start3A_1701] : memref<8x128xi32, #tpu.memory_space<vmem>> -> memref<1x128xi32, #tpu.memory_space<vmem>>
      %dma_start3A_1703 = tpu.memref_squeeze %dma_start3A_1702 : memref<1x128xi32, #tpu.memory_space<vmem>> -> memref<128xi32, #tpu.memory_space<vmem>>
      %dma_start3A_1704 = arith.constant 0 : i32
      %dma_start3A_1705 = arith.constant 0 : i32
      %dma_start3A_1706 = tpu.memref_slice %arg6[%dma_start3A_1704, %dma_start3A_1705] : memref<10240x128xf32, #tpu.memory_space<vmem_shared>> -> memref<10240x128xf32, #tpu.memory_space<vmem_shared>>
      tpu.enqueue_indirect_dma source(%arg13 : memref<128x128xf32, #tpu.memory_space<vmem>>) target(%dma_start3A_1706 : memref<10240x128xf32, #tpu.memory_space<vmem_shared>>) offsets(%dma_start3A_1703 : memref<128xi32, #tpu.memory_space<vmem>>) semaphore(%arg20 : memref<!tpu.dma_semaphore, #tpu.memory_space<semaphore_mem>>) {add = true}
      %dma_wait3A_1707 = arith.constant 5 : i32
      %dma_wait3A_1708 = arith.constant 0 : i32
      %dma_wait3A_1709 = tpu.memref_slice %arg11[%dma_wait3A_1707, %dma_wait3A_1708] : memref<8x128xi32, #tpu.memory_space<vmem>> -> memref<1x128xi32, #tpu.memory_space<vmem>>
      %dma_wait3A_1710 = tpu.memref_squeeze %dma_wait3A_1709 : memref<1x128xi32, #tpu.memory_space<vmem>> -> memref<128xi32, #tpu.memory_space<vmem>>
      %dma_wait3A_1711 = arith.constant 0 : i32
      %dma_wait3A_1712 = arith.constant 0 : i32
      %dma_wait3A_1713 = tpu.memref_slice %arg6[%dma_wait3A_1711, %dma_wait3A_1712] : memref<10240x128xf32, #tpu.memory_space<vmem_shared>> -> memref<10240x128xf32, #tpu.memory_space<vmem_shared>>
      tpu.wait_indirect_dma semaphore(%arg21 : memref<!tpu.dma_semaphore, #tpu.memory_space<semaphore_mem>>) src(%arg14 : memref<128x128xf32, #tpu.memory_space<vmem>>) dst(%dma_wait3A_1713 : memref<10240x128xf32, #tpu.memory_space<vmem_shared>>)
      %dma_start3A_1714 = arith.constant 5 : i32
      %dma_start3A_1715 = arith.constant 0 : i32
      %dma_start3A_1716 = tpu.memref_slice %arg8[%dma_start3A_1714, %dma_start3A_1715] : memref<8x128xi32, #tpu.memory_space<vmem>> -> memref<1x128xi32, #tpu.memory_space<vmem>>
      %dma_start3A_1717 = tpu.memref_squeeze %dma_start3A_1716 : memref<1x128xi32, #tpu.memory_space<vmem>> -> memref<128xi32, #tpu.memory_space<vmem>>
      %dma_start3A_1718 = arith.constant 0 : i32
      %dma_start3A_1719 = arith.constant 0 : i32
      %dma_start3A_1720 = tpu.memref_slice %arg4[%dma_start3A_1718, %dma_start3A_1719] : memref<10240x128xf32, #tpu.memory_space<hbm>> -> memref<10240x128xf32, #tpu.memory_space<hbm>>
      tpu.enqueue_indirect_dma source(%dma_start3A_1720 : memref<10240x128xf32, #tpu.memory_space<hbm>>) target(%arg14 : memref<128x128xf32, #tpu.memory_space<vmem>>) offsets(%dma_start3A_1717 : memref<128xi32, #tpu.memory_space<vmem>>) semaphore(%arg19 : memref<!tpu.dma_semaphore, #tpu.memory_space<semaphore_mem>>)
      %dma_wait3A_1721 = arith.constant 5 : i32
      %dma_wait3A_1722 = arith.constant 0 : i32
      %dma_wait3A_1723 = tpu.memref_slice %arg8[%dma_wait3A_1721, %dma_wait3A_1722] : memref<8x128xi32, #tpu.memory_space<vmem>> -> memref<1x128xi32, #tpu.memory_space<vmem>>
      %dma_wait3A_1724 = tpu.memref_squeeze %dma_wait3A_1723 : memref<1x128xi32, #tpu.memory_space<vmem>> -> memref<128xi32, #tpu.memory_space<vmem>>
      %dma_wait3A_1725 = arith.constant 0 : i32
      %dma_wait3A_1726 = arith.constant 0 : i32
      %dma_wait3A_1727 = tpu.memref_slice %arg4[%dma_wait3A_1725, %dma_wait3A_1726] : memref<10240x128xf32, #tpu.memory_space<hbm>> -> memref<10240x128xf32, #tpu.memory_space<hbm>>
      tpu.wait_indirect_dma semaphore(%arg19 : memref<!tpu.dma_semaphore, #tpu.memory_space<semaphore_mem>>) src(%dma_wait3A_1727 : memref<10240x128xf32, #tpu.memory_space<hbm>>) dst(%arg14 : memref<128x128xf32, #tpu.memory_space<vmem>>)
      %dma_start3A_1728 = arith.constant 5 : i32
      %dma_start3A_1729 = arith.constant 0 : i32
      %dma_start3A_1730 = tpu.memref_slice %arg11[%dma_start3A_1728, %dma_start3A_1729] : memref<8x128xi32, #tpu.memory_space<vmem>> -> memref<1x128xi32, #tpu.memory_space<vmem>>
      %dma_start3A_1731 = tpu.memref_squeeze %dma_start3A_1730 : memref<1x128xi32, #tpu.memory_space<vmem>> -> memref<128xi32, #tpu.memory_space<vmem>>
      %dma_start3A_1732 = arith.constant 0 : i32
      %dma_start3A_1733 = arith.constant 0 : i32
      %dma_start3A_1734 = tpu.memref_slice %arg6[%dma_start3A_1732, %dma_start3A_1733] : memref<10240x128xf32, #tpu.memory_space<vmem_shared>> -> memref<10240x128xf32, #tpu.memory_space<vmem_shared>>
      tpu.enqueue_indirect_dma source(%arg14 : memref<128x128xf32, #tpu.memory_space<vmem>>) target(%dma_start3A_1734 : memref<10240x128xf32, #tpu.memory_space<vmem_shared>>) offsets(%dma_start3A_1731 : memref<128xi32, #tpu.memory_space<vmem>>) semaphore(%arg21 : memref<!tpu.dma_semaphore, #tpu.memory_space<semaphore_mem>>) {add = true}
      %dma_wait3A_1735 = arith.constant 6 : i32
      %dma_wait3A_1736 = arith.constant 0 : i32
      %dma_wait3A_1737 = tpu.memref_slice %arg11[%dma_wait3A_1735, %dma_wait3A_1736] : memref<8x128xi32, #tpu.memory_space<vmem>> -> memref<1x128xi32, #tpu.memory_space<vmem>>
      %dma_wait3A_1738 = tpu.memref_squeeze %dma_wait3A_1737 : memref<1x128xi32, #tpu.memory_space<vmem>> -> memref<128xi32, #tpu.memory_space<vmem>>
      %dma_wait3A_1739 = arith.constant 0 : i32
      %dma_wait3A_1740 = arith.constant 0 : i32
      %dma_wait3A_1741 = tpu.memref_slice %arg6[%dma_wait3A_1739, %dma_wait3A_1740] : memref<10240x128xf32, #tpu.memory_space<vmem_shared>> -> memref<10240x128xf32, #tpu.memory_space<vmem_shared>>
      tpu.wait_indirect_dma semaphore(%arg20 : memref<!tpu.dma_semaphore, #tpu.memory_space<semaphore_mem>>) src(%arg13 : memref<128x128xf32, #tpu.memory_space<vmem>>) dst(%dma_wait3A_1741 : memref<10240x128xf32, #tpu.memory_space<vmem_shared>>)
      %dma_start3A_1742 = arith.constant 6 : i32
      %dma_start3A_1743 = arith.constant 0 : i32
      %dma_start3A_1744 = tpu.memref_slice %arg8[%dma_start3A_1742, %dma_start3A_1743] : memref<8x128xi32, #tpu.memory_space<vmem>> -> memref<1x128xi32, #tpu.memory_space<vmem>>
      %dma_start3A_1745 = tpu.memref_squeeze %dma_start3A_1744 : memref<1x128xi32, #tpu.memory_space<vmem>> -> memref<128xi32, #tpu.memory_space<vmem>>
      %dma_start3A_1746 = arith.constant 0 : i32
      %dma_start3A_1747 = arith.constant 0 : i32
      %dma_start3A_1748 = tpu.memref_slice %arg4[%dma_start3A_1746, %dma_start3A_1747] : memref<10240x128xf32, #tpu.memory_space<hbm>> -> memref<10240x128xf32, #tpu.memory_space<hbm>>
      tpu.enqueue_indirect_dma source(%dma_start3A_1748 : memref<10240x128xf32, #tpu.memory_space<hbm>>) target(%arg13 : memref<128x128xf32, #tpu.memory_space<vmem>>) offsets(%dma_start3A_1745 : memref<128xi32, #tpu.memory_space<vmem>>) semaphore(%arg18 : memref<!tpu.dma_semaphore, #tpu.memory_space<semaphore_mem>>)
      %dma_wait3A_1749 = arith.constant 6 : i32
      %dma_wait3A_1750 = arith.constant 0 : i32
      %dma_wait3A_1751 = tpu.memref_slice %arg8[%dma_wait3A_1749, %dma_wait3A_1750] : memref<8x128xi32, #tpu.memory_space<vmem>> -> memref<1x128xi32, #tpu.memory_space<vmem>>
      %dma_wait3A_1752 = tpu.memref_squeeze %dma_wait3A_1751 : memref<1x128xi32, #tpu.memory_space<vmem>> -> memref<128xi32, #tpu.memory_space<vmem>>
      %dma_wait3A_1753 = arith.constant 0 : i32
      %dma_wait3A_1754 = arith.constant 0 : i32
      %dma_wait3A_1755 = tpu.memref_slice %arg4[%dma_wait3A_1753, %dma_wait3A_1754] : memref<10240x128xf32, #tpu.memory_space<hbm>> -> memref<10240x128xf32, #tpu.memory_space<hbm>>
      tpu.wait_indirect_dma semaphore(%arg18 : memref<!tpu.dma_semaphore, #tpu.memory_space<semaphore_mem>>) src(%dma_wait3A_1755 : memref<10240x128xf32, #tpu.memory_space<hbm>>) dst(%arg13 : memref<128x128xf32, #tpu.memory_space<vmem>>)
      %dma_start3A_1756 = arith.constant 6 : i32
      %dma_start3A_1757 = arith.constant 0 : i32
      %dma_start3A_1758 = tpu.memref_slice %arg11[%dma_start3A_1756, %dma_start3A_1757] : memref<8x128xi32, #tpu.memory_space<vmem>> -> memref<1x128xi32, #tpu.memory_space<vmem>>
      %dma_start3A_1759 = tpu.memref_squeeze %dma_start3A_1758 : memref<1x128xi32, #tpu.memory_space<vmem>> -> memref<128xi32, #tpu.memory_space<vmem>>
      %dma_start3A_1760 = arith.constant 0 : i32
      %dma_start3A_1761 = arith.constant 0 : i32
      %dma_start3A_1762 = tpu.memref_slice %arg6[%dma_start3A_1760, %dma_start3A_1761] : memref<10240x128xf32, #tpu.memory_space<vmem_shared>> -> memref<10240x128xf32, #tpu.memory_space<vmem_shared>>
      tpu.enqueue_indirect_dma source(%arg13 : memref<128x128xf32, #tpu.memory_space<vmem>>) target(%dma_start3A_1762 : memref<10240x128xf32, #tpu.memory_space<vmem_shared>>) offsets(%dma_start3A_1759 : memref<128xi32, #tpu.memory_space<vmem>>) semaphore(%arg20 : memref<!tpu.dma_semaphore, #tpu.memory_space<semaphore_mem>>) {add = true}
      %dma_wait3A_1763 = arith.constant 7 : i32
      %dma_wait3A_1764 = arith.constant 0 : i32
      %dma_wait3A_1765 = tpu.memref_slice %arg11[%dma_wait3A_1763, %dma_wait3A_1764] : memref<8x128xi32, #tpu.memory_space<vmem>> -> memref<1x128xi32, #tpu.memory_space<vmem>>
      %dma_wait3A_1766 = tpu.memref_squeeze %dma_wait3A_1765 : memref<1x128xi32, #tpu.memory_space<vmem>> -> memref<128xi32, #tpu.memory_space<vmem>>
      %dma_wait3A_1767 = arith.constant 0 : i32
      %dma_wait3A_1768 = arith.constant 0 : i32
      %dma_wait3A_1769 = tpu.memref_slice %arg6[%dma_wait3A_1767, %dma_wait3A_1768] : memref<10240x128xf32, #tpu.memory_space<vmem_shared>> -> memref<10240x128xf32, #tpu.memory_space<vmem_shared>>
      tpu.wait_indirect_dma semaphore(%arg21 : memref<!tpu.dma_semaphore, #tpu.memory_space<semaphore_mem>>) src(%arg14 : memref<128x128xf32, #tpu.memory_space<vmem>>) dst(%dma_wait3A_1769 : memref<10240x128xf32, #tpu.memory_space<vmem_shared>>)
      %dma_start3A_1770 = arith.constant 7 : i32
      %dma_start3A_1771 = arith.constant 0 : i32
      %dma_start3A_1772 = tpu.memref_slice %arg8[%dma_start3A_1770, %dma_start3A_1771] : memref<8x128xi32, #tpu.memory_space<vmem>> -> memref<1x128xi32, #tpu.memory_space<vmem>>
      %dma_start3A_1773 = tpu.memref_squeeze %dma_start3A_1772 : memref<1x128xi32, #tpu.memory_space<vmem>> -> memref<128xi32, #tpu.memory_space<vmem>>
      %dma_start3A_1774 = arith.constant 0 : i32
      %dma_start3A_1775 = arith.constant 0 : i32
      %dma_start3A_1776 = tpu.memref_slice %arg4[%dma_start3A_1774, %dma_start3A_1775] : memref<10240x128xf32, #tpu.memory_space<hbm>> -> memref<10240x128xf32, #tpu.memory_space<hbm>>
      tpu.enqueue_indirect_dma source(%dma_start3A_1776 : memref<10240x128xf32, #tpu.memory_space<hbm>>) target(%arg14 : memref<128x128xf32, #tpu.memory_space<vmem>>) offsets(%dma_start3A_1773 : memref<128xi32, #tpu.memory_space<vmem>>) semaphore(%arg19 : memref<!tpu.dma_semaphore, #tpu.memory_space<semaphore_mem>>)
      %dma_wait3A_1777 = arith.constant 7 : i32
      %dma_wait3A_1778 = arith.constant 0 : i32
      %dma_wait3A_1779 = tpu.memref_slice %arg8[%dma_wait3A_1777, %dma_wait3A_1778] : memref<8x128xi32, #tpu.memory_space<vmem>> -> memref<1x128xi32, #tpu.memory_space<vmem>>
      %dma_wait3A_1780 = tpu.memref_squeeze %dma_wait3A_1779 : memref<1x128xi32, #tpu.memory_space<vmem>> -> memref<128xi32, #tpu.memory_space<vmem>>
      %dma_wait3A_1781 = arith.constant 0 : i32
      %dma_wait3A_1782 = arith.constant 0 : i32
      %dma_wait3A_1783 = tpu.memref_slice %arg4[%dma_wait3A_1781, %dma_wait3A_1782] : memref<10240x128xf32, #tpu.memory_space<hbm>> -> memref<10240x128xf32, #tpu.memory_space<hbm>>
      tpu.wait_indirect_dma semaphore(%arg19 : memref<!tpu.dma_semaphore, #tpu.memory_space<semaphore_mem>>) src(%dma_wait3A_1783 : memref<10240x128xf32, #tpu.memory_space<hbm>>) dst(%arg14 : memref<128x128xf32, #tpu.memory_space<vmem>>)
      %dma_start3A_1784 = arith.constant 7 : i32
      %dma_start3A_1785 = arith.constant 0 : i32
      %dma_start3A_1786 = tpu.memref_slice %arg11[%dma_start3A_1784, %dma_start3A_1785] : memref<8x128xi32, #tpu.memory_space<vmem>> -> memref<1x128xi32, #tpu.memory_space<vmem>>
      %dma_start3A_1787 = tpu.memref_squeeze %dma_start3A_1786 : memref<1x128xi32, #tpu.memory_space<vmem>> -> memref<128xi32, #tpu.memory_space<vmem>>
      %dma_start3A_1788 = arith.constant 0 : i32
      %dma_start3A_1789 = arith.constant 0 : i32
      %dma_start3A_1790 = tpu.memref_slice %arg6[%dma_start3A_1788, %dma_start3A_1789] : memref<10240x128xf32, #tpu.memory_space<vmem_shared>> -> memref<10240x128xf32, #tpu.memory_space<vmem_shared>>
      tpu.enqueue_indirect_dma source(%arg14 : memref<128x128xf32, #tpu.memory_space<vmem>>) target(%dma_start3A_1790 : memref<10240x128xf32, #tpu.memory_space<vmem_shared>>) offsets(%dma_start3A_1787 : memref<128xi32, #tpu.memory_space<vmem>>) semaphore(%arg21 : memref<!tpu.dma_semaphore, #tpu.memory_space<semaphore_mem>>) {add = true}
      %scan3A_1791 = arith.constant 0 : i32
      scf.yield %scan3A_1791 : i32
    }
    %scan3A_509 = arith.constant 2 : i32
    %add3A_510 = arith.constant 64 : i32
    %add3A_511 = arith.addi %mul3A_4, %add3A_510 : i32
    %dma_wait3A_512 = arith.constant 0 : i32
    %dma_wait3A_513 = tpu.memref_slice %arg2[%add3A_511, %dma_wait3A_512] : memref<2560x128xi32, #tpu.memory_space<hbm>> -> memref<8x128xi32, #tpu.memory_space<hbm>>
    %dma_wait3A_514 = arith.constant 0 : i32
    %dma_wait3A_515 = tpu.memref_slice %arg2[%add3A_511, %dma_wait3A_514] : memref<2560x128xi32, #tpu.memory_space<hbm>> -> memref<8x128xi32, #tpu.memory_space<hbm>>
    tpu.wait_dma2 semaphore(%arg17 : memref<!tpu.dma_semaphore, #tpu.memory_space<semaphore_mem>>) src(%dma_wait3A_515 : memref<8x128xi32, #tpu.memory_space<hbm>>) dst(%arg9 : memref<8x128xi32, #tpu.memory_space<vmem>>)
    %add3A_516 = arith.constant 64 : i32
    %add3A_517 = arith.addi %mul3A_4, %add3A_516 : i32
    %dma_wait3A_518 = arith.constant 0 : i32
    %dma_wait3A_519 = tpu.memref_slice %arg3[%add3A_517, %dma_wait3A_518] : memref<2560x128xi32, #tpu.memory_space<hbm>> -> memref<8x128xi32, #tpu.memory_space<hbm>>
    %dma_wait3A_520 = arith.constant 0 : i32
    %dma_wait3A_521 = tpu.memref_slice %arg3[%add3A_517, %dma_wait3A_520] : memref<2560x128xi32, #tpu.memory_space<hbm>> -> memref<8x128xi32, #tpu.memory_space<hbm>>
    tpu.wait_dma2 semaphore(%arg17 : memref<!tpu.dma_semaphore, #tpu.memory_space<semaphore_mem>>) src(%dma_wait3A_521 : memref<8x128xi32, #tpu.memory_space<hbm>>) dst(%arg12 : memref<8x128xi32, #tpu.memory_space<vmem>>)
    %add3A_522 = arith.constant 72 : i32
    %add3A_523 = arith.addi %mul3A_4, %add3A_522 : i32
    %dma_start3A_524 = arith.constant 0 : i32
    %dma_start3A_525 = tpu.memref_slice %arg2[%add3A_523, %dma_start3A_524] : memref<2560x128xi32, #tpu.memory_space<hbm>> -> memref<8x128xi32, #tpu.memory_space<hbm>>
    %dma_start3A_526 = arith.constant 0 : i32
    %dma_start3A_527 = tpu.memref_slice %arg2[%add3A_523, %dma_start3A_526] : memref<2560x128xi32, #tpu.memory_space<hbm>> -> memref<8x128xi32, #tpu.memory_space<hbm>>
    tpu.enqueue_dma source(%dma_start3A_527 : memref<8x128xi32, #tpu.memory_space<hbm>>) target(%arg7 : memref<8x128xi32, #tpu.memory_space<vmem>>) target_semaphore(%arg15 : memref<!tpu.dma_semaphore, #tpu.memory_space<semaphore_mem>>)
    %add3A_528 = arith.constant 72 : i32
    %add3A_529 = arith.addi %mul3A_4, %add3A_528 : i32
    %dma_start3A_530 = arith.constant 0 : i32
    %dma_start3A_531 = tpu.memref_slice %arg3[%add3A_529, %dma_start3A_530] : memref<2560x128xi32, #tpu.memory_space<hbm>> -> memref<8x128xi32, #tpu.memory_space<hbm>>
    %dma_start3A_532 = arith.constant 0 : i32
    %dma_start3A_533 = tpu.memref_slice %arg3[%add3A_529, %dma_start3A_532] : memref<2560x128xi32, #tpu.memory_space<hbm>> -> memref<8x128xi32, #tpu.memory_space<hbm>>
    tpu.enqueue_dma source(%dma_start3A_533 : memref<8x128xi32, #tpu.memory_space<hbm>>) target(%arg10 : memref<8x128xi32, #tpu.memory_space<vmem>>) target_semaphore(%arg15 : memref<!tpu.dma_semaphore, #tpu.memory_space<semaphore_mem>>)
    %dma_wait3A_534 = arith.constant 0 : i32
    %dma_wait3A_535 = arith.constant 0 : i32
    %dma_wait3A_536 = tpu.memref_slice %arg12[%dma_wait3A_534, %dma_wait3A_535] : memref<8x128xi32, #tpu.memory_space<vmem>> -> memref<1x128xi32, #tpu.memory_space<vmem>>
    %dma_wait3A_537 = tpu.memref_squeeze %dma_wait3A_536 : memref<1x128xi32, #tpu.memory_space<vmem>> -> memref<128xi32, #tpu.memory_space<vmem>>
    %dma_wait3A_538 = arith.constant 0 : i32
    %dma_wait3A_539 = arith.constant 0 : i32
    %dma_wait3A_540 = tpu.memref_slice %arg6[%dma_wait3A_538, %dma_wait3A_539] : memref<10240x128xf32, #tpu.memory_space<vmem_shared>> -> memref<10240x128xf32, #tpu.memory_space<vmem_shared>>
    tpu.wait_indirect_dma semaphore(%arg20 : memref<!tpu.dma_semaphore, #tpu.memory_space<semaphore_mem>>) src(%arg13 : memref<128x128xf32, #tpu.memory_space<vmem>>) dst(%dma_wait3A_540 : memref<10240x128xf32, #tpu.memory_space<vmem_shared>>)
    %dma_start3A_541 = arith.constant 0 : i32
    %dma_start3A_542 = arith.constant 0 : i32
    %dma_start3A_543 = tpu.memref_slice %arg9[%dma_start3A_541, %dma_start3A_542] : memref<8x128xi32, #tpu.memory_space<vmem>> -> memref<1x128xi32, #tpu.memory_space<vmem>>
    %dma_start3A_544 = tpu.memref_squeeze %dma_start3A_543 : memref<1x128xi32, #tpu.memory_space<vmem>> -> memref<128xi32, #tpu.memory_space<vmem>>
    %dma_start3A_545 = arith.constant 0 : i32
    %dma_start3A_546 = arith.constant 0 : i32
    %dma_start3A_547 = tpu.memref_slice %arg4[%dma_start3A_545, %dma_start3A_546] : memref<10240x128xf32, #tpu.memory_space<hbm>> -> memref<10240x128xf32, #tpu.memory_space<hbm>>
    tpu.enqueue_indirect_dma source(%dma_start3A_547 : memref<10240x128xf32, #tpu.memory_space<hbm>>) target(%arg13 : memref<128x128xf32, #tpu.memory_space<vmem>>) offsets(%dma_start3A_544 : memref<128xi32, #tpu.memory_space<vmem>>) semaphore(%arg18 : memref<!tpu.dma_semaphore, #tpu.memory_space<semaphore_mem>>)
    %dma_wait3A_548 = arith.constant 0 : i32
    %dma_wait3A_549 = arith.constant 0 : i32
    %dma_wait3A_550 = tpu.memref_slice %arg9[%dma_wait3A_548, %dma_wait3A_549] : memref<8x128xi32, #tpu.memory_space<vmem>> -> memref<1x128xi32, #tpu.memory_space<vmem>>
    %dma_wait3A_551 = tpu.memref_squeeze %dma_wait3A_550 : memref<1x128xi32, #tpu.memory_space<vmem>> -> memref<128xi32, #tpu.memory_space<vmem>>
    %dma_wait3A_552 = arith.constant 0 : i32
    %dma_wait3A_553 = arith.constant 0 : i32
    %dma_wait3A_554 = tpu.memref_slice %arg4[%dma_wait3A_552, %dma_wait3A_553] : memref<10240x128xf32, #tpu.memory_space<hbm>> -> memref<10240x128xf32, #tpu.memory_space<hbm>>
    tpu.wait_indirect_dma semaphore(%arg18 : memref<!tpu.dma_semaphore, #tpu.memory_space<semaphore_mem>>) src(%dma_wait3A_554 : memref<10240x128xf32, #tpu.memory_space<hbm>>) dst(%arg13 : memref<128x128xf32, #tpu.memory_space<vmem>>)
    %dma_start3A_555 = arith.constant 0 : i32
    %dma_start3A_556 = arith.constant 0 : i32
    %dma_start3A_557 = tpu.memref_slice %arg12[%dma_start3A_555, %dma_start3A_556] : memref<8x128xi32, #tpu.memory_space<vmem>> -> memref<1x128xi32, #tpu.memory_space<vmem>>
    %dma_start3A_558 = tpu.memref_squeeze %dma_start3A_557 : memref<1x128xi32, #tpu.memory_space<vmem>> -> memref<128xi32, #tpu.memory_space<vmem>>
    %dma_start3A_559 = arith.constant 0 : i32
    %dma_start3A_560 = arith.constant 0 : i32
    %dma_start3A_561 = tpu.memref_slice %arg6[%dma_start3A_559, %dma_start3A_560] : memref<10240x128xf32, #tpu.memory_space<vmem_shared>> -> memref<10240x128xf32, #tpu.memory_space<vmem_shared>>
    tpu.enqueue_indirect_dma source(%arg13 : memref<128x128xf32, #tpu.memory_space<vmem>>) target(%dma_start3A_561 : memref<10240x128xf32, #tpu.memory_space<vmem_shared>>) offsets(%dma_start3A_558 : memref<128xi32, #tpu.memory_space<vmem>>) semaphore(%arg20 : memref<!tpu.dma_semaphore, #tpu.memory_space<semaphore_mem>>) {add = true}
    %dma_wait3A_562 = arith.constant 1 : i32
    %dma_wait3A_563 = arith.constant 0 : i32
    %dma_wait3A_564 = tpu.memref_slice %arg12[%dma_wait3A_562, %dma_wait3A_563] : memref<8x128xi32, #tpu.memory_space<vmem>> -> memref<1x128xi32, #tpu.memory_space<vmem>>
    %dma_wait3A_565 = tpu.memref_squeeze %dma_wait3A_564 : memref<1x128xi32, #tpu.memory_space<vmem>> -> memref<128xi32, #tpu.memory_space<vmem>>
    %dma_wait3A_566 = arith.constant 0 : i32
    %dma_wait3A_567 = arith.constant 0 : i32
    %dma_wait3A_568 = tpu.memref_slice %arg6[%dma_wait3A_566, %dma_wait3A_567] : memref<10240x128xf32, #tpu.memory_space<vmem_shared>> -> memref<10240x128xf32, #tpu.memory_space<vmem_shared>>
    tpu.wait_indirect_dma semaphore(%arg21 : memref<!tpu.dma_semaphore, #tpu.memory_space<semaphore_mem>>) src(%arg14 : memref<128x128xf32, #tpu.memory_space<vmem>>) dst(%dma_wait3A_568 : memref<10240x128xf32, #tpu.memory_space<vmem_shared>>)
    %dma_start3A_569 = arith.constant 1 : i32
    %dma_start3A_570 = arith.constant 0 : i32
    %dma_start3A_571 = tpu.memref_slice %arg9[%dma_start3A_569, %dma_start3A_570] : memref<8x128xi32, #tpu.memory_space<vmem>> -> memref<1x128xi32, #tpu.memory_space<vmem>>
    %dma_start3A_572 = tpu.memref_squeeze %dma_start3A_571 : memref<1x128xi32, #tpu.memory_space<vmem>> -> memref<128xi32, #tpu.memory_space<vmem>>
    %dma_start3A_573 = arith.constant 0 : i32
    %dma_start3A_574 = arith.constant 0 : i32
    %dma_start3A_575 = tpu.memref_slice %arg4[%dma_start3A_573, %dma_start3A_574] : memref<10240x128xf32, #tpu.memory_space<hbm>> -> memref<10240x128xf32, #tpu.memory_space<hbm>>
    tpu.enqueue_indirect_dma source(%dma_start3A_575 : memref<10240x128xf32, #tpu.memory_space<hbm>>) target(%arg14 : memref<128x128xf32, #tpu.memory_space<vmem>>) offsets(%dma_start3A_572 : memref<128xi32, #tpu.memory_space<vmem>>) semaphore(%arg19 : memref<!tpu.dma_semaphore, #tpu.memory_space<semaphore_mem>>)
    %dma_wait3A_576 = arith.constant 1 : i32
    %dma_wait3A_577 = arith.constant 0 : i32
    %dma_wait3A_578 = tpu.memref_slice %arg9[%dma_wait3A_576, %dma_wait3A_577] : memref<8x128xi32, #tpu.memory_space<vmem>> -> memref<1x128xi32, #tpu.memory_space<vmem>>
    %dma_wait3A_579 = tpu.memref_squeeze %dma_wait3A_578 : memref<1x128xi32, #tpu.memory_space<vmem>> -> memref<128xi32, #tpu.memory_space<vmem>>
    %dma_wait3A_580 = arith.constant 0 : i32
    %dma_wait3A_581 = arith.constant 0 : i32
    %dma_wait3A_582 = tpu.memref_slice %arg4[%dma_wait3A_580, %dma_wait3A_581] : memref<10240x128xf32, #tpu.memory_space<hbm>> -> memref<10240x128xf32, #tpu.memory_space<hbm>>
    tpu.wait_indirect_dma semaphore(%arg19 : memref<!tpu.dma_semaphore, #tpu.memory_space<semaphore_mem>>) src(%dma_wait3A_582 : memref<10240x128xf32, #tpu.memory_space<hbm>>) dst(%arg14 : memref<128x128xf32, #tpu.memory_space<vmem>>)
    %dma_start3A_583 = arith.constant 1 : i32
    %dma_start3A_584 = arith.constant 0 : i32
    %dma_start3A_585 = tpu.memref_slice %arg12[%dma_start3A_583, %dma_start3A_584] : memref<8x128xi32, #tpu.memory_space<vmem>> -> memref<1x128xi32, #tpu.memory_space<vmem>>
    %dma_start3A_586 = tpu.memref_squeeze %dma_start3A_585 : memref<1x128xi32, #tpu.memory_space<vmem>> -> memref<128xi32, #tpu.memory_space<vmem>>
    %dma_start3A_587 = arith.constant 0 : i32
    %dma_start3A_588 = arith.constant 0 : i32
    %dma_start3A_589 = tpu.memref_slice %arg6[%dma_start3A_587, %dma_start3A_588] : memref<10240x128xf32, #tpu.memory_space<vmem_shared>> -> memref<10240x128xf32, #tpu.memory_space<vmem_shared>>
    tpu.enqueue_indirect_dma source(%arg14 : memref<128x128xf32, #tpu.memory_space<vmem>>) target(%dma_start3A_589 : memref<10240x128xf32, #tpu.memory_space<vmem_shared>>) offsets(%dma_start3A_586 : memref<128xi32, #tpu.memory_space<vmem>>) semaphore(%arg21 : memref<!tpu.dma_semaphore, #tpu.memory_space<semaphore_mem>>) {add = true}
    %dma_wait3A_590 = arith.constant 2 : i32
    %dma_wait3A_591 = arith.constant 0 : i32
    %dma_wait3A_592 = tpu.memref_slice %arg12[%dma_wait3A_590, %dma_wait3A_591] : memref<8x128xi32, #tpu.memory_space<vmem>> -> memref<1x128xi32, #tpu.memory_space<vmem>>
    %dma_wait3A_593 = tpu.memref_squeeze %dma_wait3A_592 : memref<1x128xi32, #tpu.memory_space<vmem>> -> memref<128xi32, #tpu.memory_space<vmem>>
    %dma_wait3A_594 = arith.constant 0 : i32
    %dma_wait3A_595 = arith.constant 0 : i32
    %dma_wait3A_596 = tpu.memref_slice %arg6[%dma_wait3A_594, %dma_wait3A_595] : memref<10240x128xf32, #tpu.memory_space<vmem_shared>> -> memref<10240x128xf32, #tpu.memory_space<vmem_shared>>
    tpu.wait_indirect_dma semaphore(%arg20 : memref<!tpu.dma_semaphore, #tpu.memory_space<semaphore_mem>>) src(%arg13 : memref<128x128xf32, #tpu.memory_space<vmem>>) dst(%dma_wait3A_596 : memref<10240x128xf32, #tpu.memory_space<vmem_shared>>)
    %dma_start3A_597 = arith.constant 2 : i32
    %dma_start3A_598 = arith.constant 0 : i32
    %dma_start3A_599 = tpu.memref_slice %arg9[%dma_start3A_597, %dma_start3A_598] : memref<8x128xi32, #tpu.memory_space<vmem>> -> memref<1x128xi32, #tpu.memory_space<vmem>>
    %dma_start3A_600 = tpu.memref_squeeze %dma_start3A_599 : memref<1x128xi32, #tpu.memory_space<vmem>> -> memref<128xi32, #tpu.memory_space<vmem>>
    %dma_start3A_601 = arith.constant 0 : i32
    %dma_start3A_602 = arith.constant 0 : i32
    %dma_start3A_603 = tpu.memref_slice %arg4[%dma_start3A_601, %dma_start3A_602] : memref<10240x128xf32, #tpu.memory_space<hbm>> -> memref<10240x128xf32, #tpu.memory_space<hbm>>
    tpu.enqueue_indirect_dma source(%dma_start3A_603 : memref<10240x128xf32, #tpu.memory_space<hbm>>) target(%arg13 : memref<128x128xf32, #tpu.memory_space<vmem>>) offsets(%dma_start3A_600 : memref<128xi32, #tpu.memory_space<vmem>>) semaphore(%arg18 : memref<!tpu.dma_semaphore, #tpu.memory_space<semaphore_mem>>)
    %dma_wait3A_604 = arith.constant 2 : i32
    %dma_wait3A_605 = arith.constant 0 : i32
    %dma_wait3A_606 = tpu.memref_slice %arg9[%dma_wait3A_604, %dma_wait3A_605] : memref<8x128xi32, #tpu.memory_space<vmem>> -> memref<1x128xi32, #tpu.memory_space<vmem>>
    %dma_wait3A_607 = tpu.memref_squeeze %dma_wait3A_606 : memref<1x128xi32, #tpu.memory_space<vmem>> -> memref<128xi32, #tpu.memory_space<vmem>>
    %dma_wait3A_608 = arith.constant 0 : i32
    %dma_wait3A_609 = arith.constant 0 : i32
    %dma_wait3A_610 = tpu.memref_slice %arg4[%dma_wait3A_608, %dma_wait3A_609] : memref<10240x128xf32, #tpu.memory_space<hbm>> -> memref<10240x128xf32, #tpu.memory_space<hbm>>
    tpu.wait_indirect_dma semaphore(%arg18 : memref<!tpu.dma_semaphore, #tpu.memory_space<semaphore_mem>>) src(%dma_wait3A_610 : memref<10240x128xf32, #tpu.memory_space<hbm>>) dst(%arg13 : memref<128x128xf32, #tpu.memory_space<vmem>>)
    %dma_start3A_611 = arith.constant 2 : i32
    %dma_start3A_612 = arith.constant 0 : i32
    %dma_start3A_613 = tpu.memref_slice %arg12[%dma_start3A_611, %dma_start3A_612] : memref<8x128xi32, #tpu.memory_space<vmem>> -> memref<1x128xi32, #tpu.memory_space<vmem>>
    %dma_start3A_614 = tpu.memref_squeeze %dma_start3A_613 : memref<1x128xi32, #tpu.memory_space<vmem>> -> memref<128xi32, #tpu.memory_space<vmem>>
    %dma_start3A_615 = arith.constant 0 : i32
    %dma_start3A_616 = arith.constant 0 : i32
    %dma_start3A_617 = tpu.memref_slice %arg6[%dma_start3A_615, %dma_start3A_616] : memref<10240x128xf32, #tpu.memory_space<vmem_shared>> -> memref<10240x128xf32, #tpu.memory_space<vmem_shared>>
    tpu.enqueue_indirect_dma source(%arg13 : memref<128x128xf32, #tpu.memory_space<vmem>>) target(%dma_start3A_617 : memref<10240x128xf32, #tpu.memory_space<vmem_shared>>) offsets(%dma_start3A_614 : memref<128xi32, #tpu.memory_space<vmem>>) semaphore(%arg20 : memref<!tpu.dma_semaphore, #tpu.memory_space<semaphore_mem>>) {add = true}
    %dma_wait3A_618 = arith.constant 3 : i32
    %dma_wait3A_619 = arith.constant 0 : i32
    %dma_wait3A_620 = tpu.memref_slice %arg12[%dma_wait3A_618, %dma_wait3A_619] : memref<8x128xi32, #tpu.memory_space<vmem>> -> memref<1x128xi32, #tpu.memory_space<vmem>>
    %dma_wait3A_621 = tpu.memref_squeeze %dma_wait3A_620 : memref<1x128xi32, #tpu.memory_space<vmem>> -> memref<128xi32, #tpu.memory_space<vmem>>
    %dma_wait3A_622 = arith.constant 0 : i32
    %dma_wait3A_623 = arith.constant 0 : i32
    %dma_wait3A_624 = tpu.memref_slice %arg6[%dma_wait3A_622, %dma_wait3A_623] : memref<10240x128xf32, #tpu.memory_space<vmem_shared>> -> memref<10240x128xf32, #tpu.memory_space<vmem_shared>>
    tpu.wait_indirect_dma semaphore(%arg21 : memref<!tpu.dma_semaphore, #tpu.memory_space<semaphore_mem>>) src(%arg14 : memref<128x128xf32, #tpu.memory_space<vmem>>) dst(%dma_wait3A_624 : memref<10240x128xf32, #tpu.memory_space<vmem_shared>>)
    %dma_start3A_625 = arith.constant 3 : i32
    %dma_start3A_626 = arith.constant 0 : i32
    %dma_start3A_627 = tpu.memref_slice %arg9[%dma_start3A_625, %dma_start3A_626] : memref<8x128xi32, #tpu.memory_space<vmem>> -> memref<1x128xi32, #tpu.memory_space<vmem>>
    %dma_start3A_628 = tpu.memref_squeeze %dma_start3A_627 : memref<1x128xi32, #tpu.memory_space<vmem>> -> memref<128xi32, #tpu.memory_space<vmem>>
    %dma_start3A_629 = arith.constant 0 : i32
    %dma_start3A_630 = arith.constant 0 : i32
    %dma_start3A_631 = tpu.memref_slice %arg4[%dma_start3A_629, %dma_start3A_630] : memref<10240x128xf32, #tpu.memory_space<hbm>> -> memref<10240x128xf32, #tpu.memory_space<hbm>>
    tpu.enqueue_indirect_dma source(%dma_start3A_631 : memref<10240x128xf32, #tpu.memory_space<hbm>>) target(%arg14 : memref<128x128xf32, #tpu.memory_space<vmem>>) offsets(%dma_start3A_628 : memref<128xi32, #tpu.memory_space<vmem>>) semaphore(%arg19 : memref<!tpu.dma_semaphore, #tpu.memory_space<semaphore_mem>>)
    %dma_wait3A_632 = arith.constant 3 : i32
    %dma_wait3A_633 = arith.constant 0 : i32
    %dma_wait3A_634 = tpu.memref_slice %arg9[%dma_wait3A_632, %dma_wait3A_633] : memref<8x128xi32, #tpu.memory_space<vmem>> -> memref<1x128xi32, #tpu.memory_space<vmem>>
    %dma_wait3A_635 = tpu.memref_squeeze %dma_wait3A_634 : memref<1x128xi32, #tpu.memory_space<vmem>> -> memref<128xi32, #tpu.memory_space<vmem>>
    %dma_wait3A_636 = arith.constant 0 : i32
    %dma_wait3A_637 = arith.constant 0 : i32
    %dma_wait3A_638 = tpu.memref_slice %arg4[%dma_wait3A_636, %dma_wait3A_637] : memref<10240x128xf32, #tpu.memory_space<hbm>> -> memref<10240x128xf32, #tpu.memory_space<hbm>>
    tpu.wait_indirect_dma semaphore(%arg19 : memref<!tpu.dma_semaphore, #tpu.memory_space<semaphore_mem>>) src(%dma_wait3A_638 : memref<10240x128xf32, #tpu.memory_space<hbm>>) dst(%arg14 : memref<128x128xf32, #tpu.memory_space<vmem>>)
    %dma_start3A_639 = arith.constant 3 : i32
    %dma_start3A_640 = arith.constant 0 : i32
    %dma_start3A_641 = tpu.memref_slice %arg12[%dma_start3A_639, %dma_start3A_640] : memref<8x128xi32, #tpu.memory_space<vmem>> -> memref<1x128xi32, #tpu.memory_space<vmem>>
    %dma_start3A_642 = tpu.memref_squeeze %dma_start3A_641 : memref<1x128xi32, #tpu.memory_space<vmem>> -> memref<128xi32, #tpu.memory_space<vmem>>
    %dma_start3A_643 = arith.constant 0 : i32
    %dma_start3A_644 = arith.constant 0 : i32
    %dma_start3A_645 = tpu.memref_slice %arg6[%dma_start3A_643, %dma_start3A_644] : memref<10240x128xf32, #tpu.memory_space<vmem_shared>> -> memref<10240x128xf32, #tpu.memory_space<vmem_shared>>
    tpu.enqueue_indirect_dma source(%arg14 : memref<128x128xf32, #tpu.memory_space<vmem>>) target(%dma_start3A_645 : memref<10240x128xf32, #tpu.memory_space<vmem_shared>>) offsets(%dma_start3A_642 : memref<128xi32, #tpu.memory_space<vmem>>) semaphore(%arg21 : memref<!tpu.dma_semaphore, #tpu.memory_space<semaphore_mem>>) {add = true}
    %dma_wait3A_646 = arith.constant 4 : i32
    %dma_wait3A_647 = arith.constant 0 : i32
    %dma_wait3A_648 = tpu.memref_slice %arg12[%dma_wait3A_646, %dma_wait3A_647] : memref<8x128xi32, #tpu.memory_space<vmem>> -> memref<1x128xi32, #tpu.memory_space<vmem>>
    %dma_wait3A_649 = tpu.memref_squeeze %dma_wait3A_648 : memref<1x128xi32, #tpu.memory_space<vmem>> -> memref<128xi32, #tpu.memory_space<vmem>>
    %dma_wait3A_650 = arith.constant 0 : i32
    %dma_wait3A_651 = arith.constant 0 : i32
    %dma_wait3A_652 = tpu.memref_slice %arg6[%dma_wait3A_650, %dma_wait3A_651] : memref<10240x128xf32, #tpu.memory_space<vmem_shared>> -> memref<10240x128xf32, #tpu.memory_space<vmem_shared>>
    tpu.wait_indirect_dma semaphore(%arg20 : memref<!tpu.dma_semaphore, #tpu.memory_space<semaphore_mem>>) src(%arg13 : memref<128x128xf32, #tpu.memory_space<vmem>>) dst(%dma_wait3A_652 : memref<10240x128xf32, #tpu.memory_space<vmem_shared>>)
    %dma_start3A_653 = arith.constant 4 : i32
    %dma_start3A_654 = arith.constant 0 : i32
    %dma_start3A_655 = tpu.memref_slice %arg9[%dma_start3A_653, %dma_start3A_654] : memref<8x128xi32, #tpu.memory_space<vmem>> -> memref<1x128xi32, #tpu.memory_space<vmem>>
    %dma_start3A_656 = tpu.memref_squeeze %dma_start3A_655 : memref<1x128xi32, #tpu.memory_space<vmem>> -> memref<128xi32, #tpu.memory_space<vmem>>
    %dma_start3A_657 = arith.constant 0 : i32
    %dma_start3A_658 = arith.constant 0 : i32
    %dma_start3A_659 = tpu.memref_slice %arg4[%dma_start3A_657, %dma_start3A_658] : memref<10240x128xf32, #tpu.memory_space<hbm>> -> memref<10240x128xf32, #tpu.memory_space<hbm>>
    tpu.enqueue_indirect_dma source(%dma_start3A_659 : memref<10240x128xf32, #tpu.memory_space<hbm>>) target(%arg13 : memref<128x128xf32, #tpu.memory_space<vmem>>) offsets(%dma_start3A_656 : memref<128xi32, #tpu.memory_space<vmem>>) semaphore(%arg18 : memref<!tpu.dma_semaphore, #tpu.memory_space<semaphore_mem>>)
    %dma_wait3A_660 = arith.constant 4 : i32
    %dma_wait3A_661 = arith.constant 0 : i32
    %dma_wait3A_662 = tpu.memref_slice %arg9[%dma_wait3A_660, %dma_wait3A_661] : memref<8x128xi32, #tpu.memory_space<vmem>> -> memref<1x128xi32, #tpu.memory_space<vmem>>
    %dma_wait3A_663 = tpu.memref_squeeze %dma_wait3A_662 : memref<1x128xi32, #tpu.memory_space<vmem>> -> memref<128xi32, #tpu.memory_space<vmem>>
    %dma_wait3A_664 = arith.constant 0 : i32
    %dma_wait3A_665 = arith.constant 0 : i32
    %dma_wait3A_666 = tpu.memref_slice %arg4[%dma_wait3A_664, %dma_wait3A_665] : memref<10240x128xf32, #tpu.memory_space<hbm>> -> memref<10240x128xf32, #tpu.memory_space<hbm>>
    tpu.wait_indirect_dma semaphore(%arg18 : memref<!tpu.dma_semaphore, #tpu.memory_space<semaphore_mem>>) src(%dma_wait3A_666 : memref<10240x128xf32, #tpu.memory_space<hbm>>) dst(%arg13 : memref<128x128xf32, #tpu.memory_space<vmem>>)
    %dma_start3A_667 = arith.constant 4 : i32
    %dma_start3A_668 = arith.constant 0 : i32
    %dma_start3A_669 = tpu.memref_slice %arg12[%dma_start3A_667, %dma_start3A_668] : memref<8x128xi32, #tpu.memory_space<vmem>> -> memref<1x128xi32, #tpu.memory_space<vmem>>
    %dma_start3A_670 = tpu.memref_squeeze %dma_start3A_669 : memref<1x128xi32, #tpu.memory_space<vmem>> -> memref<128xi32, #tpu.memory_space<vmem>>
    %dma_start3A_671 = arith.constant 0 : i32
    %dma_start3A_672 = arith.constant 0 : i32
    %dma_start3A_673 = tpu.memref_slice %arg6[%dma_start3A_671, %dma_start3A_672] : memref<10240x128xf32, #tpu.memory_space<vmem_shared>> -> memref<10240x128xf32, #tpu.memory_space<vmem_shared>>
    tpu.enqueue_indirect_dma source(%arg13 : memref<128x128xf32, #tpu.memory_space<vmem>>) target(%dma_start3A_673 : memref<10240x128xf32, #tpu.memory_space<vmem_shared>>) offsets(%dma_start3A_670 : memref<128xi32, #tpu.memory_space<vmem>>) semaphore(%arg20 : memref<!tpu.dma_semaphore, #tpu.memory_space<semaphore_mem>>) {add = true}
    %dma_wait3A_674 = arith.constant 5 : i32
    %dma_wait3A_675 = arith.constant 0 : i32
    %dma_wait3A_676 = tpu.memref_slice %arg12[%dma_wait3A_674, %dma_wait3A_675] : memref<8x128xi32, #tpu.memory_space<vmem>> -> memref<1x128xi32, #tpu.memory_space<vmem>>
    %dma_wait3A_677 = tpu.memref_squeeze %dma_wait3A_676 : memref<1x128xi32, #tpu.memory_space<vmem>> -> memref<128xi32, #tpu.memory_space<vmem>>
    %dma_wait3A_678 = arith.constant 0 : i32
    %dma_wait3A_679 = arith.constant 0 : i32
    %dma_wait3A_680 = tpu.memref_slice %arg6[%dma_wait3A_678, %dma_wait3A_679] : memref<10240x128xf32, #tpu.memory_space<vmem_shared>> -> memref<10240x128xf32, #tpu.memory_space<vmem_shared>>
    tpu.wait_indirect_dma semaphore(%arg21 : memref<!tpu.dma_semaphore, #tpu.memory_space<semaphore_mem>>) src(%arg14 : memref<128x128xf32, #tpu.memory_space<vmem>>) dst(%dma_wait3A_680 : memref<10240x128xf32, #tpu.memory_space<vmem_shared>>)
    %dma_start3A_681 = arith.constant 5 : i32
    %dma_start3A_682 = arith.constant 0 : i32
    %dma_start3A_683 = tpu.memref_slice %arg9[%dma_start3A_681, %dma_start3A_682] : memref<8x128xi32, #tpu.memory_space<vmem>> -> memref<1x128xi32, #tpu.memory_space<vmem>>
    %dma_start3A_684 = tpu.memref_squeeze %dma_start3A_683 : memref<1x128xi32, #tpu.memory_space<vmem>> -> memref<128xi32, #tpu.memory_space<vmem>>
    %dma_start3A_685 = arith.constant 0 : i32
    %dma_start3A_686 = arith.constant 0 : i32
    %dma_start3A_687 = tpu.memref_slice %arg4[%dma_start3A_685, %dma_start3A_686] : memref<10240x128xf32, #tpu.memory_space<hbm>> -> memref<10240x128xf32, #tpu.memory_space<hbm>>
    tpu.enqueue_indirect_dma source(%dma_start3A_687 : memref<10240x128xf32, #tpu.memory_space<hbm>>) target(%arg14 : memref<128x128xf32, #tpu.memory_space<vmem>>) offsets(%dma_start3A_684 : memref<128xi32, #tpu.memory_space<vmem>>) semaphore(%arg19 : memref<!tpu.dma_semaphore, #tpu.memory_space<semaphore_mem>>)
    %dma_wait3A_688 = arith.constant 5 : i32
    %dma_wait3A_689 = arith.constant 0 : i32
    %dma_wait3A_690 = tpu.memref_slice %arg9[%dma_wait3A_688, %dma_wait3A_689] : memref<8x128xi32, #tpu.memory_space<vmem>> -> memref<1x128xi32, #tpu.memory_space<vmem>>
    %dma_wait3A_691 = tpu.memref_squeeze %dma_wait3A_690 : memref<1x128xi32, #tpu.memory_space<vmem>> -> memref<128xi32, #tpu.memory_space<vmem>>
    %dma_wait3A_692 = arith.constant 0 : i32
    %dma_wait3A_693 = arith.constant 0 : i32
    %dma_wait3A_694 = tpu.memref_slice %arg4[%dma_wait3A_692, %dma_wait3A_693] : memref<10240x128xf32, #tpu.memory_space<hbm>> -> memref<10240x128xf32, #tpu.memory_space<hbm>>
    tpu.wait_indirect_dma semaphore(%arg19 : memref<!tpu.dma_semaphore, #tpu.memory_space<semaphore_mem>>) src(%dma_wait3A_694 : memref<10240x128xf32, #tpu.memory_space<hbm>>) dst(%arg14 : memref<128x128xf32, #tpu.memory_space<vmem>>)
    %dma_start3A_695 = arith.constant 5 : i32
    %dma_start3A_696 = arith.constant 0 : i32
    %dma_start3A_697 = tpu.memref_slice %arg12[%dma_start3A_695, %dma_start3A_696] : memref<8x128xi32, #tpu.memory_space<vmem>> -> memref<1x128xi32, #tpu.memory_space<vmem>>
    %dma_start3A_698 = tpu.memref_squeeze %dma_start3A_697 : memref<1x128xi32, #tpu.memory_space<vmem>> -> memref<128xi32, #tpu.memory_space<vmem>>
    %dma_start3A_699 = arith.constant 0 : i32
    %dma_start3A_700 = arith.constant 0 : i32
    %dma_start3A_701 = tpu.memref_slice %arg6[%dma_start3A_699, %dma_start3A_700] : memref<10240x128xf32, #tpu.memory_space<vmem_shared>> -> memref<10240x128xf32, #tpu.memory_space<vmem_shared>>
    tpu.enqueue_indirect_dma source(%arg14 : memref<128x128xf32, #tpu.memory_space<vmem>>) target(%dma_start3A_701 : memref<10240x128xf32, #tpu.memory_space<vmem_shared>>) offsets(%dma_start3A_698 : memref<128xi32, #tpu.memory_space<vmem>>) semaphore(%arg21 : memref<!tpu.dma_semaphore, #tpu.memory_space<semaphore_mem>>) {add = true}
    %dma_wait3A_702 = arith.constant 6 : i32
    %dma_wait3A_703 = arith.constant 0 : i32
    %dma_wait3A_704 = tpu.memref_slice %arg12[%dma_wait3A_702, %dma_wait3A_703] : memref<8x128xi32, #tpu.memory_space<vmem>> -> memref<1x128xi32, #tpu.memory_space<vmem>>
    %dma_wait3A_705 = tpu.memref_squeeze %dma_wait3A_704 : memref<1x128xi32, #tpu.memory_space<vmem>> -> memref<128xi32, #tpu.memory_space<vmem>>
    %dma_wait3A_706 = arith.constant 0 : i32
    %dma_wait3A_707 = arith.constant 0 : i32
    %dma_wait3A_708 = tpu.memref_slice %arg6[%dma_wait3A_706, %dma_wait3A_707] : memref<10240x128xf32, #tpu.memory_space<vmem_shared>> -> memref<10240x128xf32, #tpu.memory_space<vmem_shared>>
    tpu.wait_indirect_dma semaphore(%arg20 : memref<!tpu.dma_semaphore, #tpu.memory_space<semaphore_mem>>) src(%arg13 : memref<128x128xf32, #tpu.memory_space<vmem>>) dst(%dma_wait3A_708 : memref<10240x128xf32, #tpu.memory_space<vmem_shared>>)
    %dma_start3A_709 = arith.constant 6 : i32
    %dma_start3A_710 = arith.constant 0 : i32
    %dma_start3A_711 = tpu.memref_slice %arg9[%dma_start3A_709, %dma_start3A_710] : memref<8x128xi32, #tpu.memory_space<vmem>> -> memref<1x128xi32, #tpu.memory_space<vmem>>
    %dma_start3A_712 = tpu.memref_squeeze %dma_start3A_711 : memref<1x128xi32, #tpu.memory_space<vmem>> -> memref<128xi32, #tpu.memory_space<vmem>>
    %dma_start3A_713 = arith.constant 0 : i32
    %dma_start3A_714 = arith.constant 0 : i32
    %dma_start3A_715 = tpu.memref_slice %arg4[%dma_start3A_713, %dma_start3A_714] : memref<10240x128xf32, #tpu.memory_space<hbm>> -> memref<10240x128xf32, #tpu.memory_space<hbm>>
    tpu.enqueue_indirect_dma source(%dma_start3A_715 : memref<10240x128xf32, #tpu.memory_space<hbm>>) target(%arg13 : memref<128x128xf32, #tpu.memory_space<vmem>>) offsets(%dma_start3A_712 : memref<128xi32, #tpu.memory_space<vmem>>) semaphore(%arg18 : memref<!tpu.dma_semaphore, #tpu.memory_space<semaphore_mem>>)
    %dma_wait3A_716 = arith.constant 6 : i32
    %dma_wait3A_717 = arith.constant 0 : i32
    %dma_wait3A_718 = tpu.memref_slice %arg9[%dma_wait3A_716, %dma_wait3A_717] : memref<8x128xi32, #tpu.memory_space<vmem>> -> memref<1x128xi32, #tpu.memory_space<vmem>>
    %dma_wait3A_719 = tpu.memref_squeeze %dma_wait3A_718 : memref<1x128xi32, #tpu.memory_space<vmem>> -> memref<128xi32, #tpu.memory_space<vmem>>
    %dma_wait3A_720 = arith.constant 0 : i32
    %dma_wait3A_721 = arith.constant 0 : i32
    %dma_wait3A_722 = tpu.memref_slice %arg4[%dma_wait3A_720, %dma_wait3A_721] : memref<10240x128xf32, #tpu.memory_space<hbm>> -> memref<10240x128xf32, #tpu.memory_space<hbm>>
    tpu.wait_indirect_dma semaphore(%arg18 : memref<!tpu.dma_semaphore, #tpu.memory_space<semaphore_mem>>) src(%dma_wait3A_722 : memref<10240x128xf32, #tpu.memory_space<hbm>>) dst(%arg13 : memref<128x128xf32, #tpu.memory_space<vmem>>)
    %dma_start3A_723 = arith.constant 6 : i32
    %dma_start3A_724 = arith.constant 0 : i32
    %dma_start3A_725 = tpu.memref_slice %arg12[%dma_start3A_723, %dma_start3A_724] : memref<8x128xi32, #tpu.memory_space<vmem>> -> memref<1x128xi32, #tpu.memory_space<vmem>>
    %dma_start3A_726 = tpu.memref_squeeze %dma_start3A_725 : memref<1x128xi32, #tpu.memory_space<vmem>> -> memref<128xi32, #tpu.memory_space<vmem>>
    %dma_start3A_727 = arith.constant 0 : i32
    %dma_start3A_728 = arith.constant 0 : i32
    %dma_start3A_729 = tpu.memref_slice %arg6[%dma_start3A_727, %dma_start3A_728] : memref<10240x128xf32, #tpu.memory_space<vmem_shared>> -> memref<10240x128xf32, #tpu.memory_space<vmem_shared>>
    tpu.enqueue_indirect_dma source(%arg13 : memref<128x128xf32, #tpu.memory_space<vmem>>) target(%dma_start3A_729 : memref<10240x128xf32, #tpu.memory_space<vmem_shared>>) offsets(%dma_start3A_726 : memref<128xi32, #tpu.memory_space<vmem>>) semaphore(%arg20 : memref<!tpu.dma_semaphore, #tpu.memory_space<semaphore_mem>>) {add = true}
    %dma_wait3A_730 = arith.constant 7 : i32
    %dma_wait3A_731 = arith.constant 0 : i32
    %dma_wait3A_732 = tpu.memref_slice %arg12[%dma_wait3A_730, %dma_wait3A_731] : memref<8x128xi32, #tpu.memory_space<vmem>> -> memref<1x128xi32, #tpu.memory_space<vmem>>
    %dma_wait3A_733 = tpu.memref_squeeze %dma_wait3A_732 : memref<1x128xi32, #tpu.memory_space<vmem>> -> memref<128xi32, #tpu.memory_space<vmem>>
    %dma_wait3A_734 = arith.constant 0 : i32
    %dma_wait3A_735 = arith.constant 0 : i32
    %dma_wait3A_736 = tpu.memref_slice %arg6[%dma_wait3A_734, %dma_wait3A_735] : memref<10240x128xf32, #tpu.memory_space<vmem_shared>> -> memref<10240x128xf32, #tpu.memory_space<vmem_shared>>
    tpu.wait_indirect_dma semaphore(%arg21 : memref<!tpu.dma_semaphore, #tpu.memory_space<semaphore_mem>>) src(%arg14 : memref<128x128xf32, #tpu.memory_space<vmem>>) dst(%dma_wait3A_736 : memref<10240x128xf32, #tpu.memory_space<vmem_shared>>)
    %dma_start3A_737 = arith.constant 7 : i32
    %dma_start3A_738 = arith.constant 0 : i32
    %dma_start3A_739 = tpu.memref_slice %arg9[%dma_start3A_737, %dma_start3A_738] : memref<8x128xi32, #tpu.memory_space<vmem>> -> memref<1x128xi32, #tpu.memory_space<vmem>>
    %dma_start3A_740 = tpu.memref_squeeze %dma_start3A_739 : memref<1x128xi32, #tpu.memory_space<vmem>> -> memref<128xi32, #tpu.memory_space<vmem>>
    %dma_start3A_741 = arith.constant 0 : i32
    %dma_start3A_742 = arith.constant 0 : i32
    %dma_start3A_743 = tpu.memref_slice %arg4[%dma_start3A_741, %dma_start3A_742] : memref<10240x128xf32, #tpu.memory_space<hbm>> -> memref<10240x128xf32, #tpu.memory_space<hbm>>
    tpu.enqueue_indirect_dma source(%dma_start3A_743 : memref<10240x128xf32, #tpu.memory_space<hbm>>) target(%arg14 : memref<128x128xf32, #tpu.memory_space<vmem>>) offsets(%dma_start3A_740 : memref<128xi32, #tpu.memory_space<vmem>>) semaphore(%arg19 : memref<!tpu.dma_semaphore, #tpu.memory_space<semaphore_mem>>)
    %dma_wait3A_744 = arith.constant 7 : i32
    %dma_wait3A_745 = arith.constant 0 : i32
    %dma_wait3A_746 = tpu.memref_slice %arg9[%dma_wait3A_744, %dma_wait3A_745] : memref<8x128xi32, #tpu.memory_space<vmem>> -> memref<1x128xi32, #tpu.memory_space<vmem>>
    %dma_wait3A_747 = tpu.memref_squeeze %dma_wait3A_746 : memref<1x128xi32, #tpu.memory_space<vmem>> -> memref<128xi32, #tpu.memory_space<vmem>>
    %dma_wait3A_748 = arith.constant 0 : i32
    %dma_wait3A_749 = arith.constant 0 : i32
    %dma_wait3A_750 = tpu.memref_slice %arg4[%dma_wait3A_748, %dma_wait3A_749] : memref<10240x128xf32, #tpu.memory_space<hbm>> -> memref<10240x128xf32, #tpu.memory_space<hbm>>
    tpu.wait_indirect_dma semaphore(%arg19 : memref<!tpu.dma_semaphore, #tpu.memory_space<semaphore_mem>>) src(%dma_wait3A_750 : memref<10240x128xf32, #tpu.memory_space<hbm>>) dst(%arg14 : memref<128x128xf32, #tpu.memory_space<vmem>>)
    %dma_start3A_751 = arith.constant 7 : i32
    %dma_start3A_752 = arith.constant 0 : i32
    %dma_start3A_753 = tpu.memref_slice %arg12[%dma_start3A_751, %dma_start3A_752] : memref<8x128xi32, #tpu.memory_space<vmem>> -> memref<1x128xi32, #tpu.memory_space<vmem>>
    %dma_start3A_754 = tpu.memref_squeeze %dma_start3A_753 : memref<1x128xi32, #tpu.memory_space<vmem>> -> memref<128xi32, #tpu.memory_space<vmem>>
    %dma_start3A_755 = arith.constant 0 : i32
    %dma_start3A_756 = arith.constant 0 : i32
    %dma_start3A_757 = tpu.memref_slice %arg6[%dma_start3A_755, %dma_start3A_756] : memref<10240x128xf32, #tpu.memory_space<vmem_shared>> -> memref<10240x128xf32, #tpu.memory_space<vmem_shared>>
    tpu.enqueue_indirect_dma source(%arg14 : memref<128x128xf32, #tpu.memory_space<vmem>>) target(%dma_start3A_757 : memref<10240x128xf32, #tpu.memory_space<vmem_shared>>) offsets(%dma_start3A_754 : memref<128xi32, #tpu.memory_space<vmem>>) semaphore(%arg21 : memref<!tpu.dma_semaphore, #tpu.memory_space<semaphore_mem>>) {add = true}
    %add3A_758 = arith.constant 72 : i32
    %add3A_759 = arith.addi %mul3A_4, %add3A_758 : i32
    %dma_wait3A_760 = arith.constant 0 : i32
    %dma_wait3A_761 = tpu.memref_slice %arg2[%add3A_759, %dma_wait3A_760] : memref<2560x128xi32, #tpu.memory_space<hbm>> -> memref<8x128xi32, #tpu.memory_space<hbm>>
    %dma_wait3A_762 = arith.constant 0 : i32
    %dma_wait3A_763 = tpu.memref_slice %arg2[%add3A_759, %dma_wait3A_762] : memref<2560x128xi32, #tpu.memory_space<hbm>> -> memref<8x128xi32, #tpu.memory_space<hbm>>
    tpu.wait_dma2 semaphore(%arg15 : memref<!tpu.dma_semaphore, #tpu.memory_space<semaphore_mem>>) src(%dma_wait3A_763 : memref<8x128xi32, #tpu.memory_space<hbm>>) dst(%arg7 : memref<8x128xi32, #tpu.memory_space<vmem>>)
    %add3A_764 = arith.constant 72 : i32
    %add3A_765 = arith.addi %mul3A_4, %add3A_764 : i32
    %dma_wait3A_766 = arith.constant 0 : i32
    %dma_wait3A_767 = tpu.memref_slice %arg3[%add3A_765, %dma_wait3A_766] : memref<2560x128xi32, #tpu.memory_space<hbm>> -> memref<8x128xi32, #tpu.memory_space<hbm>>
    %dma_wait3A_768 = arith.constant 0 : i32
    %dma_wait3A_769 = tpu.memref_slice %arg3[%add3A_765, %dma_wait3A_768] : memref<2560x128xi32, #tpu.memory_space<hbm>> -> memref<8x128xi32, #tpu.memory_space<hbm>>
    tpu.wait_dma2 semaphore(%arg15 : memref<!tpu.dma_semaphore, #tpu.memory_space<semaphore_mem>>) src(%dma_wait3A_769 : memref<8x128xi32, #tpu.memory_space<hbm>>) dst(%arg10 : memref<8x128xi32, #tpu.memory_space<vmem>>)
    %dma_wait3A_770 = arith.constant 0 : i32
    %dma_wait3A_771 = arith.constant 0 : i32
    %dma_wait3A_772 = tpu.memref_slice %arg10[%dma_wait3A_770, %dma_wait3A_771] : memref<8x128xi32, #tpu.memory_space<vmem>> -> memref<1x128xi32, #tpu.memory_space<vmem>>
    %dma_wait3A_773 = tpu.memref_squeeze %dma_wait3A_772 : memref<1x128xi32, #tpu.memory_space<vmem>> -> memref<128xi32, #tpu.memory_space<vmem>>
    %dma_wait3A_774 = arith.constant 0 : i32
    %dma_wait3A_775 = arith.constant 0 : i32
    %dma_wait3A_776 = tpu.memref_slice %arg6[%dma_wait3A_774, %dma_wait3A_775] : memref<10240x128xf32, #tpu.memory_space<vmem_shared>> -> memref<10240x128xf32, #tpu.memory_space<vmem_shared>>
    tpu.wait_indirect_dma semaphore(%arg20 : memref<!tpu.dma_semaphore, #tpu.memory_space<semaphore_mem>>) src(%arg13 : memref<128x128xf32, #tpu.memory_space<vmem>>) dst(%dma_wait3A_776 : memref<10240x128xf32, #tpu.memory_space<vmem_shared>>)
    %dma_start3A_777 = arith.constant 0 : i32
    %dma_start3A_778 = arith.constant 0 : i32
    %dma_start3A_779 = tpu.memref_slice %arg7[%dma_start3A_777, %dma_start3A_778] : memref<8x128xi32, #tpu.memory_space<vmem>> -> memref<1x128xi32, #tpu.memory_space<vmem>>
    %dma_start3A_780 = tpu.memref_squeeze %dma_start3A_779 : memref<1x128xi32, #tpu.memory_space<vmem>> -> memref<128xi32, #tpu.memory_space<vmem>>
    %dma_start3A_781 = arith.constant 0 : i32
    %dma_start3A_782 = arith.constant 0 : i32
    %dma_start3A_783 = tpu.memref_slice %arg4[%dma_start3A_781, %dma_start3A_782] : memref<10240x128xf32, #tpu.memory_space<hbm>> -> memref<10240x128xf32, #tpu.memory_space<hbm>>
    tpu.enqueue_indirect_dma source(%dma_start3A_783 : memref<10240x128xf32, #tpu.memory_space<hbm>>) target(%arg13 : memref<128x128xf32, #tpu.memory_space<vmem>>) offsets(%dma_start3A_780 : memref<128xi32, #tpu.memory_space<vmem>>) semaphore(%arg18 : memref<!tpu.dma_semaphore, #tpu.memory_space<semaphore_mem>>)
    %dma_wait3A_784 = arith.constant 0 : i32
    %dma_wait3A_785 = arith.constant 0 : i32
    %dma_wait3A_786 = tpu.memref_slice %arg7[%dma_wait3A_784, %dma_wait3A_785] : memref<8x128xi32, #tpu.memory_space<vmem>> -> memref<1x128xi32, #tpu.memory_space<vmem>>
    %dma_wait3A_787 = tpu.memref_squeeze %dma_wait3A_786 : memref<1x128xi32, #tpu.memory_space<vmem>> -> memref<128xi32, #tpu.memory_space<vmem>>
    %dma_wait3A_788 = arith.constant 0 : i32
    %dma_wait3A_789 = arith.constant 0 : i32
    %dma_wait3A_790 = tpu.memref_slice %arg4[%dma_wait3A_788, %dma_wait3A_789] : memref<10240x128xf32, #tpu.memory_space<hbm>> -> memref<10240x128xf32, #tpu.memory_space<hbm>>
    tpu.wait_indirect_dma semaphore(%arg18 : memref<!tpu.dma_semaphore, #tpu.memory_space<semaphore_mem>>) src(%dma_wait3A_790 : memref<10240x128xf32, #tpu.memory_space<hbm>>) dst(%arg13 : memref<128x128xf32, #tpu.memory_space<vmem>>)
    %dma_start3A_791 = arith.constant 0 : i32
    %dma_start3A_792 = arith.constant 0 : i32
    %dma_start3A_793 = tpu.memref_slice %arg10[%dma_start3A_791, %dma_start3A_792] : memref<8x128xi32, #tpu.memory_space<vmem>> -> memref<1x128xi32, #tpu.memory_space<vmem>>
    %dma_start3A_794 = tpu.memref_squeeze %dma_start3A_793 : memref<1x128xi32, #tpu.memory_space<vmem>> -> memref<128xi32, #tpu.memory_space<vmem>>
    %dma_start3A_795 = arith.constant 0 : i32
    %dma_start3A_796 = arith.constant 0 : i32
    %dma_start3A_797 = tpu.memref_slice %arg6[%dma_start3A_795, %dma_start3A_796] : memref<10240x128xf32, #tpu.memory_space<vmem_shared>> -> memref<10240x128xf32, #tpu.memory_space<vmem_shared>>
    tpu.enqueue_indirect_dma source(%arg13 : memref<128x128xf32, #tpu.memory_space<vmem>>) target(%dma_start3A_797 : memref<10240x128xf32, #tpu.memory_space<vmem_shared>>) offsets(%dma_start3A_794 : memref<128xi32, #tpu.memory_space<vmem>>) semaphore(%arg20 : memref<!tpu.dma_semaphore, #tpu.memory_space<semaphore_mem>>) {add = true}
    %dma_wait3A_798 = arith.constant 1 : i32
    %dma_wait3A_799 = arith.constant 0 : i32
    %dma_wait3A_800 = tpu.memref_slice %arg10[%dma_wait3A_798, %dma_wait3A_799] : memref<8x128xi32, #tpu.memory_space<vmem>> -> memref<1x128xi32, #tpu.memory_space<vmem>>
    %dma_wait3A_801 = tpu.memref_squeeze %dma_wait3A_800 : memref<1x128xi32, #tpu.memory_space<vmem>> -> memref<128xi32, #tpu.memory_space<vmem>>
    %dma_wait3A_802 = arith.constant 0 : i32
    %dma_wait3A_803 = arith.constant 0 : i32
    %dma_wait3A_804 = tpu.memref_slice %arg6[%dma_wait3A_802, %dma_wait3A_803] : memref<10240x128xf32, #tpu.memory_space<vmem_shared>> -> memref<10240x128xf32, #tpu.memory_space<vmem_shared>>
    tpu.wait_indirect_dma semaphore(%arg21 : memref<!tpu.dma_semaphore, #tpu.memory_space<semaphore_mem>>) src(%arg14 : memref<128x128xf32, #tpu.memory_space<vmem>>) dst(%dma_wait3A_804 : memref<10240x128xf32, #tpu.memory_space<vmem_shared>>)
    %dma_start3A_805 = arith.constant 1 : i32
    %dma_start3A_806 = arith.constant 0 : i32
    %dma_start3A_807 = tpu.memref_slice %arg7[%dma_start3A_805, %dma_start3A_806] : memref<8x128xi32, #tpu.memory_space<vmem>> -> memref<1x128xi32, #tpu.memory_space<vmem>>
    %dma_start3A_808 = tpu.memref_squeeze %dma_start3A_807 : memref<1x128xi32, #tpu.memory_space<vmem>> -> memref<128xi32, #tpu.memory_space<vmem>>
    %dma_start3A_809 = arith.constant 0 : i32
    %dma_start3A_810 = arith.constant 0 : i32
    %dma_start3A_811 = tpu.memref_slice %arg4[%dma_start3A_809, %dma_start3A_810] : memref<10240x128xf32, #tpu.memory_space<hbm>> -> memref<10240x128xf32, #tpu.memory_space<hbm>>
    tpu.enqueue_indirect_dma source(%dma_start3A_811 : memref<10240x128xf32, #tpu.memory_space<hbm>>) target(%arg14 : memref<128x128xf32, #tpu.memory_space<vmem>>) offsets(%dma_start3A_808 : memref<128xi32, #tpu.memory_space<vmem>>) semaphore(%arg19 : memref<!tpu.dma_semaphore, #tpu.memory_space<semaphore_mem>>)
    %dma_wait3A_812 = arith.constant 1 : i32
    %dma_wait3A_813 = arith.constant 0 : i32
    %dma_wait3A_814 = tpu.memref_slice %arg7[%dma_wait3A_812, %dma_wait3A_813] : memref<8x128xi32, #tpu.memory_space<vmem>> -> memref<1x128xi32, #tpu.memory_space<vmem>>
    %dma_wait3A_815 = tpu.memref_squeeze %dma_wait3A_814 : memref<1x128xi32, #tpu.memory_space<vmem>> -> memref<128xi32, #tpu.memory_space<vmem>>
    %dma_wait3A_816 = arith.constant 0 : i32
    %dma_wait3A_817 = arith.constant 0 : i32
    %dma_wait3A_818 = tpu.memref_slice %arg4[%dma_wait3A_816, %dma_wait3A_817] : memref<10240x128xf32, #tpu.memory_space<hbm>> -> memref<10240x128xf32, #tpu.memory_space<hbm>>
    tpu.wait_indirect_dma semaphore(%arg19 : memref<!tpu.dma_semaphore, #tpu.memory_space<semaphore_mem>>) src(%dma_wait3A_818 : memref<10240x128xf32, #tpu.memory_space<hbm>>) dst(%arg14 : memref<128x128xf32, #tpu.memory_space<vmem>>)
    %dma_start3A_819 = arith.constant 1 : i32
    %dma_start3A_820 = arith.constant 0 : i32
    %dma_start3A_821 = tpu.memref_slice %arg10[%dma_start3A_819, %dma_start3A_820] : memref<8x128xi32, #tpu.memory_space<vmem>> -> memref<1x128xi32, #tpu.memory_space<vmem>>
    %dma_start3A_822 = tpu.memref_squeeze %dma_start3A_821 : memref<1x128xi32, #tpu.memory_space<vmem>> -> memref<128xi32, #tpu.memory_space<vmem>>
    %dma_start3A_823 = arith.constant 0 : i32
    %dma_start3A_824 = arith.constant 0 : i32
    %dma_start3A_825 = tpu.memref_slice %arg6[%dma_start3A_823, %dma_start3A_824] : memref<10240x128xf32, #tpu.memory_space<vmem_shared>> -> memref<10240x128xf32, #tpu.memory_space<vmem_shared>>
    tpu.enqueue_indirect_dma source(%arg14 : memref<128x128xf32, #tpu.memory_space<vmem>>) target(%dma_start3A_825 : memref<10240x128xf32, #tpu.memory_space<vmem_shared>>) offsets(%dma_start3A_822 : memref<128xi32, #tpu.memory_space<vmem>>) semaphore(%arg21 : memref<!tpu.dma_semaphore, #tpu.memory_space<semaphore_mem>>) {add = true}
    %dma_wait3A_826 = arith.constant 2 : i32
    %dma_wait3A_827 = arith.constant 0 : i32
    %dma_wait3A_828 = tpu.memref_slice %arg10[%dma_wait3A_826, %dma_wait3A_827] : memref<8x128xi32, #tpu.memory_space<vmem>> -> memref<1x128xi32, #tpu.memory_space<vmem>>
    %dma_wait3A_829 = tpu.memref_squeeze %dma_wait3A_828 : memref<1x128xi32, #tpu.memory_space<vmem>> -> memref<128xi32, #tpu.memory_space<vmem>>
    %dma_wait3A_830 = arith.constant 0 : i32
    %dma_wait3A_831 = arith.constant 0 : i32
    %dma_wait3A_832 = tpu.memref_slice %arg6[%dma_wait3A_830, %dma_wait3A_831] : memref<10240x128xf32, #tpu.memory_space<vmem_shared>> -> memref<10240x128xf32, #tpu.memory_space<vmem_shared>>
    tpu.wait_indirect_dma semaphore(%arg20 : memref<!tpu.dma_semaphore, #tpu.memory_space<semaphore_mem>>) src(%arg13 : memref<128x128xf32, #tpu.memory_space<vmem>>) dst(%dma_wait3A_832 : memref<10240x128xf32, #tpu.memory_space<vmem_shared>>)
    %dma_start3A_833 = arith.constant 2 : i32
    %dma_start3A_834 = arith.constant 0 : i32
    %dma_start3A_835 = tpu.memref_slice %arg7[%dma_start3A_833, %dma_start3A_834] : memref<8x128xi32, #tpu.memory_space<vmem>> -> memref<1x128xi32, #tpu.memory_space<vmem>>
    %dma_start3A_836 = tpu.memref_squeeze %dma_start3A_835 : memref<1x128xi32, #tpu.memory_space<vmem>> -> memref<128xi32, #tpu.memory_space<vmem>>
    %dma_start3A_837 = arith.constant 0 : i32
    %dma_start3A_838 = arith.constant 0 : i32
    %dma_start3A_839 = tpu.memref_slice %arg4[%dma_start3A_837, %dma_start3A_838] : memref<10240x128xf32, #tpu.memory_space<hbm>> -> memref<10240x128xf32, #tpu.memory_space<hbm>>
    tpu.enqueue_indirect_dma source(%dma_start3A_839 : memref<10240x128xf32, #tpu.memory_space<hbm>>) target(%arg13 : memref<128x128xf32, #tpu.memory_space<vmem>>) offsets(%dma_start3A_836 : memref<128xi32, #tpu.memory_space<vmem>>) semaphore(%arg18 : memref<!tpu.dma_semaphore, #tpu.memory_space<semaphore_mem>>)
    %dma_wait3A_840 = arith.constant 2 : i32
    %dma_wait3A_841 = arith.constant 0 : i32
    %dma_wait3A_842 = tpu.memref_slice %arg7[%dma_wait3A_840, %dma_wait3A_841] : memref<8x128xi32, #tpu.memory_space<vmem>> -> memref<1x128xi32, #tpu.memory_space<vmem>>
    %dma_wait3A_843 = tpu.memref_squeeze %dma_wait3A_842 : memref<1x128xi32, #tpu.memory_space<vmem>> -> memref<128xi32, #tpu.memory_space<vmem>>
    %dma_wait3A_844 = arith.constant 0 : i32
    %dma_wait3A_845 = arith.constant 0 : i32
    %dma_wait3A_846 = tpu.memref_slice %arg4[%dma_wait3A_844, %dma_wait3A_845] : memref<10240x128xf32, #tpu.memory_space<hbm>> -> memref<10240x128xf32, #tpu.memory_space<hbm>>
    tpu.wait_indirect_dma semaphore(%arg18 : memref<!tpu.dma_semaphore, #tpu.memory_space<semaphore_mem>>) src(%dma_wait3A_846 : memref<10240x128xf32, #tpu.memory_space<hbm>>) dst(%arg13 : memref<128x128xf32, #tpu.memory_space<vmem>>)
    %dma_start3A_847 = arith.constant 2 : i32
    %dma_start3A_848 = arith.constant 0 : i32
    %dma_start3A_849 = tpu.memref_slice %arg10[%dma_start3A_847, %dma_start3A_848] : memref<8x128xi32, #tpu.memory_space<vmem>> -> memref<1x128xi32, #tpu.memory_space<vmem>>
    %dma_start3A_850 = tpu.memref_squeeze %dma_start3A_849 : memref<1x128xi32, #tpu.memory_space<vmem>> -> memref<128xi32, #tpu.memory_space<vmem>>
    %dma_start3A_851 = arith.constant 0 : i32
    %dma_start3A_852 = arith.constant 0 : i32
    %dma_start3A_853 = tpu.memref_slice %arg6[%dma_start3A_851, %dma_start3A_852] : memref<10240x128xf32, #tpu.memory_space<vmem_shared>> -> memref<10240x128xf32, #tpu.memory_space<vmem_shared>>
    tpu.enqueue_indirect_dma source(%arg13 : memref<128x128xf32, #tpu.memory_space<vmem>>) target(%dma_start3A_853 : memref<10240x128xf32, #tpu.memory_space<vmem_shared>>) offsets(%dma_start3A_850 : memref<128xi32, #tpu.memory_space<vmem>>) semaphore(%arg20 : memref<!tpu.dma_semaphore, #tpu.memory_space<semaphore_mem>>) {add = true}
    %dma_wait3A_854 = arith.constant 3 : i32
    %dma_wait3A_855 = arith.constant 0 : i32
    %dma_wait3A_856 = tpu.memref_slice %arg10[%dma_wait3A_854, %dma_wait3A_855] : memref<8x128xi32, #tpu.memory_space<vmem>> -> memref<1x128xi32, #tpu.memory_space<vmem>>
    %dma_wait3A_857 = tpu.memref_squeeze %dma_wait3A_856 : memref<1x128xi32, #tpu.memory_space<vmem>> -> memref<128xi32, #tpu.memory_space<vmem>>
    %dma_wait3A_858 = arith.constant 0 : i32
    %dma_wait3A_859 = arith.constant 0 : i32
    %dma_wait3A_860 = tpu.memref_slice %arg6[%dma_wait3A_858, %dma_wait3A_859] : memref<10240x128xf32, #tpu.memory_space<vmem_shared>> -> memref<10240x128xf32, #tpu.memory_space<vmem_shared>>
    tpu.wait_indirect_dma semaphore(%arg21 : memref<!tpu.dma_semaphore, #tpu.memory_space<semaphore_mem>>) src(%arg14 : memref<128x128xf32, #tpu.memory_space<vmem>>) dst(%dma_wait3A_860 : memref<10240x128xf32, #tpu.memory_space<vmem_shared>>)
    %dma_start3A_861 = arith.constant 3 : i32
    %dma_start3A_862 = arith.constant 0 : i32
    %dma_start3A_863 = tpu.memref_slice %arg7[%dma_start3A_861, %dma_start3A_862] : memref<8x128xi32, #tpu.memory_space<vmem>> -> memref<1x128xi32, #tpu.memory_space<vmem>>
    %dma_start3A_864 = tpu.memref_squeeze %dma_start3A_863 : memref<1x128xi32, #tpu.memory_space<vmem>> -> memref<128xi32, #tpu.memory_space<vmem>>
    %dma_start3A_865 = arith.constant 0 : i32
    %dma_start3A_866 = arith.constant 0 : i32
    %dma_start3A_867 = tpu.memref_slice %arg4[%dma_start3A_865, %dma_start3A_866] : memref<10240x128xf32, #tpu.memory_space<hbm>> -> memref<10240x128xf32, #tpu.memory_space<hbm>>
    tpu.enqueue_indirect_dma source(%dma_start3A_867 : memref<10240x128xf32, #tpu.memory_space<hbm>>) target(%arg14 : memref<128x128xf32, #tpu.memory_space<vmem>>) offsets(%dma_start3A_864 : memref<128xi32, #tpu.memory_space<vmem>>) semaphore(%arg19 : memref<!tpu.dma_semaphore, #tpu.memory_space<semaphore_mem>>)
    %dma_wait3A_868 = arith.constant 3 : i32
    %dma_wait3A_869 = arith.constant 0 : i32
    %dma_wait3A_870 = tpu.memref_slice %arg7[%dma_wait3A_868, %dma_wait3A_869] : memref<8x128xi32, #tpu.memory_space<vmem>> -> memref<1x128xi32, #tpu.memory_space<vmem>>
    %dma_wait3A_871 = tpu.memref_squeeze %dma_wait3A_870 : memref<1x128xi32, #tpu.memory_space<vmem>> -> memref<128xi32, #tpu.memory_space<vmem>>
    %dma_wait3A_872 = arith.constant 0 : i32
    %dma_wait3A_873 = arith.constant 0 : i32
    %dma_wait3A_874 = tpu.memref_slice %arg4[%dma_wait3A_872, %dma_wait3A_873] : memref<10240x128xf32, #tpu.memory_space<hbm>> -> memref<10240x128xf32, #tpu.memory_space<hbm>>
    tpu.wait_indirect_dma semaphore(%arg19 : memref<!tpu.dma_semaphore, #tpu.memory_space<semaphore_mem>>) src(%dma_wait3A_874 : memref<10240x128xf32, #tpu.memory_space<hbm>>) dst(%arg14 : memref<128x128xf32, #tpu.memory_space<vmem>>)
    %dma_start3A_875 = arith.constant 3 : i32
    %dma_start3A_876 = arith.constant 0 : i32
    %dma_start3A_877 = tpu.memref_slice %arg10[%dma_start3A_875, %dma_start3A_876] : memref<8x128xi32, #tpu.memory_space<vmem>> -> memref<1x128xi32, #tpu.memory_space<vmem>>
    %dma_start3A_878 = tpu.memref_squeeze %dma_start3A_877 : memref<1x128xi32, #tpu.memory_space<vmem>> -> memref<128xi32, #tpu.memory_space<vmem>>
    %dma_start3A_879 = arith.constant 0 : i32
    %dma_start3A_880 = arith.constant 0 : i32
    %dma_start3A_881 = tpu.memref_slice %arg6[%dma_start3A_879, %dma_start3A_880] : memref<10240x128xf32, #tpu.memory_space<vmem_shared>> -> memref<10240x128xf32, #tpu.memory_space<vmem_shared>>
    tpu.enqueue_indirect_dma source(%arg14 : memref<128x128xf32, #tpu.memory_space<vmem>>) target(%dma_start3A_881 : memref<10240x128xf32, #tpu.memory_space<vmem_shared>>) offsets(%dma_start3A_878 : memref<128xi32, #tpu.memory_space<vmem>>) semaphore(%arg21 : memref<!tpu.dma_semaphore, #tpu.memory_space<semaphore_mem>>) {add = true}
    %dma_wait3A_882 = arith.constant 4 : i32
    %dma_wait3A_883 = arith.constant 0 : i32
    %dma_wait3A_884 = tpu.memref_slice %arg10[%dma_wait3A_882, %dma_wait3A_883] : memref<8x128xi32, #tpu.memory_space<vmem>> -> memref<1x128xi32, #tpu.memory_space<vmem>>
    %dma_wait3A_885 = tpu.memref_squeeze %dma_wait3A_884 : memref<1x128xi32, #tpu.memory_space<vmem>> -> memref<128xi32, #tpu.memory_space<vmem>>
    %dma_wait3A_886 = arith.constant 0 : i32
    %dma_wait3A_887 = arith.constant 0 : i32
    %dma_wait3A_888 = tpu.memref_slice %arg6[%dma_wait3A_886, %dma_wait3A_887] : memref<10240x128xf32, #tpu.memory_space<vmem_shared>> -> memref<10240x128xf32, #tpu.memory_space<vmem_shared>>
    tpu.wait_indirect_dma semaphore(%arg20 : memref<!tpu.dma_semaphore, #tpu.memory_space<semaphore_mem>>) src(%arg13 : memref<128x128xf32, #tpu.memory_space<vmem>>) dst(%dma_wait3A_888 : memref<10240x128xf32, #tpu.memory_space<vmem_shared>>)
    %dma_start3A_889 = arith.constant 4 : i32
    %dma_start3A_890 = arith.constant 0 : i32
    %dma_start3A_891 = tpu.memref_slice %arg7[%dma_start3A_889, %dma_start3A_890] : memref<8x128xi32, #tpu.memory_space<vmem>> -> memref<1x128xi32, #tpu.memory_space<vmem>>
    %dma_start3A_892 = tpu.memref_squeeze %dma_start3A_891 : memref<1x128xi32, #tpu.memory_space<vmem>> -> memref<128xi32, #tpu.memory_space<vmem>>
    %dma_start3A_893 = arith.constant 0 : i32
    %dma_start3A_894 = arith.constant 0 : i32
    %dma_start3A_895 = tpu.memref_slice %arg4[%dma_start3A_893, %dma_start3A_894] : memref<10240x128xf32, #tpu.memory_space<hbm>> -> memref<10240x128xf32, #tpu.memory_space<hbm>>
    tpu.enqueue_indirect_dma source(%dma_start3A_895 : memref<10240x128xf32, #tpu.memory_space<hbm>>) target(%arg13 : memref<128x128xf32, #tpu.memory_space<vmem>>) offsets(%dma_start3A_892 : memref<128xi32, #tpu.memory_space<vmem>>) semaphore(%arg18 : memref<!tpu.dma_semaphore, #tpu.memory_space<semaphore_mem>>)
    %dma_wait3A_896 = arith.constant 4 : i32
    %dma_wait3A_897 = arith.constant 0 : i32
    %dma_wait3A_898 = tpu.memref_slice %arg7[%dma_wait3A_896, %dma_wait3A_897] : memref<8x128xi32, #tpu.memory_space<vmem>> -> memref<1x128xi32, #tpu.memory_space<vmem>>
    %dma_wait3A_899 = tpu.memref_squeeze %dma_wait3A_898 : memref<1x128xi32, #tpu.memory_space<vmem>> -> memref<128xi32, #tpu.memory_space<vmem>>
    %dma_wait3A_900 = arith.constant 0 : i32
    %dma_wait3A_901 = arith.constant 0 : i32
    %dma_wait3A_902 = tpu.memref_slice %arg4[%dma_wait3A_900, %dma_wait3A_901] : memref<10240x128xf32, #tpu.memory_space<hbm>> -> memref<10240x128xf32, #tpu.memory_space<hbm>>
    tpu.wait_indirect_dma semaphore(%arg18 : memref<!tpu.dma_semaphore, #tpu.memory_space<semaphore_mem>>) src(%dma_wait3A_902 : memref<10240x128xf32, #tpu.memory_space<hbm>>) dst(%arg13 : memref<128x128xf32, #tpu.memory_space<vmem>>)
    %dma_start3A_903 = arith.constant 4 : i32
    %dma_start3A_904 = arith.constant 0 : i32
    %dma_start3A_905 = tpu.memref_slice %arg10[%dma_start3A_903, %dma_start3A_904] : memref<8x128xi32, #tpu.memory_space<vmem>> -> memref<1x128xi32, #tpu.memory_space<vmem>>
    %dma_start3A_906 = tpu.memref_squeeze %dma_start3A_905 : memref<1x128xi32, #tpu.memory_space<vmem>> -> memref<128xi32, #tpu.memory_space<vmem>>
    %dma_start3A_907 = arith.constant 0 : i32
    %dma_start3A_908 = arith.constant 0 : i32
    %dma_start3A_909 = tpu.memref_slice %arg6[%dma_start3A_907, %dma_start3A_908] : memref<10240x128xf32, #tpu.memory_space<vmem_shared>> -> memref<10240x128xf32, #tpu.memory_space<vmem_shared>>
    tpu.enqueue_indirect_dma source(%arg13 : memref<128x128xf32, #tpu.memory_space<vmem>>) target(%dma_start3A_909 : memref<10240x128xf32, #tpu.memory_space<vmem_shared>>) offsets(%dma_start3A_906 : memref<128xi32, #tpu.memory_space<vmem>>) semaphore(%arg20 : memref<!tpu.dma_semaphore, #tpu.memory_space<semaphore_mem>>) {add = true}
    %dma_wait3A_910 = arith.constant 5 : i32
    %dma_wait3A_911 = arith.constant 0 : i32
    %dma_wait3A_912 = tpu.memref_slice %arg10[%dma_wait3A_910, %dma_wait3A_911] : memref<8x128xi32, #tpu.memory_space<vmem>> -> memref<1x128xi32, #tpu.memory_space<vmem>>
    %dma_wait3A_913 = tpu.memref_squeeze %dma_wait3A_912 : memref<1x128xi32, #tpu.memory_space<vmem>> -> memref<128xi32, #tpu.memory_space<vmem>>
    %dma_wait3A_914 = arith.constant 0 : i32
    %dma_wait3A_915 = arith.constant 0 : i32
    %dma_wait3A_916 = tpu.memref_slice %arg6[%dma_wait3A_914, %dma_wait3A_915] : memref<10240x128xf32, #tpu.memory_space<vmem_shared>> -> memref<10240x128xf32, #tpu.memory_space<vmem_shared>>
    tpu.wait_indirect_dma semaphore(%arg21 : memref<!tpu.dma_semaphore, #tpu.memory_space<semaphore_mem>>) src(%arg14 : memref<128x128xf32, #tpu.memory_space<vmem>>) dst(%dma_wait3A_916 : memref<10240x128xf32, #tpu.memory_space<vmem_shared>>)
    %dma_start3A_917 = arith.constant 5 : i32
    %dma_start3A_918 = arith.constant 0 : i32
    %dma_start3A_919 = tpu.memref_slice %arg7[%dma_start3A_917, %dma_start3A_918] : memref<8x128xi32, #tpu.memory_space<vmem>> -> memref<1x128xi32, #tpu.memory_space<vmem>>
    %dma_start3A_920 = tpu.memref_squeeze %dma_start3A_919 : memref<1x128xi32, #tpu.memory_space<vmem>> -> memref<128xi32, #tpu.memory_space<vmem>>
    %dma_start3A_921 = arith.constant 0 : i32
    %dma_start3A_922 = arith.constant 0 : i32
    %dma_start3A_923 = tpu.memref_slice %arg4[%dma_start3A_921, %dma_start3A_922] : memref<10240x128xf32, #tpu.memory_space<hbm>> -> memref<10240x128xf32, #tpu.memory_space<hbm>>
    tpu.enqueue_indirect_dma source(%dma_start3A_923 : memref<10240x128xf32, #tpu.memory_space<hbm>>) target(%arg14 : memref<128x128xf32, #tpu.memory_space<vmem>>) offsets(%dma_start3A_920 : memref<128xi32, #tpu.memory_space<vmem>>) semaphore(%arg19 : memref<!tpu.dma_semaphore, #tpu.memory_space<semaphore_mem>>)
    %dma_wait3A_924 = arith.constant 5 : i32
    %dma_wait3A_925 = arith.constant 0 : i32
    %dma_wait3A_926 = tpu.memref_slice %arg7[%dma_wait3A_924, %dma_wait3A_925] : memref<8x128xi32, #tpu.memory_space<vmem>> -> memref<1x128xi32, #tpu.memory_space<vmem>>
    %dma_wait3A_927 = tpu.memref_squeeze %dma_wait3A_926 : memref<1x128xi32, #tpu.memory_space<vmem>> -> memref<128xi32, #tpu.memory_space<vmem>>
    %dma_wait3A_928 = arith.constant 0 : i32
    %dma_wait3A_929 = arith.constant 0 : i32
    %dma_wait3A_930 = tpu.memref_slice %arg4[%dma_wait3A_928, %dma_wait3A_929] : memref<10240x128xf32, #tpu.memory_space<hbm>> -> memref<10240x128xf32, #tpu.memory_space<hbm>>
    tpu.wait_indirect_dma semaphore(%arg19 : memref<!tpu.dma_semaphore, #tpu.memory_space<semaphore_mem>>) src(%dma_wait3A_930 : memref<10240x128xf32, #tpu.memory_space<hbm>>) dst(%arg14 : memref<128x128xf32, #tpu.memory_space<vmem>>)
    %dma_start3A_931 = arith.constant 5 : i32
    %dma_start3A_932 = arith.constant 0 : i32
    %dma_start3A_933 = tpu.memref_slice %arg10[%dma_start3A_931, %dma_start3A_932] : memref<8x128xi32, #tpu.memory_space<vmem>> -> memref<1x128xi32, #tpu.memory_space<vmem>>
    %dma_start3A_934 = tpu.memref_squeeze %dma_start3A_933 : memref<1x128xi32, #tpu.memory_space<vmem>> -> memref<128xi32, #tpu.memory_space<vmem>>
    %dma_start3A_935 = arith.constant 0 : i32
    %dma_start3A_936 = arith.constant 0 : i32
    %dma_start3A_937 = tpu.memref_slice %arg6[%dma_start3A_935, %dma_start3A_936] : memref<10240x128xf32, #tpu.memory_space<vmem_shared>> -> memref<10240x128xf32, #tpu.memory_space<vmem_shared>>
    tpu.enqueue_indirect_dma source(%arg14 : memref<128x128xf32, #tpu.memory_space<vmem>>) target(%dma_start3A_937 : memref<10240x128xf32, #tpu.memory_space<vmem_shared>>) offsets(%dma_start3A_934 : memref<128xi32, #tpu.memory_space<vmem>>) semaphore(%arg21 : memref<!tpu.dma_semaphore, #tpu.memory_space<semaphore_mem>>) {add = true}
    %dma_wait3A_938 = arith.constant 6 : i32
    %dma_wait3A_939 = arith.constant 0 : i32
    %dma_wait3A_940 = tpu.memref_slice %arg10[%dma_wait3A_938, %dma_wait3A_939] : memref<8x128xi32, #tpu.memory_space<vmem>> -> memref<1x128xi32, #tpu.memory_space<vmem>>
    %dma_wait3A_941 = tpu.memref_squeeze %dma_wait3A_940 : memref<1x128xi32, #tpu.memory_space<vmem>> -> memref<128xi32, #tpu.memory_space<vmem>>
    %dma_wait3A_942 = arith.constant 0 : i32
    %dma_wait3A_943 = arith.constant 0 : i32
    %dma_wait3A_944 = tpu.memref_slice %arg6[%dma_wait3A_942, %dma_wait3A_943] : memref<10240x128xf32, #tpu.memory_space<vmem_shared>> -> memref<10240x128xf32, #tpu.memory_space<vmem_shared>>
    tpu.wait_indirect_dma semaphore(%arg20 : memref<!tpu.dma_semaphore, #tpu.memory_space<semaphore_mem>>) src(%arg13 : memref<128x128xf32, #tpu.memory_space<vmem>>) dst(%dma_wait3A_944 : memref<10240x128xf32, #tpu.memory_space<vmem_shared>>)
    %dma_start3A_945 = arith.constant 6 : i32
    %dma_start3A_946 = arith.constant 0 : i32
    %dma_start3A_947 = tpu.memref_slice %arg7[%dma_start3A_945, %dma_start3A_946] : memref<8x128xi32, #tpu.memory_space<vmem>> -> memref<1x128xi32, #tpu.memory_space<vmem>>
    %dma_start3A_948 = tpu.memref_squeeze %dma_start3A_947 : memref<1x128xi32, #tpu.memory_space<vmem>> -> memref<128xi32, #tpu.memory_space<vmem>>
    %dma_start3A_949 = arith.constant 0 : i32
    %dma_start3A_950 = arith.constant 0 : i32
    %dma_start3A_951 = tpu.memref_slice %arg4[%dma_start3A_949, %dma_start3A_950] : memref<10240x128xf32, #tpu.memory_space<hbm>> -> memref<10240x128xf32, #tpu.memory_space<hbm>>
    tpu.enqueue_indirect_dma source(%dma_start3A_951 : memref<10240x128xf32, #tpu.memory_space<hbm>>) target(%arg13 : memref<128x128xf32, #tpu.memory_space<vmem>>) offsets(%dma_start3A_948 : memref<128xi32, #tpu.memory_space<vmem>>) semaphore(%arg18 : memref<!tpu.dma_semaphore, #tpu.memory_space<semaphore_mem>>)
    %dma_wait3A_952 = arith.constant 6 : i32
    %dma_wait3A_953 = arith.constant 0 : i32
    %dma_wait3A_954 = tpu.memref_slice %arg7[%dma_wait3A_952, %dma_wait3A_953] : memref<8x128xi32, #tpu.memory_space<vmem>> -> memref<1x128xi32, #tpu.memory_space<vmem>>
    %dma_wait3A_955 = tpu.memref_squeeze %dma_wait3A_954 : memref<1x128xi32, #tpu.memory_space<vmem>> -> memref<128xi32, #tpu.memory_space<vmem>>
    %dma_wait3A_956 = arith.constant 0 : i32
    %dma_wait3A_957 = arith.constant 0 : i32
    %dma_wait3A_958 = tpu.memref_slice %arg4[%dma_wait3A_956, %dma_wait3A_957] : memref<10240x128xf32, #tpu.memory_space<hbm>> -> memref<10240x128xf32, #tpu.memory_space<hbm>>
    tpu.wait_indirect_dma semaphore(%arg18 : memref<!tpu.dma_semaphore, #tpu.memory_space<semaphore_mem>>) src(%dma_wait3A_958 : memref<10240x128xf32, #tpu.memory_space<hbm>>) dst(%arg13 : memref<128x128xf32, #tpu.memory_space<vmem>>)
    %dma_start3A_959 = arith.constant 6 : i32
    %dma_start3A_960 = arith.constant 0 : i32
    %dma_start3A_961 = tpu.memref_slice %arg10[%dma_start3A_959, %dma_start3A_960] : memref<8x128xi32, #tpu.memory_space<vmem>> -> memref<1x128xi32, #tpu.memory_space<vmem>>
    %dma_start3A_962 = tpu.memref_squeeze %dma_start3A_961 : memref<1x128xi32, #tpu.memory_space<vmem>> -> memref<128xi32, #tpu.memory_space<vmem>>
    %dma_start3A_963 = arith.constant 0 : i32
    %dma_start3A_964 = arith.constant 0 : i32
    %dma_start3A_965 = tpu.memref_slice %arg6[%dma_start3A_963, %dma_start3A_964] : memref<10240x128xf32, #tpu.memory_space<vmem_shared>> -> memref<10240x128xf32, #tpu.memory_space<vmem_shared>>
    tpu.enqueue_indirect_dma source(%arg13 : memref<128x128xf32, #tpu.memory_space<vmem>>) target(%dma_start3A_965 : memref<10240x128xf32, #tpu.memory_space<vmem_shared>>) offsets(%dma_start3A_962 : memref<128xi32, #tpu.memory_space<vmem>>) semaphore(%arg20 : memref<!tpu.dma_semaphore, #tpu.memory_space<semaphore_mem>>) {add = true}
    %dma_wait3A_966 = arith.constant 7 : i32
    %dma_wait3A_967 = arith.constant 0 : i32
    %dma_wait3A_968 = tpu.memref_slice %arg10[%dma_wait3A_966, %dma_wait3A_967] : memref<8x128xi32, #tpu.memory_space<vmem>> -> memref<1x128xi32, #tpu.memory_space<vmem>>
    %dma_wait3A_969 = tpu.memref_squeeze %dma_wait3A_968 : memref<1x128xi32, #tpu.memory_space<vmem>> -> memref<128xi32, #tpu.memory_space<vmem>>
    %dma_wait3A_970 = arith.constant 0 : i32
    %dma_wait3A_971 = arith.constant 0 : i32
    %dma_wait3A_972 = tpu.memref_slice %arg6[%dma_wait3A_970, %dma_wait3A_971] : memref<10240x128xf32, #tpu.memory_space<vmem_shared>> -> memref<10240x128xf32, #tpu.memory_space<vmem_shared>>
    tpu.wait_indirect_dma semaphore(%arg21 : memref<!tpu.dma_semaphore, #tpu.memory_space<semaphore_mem>>) src(%arg14 : memref<128x128xf32, #tpu.memory_space<vmem>>) dst(%dma_wait3A_972 : memref<10240x128xf32, #tpu.memory_space<vmem_shared>>)
    %dma_start3A_973 = arith.constant 7 : i32
    %dma_start3A_974 = arith.constant 0 : i32
    %dma_start3A_975 = tpu.memref_slice %arg7[%dma_start3A_973, %dma_start3A_974] : memref<8x128xi32, #tpu.memory_space<vmem>> -> memref<1x128xi32, #tpu.memory_space<vmem>>
    %dma_start3A_976 = tpu.memref_squeeze %dma_start3A_975 : memref<1x128xi32, #tpu.memory_space<vmem>> -> memref<128xi32, #tpu.memory_space<vmem>>
    %dma_start3A_977 = arith.constant 0 : i32
    %dma_start3A_978 = arith.constant 0 : i32
    %dma_start3A_979 = tpu.memref_slice %arg4[%dma_start3A_977, %dma_start3A_978] : memref<10240x128xf32, #tpu.memory_space<hbm>> -> memref<10240x128xf32, #tpu.memory_space<hbm>>
    tpu.enqueue_indirect_dma source(%dma_start3A_979 : memref<10240x128xf32, #tpu.memory_space<hbm>>) target(%arg14 : memref<128x128xf32, #tpu.memory_space<vmem>>) offsets(%dma_start3A_976 : memref<128xi32, #tpu.memory_space<vmem>>) semaphore(%arg19 : memref<!tpu.dma_semaphore, #tpu.memory_space<semaphore_mem>>)
    %dma_wait3A_980 = arith.constant 7 : i32
    %dma_wait3A_981 = arith.constant 0 : i32
    %dma_wait3A_982 = tpu.memref_slice %arg7[%dma_wait3A_980, %dma_wait3A_981] : memref<8x128xi32, #tpu.memory_space<vmem>> -> memref<1x128xi32, #tpu.memory_space<vmem>>
    %dma_wait3A_983 = tpu.memref_squeeze %dma_wait3A_982 : memref<1x128xi32, #tpu.memory_space<vmem>> -> memref<128xi32, #tpu.memory_space<vmem>>
    %dma_wait3A_984 = arith.constant 0 : i32
    %dma_wait3A_985 = arith.constant 0 : i32
    %dma_wait3A_986 = tpu.memref_slice %arg4[%dma_wait3A_984, %dma_wait3A_985] : memref<10240x128xf32, #tpu.memory_space<hbm>> -> memref<10240x128xf32, #tpu.memory_space<hbm>>
    tpu.wait_indirect_dma semaphore(%arg19 : memref<!tpu.dma_semaphore, #tpu.memory_space<semaphore_mem>>) src(%dma_wait3A_986 : memref<10240x128xf32, #tpu.memory_space<hbm>>) dst(%arg14 : memref<128x128xf32, #tpu.memory_space<vmem>>)
    %dma_start3A_987 = arith.constant 7 : i32
    %dma_start3A_988 = arith.constant 0 : i32
    %dma_start3A_989 = tpu.memref_slice %arg10[%dma_start3A_987, %dma_start3A_988] : memref<8x128xi32, #tpu.memory_space<vmem>> -> memref<1x128xi32, #tpu.memory_space<vmem>>
    %dma_start3A_990 = tpu.memref_squeeze %dma_start3A_989 : memref<1x128xi32, #tpu.memory_space<vmem>> -> memref<128xi32, #tpu.memory_space<vmem>>
    %dma_start3A_991 = arith.constant 0 : i32
    %dma_start3A_992 = arith.constant 0 : i32
    %dma_start3A_993 = tpu.memref_slice %arg6[%dma_start3A_991, %dma_start3A_992] : memref<10240x128xf32, #tpu.memory_space<vmem_shared>> -> memref<10240x128xf32, #tpu.memory_space<vmem_shared>>
    tpu.enqueue_indirect_dma source(%arg14 : memref<128x128xf32, #tpu.memory_space<vmem>>) target(%dma_start3A_993 : memref<10240x128xf32, #tpu.memory_space<vmem_shared>>) offsets(%dma_start3A_990 : memref<128xi32, #tpu.memory_space<vmem>>) semaphore(%arg21 : memref<!tpu.dma_semaphore, #tpu.memory_space<semaphore_mem>>) {add = true}
    %dma_wait3A_994 = arith.constant 6 : i32
    %dma_wait3A_995 = arith.constant 0 : i32
    %dma_wait3A_996 = tpu.memref_slice %arg10[%dma_wait3A_994, %dma_wait3A_995] : memref<8x128xi32, #tpu.memory_space<vmem>> -> memref<1x128xi32, #tpu.memory_space<vmem>>
    %dma_wait3A_997 = tpu.memref_squeeze %dma_wait3A_996 : memref<1x128xi32, #tpu.memory_space<vmem>> -> memref<128xi32, #tpu.memory_space<vmem>>
    %dma_wait3A_998 = arith.constant 0 : i32
    %dma_wait3A_999 = arith.constant 0 : i32
    %dma_wait3A_1000 = tpu.memref_slice %arg6[%dma_wait3A_998, %dma_wait3A_999] : memref<10240x128xf32, #tpu.memory_space<vmem_shared>> -> memref<10240x128xf32, #tpu.memory_space<vmem_shared>>
    tpu.wait_indirect_dma semaphore(%arg20 : memref<!tpu.dma_semaphore, #tpu.memory_space<semaphore_mem>>) src(%arg13 : memref<128x128xf32, #tpu.memory_space<vmem>>) dst(%dma_wait3A_1000 : memref<10240x128xf32, #tpu.memory_space<vmem_shared>>)
    %dma_wait3A_1001 = arith.constant 7 : i32
    %dma_wait3A_1002 = arith.constant 0 : i32
    %dma_wait3A_1003 = tpu.memref_slice %arg10[%dma_wait3A_1001, %dma_wait3A_1002] : memref<8x128xi32, #tpu.memory_space<vmem>> -> memref<1x128xi32, #tpu.memory_space<vmem>>
    %dma_wait3A_1004 = tpu.memref_squeeze %dma_wait3A_1003 : memref<1x128xi32, #tpu.memory_space<vmem>> -> memref<128xi32, #tpu.memory_space<vmem>>
    %dma_wait3A_1005 = arith.constant 0 : i32
    %dma_wait3A_1006 = arith.constant 0 : i32
    %dma_wait3A_1007 = tpu.memref_slice %arg6[%dma_wait3A_1005, %dma_wait3A_1006] : memref<10240x128xf32, #tpu.memory_space<vmem_shared>> -> memref<10240x128xf32, #tpu.memory_space<vmem_shared>>
    tpu.wait_indirect_dma semaphore(%arg21 : memref<!tpu.dma_semaphore, #tpu.memory_space<semaphore_mem>>) src(%arg14 : memref<128x128xf32, #tpu.memory_space<vmem>>) dst(%dma_wait3A_1007 : memref<10240x128xf32, #tpu.memory_space<vmem_shared>>)
    %barrier3A_1008 = arith.constant 0 : index
    tpu.barrier barrier_id(%barrier3A_1008)
    "tpu.region"() ({
      %run_scoped3A = tpu.sem_alloc : memref<!tpu.dma_semaphore, #tpu.memory_space<semaphore_mem>>
      %dma_start3A_1009 = arith.constant 0 : i32
      %dma_start3A_1010 = tpu.memref_slice %arg5[%arg0, %mul3A_2, %dma_start3A_1009] : memref<2x10240x128xf32, #tpu.memory_space<hbm>> -> memref<1x640x128xf32, #tpu.memory_space<hbm>>
      %dma_start3A_1011 = tpu.memref_squeeze %dma_start3A_1010 : memref<1x640x128xf32, #tpu.memory_space<hbm>> -> memref<640x128xf32, #tpu.memory_space<hbm>>
      %dma_start3A_1012 = arith.constant 0 : i32
      %dma_start3A_1013 = tpu.memref_slice %arg6[%mul3A_2, %dma_start3A_1012] : memref<10240x128xf32, #tpu.memory_space<vmem_shared>> -> memref<640x128xf32, #tpu.memory_space<vmem_shared>>
      tpu.enqueue_dma source(%dma_start3A_1013 : memref<640x128xf32, #tpu.memory_space<vmem_shared>>) target(%dma_start3A_1011 : memref<640x128xf32, #tpu.memory_space<hbm>>) target_semaphore(%run_scoped3A : memref<!tpu.dma_semaphore, #tpu.memory_space<semaphore_mem>>)
      %dma_wait3A_1014 = arith.constant 0 : i32
      %dma_wait3A_1015 = tpu.memref_slice %arg5[%arg0, %mul3A_2, %dma_wait3A_1014] : memref<2x10240x128xf32, #tpu.memory_space<hbm>> -> memref<1x640x128xf32, #tpu.memory_space<hbm>>
      %dma_wait3A_1016 = tpu.memref_squeeze %dma_wait3A_1015 : memref<1x640x128xf32, #tpu.memory_space<hbm>> -> memref<640x128xf32, #tpu.memory_space<hbm>>
      %dma_wait3A_1017 = arith.constant 0 : i32
      %dma_wait3A_1018 = tpu.memref_slice %arg6[%mul3A_2, %dma_wait3A_1017] : memref<10240x128xf32, #tpu.memory_space<vmem_shared>> -> memref<640x128xf32, #tpu.memory_space<vmem_shared>>
      tpu.wait_dma2 semaphore(%run_scoped3A : memref<!tpu.dma_semaphore, #tpu.memory_space<semaphore_mem>>) src(%dma_wait3A_1018 : memref<640x128xf32, #tpu.memory_space<vmem_shared>>) dst(%dma_wait3A_1016 : memref<640x128xf32, #tpu.memory_space<hbm>>)
      tpu.yield
    }) : () -> ()
    return
  }
}

module attributes {stable_mosaic.version = 14 : i64} {
  func.func @_pre_body(%arg0: i32, %arg1: memref<1024x128xf32, #tpu.memory_space<vmem>>, %arg2: memref<128x128xf32, #tpu.memory_space<vmem>>, %arg3: memref<2x1024xf32, #tpu.memory_space<vmem>>, %arg4: memref<1024x128xf32, #tpu.memory_space<vmem>>, %arg5: memref<1024xf32, #tpu.memory_space<vmem>>, %arg6: memref<1024xf32, #tpu.memory_space<vmem>>) attributes {dimension_semantics = [#tpu.dimension_semantics<arbitrary>], iteration_bounds = array<i64: 10>, scalar_prefetch = 0 : i64, scratch_operands = 0 : i64, tpu.core_type = #tpu.core_type<tc>, window_params = [{transform_indices = @transform_0, window_bounds = array<i64: 1024, 128>}, {pipeline_mode = #tpu.pipeline_mode<synchronous>, transform_indices = @transform_1, window_bounds = array<i64: 128, 128>}, {transform_indices = @transform_2, window_bounds = array<i64: 2, 1024>}, {transform_indices = @transform_3, window_bounds = array<i64: 1024, 128>}, {transform_indices = @transform_4, window_bounds = array<i64: 1024>}, {transform_indices = @transform_5, window_bounds = array<i64: 1024>}]} {
    %get3A = arith.constant 0 : index
    %get3A_0 = arith.constant 0 : index
    %get3A_1 = vector.load %arg1[%get3A, %get3A_0] : memref<1024x128xf32, #tpu.memory_space<vmem>>, vector<1024x128xf32>
    %get3A_2 = arith.constant 0 : index
    %get3A_3 = arith.constant 0 : index
    %get3A_4 = vector.load %arg3[%get3A_2, %get3A_3] : memref<2x1024xf32, #tpu.memory_space<vmem>>, vector<1x1024xf32>
    %get3A_5 = vector.shape_cast %get3A_4 : vector<1x1024xf32> to vector<1024xf32>
    %get3A_6 = arith.constant 1 : index
    %get3A_7 = arith.constant 0 : index
    %get3A_8 = vector.load %arg3[%get3A_6, %get3A_7] : memref<2x1024xf32, #tpu.memory_space<vmem>>, vector<1x1024xf32>
    %get3A_9 = vector.shape_cast %get3A_8 : vector<1x1024xf32> to vector<1024xf32>
    %add3A = arith.addf %get3A_5, %get3A_9 : vector<1024xf32>
    %sub3A = arith.constant 1.000000e+00 : f32
    %sub3A_10 = vector.broadcast %sub3A : f32 to vector<1024xf32>
    %sub3A_11 = arith.subf %add3A, %sub3A_10 : vector<1024xf32>
    %rsqrt3A = math.rsqrt %sub3A_11 : vector<1024xf32>
    %get3A_12 = arith.constant 0 : index
    %get3A_13 = arith.constant 0 : index
    %get3A_14 = vector.load %arg2[%get3A_12, %get3A_13] : memref<128x128xf32, #tpu.memory_space<vmem>>, vector<128x128xf32>
    %dot_general3A = arith.constant dense<0.000000e+00> : vector<1024x128xf32>
    %dot_general3A_15 = tpu.matmul %get3A_1, %get3A_14, %dot_general3A {dimension_numbers = #tpu.dot_dimension_numbers<[1], [0], [0], [1], [0, 0, 1, 1], [], []>, transpose_lhs_hint = false} : vector<1024x128xf32>, vector<128x128xf32>, vector<1024x128xf32> -> vector<1024x128xf32>
    %broadcast_in_dim3A = vector.shape_cast %rsqrt3A : vector<1024xf32> to vector<1024x1xf32>
    %mul3A = vector.broadcast %broadcast_in_dim3A : vector<1024x1xf32> to vector<1024x128xf32>
    %mul3A_16 = arith.mulf %mul3A, %dot_general3A_15 : vector<1024x128xf32>
    %swap3A = arith.constant 0 : index
    %swap3A_17 = arith.constant 0 : index
    %swap3A_18 = vector.load %arg4[%swap3A, %swap3A_17] : memref<1024x128xf32, #tpu.memory_space<vmem>>, vector<1024x128xf32>
    tpu.vector_store %arg4[%swap3A, %swap3A_17], %mul3A_16 {strides = array<i32>} : memref<1024x128xf32, #tpu.memory_space<vmem>>, vector<1024x128xf32>,
    %swap3A_19 = arith.constant 0 : index
    %swap3A_20 = vector.load %arg5[%swap3A_19] : memref<1024xf32, #tpu.memory_space<vmem>>, vector<1024xf32>
    tpu.vector_store %arg5[%swap3A_19], %rsqrt3A {strides = array<i32>} : memref<1024xf32, #tpu.memory_space<vmem>>, vector<1024xf32>,
    %slice3A = vector.extract_strided_slice %get3A_1 {offsets = [0, 0], sizes = [1024, 1], strides = [1, 1]} : vector<1024x128xf32> to vector<1024x1xf32>
    %squeeze3A = vector.shape_cast %slice3A : vector<1024x1xf32> to vector<1024xf32>
    %eq3A = arith.constant 0.000000e+00 : f32
    %eq3A_21 = vector.broadcast %eq3A : f32 to vector<1024xf32>
    %eq3A_22 = arith.cmpf oeq, %squeeze3A, %eq3A_21 : vector<1024xf32>
    %convert_element_type3A = arith.extui %eq3A_22 : vector<1024xi1> to vector<1024xi32>
    %convert_element_type3A_23 = arith.sitofp %convert_element_type3A : vector<1024xi32> to vector<1024xf32>
    %swap3A_24 = arith.constant 0 : index
    %swap3A_25 = vector.load %arg6[%swap3A_24] : memref<1024xf32, #tpu.memory_space<vmem>>, vector<1024xf32>
    tpu.vector_store %arg6[%swap3A_24], %convert_element_type3A_23 {strides = array<i32>} : memref<1024xf32, #tpu.memory_space<vmem>>, vector<1024xf32>,
    return
  }
  func.func @transform_0(%arg0: i32) -> (i32, i32) {
    %c0_i32 = arith.constant 0 : i32
    %c0_i32_0 = arith.constant 0 : i32
    return %arg0, %c0_i32 : i32, i32
  }
  func.func @transform_1(%arg0: i32) -> (i32, i32) {
    %c0_i32 = arith.constant 0 : i32
    %c0_i32_0 = arith.constant 0 : i32
    %c0_i32_1 = arith.constant 0 : i32
    return %c0_i32, %c0_i32_0 : i32, i32
  }
  func.func @transform_2(%arg0: i32) -> (i32, i32) {
    %c0_i32 = arith.constant 0 : i32
    %c0_i32_0 = arith.constant 0 : i32
    return %c0_i32, %arg0 : i32, i32
  }
  func.func @transform_3(%arg0: i32) -> (i32, i32) {
    %c0_i32 = arith.constant 0 : i32
    %c0_i32_0 = arith.constant 0 : i32
    return %arg0, %c0_i32 : i32, i32
  }
  func.func @transform_4(%arg0: i32) -> i32 {
    %c0_i32 = arith.constant 0 : i32
    return %arg0 : i32
  }
  func.func @transform_5(%arg0: i32) -> i32 {
    %c0_i32 = arith.constant 0 : i32
    return %arg0 : i32
  }
}

module attributes {stable_mosaic.version = 14 : i64} {
  func.func @_mid_body(%arg0: i32, %arg1: memref<2x1024x128xf32, #tpu.memory_space<vmem>>, %arg2: memref<1024xf32, #tpu.memory_space<vmem>>, %arg3: memref<128xf32, #tpu.memory_space<vmem>>, %arg4: memref<128xf32, #tpu.memory_space<vmem>>, %arg5: memref<1024xf32, #tpu.memory_space<vmem>>) attributes {dimension_semantics = [#tpu.dimension_semantics<arbitrary>], iteration_bounds = array<i64: 10>, scalar_prefetch = 0 : i64, scratch_operands = 0 : i64, tpu.core_type = #tpu.core_type<tc>, window_params = [{transform_indices = @transform_0, window_bounds = array<i64: 2, 1024, 128>}, {transform_indices = @transform_1, window_bounds = array<i64: 1024>}, {pipeline_mode = #tpu.pipeline_mode<synchronous>, transform_indices = @transform_2, window_bounds = array<i64: 128>}, {pipeline_mode = #tpu.pipeline_mode<synchronous>, transform_indices = @transform_3, window_bounds = array<i64: 128>}, {transform_indices = @transform_4, window_bounds = array<i64: 1024>}]} {
    %get3A = arith.constant 0 : index
    %get3A_0 = vector.load %arg2[%get3A] : memref<1024xf32, #tpu.memory_space<vmem>>, vector<1024xf32>
    %get3A_1 = arith.constant 0 : index
    %get3A_2 = arith.constant 0 : index
    %get3A_3 = arith.constant 0 : index
    %get3A_4 = vector.load %arg1[%get3A_1, %get3A_2, %get3A_3] : memref<2x1024x128xf32, #tpu.memory_space<vmem>>, vector<1x1024x128xf32>
    %get3A_5 = vector.shape_cast %get3A_4 : vector<1x1024x128xf32> to vector<1024x128xf32>
    %get3A_6 = arith.constant 1 : index
    %get3A_7 = arith.constant 0 : index
    %get3A_8 = arith.constant 0 : index
    %get3A_9 = vector.load %arg1[%get3A_6, %get3A_7, %get3A_8] : memref<2x1024x128xf32, #tpu.memory_space<vmem>>, vector<1x1024x128xf32>
    %get3A_10 = vector.shape_cast %get3A_9 : vector<1x1024x128xf32> to vector<1024x128xf32>
    %add3A = arith.addf %get3A_5, %get3A_10 : vector<1024x128xf32>
    %broadcast_in_dim3A = vector.shape_cast %get3A_0 : vector<1024xf32> to vector<1024x1xf32>
    %mul3A = vector.broadcast %broadcast_in_dim3A : vector<1024x1xf32> to vector<1024x128xf32>
    %mul3A_11 = arith.mulf %mul3A, %add3A : vector<1024x128xf32>
    %get3A_12 = arith.constant 0 : index
    %get3A_13 = vector.load %arg3[%get3A_12] : memref<128xf32, #tpu.memory_space<vmem>>, vector<128xf32>
    %broadcast_in_dim3A_14 = vector.shape_cast %get3A_13 : vector<128xf32> to vector<1x128xf32>
    %add3A_15 = vector.broadcast %broadcast_in_dim3A_14 : vector<1x128xf32> to vector<1024x128xf32>
    %add3A_16 = arith.addf %mul3A_11, %add3A_15 : vector<1024x128xf32>
    %ge3A = arith.constant 0.000000e+00 : f32
    %ge3A_17 = vector.broadcast %ge3A : f32 to vector<1024x128xf32>
    %ge3A_18 = arith.cmpf oge, %add3A_16, %ge3A_17 : vector<1024x128xf32>
    %mul3A_19 = arith.constant 0.00999999977 : f32
    %mul3A_20 = vector.broadcast %mul3A_19 : f32 to vector<1024x128xf32>
    %mul3A_21 = arith.mulf %mul3A_20, %add3A_16 : vector<1024x128xf32>
    %select_n3A = arith.select %ge3A_18, %add3A_16, %mul3A_21 : vector<1024x128xi1>, vector<1024x128xf32>
    %get3A_22 = arith.constant 0 : index
    %get3A_23 = vector.load %arg4[%get3A_22] : memref<128xf32, #tpu.memory_space<vmem>>, vector<128xf32>
    %dot_general3A = arith.constant dense<0.000000e+00> : vector<1024xf32>
    %dot_general3A_24 = tpu.matmul %select_n3A, %get3A_23, %dot_general3A {dimension_numbers = #tpu.dot_dimension_numbers<[1], [0], [0], [], [0, 0], [], []>, transpose_lhs_hint = false} : vector<1024x128xf32>, vector<128xf32>, vector<1024xf32> -> vector<1024xf32>
    %mul3A_25 = arith.mulf %get3A_0, %dot_general3A_24 : vector<1024xf32>
    %swap3A = arith.constant 0 : index
    %swap3A_26 = vector.load %arg5[%swap3A] : memref<1024xf32, #tpu.memory_space<vmem>>, vector<1024xf32>
    tpu.vector_store %arg5[%swap3A], %mul3A_25 {strides = array<i32>} : memref<1024xf32, #tpu.memory_space<vmem>>, vector<1024xf32>,
    return
  }
  func.func @transform_0(%arg0: i32) -> (i32, i32, i32) {
    %c0_i32 = arith.constant 0 : i32
    %c0_i32_0 = arith.constant 0 : i32
    %c0_i32_1 = arith.constant 0 : i32
    return %c0_i32, %arg0, %c0_i32_0 : i32, i32, i32
  }
  func.func @transform_1(%arg0: i32) -> i32 {
    %c0_i32 = arith.constant 0 : i32
    return %arg0 : i32
  }
  func.func @transform_2(%arg0: i32) -> i32 {
    %c0_i32 = arith.constant 0 : i32
    %c0_i32_0 = arith.constant 0 : i32
    return %c0_i32 : i32
  }
  func.func @transform_3(%arg0: i32) -> i32 {
    %c0_i32 = arith.constant 0 : i32
    %c0_i32_0 = arith.constant 0 : i32
    return %c0_i32 : i32
  }
  func.func @transform_4(%arg0: i32) -> i32 {
    %c0_i32 = arith.constant 0 : i32
    return %arg0 : i32
  }
}

module attributes {stable_mosaic.version = 14 : i64} {
  func.func @_post_body(%arg0: i32, %arg1: memref<2x10240xf32, #tpu.memory_space<vmem>>, %arg2: memref<10240xf32, #tpu.memory_space<vmem>>, %arg3: memref<10240xf32, #tpu.memory_space<vmem>>, %arg4: memref<1xf32, #tpu.memory_space<vmem>>, %arg5: memref<10000xf32, #tpu.memory_space<vmem>>) attributes {dimension_semantics = [#tpu.dimension_semantics<arbitrary>], iteration_bounds = array<i64: 1>, scalar_prefetch = 0 : i64, scratch_operands = 0 : i64, tpu.core_type = #tpu.core_type<tc>, window_params = [{pipeline_mode = #tpu.pipeline_mode<synchronous>, transform_indices = @transform_0, window_bounds = array<i64: 2, 10240>}, {pipeline_mode = #tpu.pipeline_mode<synchronous>, transform_indices = @transform_1, window_bounds = array<i64: 10240>}, {pipeline_mode = #tpu.pipeline_mode<synchronous>, transform_indices = @transform_2, window_bounds = array<i64: 10240>}, {pipeline_mode = #tpu.pipeline_mode<synchronous>, transform_indices = @transform_3, window_bounds = array<i64: 1>}, {pipeline_mode = #tpu.pipeline_mode<synchronous>, transform_indices = @transform_4, window_bounds = array<i64: 10000>}]} {
    %get3A = arith.constant 0 : index
    %get3A_0 = arith.constant 0 : index
    %get3A_1 = vector.load %arg1[%get3A, %get3A_0] : memref<2x10240xf32, #tpu.memory_space<vmem>>, vector<1x10240xf32>
    %get3A_2 = vector.shape_cast %get3A_1 : vector<1x10240xf32> to vector<10240xf32>
    %get3A_3 = arith.constant 1 : index
    %get3A_4 = arith.constant 0 : index
    %get3A_5 = vector.load %arg1[%get3A_3, %get3A_4] : memref<2x10240xf32, #tpu.memory_space<vmem>>, vector<1x10240xf32>
    %get3A_6 = vector.shape_cast %get3A_5 : vector<1x10240xf32> to vector<10240xf32>
    %add3A = arith.addf %get3A_2, %get3A_6 : vector<10240xf32>
    %get3A_7 = arith.constant 0 : index
    %get3A_8 = vector.load %arg2[%get3A_7] : memref<10240xf32, #tpu.memory_space<vmem>>, vector<10240xf32>
    %mul3A = arith.mulf %get3A_8, %add3A : vector<10240xf32>
    %get3A_9 = arith.constant 0 : index
    %get3A_10 = vector.load %arg4[%get3A_9] : memref<1xf32, #tpu.memory_space<vmem>>, vector<1xf32>
    %add3A_11 = vector.broadcast %get3A_10 : vector<1xf32> to vector<10240xf32>
    %add3A_12 = arith.addf %mul3A, %add3A_11 : vector<10240xf32>
    %iota3A = tpu.iota {dimensions = array<i32: 1>} : vector<1x10240xi32>
    %iota3A_13 = vector.shape_cast %iota3A : vector<1x10240xi32> to vector<10240xi32>
    %lt3A = arith.constant 10000 : i32
    %lt3A_14 = vector.broadcast %lt3A : i32 to vector<10240xi32>
    %lt3A_15 = arith.cmpi slt, %iota3A_13, %lt3A_14 : vector<10240xi32>
    %get3A_16 = arith.constant 0 : index
    %get3A_17 = vector.load %arg3[%get3A_16] : memref<10240xf32, #tpu.memory_space<vmem>>, vector<10240xf32>
    %eq3A = arith.constant 0.000000e+00 : f32
    %eq3A_18 = vector.broadcast %eq3A : f32 to vector<10240xf32>
    %eq3A_19 = arith.cmpf oeq, %get3A_17, %eq3A_18 : vector<10240xf32>
    %and3A = arith.andi %lt3A_15, %eq3A_19 : vector<10240xi1>
    %jit3A = arith.constant 0xFF800000 : f32
    %broadcast_in_dim3A = vector.broadcast %jit3A : f32 to vector<10240xf32>
    %select_n3A = arith.select %and3A, %add3A_12, %broadcast_in_dim3A : vector<10240xi1>, vector<10240xf32>
    %reduce_max3A = vector.shape_cast %select_n3A : vector<10240xf32> to vector<1x10240xf32>
    %reduce_max3A_20 = arith.constant dense<0xFF800000> : vector<1xf32>
    %reduce_max3A_21 = vector.multi_reduction <maximumf>, %reduce_max3A, %reduce_max3A_20 [1] : vector<1x10240xf32> to vector<1xf32>
    %reduce_max3A_22 = vector.shape_cast %reduce_max3A_21 : vector<1xf32> to vector<1x1xf32>
    %reduce_max3A_23 = vector.extract %reduce_max3A_22[0, 0] : f32 from vector<1x1xf32>
    %sub3A = vector.broadcast %reduce_max3A_23 : f32 to vector<10240xf32>
    %sub3A_24 = arith.subf %select_n3A, %sub3A : vector<10240xf32>
    %exp3A = math.exp %sub3A_24 : vector<10240xf32>
    %reduce_sum3A = vector.shape_cast %exp3A : vector<10240xf32> to vector<1x10240xf32>
    %reduce_sum3A_25 = arith.constant dense<0.000000e+00> : vector<1xf32>
    %reduce_sum3A_26 = vector.multi_reduction <add>, %reduce_sum3A, %reduce_sum3A_25 [1] : vector<1x10240xf32> to vector<1xf32>
    %reduce_sum3A_27 = vector.shape_cast %reduce_sum3A_26 : vector<1xf32> to vector<1x1xf32>
    %reduce_sum3A_28 = vector.extract %reduce_sum3A_27[0, 0] : f32 from vector<1x1xf32>
    %div3A = vector.broadcast %reduce_sum3A_28 : f32 to vector<10240xf32>
    %div3A_29 = arith.divf %exp3A, %div3A : vector<10240xf32>
    %slice3A = vector.extract_strided_slice %div3A_29 {offsets = [0], sizes = [10000], strides = [1]} : vector<10240xf32> to vector<10000xf32>
    %swap3A = arith.constant 0 : index
    %swap3A_30 = vector.load %arg5[%swap3A] : memref<10000xf32, #tpu.memory_space<vmem>>, vector<10000xf32>
    tpu.vector_store %arg5[%swap3A], %slice3A {strides = array<i32>} : memref<10000xf32, #tpu.memory_space<vmem>>, vector<10000xf32>,
    return
  }
  func.func @transform_0(%arg0: i32) -> (i32, i32) {
    %c0_i32 = arith.constant 0 : i32
    %c0_i32_0 = arith.constant 0 : i32
    %c0_i32_1 = arith.constant 0 : i32
    return %c0_i32, %c0_i32_0 : i32, i32
  }
  func.func @transform_1(%arg0: i32) -> i32 {
    %c0_i32 = arith.constant 0 : i32
    %c0_i32_0 = arith.constant 0 : i32
    return %c0_i32 : i32
  }
  func.func @transform_2(%arg0: i32) -> i32 {
    %c0_i32 = arith.constant 0 : i32
    %c0_i32_0 = arith.constant 0 : i32
    return %c0_i32 : i32
  }
  func.func @transform_3(%arg0: i32) -> i32 {
    %c0_i32 = arith.constant 0 : i32
    %c0_i32_0 = arith.constant 0 : i32
    return %c0_i32 : i32
  }
  func.func @transform_4(%arg0: i32) -> i32 {
    %c0_i32 = arith.constant 0 : i32
    %c0_i32_0 = arith.constant 0 : i32
    return %c0_i32 : i32
  }
}

</mosaic_0001>

<sc_bundles>
// kernel: kernel.11.cloned.1.call-start
scs
__scs_entry_jumppad:
0x0: {  	(pc) =	sbr.rel $0x88, $3  }
0x1: {  	(tag) =	ssettag $0x0;
	lr =	simm.s32 $0x1  }
0x2: {  	[smem:$0x3F9B] =	sst lr;
	_ =	strace $0xD0000000  }
0x3: {  	_ = 	snop  }
0x4: {  	_ = 	snop  }
0x5: {  	_ = 	snop  }
0x6: {  	_ = 	snop  }
0x7: {  	_ = 	snop  }
__scs_overlays_trampoline_lowered:
0x8: {  	[smem:$0x3FAA] =	sst s0  }
0x9: {  	[smem:$0x3FAB] =	sst s1  }
0xa: {  	[smem:$0x3FAC] =	sst s2  }
0xb: {  	[smem:$0x3FAD] =	sst s3  }
0xc: {  	[smem:$0x3FAE] =	sst s4  }
0xd: {  	[smem:$0x3FAF] =	sst s5  }
0xe: {  	[smem:$0x3FB0] =	sst s6  }
0xf: {  	[smem:$0x3FB1] =	sst s7  }
0x10: {  	[smem:$0x3FB2] =	sst s8  }
0x11: {  	[smem:$0x3FB3] =	sst s9;
	s0 =	simm.s32 @!p0 $0x0  }
0x12: {  	s1 =	sld [smem:$0x3F99];
	s0 =	simm.s32 @p0 $0x1  }
0x13: {  	[smem:$0x3FB4] =	sst s0;
	s0 =	simm.s32 @!p1 $0x0  }
0x14: {  	s2 =	sld [smem:$0x3F98];
	s0 =	simm.s32 @p1 $0x1  }
0x15: {  	[smem:$0x3FB5] =	sst s0;
	s0 =	simm.s32 @!p2 $0x0  }
0x16: {  	s3 =	sld [smem:$0x3FDB];
	s0 =	simm.s32 @p2 $0x1  }
0x17: {  	s4 =	simm.s32 $0x1BF5;
	[smem:$0x3FB7] =	sst s0  }
0x18: {  	s0 =	sld [smem:$0x3F9A];
	_ =	swait.ge [sflag:s4], $0x0  }
0x19: {  	s7 =	sld [smem:$0x3F9B]  }
0x1a: {  	s8 =	sadd.s32 $0xFFFFE003, lr  }
0x1b: {  	s9 =	sadd.s32 $0xFFFFFEF7, lr;
	s5 =	simm.s32 $0xFFFFFFFF;
	p2 =	slt.u32 s8, $0xFFFFF086  }
0x1c: {  	p1 =	slt.u32 s9, $0xF7A;
	s5 =	simm.s32 @!p2 $0x0  }
0x1d: {  	s5 =	simm.s32 @p1 $0x1;
	p0 =	seq.s32 s7, s2  }
0x1e: {  	s7 =	smul.u32 @!p0 $0xF7A, s2;
	p2 =	seq.s32 @!p0 s5, $0x0  }
0x1f: {  	s9 =	smul.u32 $0xF7A, s1;
	s8 =	simm.s32 @!p0 $0x1BF5;
	p2 =	por !p2, p0  }
0x20: {  	[sflag:s8] =	ssyncset.s32 @!p0 $0xFFFFF086;
	s6 =	sadd.s32 @!p0 s3, s7;
	s7 =	simm.s32 @!p0 $0x108  }
0x21: {  	s3 =	sadd.s32 s3, s9;
	s6 =	sadd.s32 @!p0 $0x88, s6;
	s7 =	simm.s32 @p2 $0x1082  }
0x22: {  	[simem:s7], [sflag:s8] =	dma.local @!p0 [hbm:s6], $0xF7A  }
0x23: {  	s9 =	sor.u32 $0xD0000000, s2;
	s6 =	simm.s32 $0x108;
	_ =	swait.ge @!p0 [sflag:s8], $0x0  }
0x24: {  	s3 =	sadd.s32 $0x88, s3;
	s6 =	simm.s32 @!p1 $0x1082;
	[sflag:s4] =	ssyncset.s32 $0xFFFFF086  }
0x25: {  	[simem:s6], [sflag:s4] =	dma.local [hbm:s3], $0xF7A  }
0x26: {  	[smem:$0x3F9B] =	sst s1;
	(tag) =	ssettag s2;
	_ =	strace s9  }
0x27: {  	s1 =	sld [smem:$0x3FAB]  }
0x28: {  	s2 =	sld [smem:$0x3FAC]  }
0x29: {  	s4 =	sld [smem:$0x3FAE]  }
0x2a: {  	p0 =	seq.s32 s5, $0x0;
	s5 =	sld [smem:$0x3FAF]  }
0x2b: {  	s6 =	sld [smem:$0x3FB0]  }
0x2c: {  	s7 =	sld [smem:$0x3FB1]  }
0x2d: {  	s3 =	simm.s32 $0x108;
	s8 =	sld [smem:$0x3FB2]  }
0x2e: {  	s3 =	simm.s32 @!p0 $0x1082;
	s9 =	sld [smem:$0x3FB3]  }
0x2f: {  	lr =	sadd.s32 s0, s3;
	s0 =	sld [smem:$0x3FAA]  }
0x30: {  	s3 =	sld [smem:$0x3FAD]  }
0x31: {  	[smem:$0x3FB6] =	sst s10  }
0x32: {  	s10 =	sld [smem:$0x3FB4];
	_ =	sdelay $0x3  }
0x33: {  	p0 =	seq.s32 s10, $0x1;
	s10 =	sld [smem:$0x3FB6];
	_ =	sdelay $0x3  }
0x34: {  	[smem:$0x3FB6] =	sst s10  }
0x35: {  	s10 =	sld [smem:$0x3FB5];
	_ =	sdelay $0x3  }
0x36: {  	p1 =	seq.s32 s10, $0x1;
	s10 =	sld [smem:$0x3FB6];
	_ =	sdelay $0x3  }
0x37: {  	[smem:$0x3FB6] =	sst s10  }
0x38: {  	s10 =	sld [smem:$0x3FB7]  }
0x39: {  	_ = 	snop;
	(pc) =	sbr.ind lr, $3  }
0x3a: {  	_ = 	snop  }
0x3b: {  	_ = 	snop  }
0x3c: {  	p2 =	seq.s32 s10, $0x1;
	s10 =	sld [smem:$0x3FB6]  }
0x3d: {  	_ =	shalt  }
0x3e: {  	_ =	shalt  }
0x3f: {  	_ =	shalt  }
0x40: {  	_ =	shalt  }
0x41: {  	_ =	shalt  }
0x42: {  	_ =	shalt  }
0x43: {  	_ =	shalt  }
0x44: {  	_ =	shalt  }
0x45: {  	_ =	shalt  }
0x46: {  	_ =	shalt  }
0x47: {  	_ =	shalt  }
0x48: {  	_ =	shalt  }
0x49: {  	_ =	shalt  }
0x4a: {  	_ =	shalt  }
0x4b: {  	_ =	shalt  }
0x4c: {  	_ =	shalt  }
0x4d: {  	_ =	shalt  }
0x4e: {  	_ =	shalt  }
0x4f: {  	_ =	shalt  }
0x50: {  	_ =	shalt  }
0x51: {  	_ =	shalt  }
0x52: {  	_ =	shalt  }
0x53: {  	_ =	shalt  }
0x54: {  	_ =	shalt  }
0x55: {  	_ =	shalt  }
0x56: {  	_ =	shalt  }
0x57: {  	_ =	shalt  }
0x58: {  	_ =	shalt  }
0x59: {  	_ =	shalt  }
0x5a: {  	_ =	shalt  }
0x5b: {  	_ =	shalt  }
0x5c: {  	_ =	shalt  }
0x5d: {  	_ =	shalt  }
0x5e: {  	_ =	shalt  }
0x5f: {  	_ =	shalt  }
0x60: {  	_ =	shalt  }
0x61: {  	_ =	shalt  }
0x62: {  	_ =	shalt  }
0x63: {  	_ =	shalt  }
0x64: {  	_ =	shalt  }
0x65: {  	_ =	shalt  }
0x66: {  	_ =	shalt  }
0x67: {  	_ =	shalt  }
0x68: {  	_ =	shalt  }
0x69: {  	_ =	shalt  }
0x6a: {  	_ =	shalt  }
0x6b: {  	_ =	shalt  }
0x6c: {  	_ =	shalt  }
0x6d: {  	_ =	shalt  }
0x6e: {  	_ =	shalt  }
0x6f: {  	_ =	shalt  }
0x70: {  	_ =	shalt  }
0x71: {  	_ =	shalt  }
0x72: {  	_ =	shalt  }
0x73: {  	_ =	shalt  }
0x74: {  	_ =	shalt  }
0x75: {  	_ =	shalt  }
0x76: {  	_ =	shalt  }
0x77: {  	_ =	shalt  }
0x78: {  	_ =	shalt  }
0x79: {  	_ =	shalt  }
0x7a: {  	_ =	shalt  }
0x7b: {  	_ =	shalt  }
0x7c: {  	_ =	shalt  }
0x7d: {  	_ =	shalt  }
0x7e: {  	_ =	shalt  }
0x7f: {  	_ =	shalt  }
0x80: {  	_ =	shalt  }
0x81: {  	_ =	shalt  }
0x82: {  	_ =	shalt  }
0x83: {  	_ =	shalt  }
0x84: {  	_ =	shalt  }
0x85: {  	_ =	shalt  }
0x86: {  	_ =	shalt  }
0x87: {  	_ =	shalt  }
.Lfunc_end0:
.L_simem_size_0:
called_computation.1_lowered:
.L_overlay_start_0:
0x88: {  	s2 =	sld [smem:$0x3FD9]  }
0x89: {  	s3 =	sld [smem:$0x3FFE];
	_ =	sdelay $0x1  }
0x8a: {  	s1 =	srdreg.scid  }
0x8b: {  	s0 =	sand.u32 $0x1, s1  }
0x8c: {  	s16 =	sshll.u32 s0, $0xA;
	s2 =	sadd.s32 s3, s2  }
0x8d: {  	s2 =	sadd.s32 s2, s16  }
0x8e: {  	[smem:$0x3FC2] =	sst s2  }
0x8f: {  	_ = 	snop  }
0x90: {  	(tm) =	ssettm $0x1  }
0x91: {  	s17 =	sld [smem:$0x3FFB];
	_ =	sdelay $0x3  }
0x92: {  	_ =	strace s17  }
0x93: {  	s2 =	sld [smem:$0x3FFC];
	_ =	sdelay $0x3  }
0x94: {  	_ =	strace s2  }
0x95: {  	s2 =	sld [smem:$0x3FFD];
	_ =	sdelay $0x3  }
0x96: {  	_ =	strace s2  }
0x97: {  	_ =	strace $0x8FFFFFFF  }
0x98: {  	s18 =	sld [smem:$0x3FDB];
	_ =	sdelay $0x1  }
0x99: {  	s19 =	simm.s32 $_scs_section_size  }
0x9a: {  	s4 =	simm.s32 $_size__tile_overlayer_lowered;
	s5 =	simm.s32 $_tile_overlayer_lowered  }
0x9b: {  	s22 =	simm.s32 $0x1BFF;
	s21 =	sshll.u32 s5, $0x1;
	s2 =	sadd.s32 s19, s18  }
0x9c: {  	s6 =	simm.s32 $0x0;
	s20 =	sshll.u32 s4, $0x1;
	s4 =	sadd.s32 s21, s2  }
0x9d: {  	[timem:s6], [sflag:s22] =	dma.local [hbm:s4], s20  }
0x9e: {  	_ =	swait.ge [sflag:s22], s20  }
0x9f: {  	s3 =	ssub.s32 $0x0, s20;
	[sflag:s22] =	ssyncset.done $0x0  }
0xa0: {  	[sflag:s22] =	ssyncadd.s32 s3;
	_ =	sdelay $0x1  }
0xa1: {  	s23 =	simm.s32 $0x1B8B  }
0xa2: {  	_ =	swait.ge [sflag:s23], $0x1  }
0xa3: {  	[sflag:s23] =	ssyncset.done $0x0  }
0xa4: {  	s25 =	simm.s32 $0x1B8E;
	s24 =	sld [smem:$0x3FFE];
	[sflag:s23] =	ssyncadd.s32 $0xFFFFFFFF  }
0xa5: {  	s26 =	simm.s32 $execute0_lowered;
	[smem:$0x3FD2] =	sst s25  }
0xa6: {  	s4 =	sshll.u32 s26, $0x1;
	_ =	strace $0x80000049;
	[dreg:$0x1] =	wrdreg $0xFFFFFFFF  }
0xa7: {  	s28 =	simm.s32 $_size_execute0_lowered;
	s2 =	sadd.s32 s2, s4;
	[dreg:$0x0] =	wrdreg $0x0  }
0xa8: {  	s4 =	sshll.u32 s28, $0x1;
	[dreg:$0x2] =	wrdreg s2  }
0xa9: {  	[dreg:$0x3] =	wrdreg s4  }
0xaa: {  	[dreg:$0x4] =	wrdreg $0xC0  }
0xab: {  	_ =	task [dreg:s6], $0x5FFFF  }
0xac: {  	[dreg:$0x1] =	wrdreg $0xFFFFFFFF  }
0xad: {  	[dreg:$0x0] =	wrdreg $0x60  }
0xae: {  	[dreg:$0x2] =	wrdreg s24  }
0xaf: {  	[dreg:$0x3] =	wrdreg $0x0  }
0xb0: {  	[dreg:$0x4] =	wrdreg $0x9  }
0xb1: {  	_ =	task.clear_ibuf [dreg:s6], $0x5FFFF;
	_ =	strace $0x90000049  }
0xb2: {  	s29 =	simm.s32 $0x9;
	_ =	strace $0x8000004B  }
0xb3: {  	_ =	swait.ge [sflag:s29], $0x1  }
0xb4: {  	[sflag:s29] =	ssyncadd.s32 $0xFFFFFFFF  }
0xb5: {  	_ =	strace $0x9000004B  }
0xb6: {  	_ =	sfence  }
0xb7: {  	s30 =	sld [smem:$0x0];
	_ =	sdelay $0x2  }
0xb8: {  	s31 =	sshll.u32 s1, $0xD;
	s1 =	sshrl.u32 s1, $0x2  }
0xb9: {  	s3 =	sand.u32 $0x4000, s31;
	s1 =	sadd.s32 s1, s30  }
0xba: {  	s0 =	sor.u32 s3, s0;
	s1 =	sshll.u32 s1, $0x11  }
0xbb: {  	s0 =	sor.u32 s1, s0  }
0xbc: {  	s0 =	sadd.s32 $0x8F2B, s0  }
0xbd: {  	[sflag:s0] =	ssyncadd.remote.s32 $0x1  }
0xbe: {  	_ =	sfence.sel $0xFFFF  }
0xbf: {  	[dreg:$0x0] =	wrdreg $0xFFFFFFFF;
	(pc) =	sbr.abs _section_cstart, $3  }
0xc0: {  	[dreg:$0x1] =	wrdreg $0xFFFFFFFF  }
0xc1: {  	_ =	task.clear_ibuf [dreg:s6], $0x2FFFF;
	_ =	strace $0x9FFFFFFF  }
0xc2: {  	(tm) =	ssettm $0x7FFFFFFF  }
0xc3: {  	_ =	shalt  }
tec
execute0_lowered:
.L_overlay_start_1:
0x0: {  	(tag) =	ssettag $0x1  }
0x1: {  	s0 =	rddreg [dreg:$0x0]  }
0x2: {  	s1 =	rddreg [dreg:$0x1]  }
0x3: {  	s2 =	simm.s32 $0x0;
	s3 =	srdreg.scid;
	s30 =	stileid.u32  }
0x4: {  	s29 =	simm.s32 $0x15800;
	s31 =	simm.s32 $0x1;
	s28 =	simm.s32 $0x14000  }
0x5: {  	[smem:$0x7FF] =	sst s2;
	s3 =	sand.u32 $0x1, s3;
	s8 =	smul.u32 $0x14000, s30  }
0x6: {  	s4 =	sadd.s32 $0xC800, s0;
	s5 =	sadd.s32 $0x2800, s0;
	s12 =	smul.u32 $0x50000, s30  }
0x7: {  	s6 =	sadd.s32 $0x16800, s0;
	s26 =	smul.u32 $0x2800, s30;
	s9 =	sshll.u32 s3, $0x4  }
0x8: {  	_ =	strace $0x8000004A;
	s7 =	smul.u32 $0x140000, s3;
	s9 =	sor.u32 s30, s9  }
0x9: {  	s23 =	ssub.s32 $0x2, s3;
	p0 =	seq.s32 s3, $0x1;
	s10 =	smul.u32 $0x500, s9  }
0xa: {  	s11 =	sshrl.u32 s23, $0x1;
	s7 =	sadd.s32 s8, s7;
	s8 =	smul.u32 $0x50, s9  }
0xb: {  	s25 =	sshrl.u32 s12, $0x2;
	s12 =	sadd.s32 s6, s26;
	s9 =	smul.u32 $0x2800, s9  }
0xc: {  	[dreg:$0x6] =	wrdreg s12;
	s12 =	simm.s32 $0x4;
	s7 =	sshrl.u32 s7, $0x3  }
0xd: {  	s0 =	sadd.s32 s7, s0;
	s7 =	ssub.s32 s23, s11;
	s24 =	sadd.s32 s4, s10  }
0xe: {  	s13 =	sadd.s32 s5, s10;
	s11 =	sadd.s32 s25, s1;
	[dreg:$0x3] =	wrdreg s24  }
0xf: {  	s16 =	sshrl.u32 s9, $0x3;
	s18 =	sor.u32 $0x80, s10;
	[dreg:$0x4] =	wrdreg s13  }
0x10: {  	s23 =	sadd.s32 $0x18, s8;
	s10 =	simm.s32 $0x14C00;
	[dreg:$0x5] =	wrdreg s11  }
0x11: {  	s13 =	sadd.s32 $0x4000, s11;
	s14 =	sadd.s32 $0x8000, s11;
	[dreg:$0x13] =	wrdreg s23  }
0x12: {  	s15 =	sadd.s32 $0xC000, s11;
	s17 =	sadd.s32 $0x10000, s11;
	[dreg:$0x7] =	wrdreg s13  }
0x13: {  	s19 =	sadd.s32 $0x100, s16;
	s20 =	sadd.s32 s4, s18;
	[dreg:$0x8] =	wrdreg s14  }
0x14: {  	s9 =	sadd.s32 s5, s18;
	s3 =	sadd.s32 $0x480, s16;
	[dreg:$0x9] =	wrdreg s15  }
0x15: {  	s24 =	sadd.s32 $0x20, s8;
	s8 =	sadd.s32 $0x28, s8;
	[dreg:$0xa] =	wrdreg s17  }
0x16: {  	s0 =	sadd.s32 $0x3E800, s0;
	s26 =	smax.u32 s7, $0x1;
	[dreg:$0xb] =	wrdreg s20  }
0x17: {  	s7 =	simm.s32 $0x15000;
	s11 =	simm.s32 $0x80;
	[dreg:$0xc] =	wrdreg s9  }
0x18: {  	s16 =	simm.s32 $0x2;
	s18 =	simm.s32 $0x15400;
	[dreg:$0x14] =	wrdreg s24  }
0x19: {  	s21 =	sadd.s32 s4, s19;
	s22 =	sadd.s32 s5, s19;
	[dreg:$0x15] =	wrdreg s8  }
0x1a: {  	s25 =	sadd.s32 s4, s3;
	s3 =	sadd.s32 s5, s3;
	[dreg:$0x11] =	wrdreg s0  }
0x1b: {  	[dreg:$0x12] =	wrdreg s26;
	s9 =	simm.s32 $0x14000;
	s0 =	simm.s32 $0x14400  }
0x1c: {  	s14 =	simm.s32 $0x19800;
	s8 =	simm.s32 $0x6;
	[dreg:$0xd] =	wrdreg s21  }
0x1d: {  	s17 =	simm.s32 $0x7;
	s13 =	simm.s32 $0x14800;
	[dreg:$0xe] =	wrdreg s22  }
0x1e: {  	s20 =	simm.s32 $0x15180;
	s24 =	simm.s32 $0x3;
	[dreg:$0xf] =	wrdreg s25  }
0x1f: {  	s19 =	simm.s32 $0x0;
	s26 =	simm.s32 $0x15000;
	[dreg:$0x10] =	wrdreg s3  }
0x20: {  	v0 =	vimm.f32 $0.0e+00;
	s3 =	simm.s32 $0x5;
	s21 =	simm.s32 $0x14600;
	s22 =	simm.s32 $0x14800  }
.LBB2_1:
.Ltmp0:
0x21: {  	s15 =	rddreg [dreg:$0x3];
	(pc) =	sbr.rel @!p0 .LBB2_2-.Ltmp0, $4  }
0x22: {  	s25 =	rddreg [dreg:$0x4]  }
0x23: {  	[tilespmem:s9], [sflag:$0x1] =	stream.linear.gather [hbm4b:s15+s2], $0x400, $0x38;
	[tilespmem:$0x1D800] =	vst v63  }
0x24: {  	[dreg:$0x16] =	wrdreg s19  }
0x25: {  	[tilespmem:s10], [sflag:$0x1] =	stream.linear.gather [hbm4b:s25+s2], $0x400, $0x38;
	[tilespmem:$0x1D800] =	vst v63  }
0x26: {  	s15 =	sand.u32 $0xFE00, s2  }
0x27: {  	s23 =	sand.u32 $0x70, s2;
	s30 =	sshrl.u32 s15, $0x2  }
0x28: {  	s15 =	simm.s32 $0x40;
	s30 =	sor.u32 s23, s30;
	s23 =	simm.s32 $0x0  }
.LBB2_4:
0x29: {  	p1 =	sne.s32 s15, $0xFFC0  }
0x2a: {  	[tilespmem:s30+$0x15800] =	vst v0;
	s23 =	sadd.s32 $0x10, s23;
	s30 =	smov.u32 s15;
	s15 =	sadd.s32 $0x40, s15  }
.Ltmp1:
0x2b: {  	(pc) =	sbr.rel @p1 .LBB2_4-.Ltmp1, $4  }
0x2c: {  	_ = 	snop  }
0x2d: {  	s30 =	sand.u32 $0xFE00, s30  }
0x2e: {  	s25 =	sand.u32 $0x70, s23;
	s30 =	sshrl.u32 s30, $0x2  }
0x2f: {  	s30 =	sor.u32 s25, s30  }
0x30: {  	[tilespmem:s30+$0x15800] =	vst v0;
	s15 =	rddreg [dreg:$0x5];
	s23 =	simm.s32 $0x8  }
0x31: {  	[spmem:s15] =	stream.linear.scatter [tilespmem:s29], [sflag:$0x8], $0x4000, $0x38;
	[tilespmem:$0x1D800] =	vst v63  }
0x32: {  	_ =	swait.ge [sflag:s23], $0x4000  }
0x33: {  	[sflag:s23] =	ssyncset.done $0x0  }
0x34: {  	s30 =	rddreg [dreg:$0x7];
	[sflag:s23] =	ssyncadd.s32 $0xFFFFC000  }
0x35: {  	[spmem:s30] =	stream.linear.scatter [tilespmem:s29], [sflag:$0x8], $0x4000, $0x38;
	[tilespmem:$0x1D800] =	vst v63  }
0x36: {  	_ =	swait.ge [sflag:s23], $0x4000  }
0x37: {  	[sflag:s23] =	ssyncset.done $0x0  }
0x38: {  	s19 =	rddreg [dreg:$0x8];
	[sflag:s23] =	ssyncadd.s32 $0xFFFFC000  }
0x39: {  	[spmem:s19] =	stream.linear.scatter [tilespmem:s29], [sflag:$0x8], $0x4000, $0x38;
	[tilespmem:$0x1D800] =	vst v63  }
0x3a: {  	_ =	swait.ge [sflag:s23], $0x4000  }
0x3b: {  	[sflag:s23] =	ssyncset.done $0x0  }
0x3c: {  	s25 =	rddreg [dreg:$0x9];
	[sflag:s23] =	ssyncadd.s32 $0xFFFFC000  }
0x3d: {  	[spmem:s25] =	stream.linear.scatter [tilespmem:s29], [sflag:$0x8], $0x4000, $0x38;
	[tilespmem:$0x1D800] =	vst v63  }
0x3e: {  	_ =	swait.ge [sflag:s23], $0x4000  }
0x3f: {  	[sflag:s23] =	ssyncset.done $0x0  }
.Ltmp2:
0x40: {  	s30 =	rddreg [dreg:$0xa];
	[sflag:s23] =	ssyncadd.s32 $0xFFFFC000;
	(pc) =	sbr.rel .LBB2_6-.Ltmp2, $4  }
0x41: {  	[spmem:s30] =	stream.linear.scatter [tilespmem:s29], [sflag:$0x8], $0x4000, $0x38;
	[tilespmem:$0x1D800] =	vst v63  }
0x42: {  	_ =	swait.ge [sflag:s23], $0x4000  }
0x43: {  	[sflag:s23] =	ssyncset.done $0x0  }
0x44: {  	[sflag:s23] =	ssyncadd.s32 $0xFFFFC000  }
.LBB2_2:
0x45: {  	s23 =	rddreg [dreg:$0x5]  }
0x46: {  	s15 =	sshll.u32 s30, $0x6;
	s25 =	rddreg [dreg:$0x6]  }
0x47: {  	s30 =	simm.s32 $0x8;
	s15 =	sor.u32 $0x1C08, s15;
	s23 =	sshrl.u32 s23, $0x3  }
0x48: {  	[spmem:s23], [sflag:s15] =	dma.local [hbm:s25], $0x2800  }
0x49: {  	_ =	swait.ge [sflag:s30], $0x2800  }
0x4a: {  	[sflag:s30] =	ssyncset.done $0x0  }
0x4b: {  	[sflag:s30] =	ssyncadd.s32 $0xFFFFD800  }
.LBB2_6:
0x4c: {  	[bflag:$0x0] =	sbarrier.arrive $0xFFFF  }
0x4d: {  	_ =	swait.ge [sflag:s31], $0x400  }
0x4e: {  	[sflag:s31] =	ssyncset.done $0x0  }
0x4f: {  	[sflag:s31] =	ssyncadd.s32 $0xFFFFFC00  }
0x50: {  	_ =	swait.ge [sflag:s31], $0x400  }
0x51: {  	[sflag:s31] =	ssyncset.done $0x0  }
0x52: {  	s15 =	simm.s32 $0x0;
	s23 =	rddreg [dreg:$0xb];
	[sflag:s31] =	ssyncadd.s32 $0xFFFFFC00  }
0x53: {  	[tilespmem:s0], [sflag:$0x2] =	stream.linear.gather [hbm4b:s23+s15], $0x400, $0x38;
	[tilespmem:$0x1D800] =	vst v63  }
0x54: {  	s25 =	rddreg [dreg:$0xc]  }
0x55: {  	[tilespmem:s7], [sflag:$0x2] =	stream.linear.gather [hbm4b:s25+s15], $0x400, $0x38;
	[tilespmem:$0x1D800] =	vst v63  }
0x56: {  	_ = 	snop  }
0x57: {  	[tilespmem:s29], [sflag:$0x4] =	stream.indirect.gather [hbm4b:s6+s11], $0x80, s9, s11, $0xb8;
	[tilespmem:$0x1D800] =	vst v63  }
0x58: {  	_ =	swait.ge [sflag:s12], $0x4000  }
0x59: {  	[sflag:s12] =	ssyncset.done $0x0  }
0x5a: {  	[sflag:s12] =	ssyncadd.s32 $0xFFFFC000  }
0x5b: {  	[spmem:s1] =	stream.indirect.scatter.add.f32 [tilespmem:s29], [sflag:$0x6], $0x80, s10, s11, $0xb8;
	[tilespmem:$0x1D800] =	vst v63  }
0x5c: {  	s9 =	simm.s32 $0x14080  }
0x5d: {  	[tilespmem:s14], [sflag:$0x5] =	stream.indirect.gather [hbm4b:s6+s11], $0x80, s9, s11, $0xb8;
	[tilespmem:$0x1D800] =	vst v63  }
0x5e: {  	_ =	swait.ge [sflag:s3], $0x4000  }
0x5f: {  	[sflag:s3] =	ssyncset.done $0x0  }
0x60: {  	s10 =	simm.s32 $0x14C80;
	[sflag:s3] =	ssyncadd.s32 $0xFFFFC000  }
0x61: {  	[spmem:s1] =	stream.indirect.scatter.add.f32 [tilespmem:s14], [sflag:$0x7], $0x80, s10, s11, $0xb8;
	[tilespmem:$0x1D800] =	vst v63  }
0x62: {  	_ =	swait.ge [sflag:s8], $0x4000  }
0x63: {  	[sflag:s8] =	ssyncset.done $0x0  }
0x64: {  	s19 =	simm.s32 $0x14100;
	[sflag:s8] =	ssyncadd.s32 $0xFFFFC000  }
0x65: {  	[tilespmem:s29], [sflag:$0x4] =	stream.indirect.gather [hbm4b:s6+s11], $0x80, s19, s11, $0xb8;
	[tilespmem:$0x1D800] =	vst v63  }
0x66: {  	_ =	swait.ge [sflag:s12], $0x4000  }
0x67: {  	[sflag:s12] =	ssyncset.done $0x0  }
0x68: {  	s23 =	simm.s32 $0x14D00;
	[sflag:s12] =	ssyncadd.s32 $0xFFFFC000  }
0x69: {  	[spmem:s1] =	stream.indirect.scatter.add.f32 [tilespmem:s29], [sflag:$0x6], $0x80, s23, s11, $0xb8;
	[tilespmem:$0x1D800] =	vst v63  }
0x6a: {  	_ =	swait.ge [sflag:s17], $0x4000  }
0x6b: {  	[sflag:s17] =	ssyncset.done $0x0  }
0x6c: {  	s25 =	simm.s32 $0x14180;
	[sflag:s17] =	ssyncadd.s32 $0xFFFFC000  }
0x6d: {  	[tilespmem:s14], [sflag:$0x5] =	stream.indirect.gather [hbm4b:s6+s11], $0x80, s25, s11, $0xb8;
	[tilespmem:$0x1D800] =	vst v63  }
0x6e: {  	_ =	swait.ge [sflag:s3], $0x4000  }
0x6f: {  	[sflag:s3] =	ssyncset.done $0x0  }
0x70: {  	s10 =	simm.s32 $0x14D80;
	[sflag:s3] =	ssyncadd.s32 $0xFFFFC000  }
0x71: {  	[spmem:s1] =	stream.indirect.scatter.add.f32 [tilespmem:s14], [sflag:$0x7], $0x80, s10, s11, $0xb8;
	[tilespmem:$0x1D800] =	vst v63  }
0x72: {  	_ =	swait.ge [sflag:s8], $0x4000  }
0x73: {  	[sflag:s8] =	ssyncset.done $0x0  }
0x74: {  	s19 =	simm.s32 $0x14200;
	[sflag:s8] =	ssyncadd.s32 $0xFFFFC000  }
0x75: {  	[tilespmem:s29], [sflag:$0x4] =	stream.indirect.gather [hbm4b:s6+s11], $0x80, s19, s11, $0xb8;
	[tilespmem:$0x1D800] =	vst v63  }
0x76: {  	_ =	swait.ge [sflag:s12], $0x4000  }
0x77: {  	[sflag:s12] =	ssyncset.done $0x0  }
0x78: {  	s23 =	simm.s32 $0x14E00;
	[sflag:s12] =	ssyncadd.s32 $0xFFFFC000  }
0x79: {  	[spmem:s1] =	stream.indirect.scatter.add.f32 [tilespmem:s29], [sflag:$0x6], $0x80, s23, s11, $0xb8;
	[tilespmem:$0x1D800] =	vst v63  }
0x7a: {  	_ =	swait.ge [sflag:s17], $0x4000  }
0x7b: {  	[sflag:s17] =	ssyncset.done $0x0  }
0x7c: {  	s25 =	simm.s32 $0x14280;
	[sflag:s17] =	ssyncadd.s32 $0xFFFFC000  }
0x7d: {  	[tilespmem:s14], [sflag:$0x5] =	stream.indirect.gather [hbm4b:s6+s11], $0x80, s25, s11, $0xb8;
	[tilespmem:$0x1D800] =	vst v63  }
0x7e: {  	_ =	swait.ge [sflag:s3], $0x4000  }
0x7f: {  	[sflag:s3] =	ssyncset.done $0x0  }
0x80: {  	s10 =	simm.s32 $0x14E80;
	[sflag:s3] =	ssyncadd.s32 $0xFFFFC000  }
0x81: {  	[spmem:s1] =	stream.indirect.scatter.add.f32 [tilespmem:s14], [sflag:$0x7], $0x80, s10, s11, $0xb8;
	[tilespmem:$0x1D800] =	vst v63  }
0x82: {  	_ =	swait.ge [sflag:s8], $0x4000  }
0x83: {  	[sflag:s8] =	ssyncset.done $0x0  }
0x84: {  	s19 =	simm.s32 $0x14300;
	[sflag:s8] =	ssyncadd.s32 $0xFFFFC000  }
0x85: {  	[tilespmem:s29], [sflag:$0x4] =	stream.indirect.gather [hbm4b:s6+s11], $0x80, s19, s11, $0xb8;
	[tilespmem:$0x1D800] =	vst v63  }
0x86: {  	_ =	swait.ge [sflag:s12], $0x4000  }
0x87: {  	[sflag:s12] =	ssyncset.done $0x0  }
0x88: {  	s23 =	simm.s32 $0x14F00;
	[sflag:s12] =	ssyncadd.s32 $0xFFFFC000  }
0x89: {  	[spmem:s1] =	stream.indirect.scatter.add.f32 [tilespmem:s29], [sflag:$0x6], $0x80, s23, s11, $0xb8;
	[tilespmem:$0x1D800] =	vst v63  }
0x8a: {  	_ =	swait.ge [sflag:s17], $0x4000  }
0x8b: {  	[sflag:s17] =	ssyncset.done $0x0  }
0x8c: {  	s25 =	simm.s32 $0x14380;
	[sflag:s17] =	ssyncadd.s32 $0xFFFFC000  }
0x8d: {  	[tilespmem:s14], [sflag:$0x5] =	stream.indirect.gather [hbm4b:s6+s11], $0x80, s25, s11, $0xb8;
	[tilespmem:$0x1D800] =	vst v63  }
0x8e: {  	_ =	swait.ge [sflag:s3], $0x4000  }
0x8f: {  	[sflag:s3] =	ssyncset.done $0x0  }
0x90: {  	s10 =	simm.s32 $0x14F80;
	[sflag:s3] =	ssyncadd.s32 $0xFFFFC000  }
0x91: {  	[spmem:s1] =	stream.indirect.scatter.add.f32 [tilespmem:s14], [sflag:$0x7], $0x80, s10, s11, $0xb8;
	[tilespmem:$0x1D800] =	vst v63  }
0x92: {  	_ =	swait.ge [sflag:s16], $0x400  }
0x93: {  	[sflag:s16] =	ssyncset.done $0x0  }
0x94: {  	[sflag:s16] =	ssyncadd.s32 $0xFFFFFC00  }
0x95: {  	_ =	swait.ge [sflag:s16], $0x400  }
0x96: {  	[sflag:s16] =	ssyncset.done $0x0  }
0x97: {  	s19 =	rddreg [dreg:$0xd];
	[sflag:s16] =	ssyncadd.s32 $0xFFFFFC00  }
0x98: {  	[tilespmem:s13], [sflag:$0x3] =	stream.linear.gather [hbm4b:s19+s15], $0x400, $0x38;
	[tilespmem:$0x1D800] =	vst v63  }
0x99: {  	s25 =	rddreg [dreg:$0xe]  }
0x9a: {  	[tilespmem:s18], [sflag:$0x3] =	stream.linear.gather [hbm4b:s25+s15], $0x400, $0x38;
	[tilespmem:$0x1D800] =	vst v63  }
0x9b: {  	_ =	swait.ge [sflag:s8], $0x4000  }
0x9c: {  	[sflag:s8] =	ssyncset.done $0x0  }
0x9d: {  	[sflag:s8] =	ssyncadd.s32 $0xFFFFC000  }
0x9e: {  	[tilespmem:s29], [sflag:$0x4] =	stream.indirect.gather [hbm4b:s6+s11], $0x80, s0, s11, $0xb8;
	[tilespmem:$0x1D800] =	vst v63  }
0x9f: {  	_ =	swait.ge [sflag:s12], $0x4000  }
0xa0: {  	[sflag:s12] =	ssyncset.done $0x0  }
0xa1: {  	[sflag:s12] =	ssyncadd.s32 $0xFFFFC000  }
0xa2: {  	[spmem:s1] =	stream.indirect.scatter.add.f32 [tilespmem:s29], [sflag:$0x6], $0x80, s7, s11, $0xb8;
	[tilespmem:$0x1D800] =	vst v63  }
0xa3: {  	_ =	swait.ge [sflag:s17], $0x4000  }
0xa4: {  	[sflag:s17] =	ssyncset.done $0x0  }
0xa5: {  	s7 =	simm.s32 $0x14480;
	[sflag:s17] =	ssyncadd.s32 $0xFFFFC000  }
0xa6: {  	[tilespmem:s14], [sflag:$0x5] =	stream.indirect.gather [hbm4b:s6+s11], $0x80, s7, s11, $0xb8;
	[tilespmem:$0x1D800] =	vst v63  }
0xa7: {  	_ =	swait.ge [sflag:s3], $0x4000  }
0xa8: {  	[sflag:s3] =	ssyncset.done $0x0  }
0xa9: {  	s9 =	simm.s32 $0x15080;
	[sflag:s3] =	ssyncadd.s32 $0xFFFFC000  }
0xaa: {  	[spmem:s1] =	stream.indirect.scatter.add.f32 [tilespmem:s14], [sflag:$0x7], $0x80, s9, s11, $0xb8;
	[tilespmem:$0x1D800] =	vst v63  }
0xab: {  	_ =	swait.ge [sflag:s8], $0x4000  }
0xac: {  	[sflag:s8] =	ssyncset.done $0x0  }
0xad: {  	s10 =	simm.s32 $0x14500;
	[sflag:s8] =	ssyncadd.s32 $0xFFFFC000  }
0xae: {  	[tilespmem:s29], [sflag:$0x4] =	stream.indirect.gather [hbm4b:s6+s11], $0x80, s10, s11, $0xb8;
	[tilespmem:$0x1D800] =	vst v63  }
0xaf: {  	_ =	swait.ge [sflag:s12], $0x4000  }
0xb0: {  	[sflag:s12] =	ssyncset.done $0x0  }
0xb1: {  	s13 =	simm.s32 $0x15100;
	[sflag:s12] =	ssyncadd.s32 $0xFFFFC000  }
0xb2: {  	[spmem:s1] =	stream.indirect.scatter.add.f32 [tilespmem:s29], [sflag:$0x6], $0x80, s13, s11, $0xb8;
	[tilespmem:$0x1D800] =	vst v63  }
0xb3: {  	_ =	swait.ge [sflag:s17], $0x4000  }
0xb4: {  	[sflag:s17] =	ssyncset.done $0x0  }
0xb5: {  	s18 =	simm.s32 $0x14580;
	[sflag:s17] =	ssyncadd.s32 $0xFFFFC000  }
0xb6: {  	[tilespmem:s14], [sflag:$0x5] =	stream.indirect.gather [hbm4b:s6+s11], $0x80, s18, s11, $0xb8;
	[tilespmem:$0x1D800] =	vst v63  }
0xb7: {  	_ =	swait.ge [sflag:s3], $0x4000  }
0xb8: {  	[sflag:s3] =	ssyncset.done $0x0  }
0xb9: {  	[sflag:s3] =	ssyncadd.s32 $0xFFFFC000  }
0xba: {  	[spmem:s1] =	stream.indirect.scatter.add.f32 [tilespmem:s14], [sflag:$0x7], $0x80, s20, s11, $0xb8;
	[tilespmem:$0x1D800] =	vst v63  }
0xbb: {  	_ =	swait.ge [sflag:s8], $0x4000  }
0xbc: {  	[sflag:s8] =	ssyncset.done $0x0  }
0xbd: {  	[sflag:s8] =	ssyncadd.s32 $0xFFFFC000  }
0xbe: {  	[tilespmem:s29], [sflag:$0x4] =	stream.indirect.gather [hbm4b:s6+s11], $0x80, s21, s11, $0xb8;
	[tilespmem:$0x1D800] =	vst v63  }
0xbf: {  	_ =	swait.ge [sflag:s12], $0x4000  }
0xc0: {  	[sflag:s12] =	ssyncset.done $0x0  }
0xc1: {  	s19 =	simm.s32 $0x15200;
	[sflag:s12] =	ssyncadd.s32 $0xFFFFC000  }
0xc2: {  	[spmem:s1] =	stream.indirect.scatter.add.f32 [tilespmem:s29], [sflag:$0x6], $0x80, s19, s11, $0xb8;
	[tilespmem:$0x1D800] =	vst v63  }
0xc3: {  	_ =	swait.ge [sflag:s17], $0x4000  }
0xc4: {  	[sflag:s17] =	ssyncset.done $0x0  }
0xc5: {  	s20 =	simm.s32 $0x14680;
	[sflag:s17] =	ssyncadd.s32 $0xFFFFC000  }
0xc6: {  	[tilespmem:s14], [sflag:$0x5] =	stream.indirect.gather [hbm4b:s6+s11], $0x80, s20, s11, $0xb8;
	[tilespmem:$0x1D800] =	vst v63  }
0xc7: {  	_ =	swait.ge [sflag:s3], $0x4000  }
0xc8: {  	[sflag:s3] =	ssyncset.done $0x0  }
0xc9: {  	s21 =	simm.s32 $0x15280;
	[sflag:s3] =	ssyncadd.s32 $0xFFFFC000  }
0xca: {  	[spmem:s1] =	stream.indirect.scatter.add.f32 [tilespmem:s14], [sflag:$0x7], $0x80, s21, s11, $0xb8;
	[tilespmem:$0x1D800] =	vst v63  }
0xcb: {  	_ =	swait.ge [sflag:s8], $0x4000  }
0xcc: {  	[sflag:s8] =	ssyncset.done $0x0  }
0xcd: {  	s23 =	simm.s32 $0x14700;
	[sflag:s8] =	ssyncadd.s32 $0xFFFFC000  }
0xce: {  	[tilespmem:s29], [sflag:$0x4] =	stream.indirect.gather [hbm4b:s6+s11], $0x80, s23, s11, $0xb8;
	[tilespmem:$0x1D800] =	vst v63  }
0xcf: {  	_ =	swait.ge [sflag:s12], $0x4000  }
0xd0: {  	[sflag:s12] =	ssyncset.done $0x0  }
0xd1: {  	s25 =	simm.s32 $0x15300;
	[sflag:s12] =	ssyncadd.s32 $0xFFFFC000  }
0xd2: {  	[spmem:s1] =	stream.indirect.scatter.add.f32 [tilespmem:s29], [sflag:$0x6], $0x80, s25, s11, $0xb8;
	[tilespmem:$0x1D800] =	vst v63  }
0xd3: {  	_ =	swait.ge [sflag:s17], $0x4000  }
0xd4: {  	[sflag:s17] =	ssyncset.done $0x0  }
0xd5: {  	s30 =	simm.s32 $0x15380;
	s19 =	simm.s32 $0x14780;
	[sflag:s17] =	ssyncadd.s32 $0xFFFFC000  }
0xd6: {  	[tilespmem:s14], [sflag:$0x5] =	stream.indirect.gather [hbm4b:s6+s11], $0x80, s19, s11, $0xb8;
	[tilespmem:$0x1D800] =	vst v63  }
0xd7: {  	p1 =	por $0x1, $0x1;
	s7 =	simm.s32 $0x15400;
	_ =	swait.ge [sflag:s3], $0x4000  }
0xd8: {  	s9 =	simm.s32 $0x15180;
	s10 =	simm.s32 $0x14400;
	s20 =	rddreg [dreg:$0x13]  }
0xd9: {  	s13 =	simm.s32 $0x14600;
	[sflag:s3] =	ssyncset.done $0x0;
	s21 =	rddreg [dreg:$0x14]  }
0xda: {  	s18 =	simm.s32 $0x14C00;
	s0 =	rddreg [dreg:$0x15];
	[sflag:s3] =	ssyncadd.s32 $0xFFFFC000  }
0xdb: {  	[spmem:s1] =	stream.indirect.scatter.add.f32 [tilespmem:s14], [sflag:$0x7], $0x80, s30, s11, $0xb8;
	[tilespmem:$0x1D800] =	vst v63  }
.LBB2_7:
0xdc: {  	_ =	swait.ge [sflag:s24], $0x400  }
0xdd: {  	[sflag:s24] =	ssyncset.done $0x0  }
0xde: {  	[sflag:s24] =	ssyncadd.s32 $0xFFFFFC00  }
0xdf: {  	s23 =	sadd.s32 s15, s20;
	_ =	swait.ge [sflag:s24], $0x400  }
0xe0: {  	s23 =	sshll.u32 s23, $0x4;
	[sflag:s24] =	ssyncset.done $0x0  }
0xe1: {  	s25 =	sadd.s32 s4, s23;
	[sflag:s24] =	ssyncadd.s32 $0xFFFFFC00  }
0xe2: {  	[tilespmem:s28], [sflag:$0x1] =	stream.linear.gather [hbm4b:s25+s2], $0x400, $0x38;
	[tilespmem:$0x1D800] =	vst v63  }
0xe3: {  	s23 =	sadd.s32 s5, s23  }
0xe4: {  	[tilespmem:s18], [sflag:$0x1] =	stream.linear.gather [hbm4b:s23+s2], $0x400, $0x38;
	[tilespmem:$0x1D800] =	vst v63  }
0xe5: {  	_ =	swait.ge [sflag:s8], $0x4000  }
0xe6: {  	[sflag:s8] =	ssyncset.done $0x0  }
0xe7: {  	[sflag:s8] =	ssyncadd.s32 $0xFFFFC000  }
0xe8: {  	[tilespmem:s29], [sflag:$0x4] =	stream.indirect.gather [hbm4b:s6+s11], $0x80, s22, s11, $0xb8;
	[tilespmem:$0x1D800] =	vst v63  }
0xe9: {  	_ =	swait.ge [sflag:s12], $0x4000  }
0xea: {  	[sflag:s12] =	ssyncset.done $0x0  }
0xeb: {  	[sflag:s12] =	ssyncadd.s32 $0xFFFFC000  }
0xec: {  	[spmem:s1] =	stream.indirect.scatter.add.f32 [tilespmem:s29], [sflag:$0x6], $0x80, s7, s11, $0xb8;
	[tilespmem:$0x1D800] =	vst v63  }
0xed: {  	_ =	swait.ge [sflag:s17], $0x4000  }
0xee: {  	[sflag:s17] =	ssyncset.done $0x0  }
0xef: {  	s25 =	simm.s32 $0x14880;
	[sflag:s17] =	ssyncadd.s32 $0xFFFFC000  }
0xf0: {  	[tilespmem:s14], [sflag:$0x5] =	stream.indirect.gather [hbm4b:s6+s11], $0x80, s25, s11, $0xb8;
	[tilespmem:$0x1D800] =	vst v63  }
0xf1: {  	_ =	swait.ge [sflag:s3], $0x4000  }
0xf2: {  	[sflag:s3] =	ssyncset.done $0x0  }
0xf3: {  	s25 =	simm.s32 $0x15480;
	[sflag:s3] =	ssyncadd.s32 $0xFFFFC000  }
0xf4: {  	[spmem:s1] =	stream.indirect.scatter.add.f32 [tilespmem:s14], [sflag:$0x7], $0x80, s25, s11, $0xb8;
	[tilespmem:$0x1D800] =	vst v63  }
0xf5: {  	_ =	swait.ge [sflag:s8], $0x4000  }
0xf6: {  	[sflag:s8] =	ssyncset.done $0x0  }
0xf7: {  	s25 =	simm.s32 $0x14900;
	[sflag:s8] =	ssyncadd.s32 $0xFFFFC000  }
0xf8: {  	[tilespmem:s29], [sflag:$0x4] =	stream.indirect.gather [hbm4b:s6+s11], $0x80, s25, s11, $0xb8;
	[tilespmem:$0x1D800] =	vst v63  }
0xf9: {  	_ =	swait.ge [sflag:s12], $0x4000  }
0xfa: {  	[sflag:s12] =	ssyncset.done $0x0  }
0xfb: {  	s25 =	simm.s32 $0x15500;
	[sflag:s12] =	ssyncadd.s32 $0xFFFFC000  }
0xfc: {  	[spmem:s1] =	stream.indirect.scatter.add.f32 [tilespmem:s29], [sflag:$0x6], $0x80, s25, s11, $0xb8;
	[tilespmem:$0x1D800] =	vst v63  }
0xfd: {  	_ =	swait.ge [sflag:s17], $0x4000  }
0xfe: {  	[sflag:s17] =	ssyncset.done $0x0  }
0xff: {  	s25 =	simm.s32 $0x14980;
	[sflag:s17] =	ssyncadd.s32 $0xFFFFC000  }
0x100: {  	[tilespmem:s14], [sflag:$0x5] =	stream.indirect.gather [hbm4b:s6+s11], $0x80, s25, s11, $0xb8;
	[tilespmem:$0x1D800] =	vst v63  }
0x101: {  	_ =	swait.ge [sflag:s3], $0x4000  }
0x102: {  	[sflag:s3] =	ssyncset.done $0x0  }
0x103: {  	s25 =	simm.s32 $0x15580;
	[sflag:s3] =	ssyncadd.s32 $0xFFFFC000  }
0x104: {  	[spmem:s1] =	stream.indirect.scatter.add.f32 [tilespmem:s14], [sflag:$0x7], $0x80, s25, s11, $0xb8;
	[tilespmem:$0x1D800] =	vst v63  }
0x105: {  	_ =	swait.ge [sflag:s8], $0x4000  }
0x106: {  	[sflag:s8] =	ssyncset.done $0x0  }
0x107: {  	s25 =	simm.s32 $0x14A00;
	[sflag:s8] =	ssyncadd.s32 $0xFFFFC000  }
0x108: {  	[tilespmem:s29], [sflag:$0x4] =	stream.indirect.gather [hbm4b:s6+s11], $0x80, s25, s11, $0xb8;
	[tilespmem:$0x1D800] =	vst v63  }
0x109: {  	_ =	swait.ge [sflag:s12], $0x4000  }
0x10a: {  	[sflag:s12] =	ssyncset.done $0x0  }
0x10b: {  	s25 =	simm.s32 $0x15600;
	[sflag:s12] =	ssyncadd.s32 $0xFFFFC000  }
0x10c: {  	[spmem:s1] =	stream.indirect.scatter.add.f32 [tilespmem:s29], [sflag:$0x6], $0x80, s25, s11, $0xb8;
	[tilespmem:$0x1D800] =	vst v63  }
0x10d: {  	_ =	swait.ge [sflag:s17], $0x4000  }
0x10e: {  	[sflag:s17] =	ssyncset.done $0x0  }
0x10f: {  	s25 =	simm.s32 $0x14A80;
	[sflag:s17] =	ssyncadd.s32 $0xFFFFC000  }
0x110: {  	[tilespmem:s14], [sflag:$0x5] =	stream.indirect.gather [hbm4b:s6+s11], $0x80, s25, s11, $0xb8;
	[tilespmem:$0x1D800] =	vst v63  }
0x111: {  	_ =	swait.ge [sflag:s3], $0x4000  }
0x112: {  	[sflag:s3] =	ssyncset.done $0x0  }
0x113: {  	s25 =	simm.s32 $0x15680;
	[sflag:s3] =	ssyncadd.s32 $0xFFFFC000  }
0x114: {  	[spmem:s1] =	stream.indirect.scatter.add.f32 [tilespmem:s14], [sflag:$0x7], $0x80, s25, s11, $0xb8;
	[tilespmem:$0x1D800] =	vst v63  }
0x115: {  	_ =	swait.ge [sflag:s8], $0x4000  }
0x116: {  	[sflag:s8] =	ssyncset.done $0x0  }
0x117: {  	s25 =	simm.s32 $0x14B00;
	[sflag:s8] =	ssyncadd.s32 $0xFFFFC000  }
0x118: {  	[tilespmem:s29], [sflag:$0x4] =	stream.indirect.gather [hbm4b:s6+s11], $0x80, s25, s11, $0xb8;
	[tilespmem:$0x1D800] =	vst v63  }
0x119: {  	_ =	swait.ge [sflag:s12], $0x4000  }
0x11a: {  	[sflag:s12] =	ssyncset.done $0x0  }
0x11b: {  	s25 =	simm.s32 $0x15700;
	[sflag:s12] =	ssyncadd.s32 $0xFFFFC000  }
0x11c: {  	[spmem:s1] =	stream.indirect.scatter.add.f32 [tilespmem:s29], [sflag:$0x6], $0x80, s25, s11, $0xb8;
	[tilespmem:$0x1D800] =	vst v63  }
0x11d: {  	_ =	swait.ge [sflag:s17], $0x4000  }
0x11e: {  	[sflag:s17] =	ssyncset.done $0x0  }
0x11f: {  	s25 =	simm.s32 $0x14B80;
	[sflag:s17] =	ssyncadd.s32 $0xFFFFC000  }
0x120: {  	[tilespmem:s14], [sflag:$0x5] =	stream.indirect.gather [hbm4b:s6+s11], $0x80, s25, s11, $0xb8;
	[tilespmem:$0x1D800] =	vst v63  }
0x121: {  	_ =	swait.ge [sflag:s3], $0x4000  }
0x122: {  	[sflag:s3] =	ssyncset.done $0x0  }
0x123: {  	s25 =	simm.s32 $0x15780;
	[sflag:s3] =	ssyncadd.s32 $0xFFFFC000  }
0x124: {  	[spmem:s1] =	stream.indirect.scatter.add.f32 [tilespmem:s14], [sflag:$0x7], $0x80, s25, s11, $0xb8;
	[tilespmem:$0x1D800] =	vst v63  }
0x125: {  	_ =	swait.ge [sflag:s31], $0x400  }
0x126: {  	[sflag:s31] =	ssyncset.done $0x0  }
0x127: {  	[sflag:s31] =	ssyncadd.s32 $0xFFFFFC00  }
0x128: {  	s25 =	sadd.s32 s15, s21;
	_ =	swait.ge [sflag:s31], $0x400  }
0x129: {  	s23 =	sshll.u32 s25, $0x4;
	[sflag:s31] =	ssyncset.done $0x0  }
0x12a: {  	s25 =	sadd.s32 s4, s23;
	[sflag:s31] =	ssyncadd.s32 $0xFFFFFC00  }
0x12b: {  	[tilespmem:s10], [sflag:$0x2] =	stream.linear.gather [hbm4b:s25+s2], $0x400, $0x38;
	[tilespmem:$0x1D800] =	vst v63  }
0x12c: {  	s23 =	sadd.s32 s5, s23  }
0x12d: {  	[tilespmem:s26], [sflag:$0x2] =	stream.linear.gather [hbm4b:s23+s2], $0x400, $0x38;
	[tilespmem:$0x1D800] =	vst v63  }
0x12e: {  	_ =	swait.ge [sflag:s8], $0x4000  }
0x12f: {  	[sflag:s8] =	ssyncset.done $0x0  }
0x130: {  	[sflag:s8] =	ssyncadd.s32 $0xFFFFC000  }
0x131: {  	[tilespmem:s29], [sflag:$0x4] =	stream.indirect.gather [hbm4b:s6+s11], $0x80, s28, s11, $0xb8;
	[tilespmem:$0x1D800] =	vst v63  }
0x132: {  	_ =	swait.ge [sflag:s12], $0x4000  }
0x133: {  	[sflag:s12] =	ssyncset.done $0x0  }
0x134: {  	[sflag:s12] =	ssyncadd.s32 $0xFFFFC000  }
0x135: {  	[spmem:s1] =	stream.indirect.scatter.add.f32 [tilespmem:s29], [sflag:$0x6], $0x80, s18, s11, $0xb8;
	[tilespmem:$0x1D800] =	vst v63  }
0x136: {  	_ =	swait.ge [sflag:s17], $0x4000  }
0x137: {  	[sflag:s17] =	ssyncset.done $0x0  }
0x138: {  	s25 =	simm.s32 $0x14080;
	[sflag:s17] =	ssyncadd.s32 $0xFFFFC000  }
0x139: {  	[tilespmem:s14], [sflag:$0x5] =	stream.indirect.gather [hbm4b:s6+s11], $0x80, s25, s11, $0xb8;
	[tilespmem:$0x1D800] =	vst v63  }
0x13a: {  	_ =	swait.ge [sflag:s3], $0x4000  }
0x13b: {  	[sflag:s3] =	ssyncset.done $0x0  }
0x13c: {  	s23 =	simm.s32 $0x14C80;
	[sflag:s3] =	ssyncadd.s32 $0xFFFFC000  }
0x13d: {  	[spmem:s1] =	stream.indirect.scatter.add.f32 [tilespmem:s14], [sflag:$0x7], $0x80, s23, s11, $0xb8;
	[tilespmem:$0x1D800] =	vst v63  }
0x13e: {  	_ =	swait.ge [sflag:s8], $0x4000  }
0x13f: {  	[sflag:s8] =	ssyncset.done $0x0  }
0x140: {  	s23 =	simm.s32 $0x14100;
	[sflag:s8] =	ssyncadd.s32 $0xFFFFC000  }
0x141: {  	[tilespmem:s29], [sflag:$0x4] =	stream.indirect.gather [hbm4b:s6+s11], $0x80, s23, s11, $0xb8;
	[tilespmem:$0x1D800] =	vst v63  }
0x142: {  	_ =	swait.ge [sflag:s12], $0x4000  }
0x143: {  	[sflag:s12] =	ssyncset.done $0x0  }
0x144: {  	s23 =	simm.s32 $0x14D00;
	[sflag:s12] =	ssyncadd.s32 $0xFFFFC000  }
0x145: {  	[spmem:s1] =	stream.indirect.scatter.add.f32 [tilespmem:s29], [sflag:$0x6], $0x80, s23, s11, $0xb8;
	[tilespmem:$0x1D800] =	vst v63  }
0x146: {  	_ =	swait.ge [sflag:s17], $0x4000  }
0x147: {  	[sflag:s17] =	ssyncset.done $0x0  }
0x148: {  	s23 =	simm.s32 $0x14180;
	[sflag:s17] =	ssyncadd.s32 $0xFFFFC000  }
0x149: {  	[tilespmem:s14], [sflag:$0x5] =	stream.indirect.gather [hbm4b:s6+s11], $0x80, s23, s11, $0xb8;
	[tilespmem:$0x1D800] =	vst v63  }
0x14a: {  	_ =	swait.ge [sflag:s3], $0x4000  }
0x14b: {  	[sflag:s3] =	ssyncset.done $0x0  }
0x14c: {  	s23 =	simm.s32 $0x14D80;
	[sflag:s3] =	ssyncadd.s32 $0xFFFFC000  }
0x14d: {  	[spmem:s1] =	stream.indirect.scatter.add.f32 [tilespmem:s14], [sflag:$0x7], $0x80, s23, s11, $0xb8;
	[tilespmem:$0x1D800] =	vst v63  }
0x14e: {  	_ =	swait.ge [sflag:s8], $0x4000  }
0x14f: {  	[sflag:s8] =	ssyncset.done $0x0  }
0x150: {  	s23 =	simm.s32 $0x14200;
	[sflag:s8] =	ssyncadd.s32 $0xFFFFC000  }
0x151: {  	[tilespmem:s29], [sflag:$0x4] =	stream.indirect.gather [hbm4b:s6+s11], $0x80, s23, s11, $0xb8;
	[tilespmem:$0x1D800] =	vst v63  }
0x152: {  	_ =	swait.ge [sflag:s12], $0x4000  }
0x153: {  	[sflag:s12] =	ssyncset.done $0x0  }
0x154: {  	s23 =	simm.s32 $0x14E00;
	[sflag:s12] =	ssyncadd.s32 $0xFFFFC000  }
0x155: {  	[spmem:s1] =	stream.indirect.scatter.add.f32 [tilespmem:s29], [sflag:$0x6], $0x80, s23, s11, $0xb8;
	[tilespmem:$0x1D800] =	vst v63  }
0x156: {  	_ =	swait.ge [sflag:s17], $0x4000  }
0x157: {  	[sflag:s17] =	ssyncset.done $0x0  }
0x158: {  	s23 =	simm.s32 $0x14280;
	[sflag:s17] =	ssyncadd.s32 $0xFFFFC000  }
0x159: {  	[tilespmem:s14], [sflag:$0x5] =	stream.indirect.gather [hbm4b:s6+s11], $0x80, s23, s11, $0xb8;
	[tilespmem:$0x1D800] =	vst v63  }
0x15a: {  	_ =	swait.ge [sflag:s3], $0x4000  }
0x15b: {  	[sflag:s3] =	ssyncset.done $0x0  }
0x15c: {  	s23 =	simm.s32 $0x14E80;
	[sflag:s3] =	ssyncadd.s32 $0xFFFFC000  }
0x15d: {  	[spmem:s1] =	stream.indirect.scatter.add.f32 [tilespmem:s14], [sflag:$0x7], $0x80, s23, s11, $0xb8;
	[tilespmem:$0x1D800] =	vst v63  }
0x15e: {  	_ =	swait.ge [sflag:s8], $0x4000  }
0x15f: {  	[sflag:s8] =	ssyncset.done $0x0  }
0x160: {  	s23 =	simm.s32 $0x14300;
	[sflag:s8] =	ssyncadd.s32 $0xFFFFC000  }
0x161: {  	[tilespmem:s29], [sflag:$0x4] =	stream.indirect.gather [hbm4b:s6+s11], $0x80, s23, s11, $0xb8;
	[tilespmem:$0x1D800] =	vst v63  }
0x162: {  	_ =	swait.ge [sflag:s12], $0x4000  }
0x163: {  	[sflag:s12] =	ssyncset.done $0x0  }
0x164: {  	s23 =	simm.s32 $0x14F00;
	[sflag:s12] =	ssyncadd.s32 $0xFFFFC000  }
0x165: {  	[spmem:s1] =	stream.indirect.scatter.add.f32 [tilespmem:s29], [sflag:$0x6], $0x80, s23, s11, $0xb8;
	[tilespmem:$0x1D800] =	vst v63  }
0x166: {  	_ =	swait.ge [sflag:s17], $0x4000  }
0x167: {  	[sflag:s17] =	ssyncset.done $0x0  }
0x168: {  	s23 =	simm.s32 $0x14380;
	[sflag:s17] =	ssyncadd.s32 $0xFFFFC000  }
0x169: {  	[tilespmem:s14], [sflag:$0x5] =	stream.indirect.gather [hbm4b:s6+s11], $0x80, s23, s11, $0xb8;
	[tilespmem:$0x1D800] =	vst v63  }
0x16a: {  	_ =	swait.ge [sflag:s3], $0x4000  }
0x16b: {  	[sflag:s3] =	ssyncset.done $0x0  }
0x16c: {  	s23 =	simm.s32 $0x14F80;
	[sflag:s3] =	ssyncadd.s32 $0xFFFFC000  }
0x16d: {  	[spmem:s1] =	stream.indirect.scatter.add.f32 [tilespmem:s14], [sflag:$0x7], $0x80, s23, s11, $0xb8;
	[tilespmem:$0x1D800] =	vst v63  }
0x16e: {  	_ =	swait.ge [sflag:s16], $0x400  }
0x16f: {  	[sflag:s16] =	ssyncset.done $0x0  }
0x170: {  	[sflag:s16] =	ssyncadd.s32 $0xFFFFFC00  }
0x171: {  	s23 =	sadd.s32 s15, s0;
	_ =	swait.ge [sflag:s16], $0x400  }
0x172: {  	s15 =	sshll.u32 s23, $0x4;
	[sflag:s16] =	ssyncset.done $0x0  }
0x173: {  	s23 =	sadd.s32 s4, s15;
	[sflag:s16] =	ssyncadd.s32 $0xFFFFFC00  }
0x174: {  	[tilespmem:s22], [sflag:$0x3] =	stream.linear.gather [hbm4b:s23+s2], $0x400, $0x38;
	[tilespmem:$0x1D800] =	vst v63  }
0x175: {  	s15 =	sadd.s32 s5, s15  }
0x176: {  	[tilespmem:s7], [sflag:$0x3] =	stream.linear.gather [hbm4b:s15+s2], $0x400, $0x38;
	[tilespmem:$0x1D800] =	vst v63  }
0x177: {  	_ =	swait.ge [sflag:s8], $0x4000  }
0x178: {  	[sflag:s8] =	ssyncset.done $0x0  }
0x179: {  	[sflag:s8] =	ssyncadd.s32 $0xFFFFC000  }
0x17a: {  	[tilespmem:s29], [sflag:$0x4] =	stream.indirect.gather [hbm4b:s6+s11], $0x80, s10, s11, $0xb8;
	[tilespmem:$0x1D800] =	vst v63  }
0x17b: {  	_ =	swait.ge [sflag:s12], $0x4000  }
0x17c: {  	[sflag:s12] =	ssyncset.done $0x0  }
0x17d: {  	[sflag:s12] =	ssyncadd.s32 $0xFFFFC000  }
0x17e: {  	[spmem:s1] =	stream.indirect.scatter.add.f32 [tilespmem:s29], [sflag:$0x6], $0x80, s26, s11, $0xb8;
	[tilespmem:$0x1D800] =	vst v63  }
0x17f: {  	_ =	swait.ge [sflag:s17], $0x4000  }
0x180: {  	[sflag:s17] =	ssyncset.done $0x0  }
0x181: {  	s23 =	simm.s32 $0x14480;
	[sflag:s17] =	ssyncadd.s32 $0xFFFFC000  }
0x182: {  	[tilespmem:s14], [sflag:$0x5] =	stream.indirect.gather [hbm4b:s6+s11], $0x80, s23, s11, $0xb8;
	[tilespmem:$0x1D800] =	vst v63  }
0x183: {  	_ =	swait.ge [sflag:s3], $0x4000  }
0x184: {  	[sflag:s3] =	ssyncset.done $0x0  }
0x185: {  	s23 =	simm.s32 $0x15080;
	[sflag:s3] =	ssyncadd.s32 $0xFFFFC000  }
0x186: {  	[spmem:s1] =	stream.indirect.scatter.add.f32 [tilespmem:s14], [sflag:$0x7], $0x80, s23, s11, $0xb8;
	[tilespmem:$0x1D800] =	vst v63  }
0x187: {  	_ =	swait.ge [sflag:s8], $0x4000  }
0x188: {  	[sflag:s8] =	ssyncset.done $0x0  }
0x189: {  	s23 =	simm.s32 $0x14500;
	[sflag:s8] =	ssyncadd.s32 $0xFFFFC000  }
0x18a: {  	[tilespmem:s29], [sflag:$0x4] =	stream.indirect.gather [hbm4b:s6+s11], $0x80, s23, s11, $0xb8;
	[tilespmem:$0x1D800] =	vst v63  }
0x18b: {  	_ =	swait.ge [sflag:s12], $0x4000  }
0x18c: {  	[sflag:s12] =	ssyncset.done $0x0  }
0x18d: {  	s23 =	simm.s32 $0x15100;
	[sflag:s12] =	ssyncadd.s32 $0xFFFFC000  }
0x18e: {  	[spmem:s1] =	stream.indirect.scatter.add.f32 [tilespmem:s29], [sflag:$0x6], $0x80, s23, s11, $0xb8;
	[tilespmem:$0x1D800] =	vst v63  }
0x18f: {  	_ =	swait.ge [sflag:s17], $0x4000  }
0x190: {  	[sflag:s17] =	ssyncset.done $0x0  }
0x191: {  	s23 =	simm.s32 $0x14580;
	[sflag:s17] =	ssyncadd.s32 $0xFFFFC000  }
0x192: {  	[tilespmem:s14], [sflag:$0x5] =	stream.indirect.gather [hbm4b:s6+s11], $0x80, s23, s11, $0xb8;
	[tilespmem:$0x1D800] =	vst v63  }
0x193: {  	_ =	swait.ge [sflag:s3], $0x4000  }
0x194: {  	[sflag:s3] =	ssyncset.done $0x0  }
0x195: {  	[sflag:s3] =	ssyncadd.s32 $0xFFFFC000  }
0x196: {  	[spmem:s1] =	stream.indirect.scatter.add.f32 [tilespmem:s14], [sflag:$0x7], $0x80, s9, s11, $0xb8;
	[tilespmem:$0x1D800] =	vst v63  }
0x197: {  	_ =	swait.ge [sflag:s8], $0x4000  }
0x198: {  	[sflag:s8] =	ssyncset.done $0x0  }
0x199: {  	[sflag:s8] =	ssyncadd.s32 $0xFFFFC000  }
0x19a: {  	[tilespmem:s29], [sflag:$0x4] =	stream.indirect.gather [hbm4b:s6+s11], $0x80, s13, s11, $0xb8;
	[tilespmem:$0x1D800] =	vst v63  }
0x19b: {  	_ =	swait.ge [sflag:s12], $0x4000  }
0x19c: {  	[sflag:s12] =	ssyncset.done $0x0  }
0x19d: {  	s23 =	simm.s32 $0x15200;
	[sflag:s12] =	ssyncadd.s32 $0xFFFFC000  }
0x19e: {  	[spmem:s1] =	stream.indirect.scatter.add.f32 [tilespmem:s29], [sflag:$0x6], $0x80, s23, s11, $0xb8;
	[tilespmem:$0x1D800] =	vst v63  }
0x19f: {  	_ =	swait.ge [sflag:s17], $0x4000  }
0x1a0: {  	[sflag:s17] =	ssyncset.done $0x0  }
0x1a1: {  	s23 =	simm.s32 $0x14680;
	[sflag:s17] =	ssyncadd.s32 $0xFFFFC000  }
0x1a2: {  	[tilespmem:s14], [sflag:$0x5] =	stream.indirect.gather [hbm4b:s6+s11], $0x80, s23, s11, $0xb8;
	[tilespmem:$0x1D800] =	vst v63  }
0x1a3: {  	_ =	swait.ge [sflag:s3], $0x4000  }
0x1a4: {  	[sflag:s3] =	ssyncset.done $0x0  }
0x1a5: {  	s23 =	simm.s32 $0x15280;
	[sflag:s3] =	ssyncadd.s32 $0xFFFFC000  }
0x1a6: {  	[spmem:s1] =	stream.indirect.scatter.add.f32 [tilespmem:s14], [sflag:$0x7], $0x80, s23, s11, $0xb8;
	[tilespmem:$0x1D800] =	vst v63  }
0x1a7: {  	_ =	swait.ge [sflag:s8], $0x4000  }
0x1a8: {  	[sflag:s8] =	ssyncset.done $0x0  }
0x1a9: {  	s23 =	simm.s32 $0x14700;
	[sflag:s8] =	ssyncadd.s32 $0xFFFFC000  }
0x1aa: {  	[tilespmem:s29], [sflag:$0x4] =	stream.indirect.gather [hbm4b:s6+s11], $0x80, s23, s11, $0xb8;
	[tilespmem:$0x1D800] =	vst v63  }
0x1ab: {  	_ =	swait.ge [sflag:s12], $0x4000  }
0x1ac: {  	[sflag:s12] =	ssyncset.done $0x0  }
0x1ad: {  	s23 =	simm.s32 $0x15300;
	[sflag:s12] =	ssyncadd.s32 $0xFFFFC000  }
0x1ae: {  	[spmem:s1] =	stream.indirect.scatter.add.f32 [tilespmem:s29], [sflag:$0x6], $0x80, s23, s11, $0xb8;
	[tilespmem:$0x1D800] =	vst v63  }
0x1af: {  	_ =	swait.ge [sflag:s17], $0x4000  }
0x1b0: {  	[sflag:s17] =	ssyncset.done $0x0  }
0x1b1: {  	p2 =	por p1, p1;
	[sflag:s17] =	ssyncadd.s32 $0xFFFFC000  }
0x1b2: {  	[tilespmem:s14], [sflag:$0x5] =	stream.indirect.gather [hbm4b:s6+s11], $0x80, s19, s11, $0xb8;
	[tilespmem:$0x1D800] =	vst v63  }
.Ltmp3:
0x1b3: {  	_ = 	snop;
	(pc) =	sbr.rel @p2 .LBB2_7-.Ltmp3, $4  }
0x1b4: {  	_ =	swait.ge [sflag:s3], $0x4000  }
0x1b5: {  	[sflag:s3] =	ssyncset.done $0x0  }
0x1b6: {  	p1 =	por $0x0, $0x0;
	s15 =	simm.s32 $0x18;
	[sflag:s3] =	ssyncadd.s32 $0xFFFFC000  }
0x1b7: {  	[spmem:s1] =	stream.indirect.scatter.add.f32 [tilespmem:s14], [sflag:$0x7], $0x80, s30, s11, $0xb8;
	[tilespmem:$0x1D800] =	vst v63  }
0x1b8: {  	_ =	swait.ge [sflag:s24], $0x400  }
0x1b9: {  	[sflag:s24] =	ssyncset.done $0x0  }
0x1ba: {  	[sflag:s24] =	ssyncadd.s32 $0xFFFFFC00  }
0x1bb: {  	_ =	swait.ge [sflag:s24], $0x400  }
0x1bc: {  	[sflag:s24] =	ssyncset.done $0x0  }
0x1bd: {  	s15 =	rddreg [dreg:$0xf];
	[sflag:s24] =	ssyncadd.s32 $0xFFFFFC00  }
0x1be: {  	[tilespmem:s28], [sflag:$0x1] =	stream.linear.gather [hbm4b:s15+s2], $0x400, $0x38;
	[tilespmem:$0x1D800] =	vst v63  }
0x1bf: {  	s0 =	rddreg [dreg:$0x10]  }
0x1c0: {  	[tilespmem:s18], [sflag:$0x1] =	stream.linear.gather [hbm4b:s0+s2], $0x400, $0x38;
	[tilespmem:$0x1D800] =	vst v63  }
0x1c1: {  	_ =	swait.ge [sflag:s8], $0x4000  }
0x1c2: {  	[sflag:s8] =	ssyncset.done $0x0  }
0x1c3: {  	[sflag:s8] =	ssyncadd.s32 $0xFFFFC000  }
0x1c4: {  	[tilespmem:s29], [sflag:$0x4] =	stream.indirect.gather [hbm4b:s6+s11], $0x80, s22, s11, $0xb8;
	[tilespmem:$0x1D800] =	vst v63  }
0x1c5: {  	_ =	swait.ge [sflag:s12], $0x4000  }
0x1c6: {  	[sflag:s12] =	ssyncset.done $0x0  }
0x1c7: {  	[sflag:s12] =	ssyncadd.s32 $0xFFFFC000  }
0x1c8: {  	[spmem:s1] =	stream.indirect.scatter.add.f32 [tilespmem:s29], [sflag:$0x6], $0x80, s7, s11, $0xb8;
	[tilespmem:$0x1D800] =	vst v63  }
0x1c9: {  	_ =	swait.ge [sflag:s17], $0x4000  }
0x1ca: {  	[sflag:s17] =	ssyncset.done $0x0  }
0x1cb: {  	s0 =	simm.s32 $0x14880;
	[sflag:s17] =	ssyncadd.s32 $0xFFFFC000  }
0x1cc: {  	[tilespmem:s14], [sflag:$0x5] =	stream.indirect.gather [hbm4b:s6+s11], $0x80, s0, s11, $0xb8;
	[tilespmem:$0x1D800] =	vst v63  }
0x1cd: {  	_ =	swait.ge [sflag:s3], $0x4000  }
0x1ce: {  	[sflag:s3] =	ssyncset.done $0x0  }
0x1cf: {  	s7 =	simm.s32 $0x15480;
	[sflag:s3] =	ssyncadd.s32 $0xFFFFC000  }
0x1d0: {  	[spmem:s1] =	stream.indirect.scatter.add.f32 [tilespmem:s14], [sflag:$0x7], $0x80, s7, s11, $0xb8;
	[tilespmem:$0x1D800] =	vst v63  }
0x1d1: {  	_ =	swait.ge [sflag:s8], $0x4000  }
0x1d2: {  	[sflag:s8] =	ssyncset.done $0x0  }
0x1d3: {  	s9 =	simm.s32 $0x14900;
	[sflag:s8] =	ssyncadd.s32 $0xFFFFC000  }
0x1d4: {  	[tilespmem:s29], [sflag:$0x4] =	stream.indirect.gather [hbm4b:s6+s11], $0x80, s9, s11, $0xb8;
	[tilespmem:$0x1D800] =	vst v63  }
0x1d5: {  	_ =	swait.ge [sflag:s12], $0x4000  }
0x1d6: {  	[sflag:s12] =	ssyncset.done $0x0  }
0x1d7: {  	s10 =	simm.s32 $0x15500;
	[sflag:s12] =	ssyncadd.s32 $0xFFFFC000  }
0x1d8: {  	[spmem:s1] =	stream.indirect.scatter.add.f32 [tilespmem:s29], [sflag:$0x6], $0x80, s10, s11, $0xb8;
	[tilespmem:$0x1D800] =	vst v63  }
0x1d9: {  	_ =	swait.ge [sflag:s17], $0x4000  }
0x1da: {  	[sflag:s17] =	ssyncset.done $0x0  }
0x1db: {  	s13 =	simm.s32 $0x14980;
	[sflag:s17] =	ssyncadd.s32 $0xFFFFC000  }
0x1dc: {  	[tilespmem:s14], [sflag:$0x5] =	stream.indirect.gather [hbm4b:s6+s11], $0x80, s13, s11, $0xb8;
	[tilespmem:$0x1D800] =	vst v63  }
0x1dd: {  	_ =	swait.ge [sflag:s3], $0x4000  }
0x1de: {  	[sflag:s3] =	ssyncset.done $0x0  }
0x1df: {  	s15 =	simm.s32 $0x15580;
	[sflag:s3] =	ssyncadd.s32 $0xFFFFC000  }
0x1e0: {  	[spmem:s1] =	stream.indirect.scatter.add.f32 [tilespmem:s14], [sflag:$0x7], $0x80, s15, s11, $0xb8;
	[tilespmem:$0x1D800] =	vst v63  }
0x1e1: {  	_ =	swait.ge [sflag:s8], $0x4000  }
0x1e2: {  	[sflag:s8] =	ssyncset.done $0x0  }
0x1e3: {  	s19 =	simm.s32 $0x14A00;
	[sflag:s8] =	ssyncadd.s32 $0xFFFFC000  }
0x1e4: {  	[tilespmem:s29], [sflag:$0x4] =	stream.indirect.gather [hbm4b:s6+s11], $0x80, s19, s11, $0xb8;
	[tilespmem:$0x1D800] =	vst v63  }
0x1e5: {  	_ =	swait.ge [sflag:s12], $0x4000  }
0x1e6: {  	[sflag:s12] =	ssyncset.done $0x0  }
0x1e7: {  	s20 =	simm.s32 $0x15600;
	[sflag:s12] =	ssyncadd.s32 $0xFFFFC000  }
0x1e8: {  	[spmem:s1] =	stream.indirect.scatter.add.f32 [tilespmem:s29], [sflag:$0x6], $0x80, s20, s11, $0xb8;
	[tilespmem:$0x1D800] =	vst v63  }
0x1e9: {  	_ =	swait.ge [sflag:s17], $0x4000  }
0x1ea: {  	[sflag:s17] =	ssyncset.done $0x0  }
0x1eb: {  	s21 =	simm.s32 $0x14A80;
	[sflag:s17] =	ssyncadd.s32 $0xFFFFC000  }
0x1ec: {  	[tilespmem:s14], [sflag:$0x5] =	stream.indirect.gather [hbm4b:s6+s11], $0x80, s21, s11, $0xb8;
	[tilespmem:$0x1D800] =	vst v63  }
0x1ed: {  	_ =	swait.ge [sflag:s3], $0x4000  }
0x1ee: {  	[sflag:s3] =	ssyncset.done $0x0  }
0x1ef: {  	s23 =	simm.s32 $0x15680;
	[sflag:s3] =	ssyncadd.s32 $0xFFFFC000  }
0x1f0: {  	[spmem:s1] =	stream.indirect.scatter.add.f32 [tilespmem:s14], [sflag:$0x7], $0x80, s23, s11, $0xb8;
	[tilespmem:$0x1D800] =	vst v63  }
0x1f1: {  	_ =	swait.ge [sflag:s8], $0x4000  }
0x1f2: {  	[sflag:s8] =	ssyncset.done $0x0  }
0x1f3: {  	s7 =	simm.s32 $0x14B00;
	[sflag:s8] =	ssyncadd.s32 $0xFFFFC000  }
0x1f4: {  	[tilespmem:s29], [sflag:$0x4] =	stream.indirect.gather [hbm4b:s6+s11], $0x80, s7, s11, $0xb8;
	[tilespmem:$0x1D800] =	vst v63  }
0x1f5: {  	_ =	swait.ge [sflag:s12], $0x4000  }
0x1f6: {  	[sflag:s12] =	ssyncset.done $0x0  }
0x1f7: {  	s9 =	simm.s32 $0x15700;
	[sflag:s12] =	ssyncadd.s32 $0xFFFFC000  }
0x1f8: {  	[spmem:s1] =	stream.indirect.scatter.add.f32 [tilespmem:s29], [sflag:$0x6], $0x80, s9, s11, $0xb8;
	[tilespmem:$0x1D800] =	vst v63  }
0x1f9: {  	_ =	swait.ge [sflag:s17], $0x4000  }
0x1fa: {  	[sflag:s17] =	ssyncset.done $0x0  }
0x1fb: {  	s10 =	simm.s32 $0x14B80;
	[sflag:s17] =	ssyncadd.s32 $0xFFFFC000  }
0x1fc: {  	[tilespmem:s14], [sflag:$0x5] =	stream.indirect.gather [hbm4b:s6+s11], $0x80, s10, s11, $0xb8;
	[tilespmem:$0x1D800] =	vst v63  }
0x1fd: {  	_ =	swait.ge [sflag:s3], $0x4000  }
0x1fe: {  	[sflag:s3] =	ssyncset.done $0x0  }
0x1ff: {  	s13 =	simm.s32 $0x15780;
	[sflag:s3] =	ssyncadd.s32 $0xFFFFC000  }
0x200: {  	[spmem:s1] =	stream.indirect.scatter.add.f32 [tilespmem:s14], [sflag:$0x7], $0x80, s13, s11, $0xb8;
	[tilespmem:$0x1D800] =	vst v63  }
0x201: {  	_ =	swait.ge [sflag:s31], $0x400  }
0x202: {  	[sflag:s31] =	ssyncset.done $0x0  }
0x203: {  	[sflag:s31] =	ssyncadd.s32 $0xFFFFFC00  }
0x204: {  	_ =	swait.ge [sflag:s31], $0x400  }
0x205: {  	[sflag:s31] =	ssyncset.done $0x0  }
0x206: {  	[sflag:s31] =	ssyncadd.s32 $0xFFFFFC00  }
0x207: {  	_ =	swait.ge [sflag:s8], $0x4000  }
0x208: {  	[sflag:s8] =	ssyncset.done $0x0  }
0x209: {  	[sflag:s8] =	ssyncadd.s32 $0xFFFFC000  }
0x20a: {  	[tilespmem:s29], [sflag:$0x4] =	stream.indirect.gather [hbm4b:s6+s11], $0x80, s28, s11, $0xb8;
	[tilespmem:$0x1D800] =	vst v63  }
0x20b: {  	_ =	swait.ge [sflag:s12], $0x4000  }
0x20c: {  	[sflag:s12] =	ssyncset.done $0x0  }
0x20d: {  	[sflag:s12] =	ssyncadd.s32 $0xFFFFC000  }
0x20e: {  	[spmem:s1] =	stream.indirect.scatter.add.f32 [tilespmem:s29], [sflag:$0x6], $0x80, s18, s11, $0xb8;
	[tilespmem:$0x1D800] =	vst v63  }
0x20f: {  	_ =	swait.ge [sflag:s17], $0x4000  }
0x210: {  	[sflag:s17] =	ssyncset.done $0x0  }
0x211: {  	[sflag:s17] =	ssyncadd.s32 $0xFFFFC000  }
0x212: {  	[tilespmem:s14], [sflag:$0x5] =	stream.indirect.gather [hbm4b:s6+s11], $0x80, s25, s11, $0xb8;
	[tilespmem:$0x1D800] =	vst v63  }
0x213: {  	_ =	swait.ge [sflag:s3], $0x4000  }
0x214: {  	[sflag:s3] =	ssyncset.done $0x0  }
0x215: {  	s15 =	simm.s32 $0x14C80;
	[sflag:s3] =	ssyncadd.s32 $0xFFFFC000  }
0x216: {  	[spmem:s1] =	stream.indirect.scatter.add.f32 [tilespmem:s14], [sflag:$0x7], $0x80, s15, s11, $0xb8;
	[tilespmem:$0x1D800] =	vst v63  }
0x217: {  	_ =	swait.ge [sflag:s8], $0x4000  }
0x218: {  	[sflag:s8] =	ssyncset.done $0x0  }
0x219: {  	s18 =	simm.s32 $0x14100;
	[sflag:s8] =	ssyncadd.s32 $0xFFFFC000  }
0x21a: {  	[tilespmem:s29], [sflag:$0x4] =	stream.indirect.gather [hbm4b:s6+s11], $0x80, s18, s11, $0xb8;
	[tilespmem:$0x1D800] =	vst v63  }
0x21b: {  	_ =	swait.ge [sflag:s12], $0x4000  }
0x21c: {  	[sflag:s12] =	ssyncset.done $0x0  }
0x21d: {  	s19 =	simm.s32 $0x14D00;
	[sflag:s12] =	ssyncadd.s32 $0xFFFFC000  }
0x21e: {  	[spmem:s1] =	stream.indirect.scatter.add.f32 [tilespmem:s29], [sflag:$0x6], $0x80, s19, s11, $0xb8;
	[tilespmem:$0x1D800] =	vst v63  }
0x21f: {  	_ =	swait.ge [sflag:s17], $0x4000  }
0x220: {  	[sflag:s17] =	ssyncset.done $0x0  }
0x221: {  	s20 =	simm.s32 $0x14180;
	[sflag:s17] =	ssyncadd.s32 $0xFFFFC000  }
0x222: {  	[tilespmem:s14], [sflag:$0x5] =	stream.indirect.gather [hbm4b:s6+s11], $0x80, s20, s11, $0xb8;
	[tilespmem:$0x1D800] =	vst v63  }
0x223: {  	_ =	swait.ge [sflag:s3], $0x4000  }
0x224: {  	[sflag:s3] =	ssyncset.done $0x0  }
0x225: {  	s21 =	simm.s32 $0x14D80;
	[sflag:s3] =	ssyncadd.s32 $0xFFFFC000  }
0x226: {  	[spmem:s1] =	stream.indirect.scatter.add.f32 [tilespmem:s14], [sflag:$0x7], $0x80, s21, s11, $0xb8;
	[tilespmem:$0x1D800] =	vst v63  }
0x227: {  	_ =	swait.ge [sflag:s8], $0x4000  }
0x228: {  	[sflag:s8] =	ssyncset.done $0x0  }
0x229: {  	s23 =	simm.s32 $0x14200;
	[sflag:s8] =	ssyncadd.s32 $0xFFFFC000  }
0x22a: {  	[tilespmem:s29], [sflag:$0x4] =	stream.indirect.gather [hbm4b:s6+s11], $0x80, s23, s11, $0xb8;
	[tilespmem:$0x1D800] =	vst v63  }
0x22b: {  	_ =	swait.ge [sflag:s12], $0x4000  }
0x22c: {  	[sflag:s12] =	ssyncset.done $0x0  }
0x22d: {  	s25 =	simm.s32 $0x14E00;
	[sflag:s12] =	ssyncadd.s32 $0xFFFFC000  }
0x22e: {  	[spmem:s1] =	stream.indirect.scatter.add.f32 [tilespmem:s29], [sflag:$0x6], $0x80, s25, s11, $0xb8;
	[tilespmem:$0x1D800] =	vst v63  }
0x22f: {  	_ =	swait.ge [sflag:s17], $0x4000  }
0x230: {  	[sflag:s17] =	ssyncset.done $0x0  }
0x231: {  	s7 =	simm.s32 $0x14280;
	[sflag:s17] =	ssyncadd.s32 $0xFFFFC000  }
0x232: {  	[tilespmem:s14], [sflag:$0x5] =	stream.indirect.gather [hbm4b:s6+s11], $0x80, s7, s11, $0xb8;
	[tilespmem:$0x1D800] =	vst v63  }
0x233: {  	_ =	swait.ge [sflag:s3], $0x4000  }
0x234: {  	[sflag:s3] =	ssyncset.done $0x0  }
0x235: {  	s9 =	simm.s32 $0x14E80;
	[sflag:s3] =	ssyncadd.s32 $0xFFFFC000  }
0x236: {  	[spmem:s1] =	stream.indirect.scatter.add.f32 [tilespmem:s14], [sflag:$0x7], $0x80, s9, s11, $0xb8;
	[tilespmem:$0x1D800] =	vst v63  }
0x237: {  	_ =	swait.ge [sflag:s8], $0x4000  }
0x238: {  	[sflag:s8] =	ssyncset.done $0x0  }
0x239: {  	s10 =	simm.s32 $0x14300;
	[sflag:s8] =	ssyncadd.s32 $0xFFFFC000  }
0x23a: {  	[tilespmem:s29], [sflag:$0x4] =	stream.indirect.gather [hbm4b:s6+s11], $0x80, s10, s11, $0xb8;
	[tilespmem:$0x1D800] =	vst v63  }
0x23b: {  	_ =	swait.ge [sflag:s12], $0x4000  }
0x23c: {  	[sflag:s12] =	ssyncset.done $0x0  }
0x23d: {  	s13 =	simm.s32 $0x14F00;
	[sflag:s12] =	ssyncadd.s32 $0xFFFFC000  }
0x23e: {  	[spmem:s1] =	stream.indirect.scatter.add.f32 [tilespmem:s29], [sflag:$0x6], $0x80, s13, s11, $0xb8;
	[tilespmem:$0x1D800] =	vst v63  }
0x23f: {  	_ =	swait.ge [sflag:s17], $0x4000  }
0x240: {  	[sflag:s17] =	ssyncset.done $0x0  }
0x241: {  	s15 =	simm.s32 $0x14380;
	[sflag:s17] =	ssyncadd.s32 $0xFFFFC000  }
0x242: {  	[tilespmem:s14], [sflag:$0x5] =	stream.indirect.gather [hbm4b:s6+s11], $0x80, s15, s11, $0xb8;
	[tilespmem:$0x1D800] =	vst v63  }
0x243: {  	_ =	swait.ge [sflag:s3], $0x4000  }
0x244: {  	[sflag:s3] =	ssyncset.done $0x0  }
0x245: {  	s18 =	simm.s32 $0x14F80;
	[sflag:s3] =	ssyncadd.s32 $0xFFFFC000  }
0x246: {  	[spmem:s1] =	stream.indirect.scatter.add.f32 [tilespmem:s14], [sflag:$0x7], $0x80, s18, s11, $0xb8;
	[tilespmem:$0x1D800] =	vst v63  }
0x247: {  	_ =	swait.ge [sflag:s8], $0x4000  }
0x248: {  	[sflag:s8] =	ssyncset.done $0x0  }
0x249: {  	[sflag:s8] =	ssyncadd.s32 $0xFFFFC000  }
0x24a: {  	_ =	swait.ge [sflag:s17], $0x4000  }
0x24b: {  	[sflag:s17] =	ssyncset.done $0x0  }
0x24c: {  	[sflag:s17] =	ssyncadd.s32 $0xFFFFC000  }
0x24d: {  	s30 =	stileid.u32;
	[bflag:$0x0] =	sbarrier.arrive $0xFFFF  }
0x24e: {  	s19 =	sshll.u32 s30, $0x6;
	s21 =	simm.s32 $0x8;
	s23 =	rddreg [dreg:$0x5]  }
0x24f: {  	s15 =	sor.u32 $0x1C08, s19;
	s20 =	rddreg [dreg:$0x11];
	s23 =	sshrl.u32 s23, $0x3  }
0x250: {  	[hbm:s20], [sflag:s15] =	dma.local [spmem:s23], $0x2800  }
0x251: {  	_ =	swait.ge [sflag:s21], $0x2800  }
0x252: {  	s19 =	rddreg [dreg:$0x16]  }
0x253: {  	s25 =	rddreg [dreg:$0x12];
	s19 =	sadd.s32 $0x1, s19  }
0x254: {  	p1 =	sne.s32 s19, s25  }
.Ltmp4:
0x255: {  	_ = 	snop;
	(pc) =	sbr.rel @p1 .LBB2_1-.Ltmp4, $4  }
0x256: {  	s0 =	simm.s32 $0x14400  }
0x257: {  	s7 =	simm.s32 $0x15000;
	s9 =	simm.s32 $0x14000;
	s10 =	simm.s32 $0x14C00  }
0x258: {  	s13 =	simm.s32 $0x14800;
	s18 =	simm.s32 $0x15400;
	[sflag:s21] =	ssyncset.done $0x0  }
0x259: {  	s20 =	simm.s32 $0x15180;
	[sflag:s21] =	ssyncadd.s32 $0xFFFFD800;
	s21 =	simm.s32 $0x14600  }
0x25a: {  	_ =	sfence.sel $0x180000  }
0x25b: {  	[bflag:$0x0] =	sbarrier.arrive $0xFFFF  }
0x25c: {  	_ =	strace $0x9000004A  }
0x25d: {  	[bflag:$0x2] =	sbarrier.arrive $0xFFFF  }
0x25e: {  	p0 =	sne.s32 s30, $0x0;
	s0 =	rddreg [dreg:$0x2]  }
0x25f: {  	s0 =	sadd.s32 @!p0 $0x100000, s0  }
0x260: {  	[sflag:s0] =	ssyncadd.tile.s32 @!p0 $0x1;
	_ =	shalt  }
.Lfunc_end2:
_tile_overlayer_lowered:
.L_overlay_start_2:
0x261: {  	(tag) =	ssettag $0x2  }
0x262: {  	s0 =	rddreg [dreg:$0x0];
	s2 =	stileid.u32  }
0x263: {  	s1 =	rddreg [dreg:$0x1];
	p0 =	sne.s32 s2, $0x0  }
0x264: {  	s3 =	rddreg [dreg:$0x2];
	[bflag:$0x3] =	sbarrier.arrive $0xFFFF;
	s2 =	simm.s32 @!p0 $0x1C08  }
0x265: {  	[timem:s3], [sflag:s2] =	dma.local @!p0 [hbm:s0], s1  }
0x266: {  	s0 =	simm.s32 @!p0 $0x8  }
0x267: {  	_ =	swait.ge @!p0 [sflag:s0], s1  }
0x268: {  	s1 =	ssub.s32 @!p0 $0x0, s1;
	[sflag:s0] =	ssyncset.done @!p0 $0x0  }
0x269: {  	[sflag:s0] =	ssyncadd.s32 @!p0 s1  }
0x26a: {  	[bflag:$0x3] =	sbarrier.arrive $0xFFFF  }
0x26b: {  	_ =	shalt  }

// kernel: kernel.14.cloned.1.call-start
scs
__scs_entry_jumppad:
0x0: {  	(pc) =	sbr.rel $0x88, $3  }
0x1: {  	(tag) =	ssettag $0x0;
	lr =	simm.s32 $0x1  }
0x2: {  	[smem:$0x3F9B] =	sst lr;
	_ =	strace $0xD0000000  }
0x3: {  	_ = 	snop  }
0x4: {  	_ = 	snop  }
0x5: {  	_ = 	snop  }
0x6: {  	_ = 	snop  }
0x7: {  	_ = 	snop  }
__scs_overlays_trampoline_lowered:
0x8: {  	[smem:$0x3FAA] =	sst s0  }
0x9: {  	[smem:$0x3FAB] =	sst s1  }
0xa: {  	[smem:$0x3FAC] =	sst s2  }
0xb: {  	[smem:$0x3FAD] =	sst s3  }
0xc: {  	[smem:$0x3FAE] =	sst s4  }
0xd: {  	[smem:$0x3FAF] =	sst s5  }
0xe: {  	[smem:$0x3FB0] =	sst s6  }
0xf: {  	[smem:$0x3FB1] =	sst s7  }
0x10: {  	[smem:$0x3FB2] =	sst s8  }
0x11: {  	[smem:$0x3FB3] =	sst s9;
	s0 =	simm.s32 @!p0 $0x0  }
0x12: {  	s1 =	sld [smem:$0x3F99];
	s0 =	simm.s32 @p0 $0x1  }
0x13: {  	[smem:$0x3FB4] =	sst s0;
	s0 =	simm.s32 @!p1 $0x0  }
0x14: {  	s2 =	sld [smem:$0x3F98];
	s0 =	simm.s32 @p1 $0x1  }
0x15: {  	[smem:$0x3FB5] =	sst s0;
	s0 =	simm.s32 @!p2 $0x0  }
0x16: {  	s3 =	sld [smem:$0x3FDB];
	s0 =	simm.s32 @p2 $0x1  }
0x17: {  	s4 =	simm.s32 $0x1BF5;
	[smem:$0x3FB7] =	sst s0  }
0x18: {  	s0 =	sld [smem:$0x3F9A];
	_ =	swait.ge [sflag:s4], $0x0  }
0x19: {  	s7 =	sld [smem:$0x3F9B]  }
0x1a: {  	s8 =	sadd.s32 $0xFFFFE003, lr  }
0x1b: {  	s9 =	sadd.s32 $0xFFFFFEF7, lr;
	s5 =	simm.s32 $0xFFFFFFFF;
	p2 =	slt.u32 s8, $0xFFFFF086  }
0x1c: {  	p1 =	slt.u32 s9, $0xF7A;
	s5 =	simm.s32 @!p2 $0x0  }
0x1d: {  	s5 =	simm.s32 @p1 $0x1;
	p0 =	seq.s32 s7, s2  }
0x1e: {  	s7 =	smul.u32 @!p0 $0xF7A, s2;
	p2 =	seq.s32 @!p0 s5, $0x0  }
0x1f: {  	s9 =	smul.u32 $0xF7A, s1;
	s8 =	simm.s32 @!p0 $0x1BF5;
	p2 =	por !p2, p0  }
0x20: {  	[sflag:s8] =	ssyncset.s32 @!p0 $0xFFFFF086;
	s6 =	sadd.s32 @!p0 s3, s7;
	s7 =	simm.s32 @!p0 $0x108  }
0x21: {  	s3 =	sadd.s32 s3, s9;
	s6 =	sadd.s32 @!p0 $0x88, s6;
	s7 =	simm.s32 @p2 $0x1082  }
0x22: {  	[simem:s7], [sflag:s8] =	dma.local @!p0 [hbm:s6], $0xF7A  }
0x23: {  	s9 =	sor.u32 $0xD0000000, s2;
	s6 =	simm.s32 $0x108;
	_ =	swait.ge @!p0 [sflag:s8], $0x0  }
0x24: {  	s3 =	sadd.s32 $0x88, s3;
	s6 =	simm.s32 @!p1 $0x1082;
	[sflag:s4] =	ssyncset.s32 $0xFFFFF086  }
0x25: {  	[simem:s6], [sflag:s4] =	dma.local [hbm:s3], $0xF7A  }
0x26: {  	[smem:$0x3F9B] =	sst s1;
	(tag) =	ssettag s2;
	_ =	strace s9  }
0x27: {  	s1 =	sld [smem:$0x3FAB]  }
0x28: {  	s2 =	sld [smem:$0x3FAC]  }
0x29: {  	s4 =	sld [smem:$0x3FAE]  }
0x2a: {  	p0 =	seq.s32 s5, $0x0;
	s5 =	sld [smem:$0x3FAF]  }
0x2b: {  	s6 =	sld [smem:$0x3FB0]  }
0x2c: {  	s7 =	sld [smem:$0x3FB1]  }
0x2d: {  	s3 =	simm.s32 $0x108;
	s8 =	sld [smem:$0x3FB2]  }
0x2e: {  	s3 =	simm.s32 @!p0 $0x1082;
	s9 =	sld [smem:$0x3FB3]  }
0x2f: {  	lr =	sadd.s32 s0, s3;
	s0 =	sld [smem:$0x3FAA]  }
0x30: {  	s3 =	sld [smem:$0x3FAD]  }
0x31: {  	[smem:$0x3FB6] =	sst s10  }
0x32: {  	s10 =	sld [smem:$0x3FB4];
	_ =	sdelay $0x3  }
0x33: {  	p0 =	seq.s32 s10, $0x1;
	s10 =	sld [smem:$0x3FB6];
	_ =	sdelay $0x3  }
0x34: {  	[smem:$0x3FB6] =	sst s10  }
0x35: {  	s10 =	sld [smem:$0x3FB5];
	_ =	sdelay $0x3  }
0x36: {  	p1 =	seq.s32 s10, $0x1;
	s10 =	sld [smem:$0x3FB6];
	_ =	sdelay $0x3  }
0x37: {  	[smem:$0x3FB6] =	sst s10  }
0x38: {  	s10 =	sld [smem:$0x3FB7]  }
0x39: {  	_ = 	snop;
	(pc) =	sbr.ind lr, $3  }
0x3a: {  	_ = 	snop  }
0x3b: {  	_ = 	snop  }
0x3c: {  	p2 =	seq.s32 s10, $0x1;
	s10 =	sld [smem:$0x3FB6]  }
0x3d: {  	_ =	shalt  }
0x3e: {  	_ =	shalt  }
0x3f: {  	_ =	shalt  }
0x40: {  	_ =	shalt  }
0x41: {  	_ =	shalt  }
0x42: {  	_ =	shalt  }
0x43: {  	_ =	shalt  }
0x44: {  	_ =	shalt  }
0x45: {  	_ =	shalt  }
0x46: {  	_ =	shalt  }
0x47: {  	_ =	shalt  }
0x48: {  	_ =	shalt  }
0x49: {  	_ =	shalt  }
0x4a: {  	_ =	shalt  }
0x4b: {  	_ =	shalt  }
0x4c: {  	_ =	shalt  }
0x4d: {  	_ =	shalt  }
0x4e: {  	_ =	shalt  }
0x4f: {  	_ =	shalt  }
0x50: {  	_ =	shalt  }
0x51: {  	_ =	shalt  }
0x52: {  	_ =	shalt  }
0x53: {  	_ =	shalt  }
0x54: {  	_ =	shalt  }
0x55: {  	_ =	shalt  }
0x56: {  	_ =	shalt  }
0x57: {  	_ =	shalt  }
0x58: {  	_ =	shalt  }
0x59: {  	_ =	shalt  }
0x5a: {  	_ =	shalt  }
0x5b: {  	_ =	shalt  }
0x5c: {  	_ =	shalt  }
0x5d: {  	_ =	shalt  }
0x5e: {  	_ =	shalt  }
0x5f: {  	_ =	shalt  }
0x60: {  	_ =	shalt  }
0x61: {  	_ =	shalt  }
0x62: {  	_ =	shalt  }
0x63: {  	_ =	shalt  }
0x64: {  	_ =	shalt  }
0x65: {  	_ =	shalt  }
0x66: {  	_ =	shalt  }
0x67: {  	_ =	shalt  }
0x68: {  	_ =	shalt  }
0x69: {  	_ =	shalt  }
0x6a: {  	_ =	shalt  }
0x6b: {  	_ =	shalt  }
0x6c: {  	_ =	shalt  }
0x6d: {  	_ =	shalt  }
0x6e: {  	_ =	shalt  }
0x6f: {  	_ =	shalt  }
0x70: {  	_ =	shalt  }
0x71: {  	_ =	shalt  }
0x72: {  	_ =	shalt  }
0x73: {  	_ =	shalt  }
0x74: {  	_ =	shalt  }
0x75: {  	_ =	shalt  }
0x76: {  	_ =	shalt  }
0x77: {  	_ =	shalt  }
0x78: {  	_ =	shalt  }
0x79: {  	_ =	shalt  }
0x7a: {  	_ =	shalt  }
0x7b: {  	_ =	shalt  }
0x7c: {  	_ =	shalt  }
0x7d: {  	_ =	shalt  }
0x7e: {  	_ =	shalt  }
0x7f: {  	_ =	shalt  }
0x80: {  	_ =	shalt  }
0x81: {  	_ =	shalt  }
0x82: {  	_ =	shalt  }
0x83: {  	_ =	shalt  }
0x84: {  	_ =	shalt  }
0x85: {  	_ =	shalt  }
0x86: {  	_ =	shalt  }
0x87: {  	_ =	shalt  }
.Lfunc_end0:
.L_simem_size_0:
called_computation.2_lowered:
.L_overlay_start_0:
0x88: {  	s2 =	sld [smem:$0x3FD9]  }
0x89: {  	s3 =	sld [smem:$0x3FFE];
	_ =	sdelay $0x1  }
0x8a: {  	s1 =	srdreg.scid  }
0x8b: {  	s0 =	sand.u32 $0x1, s1  }
0x8c: {  	s17 =	sshll.u32 s0, $0xA;
	s2 =	sadd.s32 s3, s2  }
0x8d: {  	s2 =	sadd.s32 s2, s17  }
0x8e: {  	[smem:$0x3FC2] =	sst s2  }
0x8f: {  	_ = 	snop  }
0x90: {  	s2 =	sld [smem:$0x3FD0];
	(tm) =	ssettm $0x1  }
0x91: {  	s18 =	sld [smem:$0x3FFB];
	_ =	sdelay $0x3  }
0x92: {  	_ =	strace s18  }
0x93: {  	s3 =	sld [smem:$0x3FFC];
	_ =	sdelay $0x3  }
0x94: {  	_ =	strace s3  }
0x95: {  	s3 =	sld [smem:$0x3FFD];
	_ =	sdelay $0x3  }
0x96: {  	_ =	strace s3  }
0x97: {  	_ =	strace $0x8FFFFFFF  }
0x98: {  	s19 =	sld [smem:$0x3FDB];
	_ =	sdelay $0x1  }
0x99: {  	s4 =	simm.s32 $_scs_section_size  }
0x9a: {  	s5 =	simm.s32 $_size__tile_overlayer_lowered;
	s6 =	simm.s32 $_tile_overlayer_lowered  }
0x9b: {  	s22 =	simm.s32 $0x1BFF;
	s21 =	sshll.u32 s6, $0x1;
	s3 =	sadd.s32 s4, s19  }
0x9c: {  	s7 =	simm.s32 $0x0;
	s20 =	sshll.u32 s5, $0x1;
	s5 =	sadd.s32 s21, s3  }
0x9d: {  	[timem:s7], [sflag:s22] =	dma.local [hbm:s5], s20  }
0x9e: {  	_ =	swait.ge [sflag:s22], s20  }
0x9f: {  	s4 =	ssub.s32 $0x0, s20;
	[sflag:s22] =	ssyncset.done $0x0  }
0xa0: {  	[sflag:s22] =	ssyncadd.s32 s4;
	_ =	sdelay $0x1  }
0xa1: {  	s23 =	simm.s32 $0x1B8B  }
0xa2: {  	_ =	swait.ge [sflag:s23], $0x1  }
0xa3: {  	[sflag:s23] =	ssyncset.done $0x0  }
0xa4: {  	s25 =	simm.s32 $0x1B8E;
	s24 =	sld [smem:$0x3FFE];
	[sflag:s23] =	ssyncadd.s32 $0xFFFFFFFF  }
0xa5: {  	s26 =	simm.s32 $execute0_lowered;
	[smem:$0x3FD2] =	sst s25  }
0xa6: {  	s5 =	sshll.u32 s26, $0x1;
	_ =	strace $0x8000004C;
	[dreg:$0x1] =	wrdreg $0xFFFFFFFF  }
0xa7: {  	s28 =	simm.s32 $_size_execute0_lowered;
	s3 =	sadd.s32 s3, s5;
	[dreg:$0x0] =	wrdreg $0x0  }
0xa8: {  	s5 =	sshll.u32 s28, $0x1;
	[dreg:$0x2] =	wrdreg s3  }
0xa9: {  	[dreg:$0x3] =	wrdreg s5  }
0xaa: {  	[dreg:$0x4] =	wrdreg $0xC0  }
0xab: {  	_ =	task [dreg:s7], $0x5FFFF  }
0xac: {  	[dreg:$0x1] =	wrdreg $0xFFFFFFFF  }
0xad: {  	[dreg:$0x0] =	wrdreg $0x60  }
0xae: {  	[dreg:$0x2] =	wrdreg s24  }
0xaf: {  	[dreg:$0x3] =	wrdreg s2  }
0xb0: {  	[dreg:$0x4] =	wrdreg $0x0  }
0xb1: {  	[dreg:$0x5] =	wrdreg $0x2800  }
0xb2: {  	[dreg:$0x6] =	wrdreg $0x9  }
0xb3: {  	_ =	task.clear_ibuf [dreg:s7], $0x7FFFF;
	_ =	strace $0x9000004C  }
0xb4: {  	s29 =	simm.s32 $0x9;
	_ =	strace $0x8000004E  }
0xb5: {  	_ =	swait.ge [sflag:s29], $0x1  }
0xb6: {  	[sflag:s29] =	ssyncadd.s32 $0xFFFFFFFF  }
0xb7: {  	_ =	strace $0x9000004E  }
0xb8: {  	_ =	sfence  }
0xb9: {  	s30 =	sld [smem:$0x0];
	_ =	sdelay $0x2  }
0xba: {  	s31 =	sshll.u32 s1, $0xD;
	s1 =	sshrl.u32 s1, $0x2  }
0xbb: {  	s3 =	sand.u32 $0x4000, s31;
	s1 =	sadd.s32 s1, s30  }
0xbc: {  	s0 =	sor.u32 s3, s0;
	s1 =	sshll.u32 s1, $0x11  }
0xbd: {  	s0 =	sor.u32 s1, s0  }
0xbe: {  	s0 =	sadd.s32 $0x8F2B, s0  }
0xbf: {  	[sflag:s0] =	ssyncadd.remote.s32 $0x1  }
0xc0: {  	_ =	sfence.sel $0xFFFF  }
0xc1: {  	[dreg:$0x0] =	wrdreg $0xFFFFFFFF;
	(pc) =	sbr.abs _section_cstart, $3  }
0xc2: {  	[dreg:$0x1] =	wrdreg $0xFFFFFFFF  }
0xc3: {  	_ =	task.clear_ibuf [dreg:s7], $0x2FFFF;
	_ =	strace $0x9FFFFFFF  }
0xc4: {  	(tm) =	ssettm $0x7FFFFFFF  }
0xc5: {  	_ =	shalt  }
tec
execute0_lowered:
.L_overlay_start_1:
0x0: {  	(tag) =	ssettag $0x1  }
0x1: {  	s0 =	rddreg [dreg:$0x0]  }
0x2: {  	s2 =	rddreg [dreg:$0x1]  }
0x3: {  	s1 =	rddreg [dreg:$0x2]  }
0x4: {  	s3 =	rddreg [dreg:$0x3]  }
0x5: {  	s5 =	srdreg.scid;
	s4 =	simm.s32 $0x0;
	s12 =	stileid.u32  }
0x6: {  	s16 =	simm.s32 $0x500;
	s17 =	simm.s32 $0x2D00;
	s19 =	simm.s32 $0x6  }
0x7: {  	s21 =	simm.s32 $0x1;
	s22 =	simm.s32 $0x80;
	s23 =	simm.s32 $0x5500  }
0x8: {  	s24 =	simm.s32 $0x2;
	s28 =	simm.s32 $0x3;
	s30 =	simm.s32 $0x4  }
0x9: {  	s31 =	simm.s32 $0x5;
	s9 =	sand.u32 $0x1, s5;
	s6 =	smul.u32 $0x500, s12  }
0xa: {  	[smem:$0x7FF] =	sst s4;
	s10 =	smul.u32 $0x280, s12;
	s29 =	sshll.u32 s12, $0x6  }
0xb: {  	s5 =	sshll.u32 s9, $0x4;
	_ =	strace $0x8000004D;
	s7 =	sshll.u32 s9, $0x7  }
0xc: {  	s25 =	ssub.s32 $0x2, s9;
	p0 =	seq.s32 s9, $0x1;
	s5 =	sor.u32 s12, s5  }
0xd: {  	s6 =	sor.u32 s7, s6;
	s8 =	sshrl.u32 s25, $0x1;
	s26 =	sshrl.u32 s10, $0x3  }
0xe: {  	s18 =	sadd.s32 s10, s1;
	s9 =	sadd.s32 s10, s3;
	s5 =	smul.u32 $0x500, s5  }
0xf: {  	s6 =	sshrl.u32 s6, $0x3;
	s15 =	ssub.s32 s25, s8;
	s7 =	sadd.s32 s2, s26  }
0x10: {  	s8 =	sor.u32 $0x1C06, s29;
	s10 =	sadd.s32 $0x80, s9;
	s12 =	sadd.s32 $0x180, s9  }
0x11: {  	s13 =	sadd.s32 $0x200, s9;
	s18 =	sshrl.u32 s18, $0x3;
	s20 =	sshrl.u32 @!p0 s9, $0x3  }
0x12: {  	s26 =	simm.s32 $0x5580;
	s25 =	simm.s32 $0x0;
	s11 =	sadd.s32 s5, s0  }
0x13: {  	s15 =	smax.u32 s15, $0x1;
	s0 =	sadd.s32 s6, s0;
	s5 =	sadd.s32 $0xC800, s11  }
0x14: {  	s6 =	sadd.s32 $0x2800, s11;
	s11 =	sadd.s32 $0x100, s9;
	s14 =	sadd.s32 $0x16800, s0  }
.LBB2_1:
0x15: {  	[tilespmem:s16], [sflag:$0x1] =	stream.linear.gather [hbm4b:s5+s4], $0x2800, $0x38;
	[tilespmem:$0x5600] =	vst v63  }
0x16: {  	_ = 	snop  }
0x17: {  	[tilespmem:s17], [sflag:$0x1] =	stream.linear.gather [hbm4b:s6+s4], $0x2800, $0x38;
	[tilespmem:$0x5600] =	vst v63  }
0x18: {  	[spmem:s18], [sflag:s8] =	dma.local [hbm:s7], $0x50  }
0x19: {  	_ =	swait.ge [sflag:s19], $0x50  }
0x1a: {  	[sflag:s19] =	ssyncset.done $0x0  }
0x1b: {  	s0 =	simm.s32 @!p0 $0x6;
	[sflag:s19] =	ssyncadd.s32 $0xFFFFFFB0  }
0x1c: {  	[spmem:s20], [sflag:s8] =	dma.local @!p0 [hbm:s7], $0x50  }
0x1d: {  	_ =	swait.ge @!p0 [sflag:s0], $0x50  }
0x1e: {  	[sflag:s0] =	ssyncset.done @!p0 $0x0  }
0x1f: {  	v0 =	vimm.f32 @p0 $0.0e+00;
	[sflag:s0] =	ssyncadd.s32 @!p0 $0xFFFFFFB0  }
0x20: {  	[tilespmem:$0x5500] =	vst @p0 v0  }
0x21: {  	[tilespmem:$0x5510] =	vst @p0 v0  }
0x22: {  	[tilespmem:$0x5520] =	vst @p0 v0  }
0x23: {  	[tilespmem:$0x5530] =	vst @p0 v0  }
0x24: {  	[tilespmem:$0x5540] =	vst @p0 v0  }
0x25: {  	[tilespmem:$0x5550] =	vst @p0 v0  }
0x26: {  	[tilespmem:$0x5560] =	vst @p0 v0  }
0x27: {  	s29 =	simm.s32 @p0 $0x6;
	s0 =	simm.s32 @p0 $0x5500;
	[tilespmem:$0x5570] =	vst @p0 v0  }
0x28: {  	[spmem:s9] =	stream.linear.scatter @p0 [tilespmem:s0], [sflag:$0x6], $0x80, $0x38;
	[tilespmem:$0x5600] =	vst v63  }
0x29: {  	_ =	swait.ge @p0 [sflag:s29], $0x80  }
0x2a: {  	[sflag:s29] =	ssyncset.done @p0 $0x0  }
0x2b: {  	[sflag:s29] =	ssyncadd.s32 @p0 $0xFFFFFF80  }
0x2c: {  	[spmem:s10] =	stream.linear.scatter @p0 [tilespmem:s0], [sflag:$0x6], $0x80, $0x38;
	[tilespmem:$0x5600] =	vst v63  }
0x2d: {  	_ =	swait.ge @p0 [sflag:s29], $0x80  }
0x2e: {  	[sflag:s29] =	ssyncset.done @p0 $0x0  }
0x2f: {  	[sflag:s29] =	ssyncadd.s32 @p0 $0xFFFFFF80  }
0x30: {  	[spmem:s11] =	stream.linear.scatter @p0 [tilespmem:s0], [sflag:$0x6], $0x80, $0x38;
	[tilespmem:$0x5600] =	vst v63  }
0x31: {  	_ =	swait.ge @p0 [sflag:s29], $0x80  }
0x32: {  	[sflag:s29] =	ssyncset.done @p0 $0x0  }
0x33: {  	[sflag:s29] =	ssyncadd.s32 @p0 $0xFFFFFF80  }
0x34: {  	[spmem:s12] =	stream.linear.scatter @p0 [tilespmem:s0], [sflag:$0x6], $0x80, $0x38;
	[tilespmem:$0x5600] =	vst v63  }
0x35: {  	_ =	swait.ge @p0 [sflag:s29], $0x80  }
0x36: {  	[sflag:s29] =	ssyncset.done @p0 $0x0  }
0x37: {  	[sflag:s29] =	ssyncadd.s32 @p0 $0xFFFFFF80  }
0x38: {  	[spmem:s13] =	stream.linear.scatter @p0 [tilespmem:s0], [sflag:$0x6], $0x80, $0x38;
	[tilespmem:$0x5600] =	vst v63  }
0x39: {  	_ =	swait.ge @p0 [sflag:s29], $0x80  }
0x3a: {  	[sflag:s29] =	ssyncset.done @p0 $0x0  }
0x3b: {  	[sflag:s29] =	ssyncadd.s32 @p0 $0xFFFFFF80  }
0x3c: {  	[bflag:$0x0] =	sbarrier.arrive $0xFFFF  }
0x3d: {  	_ =	swait.ge [sflag:s21], $0x2800  }
0x3e: {  	[sflag:s21] =	ssyncset.done $0x0  }
0x3f: {  	[sflag:s21] =	ssyncadd.s32 $0xFFFFD800  }
0x40: {  	_ =	swait.ge [sflag:s21], $0x2800  }
0x41: {  	[sflag:s21] =	ssyncset.done $0x0  }
0x42: {  	[sflag:s21] =	ssyncadd.s32 $0xFFFFD800  }
0x43: {  	[tilespmem:s23], [sflag:$0x2] =	stream.indirect.gather [spmem:s1], $0x1, s16, s22, $0xb8;
	[tilespmem:$0x5600] =	vst v63  }
0x44: {  	_ =	swait.ge [sflag:s24], $0x80  }
0x45: {  	[sflag:s24] =	ssyncset.done $0x0  }
0x46: {  	[sflag:s24] =	ssyncadd.s32 $0xFFFFFF80  }
0x47: {  	[spmem:s3] =	stream.indirect.scatter.add.f32 [tilespmem:s23], [sflag:$0x4], $0x1, s17, s22, $0xb8;
	[tilespmem:$0x5600] =	vst v63  }
0x48: {  	s2 =	simm.s32 $0x580  }
0x49: {  	[tilespmem:s26], [sflag:$0x3] =	stream.indirect.gather [spmem:s1], $0x1, s2, s22, $0xb8;
	[tilespmem:$0x5600] =	vst v63  }
0x4a: {  	_ =	swait.ge [sflag:s28], $0x80  }
0x4b: {  	[sflag:s28] =	ssyncset.done $0x0  }
0x4c: {  	s2 =	simm.s32 $0x2D80;
	[sflag:s28] =	ssyncadd.s32 $0xFFFFFF80  }
0x4d: {  	[spmem:s3] =	stream.indirect.scatter.add.f32 [tilespmem:s26], [sflag:$0x5], $0x1, s2, s22, $0xb8;
	[tilespmem:$0x5600] =	vst v63  }
0x4e: {  	_ =	swait.ge [sflag:s30], $0x80  }
0x4f: {  	[sflag:s30] =	ssyncset.done $0x0  }
0x50: {  	s2 =	simm.s32 $0x600;
	[sflag:s30] =	ssyncadd.s32 $0xFFFFFF80  }
0x51: {  	[tilespmem:s23], [sflag:$0x2] =	stream.indirect.gather [spmem:s1], $0x1, s2, s22, $0xb8;
	[tilespmem:$0x5600] =	vst v63  }
0x52: {  	_ =	swait.ge [sflag:s24], $0x80  }
0x53: {  	[sflag:s24] =	ssyncset.done $0x0  }
0x54: {  	s2 =	simm.s32 $0x2E00;
	[sflag:s24] =	ssyncadd.s32 $0xFFFFFF80  }
0x55: {  	[spmem:s3] =	stream.indirect.scatter.add.f32 [tilespmem:s23], [sflag:$0x4], $0x1, s2, s22, $0xb8;
	[tilespmem:$0x5600] =	vst v63  }
0x56: {  	_ =	swait.ge [sflag:s31], $0x80  }
0x57: {  	[sflag:s31] =	ssyncset.done $0x0  }
0x58: {  	s2 =	simm.s32 $0x680;
	[sflag:s31] =	ssyncadd.s32 $0xFFFFFF80  }
0x59: {  	[tilespmem:s26], [sflag:$0x3] =	stream.indirect.gather [spmem:s1], $0x1, s2, s22, $0xb8;
	[tilespmem:$0x5600] =	vst v63  }
0x5a: {  	_ =	swait.ge [sflag:s28], $0x80  }
0x5b: {  	[sflag:s28] =	ssyncset.done $0x0  }
0x5c: {  	s0 =	simm.s32 $0x2E80;
	s29 =	simm.s32 $0xFFFF6800;
	[sflag:s28] =	ssyncadd.s32 $0xFFFFFF80  }
.LBB2_2:
0x5d: {  	[spmem:s3] =	stream.indirect.scatter.add.f32 [tilespmem:s26], [sflag:$0x5], $0x1, s0, s22, $0xb8;
	[tilespmem:$0x5600] =	vst v63  }
0x5e: {  	s0 =	smov.u32 s29  }
0x5f: {  	p1 =	sne.s32 s29, $0xFFFFFC00;
	s29 =	sadd.s32 $0x400, s29;
	_ =	swait.ge [sflag:s30], $0x80  }
0x60: {  	s0 =	sshra.s32 s0, $0x2;
	[sflag:s30] =	ssyncset.done $0x0  }
0x61: {  	s2 =	sadd.s32 $0x2D00, s0;
	[sflag:s30] =	ssyncadd.s32 $0xFFFFFF80  }
0x62: {  	[tilespmem:s23], [sflag:$0x2] =	stream.indirect.gather [spmem:s1], $0x1, s2, s22, $0xb8;
	[tilespmem:$0x5600] =	vst v63  }
0x63: {  	_ =	swait.ge [sflag:s24], $0x80  }
0x64: {  	[sflag:s24] =	ssyncset.done $0x0  }
0x65: {  	s2 =	sadd.s32 $0x5500, s0;
	[sflag:s24] =	ssyncadd.s32 $0xFFFFFF80  }
0x66: {  	[spmem:s3] =	stream.indirect.scatter.add.f32 [tilespmem:s23], [sflag:$0x4], $0x1, s2, s22, $0xb8;
	[tilespmem:$0x5600] =	vst v63  }
0x67: {  	_ =	swait.ge [sflag:s31], $0x80  }
0x68: {  	[sflag:s31] =	ssyncset.done $0x0  }
.Ltmp0:
0x69: {  	s2 =	sadd.s32 $0x2D80, s0;
	[sflag:s31] =	ssyncadd.s32 $0xFFFFFF80;
	(pc) =	sbr.rel @p1 .LBB2_2-.Ltmp0, $4  }
0x6a: {  	[tilespmem:s26], [sflag:$0x3] =	stream.indirect.gather [spmem:s1], $0x1, s2, s22, $0xb8;
	[tilespmem:$0x5600] =	vst v63  }
0x6b: {  	_ =	swait.ge [sflag:s28], $0x80  }
0x6c: {  	[sflag:s28] =	ssyncset.done $0x0  }
0x6d: {  	s0 =	sadd.s32 $0x5580, s0;
	[sflag:s28] =	ssyncadd.s32 $0xFFFFFF80  }
0x6e: {  	[spmem:s3] =	stream.indirect.scatter.add.f32 [tilespmem:s26], [sflag:$0x5], $0x1, s0, s22, $0xb8;
	[tilespmem:$0x5600] =	vst v63  }
0x6f: {  	_ =	swait.ge [sflag:s30], $0x80  }
0x70: {  	[sflag:s30] =	ssyncset.done $0x0  }
0x71: {  	[sflag:s30] =	ssyncadd.s32 $0xFFFFFF80  }
0x72: {  	_ =	swait.ge [sflag:s31], $0x80  }
0x73: {  	s0 =	sshrl.u32 s9, $0x3;
	s25 =	sadd.s32 $0x1, s25;
	[sflag:s31] =	ssyncset.done $0x0  }
0x74: {  	s2 =	simm.s32 $0x20;
	p1 =	sne.s32 s25, s15;
	[sflag:s31] =	ssyncadd.s32 $0xFFFFFF80  }
.Ltmp1:
0x75: {  	s29 =	simm.s32 $0x10;
	[bflag:$0x0] =	sbarrier.arrive $0xFFFF;
	(pc) =	sbr.rel @p1 .LBB2_1-.Ltmp1, $4  }
0x76: {  	[hbm:s14@s2], [sflag:s8] =	dma.strided [spmem:s0@s29], $0x50, s21, $0x10   }
0x77: {  	_ =	swait.ge [sflag:s19], $0x50  }
0x78: {  	[sflag:s19] =	ssyncset.done $0x0  }
0x79: {  	[sflag:s19] =	ssyncadd.s32 $0xFFFFFFB0  }
0x7a: {  	_ =	sfence.sel $0x180000  }
0x7b: {  	[bflag:$0x0] =	sbarrier.arrive $0xFFFF  }
0x7c: {  	_ =	strace $0x9000004D  }
0x7d: {  	s0 =	stileid.u32;
	[bflag:$0x2] =	sbarrier.arrive $0xFFFF  }
0x7e: {  	p0 =	sne.s32 s0, $0x0;
	s0 =	rddreg [dreg:$0x4]  }
0x7f: {  	s0 =	sadd.s32 @!p0 $0x100000, s0  }
0x80: {  	[sflag:s0] =	ssyncadd.tile.s32 @!p0 $0x1;
	_ =	shalt  }
.Lfunc_end2:
_tile_overlayer_lowered:
.L_overlay_start_2:
0x81: {  	(tag) =	ssettag $0x2  }
0x82: {  	s0 =	rddreg [dreg:$0x0];
	s2 =	stileid.u32  }
0x83: {  	s1 =	rddreg [dreg:$0x1];
	p0 =	sne.s32 s2, $0x0  }
0x84: {  	s3 =	rddreg [dreg:$0x2];
	[bflag:$0x3] =	sbarrier.arrive $0xFFFF;
	s2 =	simm.s32 @!p0 $0x1C06  }
0x85: {  	[timem:s3], [sflag:s2] =	dma.local @!p0 [hbm:s0], s1  }
0x86: {  	s0 =	simm.s32 @!p0 $0x6  }
0x87: {  	_ =	swait.ge @!p0 [sflag:s0], s1  }
0x88: {  	s1 =	ssub.s32 @!p0 $0x0, s1;
	[sflag:s0] =	ssyncset.done @!p0 $0x0  }
0x89: {  	[sflag:s0] =	ssyncadd.s32 @!p0 s1  }
0x8a: {  	[bflag:$0x3] =	sbarrier.arrive $0xFFFF  }
0x8b: {  	_ =	shalt  }

// kernel: kernel.8.cloned.1.call-start
scs
__scs_entry_jumppad:
0x0: {  	(pc) =	sbr.rel $0x88, $3  }
0x1: {  	(tag) =	ssettag $0x0;
	lr =	simm.s32 $0x1  }
0x2: {  	[smem:$0x3F9B] =	sst lr;
	_ =	strace $0xD0000000  }
0x3: {  	_ = 	snop  }
0x4: {  	_ = 	snop  }
0x5: {  	_ = 	snop  }
0x6: {  	_ = 	snop  }
0x7: {  	_ = 	snop  }
__scs_overlays_trampoline_lowered:
0x8: {  	[smem:$0x3FAA] =	sst s0  }
0x9: {  	[smem:$0x3FAB] =	sst s1  }
0xa: {  	[smem:$0x3FAC] =	sst s2  }
0xb: {  	[smem:$0x3FAD] =	sst s3  }
0xc: {  	[smem:$0x3FAE] =	sst s4  }
0xd: {  	[smem:$0x3FAF] =	sst s5  }
0xe: {  	[smem:$0x3FB0] =	sst s6  }
0xf: {  	[smem:$0x3FB1] =	sst s7  }
0x10: {  	[smem:$0x3FB2] =	sst s8  }
0x11: {  	[smem:$0x3FB3] =	sst s9;
	s0 =	simm.s32 @!p0 $0x0  }
0x12: {  	s1 =	sld [smem:$0x3F99];
	s0 =	simm.s32 @p0 $0x1  }
0x13: {  	[smem:$0x3FB4] =	sst s0;
	s0 =	simm.s32 @!p1 $0x0  }
0x14: {  	s2 =	sld [smem:$0x3F98];
	s0 =	simm.s32 @p1 $0x1  }
0x15: {  	[smem:$0x3FB5] =	sst s0;
	s0 =	simm.s32 @!p2 $0x0  }
0x16: {  	s3 =	sld [smem:$0x3FDB];
	s0 =	simm.s32 @p2 $0x1  }
0x17: {  	s4 =	simm.s32 $0x1BF5;
	[smem:$0x3FB7] =	sst s0  }
0x18: {  	s0 =	sld [smem:$0x3F9A];
	_ =	swait.ge [sflag:s4], $0x0  }
0x19: {  	s7 =	sld [smem:$0x3F9B]  }
0x1a: {  	s8 =	sadd.s32 $0xFFFFE003, lr  }
0x1b: {  	s9 =	sadd.s32 $0xFFFFFEF7, lr;
	s5 =	simm.s32 $0xFFFFFFFF;
	p2 =	slt.u32 s8, $0xFFFFF086  }
0x1c: {  	p1 =	slt.u32 s9, $0xF7A;
	s5 =	simm.s32 @!p2 $0x0  }
0x1d: {  	s5 =	simm.s32 @p1 $0x1;
	p0 =	seq.s32 s7, s2  }
0x1e: {  	s7 =	smul.u32 @!p0 $0xF7A, s2;
	p2 =	seq.s32 @!p0 s5, $0x0  }
0x1f: {  	s9 =	smul.u32 $0xF7A, s1;
	s8 =	simm.s32 @!p0 $0x1BF5;
	p2 =	por !p2, p0  }
0x20: {  	[sflag:s8] =	ssyncset.s32 @!p0 $0xFFFFF086;
	s6 =	sadd.s32 @!p0 s3, s7;
	s7 =	simm.s32 @!p0 $0x108  }
0x21: {  	s3 =	sadd.s32 s3, s9;
	s6 =	sadd.s32 @!p0 $0x88, s6;
	s7 =	simm.s32 @p2 $0x1082  }
0x22: {  	[simem:s7], [sflag:s8] =	dma.local @!p0 [hbm:s6], $0xF7A  }
0x23: {  	s9 =	sor.u32 $0xD0000000, s2;
	s6 =	simm.s32 $0x108;
	_ =	swait.ge @!p0 [sflag:s8], $0x0  }
0x24: {  	s3 =	sadd.s32 $0x88, s3;
	s6 =	simm.s32 @!p1 $0x1082;
	[sflag:s4] =	ssyncset.s32 $0xFFFFF086  }
0x25: {  	[simem:s6], [sflag:s4] =	dma.local [hbm:s3], $0xF7A  }
0x26: {  	[smem:$0x3F9B] =	sst s1;
	(tag) =	ssettag s2;
	_ =	strace s9  }
0x27: {  	s1 =	sld [smem:$0x3FAB]  }
0x28: {  	s2 =	sld [smem:$0x3FAC]  }
0x29: {  	s4 =	sld [smem:$0x3FAE]  }
0x2a: {  	p0 =	seq.s32 s5, $0x0;
	s5 =	sld [smem:$0x3FAF]  }
0x2b: {  	s6 =	sld [smem:$0x3FB0]  }
0x2c: {  	s7 =	sld [smem:$0x3FB1]  }
0x2d: {  	s3 =	simm.s32 $0x108;
	s8 =	sld [smem:$0x3FB2]  }
0x2e: {  	s3 =	simm.s32 @!p0 $0x1082;
	s9 =	sld [smem:$0x3FB3]  }
0x2f: {  	lr =	sadd.s32 s0, s3;
	s0 =	sld [smem:$0x3FAA]  }
0x30: {  	s3 =	sld [smem:$0x3FAD]  }
0x31: {  	[smem:$0x3FB6] =	sst s10  }
0x32: {  	s10 =	sld [smem:$0x3FB4];
	_ =	sdelay $0x3  }
0x33: {  	p0 =	seq.s32 s10, $0x1;
	s10 =	sld [smem:$0x3FB6];
	_ =	sdelay $0x3  }
0x34: {  	[smem:$0x3FB6] =	sst s10  }
0x35: {  	s10 =	sld [smem:$0x3FB5];
	_ =	sdelay $0x3  }
0x36: {  	p1 =	seq.s32 s10, $0x1;
	s10 =	sld [smem:$0x3FB6];
	_ =	sdelay $0x3  }
0x37: {  	[smem:$0x3FB6] =	sst s10  }
0x38: {  	s10 =	sld [smem:$0x3FB7]  }
0x39: {  	_ = 	snop;
	(pc) =	sbr.ind lr, $3  }
0x3a: {  	_ = 	snop  }
0x3b: {  	_ = 	snop  }
0x3c: {  	p2 =	seq.s32 s10, $0x1;
	s10 =	sld [smem:$0x3FB6]  }
0x3d: {  	_ =	shalt  }
0x3e: {  	_ =	shalt  }
0x3f: {  	_ =	shalt  }
0x40: {  	_ =	shalt  }
0x41: {  	_ =	shalt  }
0x42: {  	_ =	shalt  }
0x43: {  	_ =	shalt  }
0x44: {  	_ =	shalt  }
0x45: {  	_ =	shalt  }
0x46: {  	_ =	shalt  }
0x47: {  	_ =	shalt  }
0x48: {  	_ =	shalt  }
0x49: {  	_ =	shalt  }
0x4a: {  	_ =	shalt  }
0x4b: {  	_ =	shalt  }
0x4c: {  	_ =	shalt  }
0x4d: {  	_ =	shalt  }
0x4e: {  	_ =	shalt  }
0x4f: {  	_ =	shalt  }
0x50: {  	_ =	shalt  }
0x51: {  	_ =	shalt  }
0x52: {  	_ =	shalt  }
0x53: {  	_ =	shalt  }
0x54: {  	_ =	shalt  }
0x55: {  	_ =	shalt  }
0x56: {  	_ =	shalt  }
0x57: {  	_ =	shalt  }
0x58: {  	_ =	shalt  }
0x59: {  	_ =	shalt  }
0x5a: {  	_ =	shalt  }
0x5b: {  	_ =	shalt  }
0x5c: {  	_ =	shalt  }
0x5d: {  	_ =	shalt  }
0x5e: {  	_ =	shalt  }
0x5f: {  	_ =	shalt  }
0x60: {  	_ =	shalt  }
0x61: {  	_ =	shalt  }
0x62: {  	_ =	shalt  }
0x63: {  	_ =	shalt  }
0x64: {  	_ =	shalt  }
0x65: {  	_ =	shalt  }
0x66: {  	_ =	shalt  }
0x67: {  	_ =	shalt  }
0x68: {  	_ =	shalt  }
0x69: {  	_ =	shalt  }
0x6a: {  	_ =	shalt  }
0x6b: {  	_ =	shalt  }
0x6c: {  	_ =	shalt  }
0x6d: {  	_ =	shalt  }
0x6e: {  	_ =	shalt  }
0x6f: {  	_ =	shalt  }
0x70: {  	_ =	shalt  }
0x71: {  	_ =	shalt  }
0x72: {  	_ =	shalt  }
0x73: {  	_ =	shalt  }
0x74: {  	_ =	shalt  }
0x75: {  	_ =	shalt  }
0x76: {  	_ =	shalt  }
0x77: {  	_ =	shalt  }
0x78: {  	_ =	shalt  }
0x79: {  	_ =	shalt  }
0x7a: {  	_ =	shalt  }
0x7b: {  	_ =	shalt  }
0x7c: {  	_ =	shalt  }
0x7d: {  	_ =	shalt  }
0x7e: {  	_ =	shalt  }
0x7f: {  	_ =	shalt  }
0x80: {  	_ =	shalt  }
0x81: {  	_ =	shalt  }
0x82: {  	_ =	shalt  }
0x83: {  	_ =	shalt  }
0x84: {  	_ =	shalt  }
0x85: {  	_ =	shalt  }
0x86: {  	_ =	shalt  }
0x87: {  	_ =	shalt  }
.Lfunc_end0:
.L_simem_size_0:
called_computation_lowered:
.L_overlay_start_0:
0x88: {  	s2 =	sld [smem:$0x3FD9]  }
0x89: {  	s3 =	sld [smem:$0x3FFE];
	_ =	sdelay $0x1  }
0x8a: {  	s1 =	srdreg.scid  }
0x8b: {  	s0 =	sand.u32 $0x1, s1  }
0x8c: {  	s16 =	sshll.u32 s0, $0xA;
	s2 =	sadd.s32 s3, s2  }
0x8d: {  	s2 =	sadd.s32 s2, s16  }
0x8e: {  	[smem:$0x3FC2] =	sst s2  }
0x8f: {  	_ = 	snop  }
0x90: {  	(tm) =	ssettm $0x1  }
0x91: {  	s17 =	sld [smem:$0x3FFB];
	_ =	sdelay $0x3  }
0x92: {  	_ =	strace s17  }
0x93: {  	s2 =	sld [smem:$0x3FFC];
	_ =	sdelay $0x3  }
0x94: {  	_ =	strace s2  }
0x95: {  	s2 =	sld [smem:$0x3FFD];
	_ =	sdelay $0x3  }
0x96: {  	_ =	strace s2  }
0x97: {  	_ =	strace $0x8FFFFFFF  }
0x98: {  	s18 =	sld [smem:$0x3FDB];
	_ =	sdelay $0x1  }
0x99: {  	s19 =	simm.s32 $_scs_section_size  }
0x9a: {  	s4 =	simm.s32 $_size__tile_overlayer_lowered;
	s5 =	simm.s32 $_tile_overlayer_lowered  }
0x9b: {  	s22 =	simm.s32 $0x1BFF;
	s21 =	sshll.u32 s5, $0x1;
	s2 =	sadd.s32 s19, s18  }
0x9c: {  	s6 =	simm.s32 $0x0;
	s20 =	sshll.u32 s4, $0x1;
	s4 =	sadd.s32 s21, s2  }
0x9d: {  	[timem:s6], [sflag:s22] =	dma.local [hbm:s4], s20  }
0x9e: {  	_ =	swait.ge [sflag:s22], s20  }
0x9f: {  	s3 =	ssub.s32 $0x0, s20;
	[sflag:s22] =	ssyncset.done $0x0  }
0xa0: {  	[sflag:s22] =	ssyncadd.s32 s3;
	_ =	sdelay $0x1  }
0xa1: {  	s23 =	simm.s32 $0x1B8B  }
0xa2: {  	_ =	swait.ge [sflag:s23], $0x1  }
0xa3: {  	[sflag:s23] =	ssyncset.done $0x0  }
0xa4: {  	s25 =	simm.s32 $0x1B8E;
	s24 =	sld [smem:$0x3FFE];
	[sflag:s23] =	ssyncadd.s32 $0xFFFFFFFF  }
0xa5: {  	s26 =	simm.s32 $execute0_lowered;
	[smem:$0x3FD2] =	sst s25  }
0xa6: {  	s4 =	sshll.u32 s26, $0x1;
	_ =	strace $0x80000046;
	[dreg:$0x1] =	wrdreg $0xFFFFFFFF  }
0xa7: {  	s28 =	simm.s32 $_size_execute0_lowered;
	s2 =	sadd.s32 s2, s4;
	[dreg:$0x0] =	wrdreg $0x0  }
0xa8: {  	s4 =	sshll.u32 s28, $0x1;
	[dreg:$0x2] =	wrdreg s2  }
0xa9: {  	[dreg:$0x3] =	wrdreg s4  }
0xaa: {  	[dreg:$0x4] =	wrdreg $0xC0  }
0xab: {  	_ =	task [dreg:s6], $0x5FFFF  }
0xac: {  	[dreg:$0x1] =	wrdreg $0xFFFFFFFF  }
0xad: {  	[dreg:$0x0] =	wrdreg $0x60  }
0xae: {  	[dreg:$0x2] =	wrdreg s24  }
0xaf: {  	[dreg:$0x3] =	wrdreg $0x0  }
0xb0: {  	[dreg:$0x4] =	wrdreg $0x9  }
0xb1: {  	_ =	task.clear_ibuf [dreg:s6], $0x5FFFF;
	_ =	strace $0x90000046  }
0xb2: {  	s29 =	simm.s32 $0x9;
	_ =	strace $0x80000048  }
0xb3: {  	_ =	swait.ge [sflag:s29], $0x1  }
0xb4: {  	[sflag:s29] =	ssyncadd.s32 $0xFFFFFFFF  }
0xb5: {  	_ =	strace $0x90000048  }
0xb6: {  	_ =	sfence  }
0xb7: {  	s30 =	sld [smem:$0x0];
	_ =	sdelay $0x2  }
0xb8: {  	s31 =	sshll.u32 s1, $0xD;
	s1 =	sshrl.u32 s1, $0x2  }
0xb9: {  	s3 =	sand.u32 $0x4000, s31;
	s1 =	sadd.s32 s1, s30  }
0xba: {  	s0 =	sor.u32 s3, s0;
	s1 =	sshll.u32 s1, $0x11  }
0xbb: {  	s0 =	sor.u32 s1, s0  }
0xbc: {  	s0 =	sadd.s32 $0x8F2B, s0  }
0xbd: {  	[sflag:s0] =	ssyncadd.remote.s32 $0x1  }
0xbe: {  	_ =	sfence.sel $0xFFFF  }
0xbf: {  	[dreg:$0x0] =	wrdreg $0xFFFFFFFF;
	(pc) =	sbr.abs _section_cstart, $3  }
0xc0: {  	[dreg:$0x1] =	wrdreg $0xFFFFFFFF  }
0xc1: {  	_ =	task.clear_ibuf [dreg:s6], $0x2FFFF;
	_ =	strace $0x9FFFFFFF  }
0xc2: {  	(tm) =	ssettm $0x7FFFFFFF  }
0xc3: {  	_ =	shalt  }
tec
execute0_lowered:
.L_overlay_start_1:
0x0: {  	(tag) =	ssettag $0x1  }
0x1: {  	s5 =	rddreg [dreg:$0x0]  }
0x2: {  	s0 =	srdreg.scid;
	s2 =	rddreg [dreg:$0x1]  }
0x3: {  	s3 =	simm.s32 $0x0;
	s12 =	simm.s32 $0x300;
	s13 =	simm.s32 $0x280  }
0x4: {  	s14 =	simm.s32 $0x4;
	s15 =	simm.s32 $0x1;
	s16 =	simm.s32 $0x80  }
0x5: {  	s17 =	simm.s32 $0x380;
	s18 =	simm.s32 $0x2;
	s19 =	simm.s32 $0x3  }
0x6: {  	s22 =	simm.s32 $0x20;
	s23 =	simm.s32 $0x10;
	s24 =	simm.s32 $0x0  }
0x7: {  	s4 =	sand.u32 $0x1, s0;
	s0 =	stileid.u32;
	[smem:$0x7FF] =	sst s3  }
0x8: {  	s1 =	sshll.u32 s4, $0x4;
	s7 =	smul.u32 $0x500, s0;
	s8 =	sshll.u32 s4, $0x7  }
0x9: {  	s9 =	smul.u32 $0xA00, s0;
	s4 =	ssub.s32 $0x2, s4;
	s20 =	sshll.u32 s0, $0x6  }
0xa: {  	s6 =	sor.u32 s0, s1;
	s1 =	rddreg [dreg:$0x2];
	_ =	strace $0x80000047  }
0xb: {  	s31 =	sshrl.u32 s4, $0x1;
	s20 =	sor.u32 $0x1C04, s20;
	s6 =	smul.u32 $0x500, s6  }
0xc: {  	s7 =	sor.u32 s8, s7;
	s9 =	sshrl.u32 s9, $0x2;
	s11 =	ssub.s32 s4, s31  }
0xd: {  	s7 =	sshrl.u32 s7, $0x3;
	s4 =	sadd.s32 s9, s2;
	s11 =	smax.u32 s11, $0x1  }
0xe: {  	s6 =	sadd.s32 s6, s5;
	s10 =	sadd.s32 s7, s5;
	s7 =	sadd.s32 $0x100, s4  }
0xf: {  	s8 =	sadd.s32 $0x180, s4;
	s9 =	sadd.s32 $0x200, s4;
	s21 =	sshrl.u32 s4, $0x3  }
0x10: {  	v0 =	vimm.f32 $1.000000000e+00;
	s5 =	sadd.s32 $0x2800, s6;
	s6 =	sadd.s32 $0x80, s4;
	s10 =	sadd.s32 $0x16800, s10  }
.LBB2_1:
0x11: {  	[tilespmem:s12], [sflag:$0x1] =	stream.linear.gather [hbm4b:s5+s3], $0x2800, $0x38;
	[tilespmem:$0x2B00] =	vst v63  }
0x12: {  	[tilespmem:$0x280] =	vst v0  }
0x13: {  	[tilespmem:$0x290] =	vst v0  }
0x14: {  	[tilespmem:$0x2A0] =	vst v0  }
0x15: {  	[tilespmem:$0x2B0] =	vst v0  }
0x16: {  	[tilespmem:$0x2C0] =	vst v0  }
0x17: {  	[tilespmem:$0x2D0] =	vst v0  }
0x18: {  	[tilespmem:$0x2E0] =	vst v0  }
0x19: {  	[tilespmem:$0x2F0] =	vst v0  }
0x1a: {  	[spmem:s4] =	stream.linear.scatter [tilespmem:s13], [sflag:$0x4], $0x80, $0x38;
	[tilespmem:$0x2B00] =	vst v63  }
0x1b: {  	_ =	swait.ge [sflag:s14], $0x80  }
0x1c: {  	[sflag:s14] =	ssyncset.done $0x0  }
0x1d: {  	[sflag:s14] =	ssyncadd.s32 $0xFFFFFF80  }
0x1e: {  	[spmem:s6] =	stream.linear.scatter [tilespmem:s13], [sflag:$0x4], $0x80, $0x38;
	[tilespmem:$0x2B00] =	vst v63  }
0x1f: {  	_ =	swait.ge [sflag:s14], $0x80  }
0x20: {  	[sflag:s14] =	ssyncset.done $0x0  }
0x21: {  	[sflag:s14] =	ssyncadd.s32 $0xFFFFFF80  }
0x22: {  	[spmem:s7] =	stream.linear.scatter [tilespmem:s13], [sflag:$0x4], $0x80, $0x38;
	[tilespmem:$0x2B00] =	vst v63  }
0x23: {  	_ =	swait.ge [sflag:s14], $0x80  }
0x24: {  	[sflag:s14] =	ssyncset.done $0x0  }
0x25: {  	[sflag:s14] =	ssyncadd.s32 $0xFFFFFF80  }
0x26: {  	[spmem:s8] =	stream.linear.scatter [tilespmem:s13], [sflag:$0x4], $0x80, $0x38;
	[tilespmem:$0x2B00] =	vst v63  }
0x27: {  	_ =	swait.ge [sflag:s14], $0x80  }
0x28: {  	[sflag:s14] =	ssyncset.done $0x0  }
0x29: {  	[sflag:s14] =	ssyncadd.s32 $0xFFFFFF80  }
0x2a: {  	[spmem:s9] =	stream.linear.scatter [tilespmem:s13], [sflag:$0x4], $0x80, $0x38;
	[tilespmem:$0x2B00] =	vst v63  }
0x2b: {  	_ =	swait.ge [sflag:s14], $0x80  }
0x2c: {  	[sflag:s14] =	ssyncset.done $0x0  }
0x2d: {  	[sflag:s14] =	ssyncadd.s32 $0xFFFFFF80  }
0x2e: {  	[bflag:$0x0] =	sbarrier.arrive $0xFFFF  }
0x2f: {  	_ =	swait.ge [sflag:s15], $0x2800  }
0x30: {  	[sflag:s15] =	ssyncset.done $0x0  }
0x31: {  	[sflag:s15] =	ssyncadd.s32 $0xFFFFD800  }
0x32: {  	[spmem:s2] =	stream.indirect.scatter.add.f32 [tilespmem:s13], [sflag:$0x2], $0x1, s12, s16, $0xb8;
	[tilespmem:$0x2B00] =	vst v63  }
0x33: {  	_ = 	snop  }
0x34: {  	[spmem:s2] =	stream.indirect.scatter.add.f32 [tilespmem:s13], [sflag:$0x3], $0x1, s17, s16, $0xb8;
	[tilespmem:$0x2B00] =	vst v63  }
0x35: {  	_ =	swait.ge [sflag:s18], $0x80  }
0x36: {  	[sflag:s18] =	ssyncset.done $0x0  }
0x37: {  	s25 =	simm.s32 $0x400;
	[sflag:s18] =	ssyncadd.s32 $0xFFFFFF80  }
0x38: {  	[spmem:s2] =	stream.indirect.scatter.add.f32 [tilespmem:s13], [sflag:$0x2], $0x1, s25, s16, $0xb8;
	[tilespmem:$0x2B00] =	vst v63  }
0x39: {  	_ =	swait.ge [sflag:s19], $0x80  }
0x3a: {  	[sflag:s19] =	ssyncset.done $0x0  }
0x3b: {  	s26 =	simm.s32 $0x480;
	s25 =	simm.s32 $0xFFFF6800;
	[sflag:s19] =	ssyncadd.s32 $0xFFFFFF80  }
.LBB2_2:
0x3c: {  	[spmem:s2] =	stream.indirect.scatter.add.f32 [tilespmem:s13], [sflag:$0x3], $0x1, s26, s16, $0xb8;
	[tilespmem:$0x2B00] =	vst v63  }
0x3d: {  	s26 =	smov.u32 s25  }
0x3e: {  	p0 =	sne.s32 s25, $0xFFFFFC00;
	s25 =	sadd.s32 $0x400, s25;
	_ =	swait.ge [sflag:s18], $0x80  }
0x3f: {  	s26 =	sshra.s32 s26, $0x2;
	[sflag:s18] =	ssyncset.done $0x0  }
.Ltmp0:
0x40: {  	s28 =	sadd.s32 $0x2B00, s26;
	[sflag:s18] =	ssyncadd.s32 $0xFFFFFF80;
	(pc) =	sbr.rel @p0 .LBB2_2-.Ltmp0, $4  }
0x41: {  	[spmem:s2] =	stream.indirect.scatter.add.f32 [tilespmem:s13], [sflag:$0x2], $0x1, s28, s16, $0xb8;
	[tilespmem:$0x2B00] =	vst v63  }
0x42: {  	_ =	swait.ge [sflag:s19], $0x80  }
0x43: {  	[sflag:s19] =	ssyncset.done $0x0  }
0x44: {  	s26 =	sadd.s32 $0x2B80, s26;
	[sflag:s19] =	ssyncadd.s32 $0xFFFFFF80  }
0x45: {  	[spmem:s2] =	stream.indirect.scatter.add.f32 [tilespmem:s13], [sflag:$0x3], $0x1, s26, s16, $0xb8;
	[tilespmem:$0x2B00] =	vst v63  }
0x46: {  	_ =	swait.ge [sflag:s18], $0x80  }
0x47: {  	[sflag:s18] =	ssyncset.done $0x0  }
0x48: {  	[sflag:s18] =	ssyncadd.s32 $0xFFFFFF80  }
0x49: {  	_ =	swait.ge [sflag:s19], $0x80  }
0x4a: {  	s24 =	sadd.s32 $0x1, s24;
	[sflag:s19] =	ssyncset.done $0x0  }
0x4b: {  	p0 =	sne.s32 s24, s11;
	[sflag:s19] =	ssyncadd.s32 $0xFFFFFF80  }
.Ltmp1:
0x4c: {  	[bflag:$0x0] =	sbarrier.arrive $0xFFFF;
	(pc) =	sbr.rel @p0 .LBB2_1-.Ltmp1, $4  }
0x4d: {  	[hbm:s10@s22], [sflag:s20] =	dma.strided [spmem:s21@s23], $0x50, s15, $0x10   }
0x4e: {  	_ =	swait.ge [sflag:s14], $0x50  }
0x4f: {  	[sflag:s14] =	ssyncset.done $0x0  }
0x50: {  	[sflag:s14] =	ssyncadd.s32 $0xFFFFFFB0  }
0x51: {  	_ =	sfence.sel $0x180000  }
0x52: {  	[bflag:$0x0] =	sbarrier.arrive $0xFFFF  }
0x53: {  	p0 =	sne.s32 s0, $0x0;
	_ =	strace $0x90000047  }
0x54: {  	s0 =	sadd.s32 @!p0 $0x100000, s1;
	[bflag:$0x2] =	sbarrier.arrive $0xFFFF  }
0x55: {  	[sflag:s0] =	ssyncadd.tile.s32 @!p0 $0x1;
	_ =	shalt  }
.Lfunc_end2:
_tile_overlayer_lowered:
.L_overlay_start_2:
0x56: {  	(tag) =	ssettag $0x2  }
0x57: {  	s0 =	rddreg [dreg:$0x0];
	s2 =	stileid.u32  }
0x58: {  	s1 =	rddreg [dreg:$0x1];
	p0 =	sne.s32 s2, $0x0  }
0x59: {  	s3 =	rddreg [dreg:$0x2];
	[bflag:$0x3] =	sbarrier.arrive $0xFFFF;
	s2 =	simm.s32 @!p0 $0x1C04  }
0x5a: {  	[timem:s3], [sflag:s2] =	dma.local @!p0 [hbm:s0], s1  }
0x5b: {  	s0 =	simm.s32 @!p0 $0x4  }
0x5c: {  	_ =	swait.ge @!p0 [sflag:s0], s1  }
0x5d: {  	s1 =	ssub.s32 @!p0 $0x0, s1;
	[sflag:s0] =	ssyncset.done @!p0 $0x0  }
0x5e: {  	[sflag:s0] =	ssyncadd.s32 @!p0 s1  }
0x5f: {  	[bflag:$0x3] =	sbarrier.arrive $0xFFFF  }
0x60: {  	_ =	shalt  }

</sc_bundles>
